<compile_context>
chip_gen: v7x
topology: tpu7x:2x2x1
jax: 0.10.2.dev20260603
libtpu: 0.0.44.dev20260713+nightly
codegen_flags: <defaults>
</compile_context>

<pallas_src>
import functools

import jax
import jax.numpy as jnp
from jax import lax
from jax.experimental import pallas as pl
from jax.experimental.pallas import tpu as pltpu
from jax.experimental.pallas import tpu_sc as plsc

D_MODEL = 64
BATCH = 1024
SEQ_LEN = 200
NC, NS, LANES = 2, 16, 16
NW = NC * NS
RPW = BATCH // NW
NBUF = 8


def _pos_encoding(seq_len, d_model):
    i_model = jnp.repeat(jnp.arange(d_model // 2), 2)
    div_term = jnp.exp(
        i_model.astype(jnp.float32) / d_model * jnp.log(jnp.float32(10000.0))
    )
    pos = jnp.arange(seq_len, dtype=jnp.float32)[:, None] / div_term
    even = (jnp.arange(d_model) % 2) == 0
    return jnp.where(even[None, :], jnp.sin(pos), jnp.cos(pos))


def _body(x_ref, tab_ref, pe_ref, out_ref, idxq_v, idx_v, bufs, pe_v, sems):
    gsems, osems = sems[:NBUF], sems[NBUF:]
    wid = lax.axis_index("s") * NC + lax.axis_index("c")
    b0 = wid * RPW
    j = b0 // 128
    c0 = b0 % 128
    pltpu.sync_copy(x_ref.at[:, j, :, pl.ds(c0, RPW)], idxq_v.at[pl.ds(0, 25)])
    pltpu.sync_copy(pe_ref, pe_v)

    iota = lax.iota(jnp.int32, LANES)

    @pl.loop(0, RPW)
    def _c(c):
        cv = jnp.broadcast_to(c, (LANES,))
        for m in range(13):
            lv = iota + m * LANES
            vals = plsc.load_gather(idxq_v, [lv >> 3, lv & 7, cv])
            idx_v[c, pl.ds(m * LANES, LANES)] = vals

    @pl.loop(0, RPW // NBUF)
    def _group(t):
        r0 = t * NBUF
        for k in range(NBUF):
            buf = bufs.at[k]

            @pl.loop(0, SEQ_LEN, unroll=8)
            def _fill(r):
                for q in range(D_MODEL // LANES):
                    sl = pl.ds(q * LANES, LANES)
                    buf[r, sl] = pe_v[r, sl]

        gds = [
            pltpu.async_copy(
                tab_ref.at[idx_v.at[r0 + k, pl.ds(0, SEQ_LEN)]],
                bufs.at[k],
                gsems[k],
                add=True,
            )
            for k in range(NBUF)
        ]
        ods = []
        for k in range(NBUF):
            gds[k].wait()
            buf = bufs.at[k]
            ods.append(
                pltpu.async_copy(
                    buf, out_ref.at[b0 + r0 + k, :, pl.ds(0, D_MODEL)], osems[k]
                )
            )
        for d in ods:
            d.wait()


@functools.partial(jax.jit, static_argnums=())
def _emb_lookup(x, emb_weight, pe):
    mesh = plsc.VectorSubcoreMesh(
        core_axis_name="c", subcore_axis_name="s", num_cores=NC, num_subcores=NS
    )
    f = pl.kernel(
        _body,
        out_type=jax.ShapeDtypeStruct((BATCH, SEQ_LEN, 2 * D_MODEL), jnp.float32),
        mesh=mesh,
        scratch_types=[
            pltpu.VMEM((26, 8, RPW), jnp.int32),
            pltpu.VMEM((RPW, 208), jnp.int32),
            pltpu.VMEM((NBUF, SEQ_LEN, D_MODEL), jnp.float32),
            pltpu.VMEM((SEQ_LEN, D_MODEL), jnp.float32),
            [pltpu.SemaphoreType.DMA] * (2 * NBUF),
        ],
        compiler_params=pltpu.CompilerParams(use_tc_tiling_on_sc=False, needs_layout_passes=False),
    )
    return f(x, emb_weight, pe)


def kernel(x, emb_weight):
    pe = _pos_encoding(SEQ_LEN, D_MODEL)
    xq = x.T.reshape(25, 8, 8, 128).transpose(0, 2, 1, 3)
    out128 = _emb_lookup(xq, emb_weight, pe)
    return out128[:, :, :D_MODEL]

# --- scband reference (transcript-rebuilt; emitter-appended) ---
"""Pipeline reference for scband-embedding-55679956025659 (READ-ONLY COPY).

The authoritative reference and input builder live on the scoring server;
editing this copy changes nothing except your own understanding.
"""

import jax, jax.numpy as jnp
import numpy as np

VOCAB = 1000000
D_MODEL = 64
BATCH = 1024
SEQ_LEN = 200


def _build_pe(seq_len, d_model):
    # Faithful port of the torch positional encoding construction.
    i_model = jnp.repeat(jnp.arange(d_model // 2), 2)  # [d_model]
    div_term = jnp.exp(i_model.astype(jnp.float32) / d_model * jnp.log(jnp.float32(10000.0)))
    pos = jnp.arange(seq_len, dtype=jnp.float32)[:, None] / div_term  # [L, d]
    even_mask = (jnp.arange(d_model) % 2) == 0
    pe = jnp.where(even_mask[None, :], jnp.sin(pos), jnp.cos(pos))
    return pe


def setup_inputs(seed: int = 0) -> dict:
    key = jax.random.key(seed)
    k1, k2 = jax.random.split(key)
    x = jax.random.randint(k1, (BATCH, SEQ_LEN), 0, VOCAB, dtype=jnp.int32)
    # nn.Embedding weight, init normal(0, 0.1) per reset_parameters
    emb_weight = 0.1 * jax.random.normal(k2, (VOCAB, D_MODEL), dtype=jnp.float32)
    return {"x": x, "emb_weight": emb_weight}


def reference(x, emb_weight):
    batch, seq_len = x.shape
    d_model = emb_weight.shape[1]
    emb = jnp.take(emb_weight, x, axis=0)  # [B, L, d] embedding gather
    pe = _build_pe(seq_len, d_model)  # pe[:seq_len, :]
    return emb + pe[None, :, :]

if __name__ == "__main__":
    import jax
    _d = setup_inputs()
    print(jax.jit(kernel)(*tuple(_d.values())))

</pallas_src>

<mosaic_0001>
#map = affine_map<(d0, d1) -> (0, 0, 0, 0)>
#map1 = affine_map<(d0, d1) -> (0, 0)>
#map2 = affine_map<(d0, d1) -> (0, 0, 0)>
module attributes {stable_mosaic.version = 14 : i64} {
  func.func @_body(%arg0: i32, %arg1: i32, %arg2: memref<25x8x8x128xi32, #tpu.memory_space<hbm>>, %arg3: memref<1000000x64xf32, #tpu.memory_space<hbm>>, %arg4: memref<200x64xf32, #tpu.memory_space<hbm>>, %arg5: memref<1024x200x128xf32, #tpu.memory_space<hbm>>, %arg6: memref<26x8x32xi32, #tpu.memory_space<vmem>>, %arg7: memref<32x208xi32, #tpu.memory_space<vmem>>, %arg8: memref<8x200x64xf32, #tpu.memory_space<vmem>>, %arg9: memref<200x64xf32, #tpu.memory_space<vmem>>, %arg10: memref<!tpu.dma_semaphore, #tpu.memory_space<semaphore_mem>>, %arg11: memref<!tpu.dma_semaphore, #tpu.memory_space<semaphore_mem>>, %arg12: memref<!tpu.dma_semaphore, #tpu.memory_space<semaphore_mem>>, %arg13: memref<!tpu.dma_semaphore, #tpu.memory_space<semaphore_mem>>, %arg14: memref<!tpu.dma_semaphore, #tpu.memory_space<semaphore_mem>>, %arg15: memref<!tpu.dma_semaphore, #tpu.memory_space<semaphore_mem>>, %arg16: memref<!tpu.dma_semaphore, #tpu.memory_space<semaphore_mem>>, %arg17: memref<!tpu.dma_semaphore, #tpu.memory_space<semaphore_mem>>, %arg18: memref<!tpu.dma_semaphore, #tpu.memory_space<semaphore_mem>>, %arg19: memref<!tpu.dma_semaphore, #tpu.memory_space<semaphore_mem>>, %arg20: memref<!tpu.dma_semaphore, #tpu.memory_space<semaphore_mem>>, %arg21: memref<!tpu.dma_semaphore, #tpu.memory_space<semaphore_mem>>, %arg22: memref<!tpu.dma_semaphore, #tpu.memory_space<semaphore_mem>>, %arg23: memref<!tpu.dma_semaphore, #tpu.memory_space<semaphore_mem>>, %arg24: memref<!tpu.dma_semaphore, #tpu.memory_space<semaphore_mem>>, %arg25: memref<!tpu.dma_semaphore, #tpu.memory_space<semaphore_mem>>) attributes {dimension_semantics = [#tpu.dimension_semantics<core_parallel>, #tpu.dimension_semantics<subcore_parallel>], iteration_bounds = array<i64: 2, 16>, scalar_prefetch = 0 : i64, scratch_operands = 20 : i64, tpu.core_type = #tpu.core_type<sc_vector_subcore>, window_params = [{transform_indices = #map}, {transform_indices = #map1}, {transform_indices = #map1}, {transform_indices = #map2}]} {
    %mul3A = arith.constant 2 : i32
    %mul3A_0 = arith.muli %arg1, %mul3A : i32
    %add3A = arith.addi %mul3A_0, %arg0 : i32
    %mul3A_1 = arith.constant 32 : i32
    %mul3A_2 = arith.muli %add3A, %mul3A_1 : i32
    %jit3A = arith.constant 128 : i32
    %div3A = arith.divsi %mul3A_2, %jit3A : i32
    %sign3A = arith.constant 0 : i32
    %sign3A_3 = arith.cmpi sgt, %mul3A_2, %sign3A : i32
    %sign3A_4 = arith.extui %sign3A_3 : i1 to i32
    %sign3A_5 = arith.constant 0 : i32
    %sign3A_6 = arith.cmpi slt, %mul3A_2, %sign3A_5 : i32
    %sign3A_7 = arith.extui %sign3A_6 : i1 to i32
    %sign3A_8 = arith.subi %sign3A_4, %sign3A_7 : i32
    %sign3A_9 = arith.constant 0 : i32
    %sign3A_10 = arith.cmpi sgt, %jit3A, %sign3A_9 : i32
    %sign3A_11 = arith.extui %sign3A_10 : i1 to i32
    %sign3A_12 = arith.constant 0 : i32
    %sign3A_13 = arith.cmpi slt, %jit3A, %sign3A_12 : i32
    %sign3A_14 = arith.extui %sign3A_13 : i1 to i32
    %sign3A_15 = arith.subi %sign3A_11, %sign3A_14 : i32
    %ne3A = arith.cmpi ne, %sign3A_8, %sign3A_15 : i32
    %rem3A = arith.remsi %mul3A_2, %jit3A : i32
    %ne3A_16 = arith.constant 0 : i32
    %ne3A_17 = arith.cmpi ne, %rem3A, %ne3A_16 : i32
    %and3A = arith.andi %ne3A, %ne3A_17 : i1
    %sub3A = arith.constant 1 : i32
    %sub3A_18 = arith.subi %div3A, %sub3A : i32
    %select_n3A = arith.select %and3A, %sub3A_18, %div3A : i32
    %jit3A_19 = arith.constant 128 : i32
    %eq3A = arith.constant 0 : i32
    %eq3A_20 = arith.cmpi eq, %jit3A_19, %eq3A : i32
    %jit3A_21 = arith.constant 1 : i32
    %select_n3A_22 = arith.select %eq3A_20, %jit3A_21, %jit3A_19 : i32
    %rem3A_23 = arith.remsi %mul3A_2, %select_n3A_22 : i32
    %ne3A_24 = arith.constant 0 : i32
    %ne3A_25 = arith.cmpi ne, %rem3A_23, %ne3A_24 : i32
    %lt3A = arith.constant 0 : i32
    %lt3A_26 = arith.cmpi slt, %rem3A_23, %lt3A : i32
    %lt3A_27 = arith.constant 0 : i32
    %lt3A_28 = arith.cmpi slt, %select_n3A_22, %lt3A_27 : i32
    %ne3A_29 = arith.xori %lt3A_26, %lt3A_28 : i1
    %and3A_30 = arith.andi %ne3A_29, %ne3A_25 : i1
    %add3A_31 = arith.addi %rem3A_23, %select_n3A_22 : i32
    %select_n3A_32 = arith.select %and3A_30, %add3A_31, %rem3A_23 : i32
    "tpu.region"() ({
      %run_scoped3A = tpu.sem_alloc : memref<!tpu.dma_semaphore, #tpu.memory_space<semaphore_mem>>
      %dma_start3A = arith.constant 0 : i32
      %dma_start3A_42 = arith.constant 0 : i32
      %dma_start3A_43 = arith.constant 0 : i32
      %dma_start3A_44 = tpu.memref_slice %arg6[%dma_start3A, %dma_start3A_42, %dma_start3A_43] : memref<26x8x32xi32, #tpu.memory_space<vmem>> -> memref<25x8x32xi32, #tpu.memory_space<vmem>>
      %dma_start3A_45 = arith.constant 0 : i32
      %dma_start3A_46 = arith.constant 0 : i32
      %dma_start3A_47 = tpu.memref_slice %arg2[%dma_start3A_45, %select_n3A, %dma_start3A_46, %select_n3A_32] : memref<25x8x8x128xi32, #tpu.memory_space<hbm>> -> memref<25x1x8x32xi32, #tpu.memory_space<hbm>>
      %dma_start3A_48 = tpu.memref_squeeze %dma_start3A_47 : memref<25x1x8x32xi32, #tpu.memory_space<hbm>> -> memref<25x8x32xi32, #tpu.memory_space<hbm>>
      %dma_start3A_49 = arith.constant 0 : i32
      %dma_start3A_50 = arith.constant 0 : i32
      %dma_start3A_51 = arith.constant 0 : i32
      %dma_start3A_52 = tpu.memref_slice %arg6[%dma_start3A_49, %dma_start3A_50, %dma_start3A_51] : memref<26x8x32xi32, #tpu.memory_space<vmem>> -> memref<25x8x32xi32, #tpu.memory_space<vmem>>
      %dma_start3A_53 = arith.constant 0 : i32
      %dma_start3A_54 = arith.constant 0 : i32
      %dma_start3A_55 = tpu.memref_slice %arg2[%dma_start3A_53, %select_n3A, %dma_start3A_54, %select_n3A_32] : memref<25x8x8x128xi32, #tpu.memory_space<hbm>> -> memref<25x1x8x32xi32, #tpu.memory_space<hbm>>
      %dma_start3A_56 = tpu.memref_squeeze %dma_start3A_55 : memref<25x1x8x32xi32, #tpu.memory_space<hbm>> -> memref<25x8x32xi32, #tpu.memory_space<hbm>>
      tpu.enqueue_dma source(%dma_start3A_56 : memref<25x8x32xi32, #tpu.memory_space<hbm>>) target(%dma_start3A_52 : memref<25x8x32xi32, #tpu.memory_space<vmem>>) target_semaphore(%run_scoped3A : memref<!tpu.dma_semaphore, #tpu.memory_space<semaphore_mem>>)
      %dma_wait3A = arith.constant 0 : i32
      %dma_wait3A_57 = arith.constant 0 : i32
      %dma_wait3A_58 = arith.constant 0 : i32
      %dma_wait3A_59 = tpu.memref_slice %arg6[%dma_wait3A, %dma_wait3A_57, %dma_wait3A_58] : memref<26x8x32xi32, #tpu.memory_space<vmem>> -> memref<25x8x32xi32, #tpu.memory_space<vmem>>
      %dma_wait3A_60 = arith.constant 0 : i32
      %dma_wait3A_61 = arith.constant 0 : i32
      %dma_wait3A_62 = tpu.memref_slice %arg2[%dma_wait3A_60, %select_n3A, %dma_wait3A_61, %select_n3A_32] : memref<25x8x8x128xi32, #tpu.memory_space<hbm>> -> memref<25x1x8x32xi32, #tpu.memory_space<hbm>>
      %dma_wait3A_63 = tpu.memref_squeeze %dma_wait3A_62 : memref<25x1x8x32xi32, #tpu.memory_space<hbm>> -> memref<25x8x32xi32, #tpu.memory_space<hbm>>
      %dma_wait3A_64 = arith.constant 0 : i32
      %dma_wait3A_65 = arith.constant 0 : i32
      %dma_wait3A_66 = arith.constant 0 : i32
      %dma_wait3A_67 = tpu.memref_slice %arg6[%dma_wait3A_64, %dma_wait3A_65, %dma_wait3A_66] : memref<26x8x32xi32, #tpu.memory_space<vmem>> -> memref<25x8x32xi32, #tpu.memory_space<vmem>>
      %dma_wait3A_68 = arith.constant 0 : i32
      %dma_wait3A_69 = arith.constant 0 : i32
      %dma_wait3A_70 = tpu.memref_slice %arg2[%dma_wait3A_68, %select_n3A, %dma_wait3A_69, %select_n3A_32] : memref<25x8x8x128xi32, #tpu.memory_space<hbm>> -> memref<25x1x8x32xi32, #tpu.memory_space<hbm>>
      %dma_wait3A_71 = tpu.memref_squeeze %dma_wait3A_70 : memref<25x1x8x32xi32, #tpu.memory_space<hbm>> -> memref<25x8x32xi32, #tpu.memory_space<hbm>>
      tpu.wait_dma2 semaphore(%run_scoped3A : memref<!tpu.dma_semaphore, #tpu.memory_space<semaphore_mem>>) src(%dma_wait3A_71 : memref<25x8x32xi32, #tpu.memory_space<hbm>>) dst(%dma_wait3A_67 : memref<25x8x32xi32, #tpu.memory_space<vmem>>)
      tpu.yield
    }) : () -> ()
    "tpu.region"() ({
      %run_scoped3A = tpu.sem_alloc : memref<!tpu.dma_semaphore, #tpu.memory_space<semaphore_mem>>
      tpu.enqueue_dma source(%arg4 : memref<200x64xf32, #tpu.memory_space<hbm>>) target(%arg9 : memref<200x64xf32, #tpu.memory_space<vmem>>) target_semaphore(%run_scoped3A : memref<!tpu.dma_semaphore, #tpu.memory_space<semaphore_mem>>)
      tpu.wait_dma2 semaphore(%run_scoped3A : memref<!tpu.dma_semaphore, #tpu.memory_space<semaphore_mem>>) src(%arg4 : memref<200x64xf32, #tpu.memory_space<hbm>>) dst(%arg9 : memref<200x64xf32, #tpu.memory_space<vmem>>)
      tpu.yield
    }) : () -> ()
    %iota3A = tpu.iota {dimensions = array<i32: 0>} : vector<16xi32>
    %scan3A = arith.constant 0 : i32
    %scan3A_33 = arith.constant 32 : i32
    %scan3A_34 = arith.addi %scan3A, %scan3A_33 : i32
    %scan3A_35 = arith.constant 1 : i32
    scf.for %scan3A_42 = %scan3A to %scan3A_34 step %scan3A_35  : i32 {
      %mul3A_43 = arith.constant 1 : i32
      %mul3A_44 = arith.muli %scan3A_42, %mul3A_43 : i32
      %add3A_45 = arith.constant 0 : i32
      %add3A_46 = arith.addi %add3A_45, %mul3A_44 : i32
      %broadcast_in_dim3A = vector.broadcast %add3A_46 : i32 to vector<16xi32>
      %add3A_47 = arith.constant 0 : i32
      %add3A_48 = vector.broadcast %add3A_47 : i32 to vector<16xi32>
      %add3A_49 = arith.addi %iota3A, %add3A_48 : vector<16xi32>
      %shift_right_arithmetic3A = arith.constant 3 : i32
      %shift_right_arithmetic3A_50 = vector.broadcast %shift_right_arithmetic3A : i32 to vector<16xi32>
      %shift_right_arithmetic3A_51 = arith.shrsi %add3A_49, %shift_right_arithmetic3A_50 : vector<16xi32>
      %and3A_52 = arith.constant 7 : i32
      %and3A_53 = vector.broadcast %and3A_52 : i32 to vector<16xi32>
      %and3A_54 = arith.andi %add3A_49, %and3A_53 : vector<16xi32>
      %gather3A = tpu.vector_load_idx %arg6[%shift_right_arithmetic3A_51, %and3A_54, %broadcast_in_dim3A] : memref<26x8x32xi32, #tpu.memory_space<vmem>>[vector<16xi32>, vector<16xi32>, vector<16xi32>], vector<16xi32>,
      %swap3A = arith.index_cast %add3A_46 : i32 to index
      %swap3A_55 = arith.constant 0 : index
      %swap3A_56 = tpu.vector_load %arg7[%swap3A, %swap3A_55] {strides = array<i32>} : memref<32x208xi32, #tpu.memory_space<vmem>>, vector<16xi32>,
      tpu.vector_store %arg7[%swap3A, %swap3A_55], %gather3A {strides = array<i32>} : memref<32x208xi32, #tpu.memory_space<vmem>>, vector<16xi32>,
      %add3A_57 = arith.constant 16 : i32
      %add3A_58 = vector.broadcast %add3A_57 : i32 to vector<16xi32>
      %add3A_59 = arith.addi %iota3A, %add3A_58 : vector<16xi32>
      %shift_right_arithmetic3A_60 = arith.constant 3 : i32
      %shift_right_arithmetic3A_61 = vector.broadcast %shift_right_arithmetic3A_60 : i32 to vector<16xi32>
      %shift_right_arithmetic3A_62 = arith.shrsi %add3A_59, %shift_right_arithmetic3A_61 : vector<16xi32>
      %and3A_63 = arith.constant 7 : i32
      %and3A_64 = vector.broadcast %and3A_63 : i32 to vector<16xi32>
      %and3A_65 = arith.andi %add3A_59, %and3A_64 : vector<16xi32>
      %gather3A_66 = tpu.vector_load_idx %arg6[%shift_right_arithmetic3A_62, %and3A_65, %broadcast_in_dim3A] : memref<26x8x32xi32, #tpu.memory_space<vmem>>[vector<16xi32>, vector<16xi32>, vector<16xi32>], vector<16xi32>,
      %swap3A_67 = arith.index_cast %add3A_46 : i32 to index
      %swap3A_68 = arith.constant 16 : index
      %swap3A_69 = tpu.vector_load %arg7[%swap3A_67, %swap3A_68] {strides = array<i32>} : memref<32x208xi32, #tpu.memory_space<vmem>>, vector<16xi32>,
      tpu.vector_store %arg7[%swap3A_67, %swap3A_68], %gather3A_66 {strides = array<i32>} : memref<32x208xi32, #tpu.memory_space<vmem>>, vector<16xi32>,
      %add3A_70 = arith.constant 32 : i32
      %add3A_71 = vector.broadcast %add3A_70 : i32 to vector<16xi32>
      %add3A_72 = arith.addi %iota3A, %add3A_71 : vector<16xi32>
      %shift_right_arithmetic3A_73 = arith.constant 3 : i32
      %shift_right_arithmetic3A_74 = vector.broadcast %shift_right_arithmetic3A_73 : i32 to vector<16xi32>
      %shift_right_arithmetic3A_75 = arith.shrsi %add3A_72, %shift_right_arithmetic3A_74 : vector<16xi32>
      %and3A_76 = arith.constant 7 : i32
      %and3A_77 = vector.broadcast %and3A_76 : i32 to vector<16xi32>
      %and3A_78 = arith.andi %add3A_72, %and3A_77 : vector<16xi32>
      %gather3A_79 = tpu.vector_load_idx %arg6[%shift_right_arithmetic3A_75, %and3A_78, %broadcast_in_dim3A] : memref<26x8x32xi32, #tpu.memory_space<vmem>>[vector<16xi32>, vector<16xi32>, vector<16xi32>], vector<16xi32>,
      %swap3A_80 = arith.index_cast %add3A_46 : i32 to index
      %swap3A_81 = arith.constant 32 : index
      %swap3A_82 = tpu.vector_load %arg7[%swap3A_80, %swap3A_81] {strides = array<i32>} : memref<32x208xi32, #tpu.memory_space<vmem>>, vector<16xi32>,
      tpu.vector_store %arg7[%swap3A_80, %swap3A_81], %gather3A_79 {strides = array<i32>} : memref<32x208xi32, #tpu.memory_space<vmem>>, vector<16xi32>,
      %add3A_83 = arith.constant 48 : i32
      %add3A_84 = vector.broadcast %add3A_83 : i32 to vector<16xi32>
      %add3A_85 = arith.addi %iota3A, %add3A_84 : vector<16xi32>
      %shift_right_arithmetic3A_86 = arith.constant 3 : i32
      %shift_right_arithmetic3A_87 = vector.broadcast %shift_right_arithmetic3A_86 : i32 to vector<16xi32>
      %shift_right_arithmetic3A_88 = arith.shrsi %add3A_85, %shift_right_arithmetic3A_87 : vector<16xi32>
      %and3A_89 = arith.constant 7 : i32
      %and3A_90 = vector.broadcast %and3A_89 : i32 to vector<16xi32>
      %and3A_91 = arith.andi %add3A_85, %and3A_90 : vector<16xi32>
      %gather3A_92 = tpu.vector_load_idx %arg6[%shift_right_arithmetic3A_88, %and3A_91, %broadcast_in_dim3A] : memref<26x8x32xi32, #tpu.memory_space<vmem>>[vector<16xi32>, vector<16xi32>, vector<16xi32>], vector<16xi32>,
      %swap3A_93 = arith.index_cast %add3A_46 : i32 to index
      %swap3A_94 = arith.constant 48 : index
      %swap3A_95 = tpu.vector_load %arg7[%swap3A_93, %swap3A_94] {strides = array<i32>} : memref<32x208xi32, #tpu.memory_space<vmem>>, vector<16xi32>,
      tpu.vector_store %arg7[%swap3A_93, %swap3A_94], %gather3A_92 {strides = array<i32>} : memref<32x208xi32, #tpu.memory_space<vmem>>, vector<16xi32>,
      %add3A_96 = arith.constant 64 : i32
      %add3A_97 = vector.broadcast %add3A_96 : i32 to vector<16xi32>
      %add3A_98 = arith.addi %iota3A, %add3A_97 : vector<16xi32>
      %shift_right_arithmetic3A_99 = arith.constant 3 : i32
      %shift_right_arithmetic3A_100 = vector.broadcast %shift_right_arithmetic3A_99 : i32 to vector<16xi32>
      %shift_right_arithmetic3A_101 = arith.shrsi %add3A_98, %shift_right_arithmetic3A_100 : vector<16xi32>
      %and3A_102 = arith.constant 7 : i32
      %and3A_103 = vector.broadcast %and3A_102 : i32 to vector<16xi32>
      %and3A_104 = arith.andi %add3A_98, %and3A_103 : vector<16xi32>
      %gather3A_105 = tpu.vector_load_idx %arg6[%shift_right_arithmetic3A_101, %and3A_104, %broadcast_in_dim3A] : memref<26x8x32xi32, #tpu.memory_space<vmem>>[vector<16xi32>, vector<16xi32>, vector<16xi32>], vector<16xi32>,
      %swap3A_106 = arith.index_cast %add3A_46 : i32 to index
      %swap3A_107 = arith.constant 64 : index
      %swap3A_108 = tpu.vector_load %arg7[%swap3A_106, %swap3A_107] {strides = array<i32>} : memref<32x208xi32, #tpu.memory_space<vmem>>, vector<16xi32>,
      tpu.vector_store %arg7[%swap3A_106, %swap3A_107], %gather3A_105 {strides = array<i32>} : memref<32x208xi32, #tpu.memory_space<vmem>>, vector<16xi32>,
      %add3A_109 = arith.constant 80 : i32
      %add3A_110 = vector.broadcast %add3A_109 : i32 to vector<16xi32>
      %add3A_111 = arith.addi %iota3A, %add3A_110 : vector<16xi32>
      %shift_right_arithmetic3A_112 = arith.constant 3 : i32
      %shift_right_arithmetic3A_113 = vector.broadcast %shift_right_arithmetic3A_112 : i32 to vector<16xi32>
      %shift_right_arithmetic3A_114 = arith.shrsi %add3A_111, %shift_right_arithmetic3A_113 : vector<16xi32>
      %and3A_115 = arith.constant 7 : i32
      %and3A_116 = vector.broadcast %and3A_115 : i32 to vector<16xi32>
      %and3A_117 = arith.andi %add3A_111, %and3A_116 : vector<16xi32>
      %gather3A_118 = tpu.vector_load_idx %arg6[%shift_right_arithmetic3A_114, %and3A_117, %broadcast_in_dim3A] : memref<26x8x32xi32, #tpu.memory_space<vmem>>[vector<16xi32>, vector<16xi32>, vector<16xi32>], vector<16xi32>,
      %swap3A_119 = arith.index_cast %add3A_46 : i32 to index
      %swap3A_120 = arith.constant 80 : index
      %swap3A_121 = tpu.vector_load %arg7[%swap3A_119, %swap3A_120] {strides = array<i32>} : memref<32x208xi32, #tpu.memory_space<vmem>>, vector<16xi32>,
      tpu.vector_store %arg7[%swap3A_119, %swap3A_120], %gather3A_118 {strides = array<i32>} : memref<32x208xi32, #tpu.memory_space<vmem>>, vector<16xi32>,
      %add3A_122 = arith.constant 96 : i32
      %add3A_123 = vector.broadcast %add3A_122 : i32 to vector<16xi32>
      %add3A_124 = arith.addi %iota3A, %add3A_123 : vector<16xi32>
      %shift_right_arithmetic3A_125 = arith.constant 3 : i32
      %shift_right_arithmetic3A_126 = vector.broadcast %shift_right_arithmetic3A_125 : i32 to vector<16xi32>
      %shift_right_arithmetic3A_127 = arith.shrsi %add3A_124, %shift_right_arithmetic3A_126 : vector<16xi32>
      %and3A_128 = arith.constant 7 : i32
      %and3A_129 = vector.broadcast %and3A_128 : i32 to vector<16xi32>
      %and3A_130 = arith.andi %add3A_124, %and3A_129 : vector<16xi32>
      %gather3A_131 = tpu.vector_load_idx %arg6[%shift_right_arithmetic3A_127, %and3A_130, %broadcast_in_dim3A] : memref<26x8x32xi32, #tpu.memory_space<vmem>>[vector<16xi32>, vector<16xi32>, vector<16xi32>], vector<16xi32>,
      %swap3A_132 = arith.index_cast %add3A_46 : i32 to index
      %swap3A_133 = arith.constant 96 : index
      %swap3A_134 = tpu.vector_load %arg7[%swap3A_132, %swap3A_133] {strides = array<i32>} : memref<32x208xi32, #tpu.memory_space<vmem>>, vector<16xi32>,
      tpu.vector_store %arg7[%swap3A_132, %swap3A_133], %gather3A_131 {strides = array<i32>} : memref<32x208xi32, #tpu.memory_space<vmem>>, vector<16xi32>,
      %add3A_135 = arith.constant 112 : i32
      %add3A_136 = vector.broadcast %add3A_135 : i32 to vector<16xi32>
      %add3A_137 = arith.addi %iota3A, %add3A_136 : vector<16xi32>
      %shift_right_arithmetic3A_138 = arith.constant 3 : i32
      %shift_right_arithmetic3A_139 = vector.broadcast %shift_right_arithmetic3A_138 : i32 to vector<16xi32>
      %shift_right_arithmetic3A_140 = arith.shrsi %add3A_137, %shift_right_arithmetic3A_139 : vector<16xi32>
      %and3A_141 = arith.constant 7 : i32
      %and3A_142 = vector.broadcast %and3A_141 : i32 to vector<16xi32>
      %and3A_143 = arith.andi %add3A_137, %and3A_142 : vector<16xi32>
      %gather3A_144 = tpu.vector_load_idx %arg6[%shift_right_arithmetic3A_140, %and3A_143, %broadcast_in_dim3A] : memref<26x8x32xi32, #tpu.memory_space<vmem>>[vector<16xi32>, vector<16xi32>, vector<16xi32>], vector<16xi32>,
      %swap3A_145 = arith.index_cast %add3A_46 : i32 to index
      %swap3A_146 = arith.constant 112 : index
      %swap3A_147 = tpu.vector_load %arg7[%swap3A_145, %swap3A_146] {strides = array<i32>} : memref<32x208xi32, #tpu.memory_space<vmem>>, vector<16xi32>,
      tpu.vector_store %arg7[%swap3A_145, %swap3A_146], %gather3A_144 {strides = array<i32>} : memref<32x208xi32, #tpu.memory_space<vmem>>, vector<16xi32>,
      %add3A_148 = arith.constant 128 : i32
      %add3A_149 = vector.broadcast %add3A_148 : i32 to vector<16xi32>
      %add3A_150 = arith.addi %iota3A, %add3A_149 : vector<16xi32>
      %shift_right_arithmetic3A_151 = arith.constant 3 : i32
      %shift_right_arithmetic3A_152 = vector.broadcast %shift_right_arithmetic3A_151 : i32 to vector<16xi32>
      %shift_right_arithmetic3A_153 = arith.shrsi %add3A_150, %shift_right_arithmetic3A_152 : vector<16xi32>
      %and3A_154 = arith.constant 7 : i32
      %and3A_155 = vector.broadcast %and3A_154 : i32 to vector<16xi32>
      %and3A_156 = arith.andi %add3A_150, %and3A_155 : vector<16xi32>
      %gather3A_157 = tpu.vector_load_idx %arg6[%shift_right_arithmetic3A_153, %and3A_156, %broadcast_in_dim3A] : memref<26x8x32xi32, #tpu.memory_space<vmem>>[vector<16xi32>, vector<16xi32>, vector<16xi32>], vector<16xi32>,
      %swap3A_158 = arith.index_cast %add3A_46 : i32 to index
      %swap3A_159 = arith.constant 128 : index
      %swap3A_160 = tpu.vector_load %arg7[%swap3A_158, %swap3A_159] {strides = array<i32>} : memref<32x208xi32, #tpu.memory_space<vmem>>, vector<16xi32>,
      tpu.vector_store %arg7[%swap3A_158, %swap3A_159], %gather3A_157 {strides = array<i32>} : memref<32x208xi32, #tpu.memory_space<vmem>>, vector<16xi32>,
      %add3A_161 = arith.constant 144 : i32
      %add3A_162 = vector.broadcast %add3A_161 : i32 to vector<16xi32>
      %add3A_163 = arith.addi %iota3A, %add3A_162 : vector<16xi32>
      %shift_right_arithmetic3A_164 = arith.constant 3 : i32
      %shift_right_arithmetic3A_165 = vector.broadcast %shift_right_arithmetic3A_164 : i32 to vector<16xi32>
      %shift_right_arithmetic3A_166 = arith.shrsi %add3A_163, %shift_right_arithmetic3A_165 : vector<16xi32>
      %and3A_167 = arith.constant 7 : i32
      %and3A_168 = vector.broadcast %and3A_167 : i32 to vector<16xi32>
      %and3A_169 = arith.andi %add3A_163, %and3A_168 : vector<16xi32>
      %gather3A_170 = tpu.vector_load_idx %arg6[%shift_right_arithmetic3A_166, %and3A_169, %broadcast_in_dim3A] : memref<26x8x32xi32, #tpu.memory_space<vmem>>[vector<16xi32>, vector<16xi32>, vector<16xi32>], vector<16xi32>,
      %swap3A_171 = arith.index_cast %add3A_46 : i32 to index
      %swap3A_172 = arith.constant 144 : index
      %swap3A_173 = tpu.vector_load %arg7[%swap3A_171, %swap3A_172] {strides = array<i32>} : memref<32x208xi32, #tpu.memory_space<vmem>>, vector<16xi32>,
      tpu.vector_store %arg7[%swap3A_171, %swap3A_172], %gather3A_170 {strides = array<i32>} : memref<32x208xi32, #tpu.memory_space<vmem>>, vector<16xi32>,
      %add3A_174 = arith.constant 160 : i32
      %add3A_175 = vector.broadcast %add3A_174 : i32 to vector<16xi32>
      %add3A_176 = arith.addi %iota3A, %add3A_175 : vector<16xi32>
      %shift_right_arithmetic3A_177 = arith.constant 3 : i32
      %shift_right_arithmetic3A_178 = vector.broadcast %shift_right_arithmetic3A_177 : i32 to vector<16xi32>
      %shift_right_arithmetic3A_179 = arith.shrsi %add3A_176, %shift_right_arithmetic3A_178 : vector<16xi32>
      %and3A_180 = arith.constant 7 : i32
      %and3A_181 = vector.broadcast %and3A_180 : i32 to vector<16xi32>
      %and3A_182 = arith.andi %add3A_176, %and3A_181 : vector<16xi32>
      %gather3A_183 = tpu.vector_load_idx %arg6[%shift_right_arithmetic3A_179, %and3A_182, %broadcast_in_dim3A] : memref<26x8x32xi32, #tpu.memory_space<vmem>>[vector<16xi32>, vector<16xi32>, vector<16xi32>], vector<16xi32>,
      %swap3A_184 = arith.index_cast %add3A_46 : i32 to index
      %swap3A_185 = arith.constant 160 : index
      %swap3A_186 = tpu.vector_load %arg7[%swap3A_184, %swap3A_185] {strides = array<i32>} : memref<32x208xi32, #tpu.memory_space<vmem>>, vector<16xi32>,
      tpu.vector_store %arg7[%swap3A_184, %swap3A_185], %gather3A_183 {strides = array<i32>} : memref<32x208xi32, #tpu.memory_space<vmem>>, vector<16xi32>,
      %add3A_187 = arith.constant 176 : i32
      %add3A_188 = vector.broadcast %add3A_187 : i32 to vector<16xi32>
      %add3A_189 = arith.addi %iota3A, %add3A_188 : vector<16xi32>
      %shift_right_arithmetic3A_190 = arith.constant 3 : i32
      %shift_right_arithmetic3A_191 = vector.broadcast %shift_right_arithmetic3A_190 : i32 to vector<16xi32>
      %shift_right_arithmetic3A_192 = arith.shrsi %add3A_189, %shift_right_arithmetic3A_191 : vector<16xi32>
      %and3A_193 = arith.constant 7 : i32
      %and3A_194 = vector.broadcast %and3A_193 : i32 to vector<16xi32>
      %and3A_195 = arith.andi %add3A_189, %and3A_194 : vector<16xi32>
      %gather3A_196 = tpu.vector_load_idx %arg6[%shift_right_arithmetic3A_192, %and3A_195, %broadcast_in_dim3A] : memref<26x8x32xi32, #tpu.memory_space<vmem>>[vector<16xi32>, vector<16xi32>, vector<16xi32>], vector<16xi32>,
      %swap3A_197 = arith.index_cast %add3A_46 : i32 to index
      %swap3A_198 = arith.constant 176 : index
      %swap3A_199 = tpu.vector_load %arg7[%swap3A_197, %swap3A_198] {strides = array<i32>} : memref<32x208xi32, #tpu.memory_space<vmem>>, vector<16xi32>,
      tpu.vector_store %arg7[%swap3A_197, %swap3A_198], %gather3A_196 {strides = array<i32>} : memref<32x208xi32, #tpu.memory_space<vmem>>, vector<16xi32>,
      %add3A_200 = arith.constant 192 : i32
      %add3A_201 = vector.broadcast %add3A_200 : i32 to vector<16xi32>
      %add3A_202 = arith.addi %iota3A, %add3A_201 : vector<16xi32>
      %shift_right_arithmetic3A_203 = arith.constant 3 : i32
      %shift_right_arithmetic3A_204 = vector.broadcast %shift_right_arithmetic3A_203 : i32 to vector<16xi32>
      %shift_right_arithmetic3A_205 = arith.shrsi %add3A_202, %shift_right_arithmetic3A_204 : vector<16xi32>
      %and3A_206 = arith.constant 7 : i32
      %and3A_207 = vector.broadcast %and3A_206 : i32 to vector<16xi32>
      %and3A_208 = arith.andi %add3A_202, %and3A_207 : vector<16xi32>
      %gather3A_209 = tpu.vector_load_idx %arg6[%shift_right_arithmetic3A_205, %and3A_208, %broadcast_in_dim3A] : memref<26x8x32xi32, #tpu.memory_space<vmem>>[vector<16xi32>, vector<16xi32>, vector<16xi32>], vector<16xi32>,
      %swap3A_210 = arith.index_cast %add3A_46 : i32 to index
      %swap3A_211 = arith.constant 192 : index
      %swap3A_212 = tpu.vector_load %arg7[%swap3A_210, %swap3A_211] {strides = array<i32>} : memref<32x208xi32, #tpu.memory_space<vmem>>, vector<16xi32>,
      tpu.vector_store %arg7[%swap3A_210, %swap3A_211], %gather3A_209 {strides = array<i32>} : memref<32x208xi32, #tpu.memory_space<vmem>>, vector<16xi32>,
    }
    %scan3A_36 = arith.constant 32 : i32
    %scan3A_37 = arith.constant 0 : i32
    %scan3A_38 = arith.constant 4 : i32
    %scan3A_39 = arith.addi %scan3A_37, %scan3A_38 : i32
    %scan3A_40 = arith.constant 1 : i32
    scf.for %scan3A_42 = %scan3A_37 to %scan3A_39 step %scan3A_40  : i32 {
      %mul3A_43 = arith.constant 1 : i32
      %mul3A_44 = arith.muli %scan3A_42, %mul3A_43 : i32
      %add3A_45 = arith.constant 0 : i32
      %add3A_46 = arith.addi %add3A_45, %mul3A_44 : i32
      %mul3A_47 = arith.constant 8 : i32
      %mul3A_48 = arith.muli %add3A_46, %mul3A_47 : i32
      %scan3A_49 = arith.constant 0 : i32
      %scan3A_50 = arith.constant 0 : i32
      %scan3A_51 = arith.constant 200 : i32
      %scan3A_52 = arith.addi %scan3A_50, %scan3A_51 : i32
      %scan3A_53 = arith.constant 8 : i32
      scf.for %scan3A_583 = %scan3A_50 to %scan3A_52 step %scan3A_53  : i32 {
        %mul3A_584 = arith.constant 1 : i32
        %mul3A_585 = arith.muli %scan3A_583, %mul3A_584 : i32
        %add3A_586 = arith.constant 0 : i32
        %add3A_587 = arith.addi %add3A_586, %mul3A_585 : i32
        %get3A = arith.index_cast %add3A_587 : i32 to index
        %get3A_588 = arith.constant 0 : index
        %get3A_589 = tpu.vector_load %arg9[%get3A, %get3A_588] {strides = array<i32>} : memref<200x64xf32, #tpu.memory_space<vmem>>, vector<16xf32>,
        %swap3A = arith.constant 0 : i32
        %swap3A_590 = arith.constant 0 : i32
        %swap3A_591 = tpu.memref_slice %arg8[%scan3A_49, %swap3A, %swap3A_590] : memref<8x200x64xf32, #tpu.memory_space<vmem>> -> memref<1x200x64xf32, #tpu.memory_space<vmem>>
        %swap3A_592 = tpu.memref_squeeze %swap3A_591 : memref<1x200x64xf32, #tpu.memory_space<vmem>> -> memref<200x64xf32, #tpu.memory_space<vmem>>
        %swap3A_593 = arith.index_cast %add3A_587 : i32 to index
        %swap3A_594 = arith.constant 0 : index
        %swap3A_595 = tpu.vector_load %swap3A_592[%swap3A_593, %swap3A_594] {strides = array<i32>} : memref<200x64xf32, #tpu.memory_space<vmem>>, vector<16xf32>,
        tpu.vector_store %swap3A_592[%swap3A_593, %swap3A_594], %get3A_589 {strides = array<i32>} : memref<200x64xf32, #tpu.memory_space<vmem>>, vector<16xf32>,
        %get3A_596 = arith.index_cast %add3A_587 : i32 to index
        %get3A_597 = arith.constant 16 : index
        %get3A_598 = tpu.vector_load %arg9[%get3A_596, %get3A_597] {strides = array<i32>} : memref<200x64xf32, #tpu.memory_space<vmem>>, vector<16xf32>,
        %swap3A_599 = arith.constant 0 : i32
        %swap3A_600 = arith.constant 0 : i32
        %swap3A_601 = tpu.memref_slice %arg8[%scan3A_49, %swap3A_599, %swap3A_600] : memref<8x200x64xf32, #tpu.memory_space<vmem>> -> memref<1x200x64xf32, #tpu.memory_space<vmem>>
        %swap3A_602 = tpu.memref_squeeze %swap3A_601 : memref<1x200x64xf32, #tpu.memory_space<vmem>> -> memref<200x64xf32, #tpu.memory_space<vmem>>
        %swap3A_603 = arith.index_cast %add3A_587 : i32 to index
        %swap3A_604 = arith.constant 16 : index
        %swap3A_605 = tpu.vector_load %swap3A_602[%swap3A_603, %swap3A_604] {strides = array<i32>} : memref<200x64xf32, #tpu.memory_space<vmem>>, vector<16xf32>,
        tpu.vector_store %swap3A_602[%swap3A_603, %swap3A_604], %get3A_598 {strides = array<i32>} : memref<200x64xf32, #tpu.memory_space<vmem>>, vector<16xf32>,
        %get3A_606 = arith.index_cast %add3A_587 : i32 to index
        %get3A_607 = arith.constant 32 : index
        %get3A_608 = tpu.vector_load %arg9[%get3A_606, %get3A_607] {strides = array<i32>} : memref<200x64xf32, #tpu.memory_space<vmem>>, vector<16xf32>,
        %swap3A_609 = arith.constant 0 : i32
        %swap3A_610 = arith.constant 0 : i32
        %swap3A_611 = tpu.memref_slice %arg8[%scan3A_49, %swap3A_609, %swap3A_610] : memref<8x200x64xf32, #tpu.memory_space<vmem>> -> memref<1x200x64xf32, #tpu.memory_space<vmem>>
        %swap3A_612 = tpu.memref_squeeze %swap3A_611 : memref<1x200x64xf32, #tpu.memory_space<vmem>> -> memref<200x64xf32, #tpu.memory_space<vmem>>
        %swap3A_613 = arith.index_cast %add3A_587 : i32 to index
        %swap3A_614 = arith.constant 32 : index
        %swap3A_615 = tpu.vector_load %swap3A_612[%swap3A_613, %swap3A_614] {strides = array<i32>} : memref<200x64xf32, #tpu.memory_space<vmem>>, vector<16xf32>,
        tpu.vector_store %swap3A_612[%swap3A_613, %swap3A_614], %get3A_608 {strides = array<i32>} : memref<200x64xf32, #tpu.memory_space<vmem>>, vector<16xf32>,
        %get3A_616 = arith.index_cast %add3A_587 : i32 to index
        %get3A_617 = arith.constant 48 : index
        %get3A_618 = tpu.vector_load %arg9[%get3A_616, %get3A_617] {strides = array<i32>} : memref<200x64xf32, #tpu.memory_space<vmem>>, vector<16xf32>,
        %swap3A_619 = arith.constant 0 : i32
        %swap3A_620 = arith.constant 0 : i32
        %swap3A_621 = tpu.memref_slice %arg8[%scan3A_49, %swap3A_619, %swap3A_620] : memref<8x200x64xf32, #tpu.memory_space<vmem>> -> memref<1x200x64xf32, #tpu.memory_space<vmem>>
        %swap3A_622 = tpu.memref_squeeze %swap3A_621 : memref<1x200x64xf32, #tpu.memory_space<vmem>> -> memref<200x64xf32, #tpu.memory_space<vmem>>
        %swap3A_623 = arith.index_cast %add3A_587 : i32 to index
        %swap3A_624 = arith.constant 48 : index
        %swap3A_625 = tpu.vector_load %swap3A_622[%swap3A_623, %swap3A_624] {strides = array<i32>} : memref<200x64xf32, #tpu.memory_space<vmem>>, vector<16xf32>,
        tpu.vector_store %swap3A_622[%swap3A_623, %swap3A_624], %get3A_618 {strides = array<i32>} : memref<200x64xf32, #tpu.memory_space<vmem>>, vector<16xf32>,
        %scan3A_626 = arith.constant 1 : i32
        %scan3A_627 = arith.addi %scan3A_583, %scan3A_626 : i32
        %mul3A_628 = arith.constant 1 : i32
        %mul3A_629 = arith.muli %scan3A_627, %mul3A_628 : i32
        %add3A_630 = arith.constant 0 : i32
        %add3A_631 = arith.addi %add3A_630, %mul3A_629 : i32
        %get3A_632 = arith.index_cast %add3A_631 : i32 to index
        %get3A_633 = arith.constant 0 : index
        %get3A_634 = tpu.vector_load %arg9[%get3A_632, %get3A_633] {strides = array<i32>} : memref<200x64xf32, #tpu.memory_space<vmem>>, vector<16xf32>,
        %swap3A_635 = arith.constant 0 : i32
        %swap3A_636 = arith.constant 0 : i32
        %swap3A_637 = tpu.memref_slice %arg8[%scan3A_49, %swap3A_635, %swap3A_636] : memref<8x200x64xf32, #tpu.memory_space<vmem>> -> memref<1x200x64xf32, #tpu.memory_space<vmem>>
        %swap3A_638 = tpu.memref_squeeze %swap3A_637 : memref<1x200x64xf32, #tpu.memory_space<vmem>> -> memref<200x64xf32, #tpu.memory_space<vmem>>
        %swap3A_639 = arith.index_cast %add3A_631 : i32 to index
        %swap3A_640 = arith.constant 0 : index
        %swap3A_641 = tpu.vector_load %swap3A_638[%swap3A_639, %swap3A_640] {strides = array<i32>} : memref<200x64xf32, #tpu.memory_space<vmem>>, vector<16xf32>,
        tpu.vector_store %swap3A_638[%swap3A_639, %swap3A_640], %get3A_634 {strides = array<i32>} : memref<200x64xf32, #tpu.memory_space<vmem>>, vector<16xf32>,
        %get3A_642 = arith.index_cast %add3A_631 : i32 to index
        %get3A_643 = arith.constant 16 : index
        %get3A_644 = tpu.vector_load %arg9[%get3A_642, %get3A_643] {strides = array<i32>} : memref<200x64xf32, #tpu.memory_space<vmem>>, vector<16xf32>,
        %swap3A_645 = arith.constant 0 : i32
        %swap3A_646 = arith.constant 0 : i32
        %swap3A_647 = tpu.memref_slice %arg8[%scan3A_49, %swap3A_645, %swap3A_646] : memref<8x200x64xf32, #tpu.memory_space<vmem>> -> memref<1x200x64xf32, #tpu.memory_space<vmem>>
        %swap3A_648 = tpu.memref_squeeze %swap3A_647 : memref<1x200x64xf32, #tpu.memory_space<vmem>> -> memref<200x64xf32, #tpu.memory_space<vmem>>
        %swap3A_649 = arith.index_cast %add3A_631 : i32 to index
        %swap3A_650 = arith.constant 16 : index
        %swap3A_651 = tpu.vector_load %swap3A_648[%swap3A_649, %swap3A_650] {strides = array<i32>} : memref<200x64xf32, #tpu.memory_space<vmem>>, vector<16xf32>,
        tpu.vector_store %swap3A_648[%swap3A_649, %swap3A_650], %get3A_644 {strides = array<i32>} : memref<200x64xf32, #tpu.memory_space<vmem>>, vector<16xf32>,
        %get3A_652 = arith.index_cast %add3A_631 : i32 to index
        %get3A_653 = arith.constant 32 : index
        %get3A_654 = tpu.vector_load %arg9[%get3A_652, %get3A_653] {strides = array<i32>} : memref<200x64xf32, #tpu.memory_space<vmem>>, vector<16xf32>,
        %swap3A_655 = arith.constant 0 : i32
        %swap3A_656 = arith.constant 0 : i32
        %swap3A_657 = tpu.memref_slice %arg8[%scan3A_49, %swap3A_655, %swap3A_656] : memref<8x200x64xf32, #tpu.memory_space<vmem>> -> memref<1x200x64xf32, #tpu.memory_space<vmem>>
        %swap3A_658 = tpu.memref_squeeze %swap3A_657 : memref<1x200x64xf32, #tpu.memory_space<vmem>> -> memref<200x64xf32, #tpu.memory_space<vmem>>
        %swap3A_659 = arith.index_cast %add3A_631 : i32 to index
        %swap3A_660 = arith.constant 32 : index
        %swap3A_661 = tpu.vector_load %swap3A_658[%swap3A_659, %swap3A_660] {strides = array<i32>} : memref<200x64xf32, #tpu.memory_space<vmem>>, vector<16xf32>,
        tpu.vector_store %swap3A_658[%swap3A_659, %swap3A_660], %get3A_654 {strides = array<i32>} : memref<200x64xf32, #tpu.memory_space<vmem>>, vector<16xf32>,
        %get3A_662 = arith.index_cast %add3A_631 : i32 to index
        %get3A_663 = arith.constant 48 : index
        %get3A_664 = tpu.vector_load %arg9[%get3A_662, %get3A_663] {strides = array<i32>} : memref<200x64xf32, #tpu.memory_space<vmem>>, vector<16xf32>,
        %swap3A_665 = arith.constant 0 : i32
        %swap3A_666 = arith.constant 0 : i32
        %swap3A_667 = tpu.memref_slice %arg8[%scan3A_49, %swap3A_665, %swap3A_666] : memref<8x200x64xf32, #tpu.memory_space<vmem>> -> memref<1x200x64xf32, #tpu.memory_space<vmem>>
        %swap3A_668 = tpu.memref_squeeze %swap3A_667 : memref<1x200x64xf32, #tpu.memory_space<vmem>> -> memref<200x64xf32, #tpu.memory_space<vmem>>
        %swap3A_669 = arith.index_cast %add3A_631 : i32 to index
        %swap3A_670 = arith.constant 48 : index
        %swap3A_671 = tpu.vector_load %swap3A_668[%swap3A_669, %swap3A_670] {strides = array<i32>} : memref<200x64xf32, #tpu.memory_space<vmem>>, vector<16xf32>,
        tpu.vector_store %swap3A_668[%swap3A_669, %swap3A_670], %get3A_664 {strides = array<i32>} : memref<200x64xf32, #tpu.memory_space<vmem>>, vector<16xf32>,
        %scan3A_672 = arith.constant 2 : i32
        %scan3A_673 = arith.addi %scan3A_583, %scan3A_672 : i32
        %mul3A_674 = arith.constant 1 : i32
        %mul3A_675 = arith.muli %scan3A_673, %mul3A_674 : i32
        %add3A_676 = arith.constant 0 : i32
        %add3A_677 = arith.addi %add3A_676, %mul3A_675 : i32
        %get3A_678 = arith.index_cast %add3A_677 : i32 to index
        %get3A_679 = arith.constant 0 : index
        %get3A_680 = tpu.vector_load %arg9[%get3A_678, %get3A_679] {strides = array<i32>} : memref<200x64xf32, #tpu.memory_space<vmem>>, vector<16xf32>,
        %swap3A_681 = arith.constant 0 : i32
        %swap3A_682 = arith.constant 0 : i32
        %swap3A_683 = tpu.memref_slice %arg8[%scan3A_49, %swap3A_681, %swap3A_682] : memref<8x200x64xf32, #tpu.memory_space<vmem>> -> memref<1x200x64xf32, #tpu.memory_space<vmem>>
        %swap3A_684 = tpu.memref_squeeze %swap3A_683 : memref<1x200x64xf32, #tpu.memory_space<vmem>> -> memref<200x64xf32, #tpu.memory_space<vmem>>
        %swap3A_685 = arith.index_cast %add3A_677 : i32 to index
        %swap3A_686 = arith.constant 0 : index
        %swap3A_687 = tpu.vector_load %swap3A_684[%swap3A_685, %swap3A_686] {strides = array<i32>} : memref<200x64xf32, #tpu.memory_space<vmem>>, vector<16xf32>,
        tpu.vector_store %swap3A_684[%swap3A_685, %swap3A_686], %get3A_680 {strides = array<i32>} : memref<200x64xf32, #tpu.memory_space<vmem>>, vector<16xf32>,
        %get3A_688 = arith.index_cast %add3A_677 : i32 to index
        %get3A_689 = arith.constant 16 : index
        %get3A_690 = tpu.vector_load %arg9[%get3A_688, %get3A_689] {strides = array<i32>} : memref<200x64xf32, #tpu.memory_space<vmem>>, vector<16xf32>,
        %swap3A_691 = arith.constant 0 : i32
        %swap3A_692 = arith.constant 0 : i32
        %swap3A_693 = tpu.memref_slice %arg8[%scan3A_49, %swap3A_691, %swap3A_692] : memref<8x200x64xf32, #tpu.memory_space<vmem>> -> memref<1x200x64xf32, #tpu.memory_space<vmem>>
        %swap3A_694 = tpu.memref_squeeze %swap3A_693 : memref<1x200x64xf32, #tpu.memory_space<vmem>> -> memref<200x64xf32, #tpu.memory_space<vmem>>
        %swap3A_695 = arith.index_cast %add3A_677 : i32 to index
        %swap3A_696 = arith.constant 16 : index
        %swap3A_697 = tpu.vector_load %swap3A_694[%swap3A_695, %swap3A_696] {strides = array<i32>} : memref<200x64xf32, #tpu.memory_space<vmem>>, vector<16xf32>,
        tpu.vector_store %swap3A_694[%swap3A_695, %swap3A_696], %get3A_690 {strides = array<i32>} : memref<200x64xf32, #tpu.memory_space<vmem>>, vector<16xf32>,
        %get3A_698 = arith.index_cast %add3A_677 : i32 to index
        %get3A_699 = arith.constant 32 : index
        %get3A_700 = tpu.vector_load %arg9[%get3A_698, %get3A_699] {strides = array<i32>} : memref<200x64xf32, #tpu.memory_space<vmem>>, vector<16xf32>,
        %swap3A_701 = arith.constant 0 : i32
        %swap3A_702 = arith.constant 0 : i32
        %swap3A_703 = tpu.memref_slice %arg8[%scan3A_49, %swap3A_701, %swap3A_702] : memref<8x200x64xf32, #tpu.memory_space<vmem>> -> memref<1x200x64xf32, #tpu.memory_space<vmem>>
        %swap3A_704 = tpu.memref_squeeze %swap3A_703 : memref<1x200x64xf32, #tpu.memory_space<vmem>> -> memref<200x64xf32, #tpu.memory_space<vmem>>
        %swap3A_705 = arith.index_cast %add3A_677 : i32 to index
        %swap3A_706 = arith.constant 32 : index
        %swap3A_707 = tpu.vector_load %swap3A_704[%swap3A_705, %swap3A_706] {strides = array<i32>} : memref<200x64xf32, #tpu.memory_space<vmem>>, vector<16xf32>,
        tpu.vector_store %swap3A_704[%swap3A_705, %swap3A_706], %get3A_700 {strides = array<i32>} : memref<200x64xf32, #tpu.memory_space<vmem>>, vector<16xf32>,
        %get3A_708 = arith.index_cast %add3A_677 : i32 to index
        %get3A_709 = arith.constant 48 : index
        %get3A_710 = tpu.vector_load %arg9[%get3A_708, %get3A_709] {strides = array<i32>} : memref<200x64xf32, #tpu.memory_space<vmem>>, vector<16xf32>,
        %swap3A_711 = arith.constant 0 : i32
        %swap3A_712 = arith.constant 0 : i32
        %swap3A_713 = tpu.memref_slice %arg8[%scan3A_49, %swap3A_711, %swap3A_712] : memref<8x200x64xf32, #tpu.memory_space<vmem>> -> memref<1x200x64xf32, #tpu.memory_space<vmem>>
        %swap3A_714 = tpu.memref_squeeze %swap3A_713 : memref<1x200x64xf32, #tpu.memory_space<vmem>> -> memref<200x64xf32, #tpu.memory_space<vmem>>
        %swap3A_715 = arith.index_cast %add3A_677 : i32 to index
        %swap3A_716 = arith.constant 48 : index
        %swap3A_717 = tpu.vector_load %swap3A_714[%swap3A_715, %swap3A_716] {strides = array<i32>} : memref<200x64xf32, #tpu.memory_space<vmem>>, vector<16xf32>,
        tpu.vector_store %swap3A_714[%swap3A_715, %swap3A_716], %get3A_710 {strides = array<i32>} : memref<200x64xf32, #tpu.memory_space<vmem>>, vector<16xf32>,
        %scan3A_718 = arith.constant 3 : i32
        %scan3A_719 = arith.addi %scan3A_583, %scan3A_718 : i32
        %mul3A_720 = arith.constant 1 : i32
        %mul3A_721 = arith.muli %scan3A_719, %mul3A_720 : i32
        %add3A_722 = arith.constant 0 : i32
        %add3A_723 = arith.addi %add3A_722, %mul3A_721 : i32
        %get3A_724 = arith.index_cast %add3A_723 : i32 to index
        %get3A_725 = arith.constant 0 : index
        %get3A_726 = tpu.vector_load %arg9[%get3A_724, %get3A_725] {strides = array<i32>} : memref<200x64xf32, #tpu.memory_space<vmem>>, vector<16xf32>,
        %swap3A_727 = arith.constant 0 : i32
        %swap3A_728 = arith.constant 0 : i32
        %swap3A_729 = tpu.memref_slice %arg8[%scan3A_49, %swap3A_727, %swap3A_728] : memref<8x200x64xf32, #tpu.memory_space<vmem>> -> memref<1x200x64xf32, #tpu.memory_space<vmem>>
        %swap3A_730 = tpu.memref_squeeze %swap3A_729 : memref<1x200x64xf32, #tpu.memory_space<vmem>> -> memref<200x64xf32, #tpu.memory_space<vmem>>
        %swap3A_731 = arith.index_cast %add3A_723 : i32 to index
        %swap3A_732 = arith.constant 0 : index
        %swap3A_733 = tpu.vector_load %swap3A_730[%swap3A_731, %swap3A_732] {strides = array<i32>} : memref<200x64xf32, #tpu.memory_space<vmem>>, vector<16xf32>,
        tpu.vector_store %swap3A_730[%swap3A_731, %swap3A_732], %get3A_726 {strides = array<i32>} : memref<200x64xf32, #tpu.memory_space<vmem>>, vector<16xf32>,
        %get3A_734 = arith.index_cast %add3A_723 : i32 to index
        %get3A_735 = arith.constant 16 : index
        %get3A_736 = tpu.vector_load %arg9[%get3A_734, %get3A_735] {strides = array<i32>} : memref<200x64xf32, #tpu.memory_space<vmem>>, vector<16xf32>,
        %swap3A_737 = arith.constant 0 : i32
        %swap3A_738 = arith.constant 0 : i32
        %swap3A_739 = tpu.memref_slice %arg8[%scan3A_49, %swap3A_737, %swap3A_738] : memref<8x200x64xf32, #tpu.memory_space<vmem>> -> memref<1x200x64xf32, #tpu.memory_space<vmem>>
        %swap3A_740 = tpu.memref_squeeze %swap3A_739 : memref<1x200x64xf32, #tpu.memory_space<vmem>> -> memref<200x64xf32, #tpu.memory_space<vmem>>
        %swap3A_741 = arith.index_cast %add3A_723 : i32 to index
        %swap3A_742 = arith.constant 16 : index
        %swap3A_743 = tpu.vector_load %swap3A_740[%swap3A_741, %swap3A_742] {strides = array<i32>} : memref<200x64xf32, #tpu.memory_space<vmem>>, vector<16xf32>,
        tpu.vector_store %swap3A_740[%swap3A_741, %swap3A_742], %get3A_736 {strides = array<i32>} : memref<200x64xf32, #tpu.memory_space<vmem>>, vector<16xf32>,
        %get3A_744 = arith.index_cast %add3A_723 : i32 to index
        %get3A_745 = arith.constant 32 : index
        %get3A_746 = tpu.vector_load %arg9[%get3A_744, %get3A_745] {strides = array<i32>} : memref<200x64xf32, #tpu.memory_space<vmem>>, vector<16xf32>,
        %swap3A_747 = arith.constant 0 : i32
        %swap3A_748 = arith.constant 0 : i32
        %swap3A_749 = tpu.memref_slice %arg8[%scan3A_49, %swap3A_747, %swap3A_748] : memref<8x200x64xf32, #tpu.memory_space<vmem>> -> memref<1x200x64xf32, #tpu.memory_space<vmem>>
        %swap3A_750 = tpu.memref_squeeze %swap3A_749 : memref<1x200x64xf32, #tpu.memory_space<vmem>> -> memref<200x64xf32, #tpu.memory_space<vmem>>
        %swap3A_751 = arith.index_cast %add3A_723 : i32 to index
        %swap3A_752 = arith.constant 32 : index
        %swap3A_753 = tpu.vector_load %swap3A_750[%swap3A_751, %swap3A_752] {strides = array<i32>} : memref<200x64xf32, #tpu.memory_space<vmem>>, vector<16xf32>,
        tpu.vector_store %swap3A_750[%swap3A_751, %swap3A_752], %get3A_746 {strides = array<i32>} : memref<200x64xf32, #tpu.memory_space<vmem>>, vector<16xf32>,
        %get3A_754 = arith.index_cast %add3A_723 : i32 to index
        %get3A_755 = arith.constant 48 : index
        %get3A_756 = tpu.vector_load %arg9[%get3A_754, %get3A_755] {strides = array<i32>} : memref<200x64xf32, #tpu.memory_space<vmem>>, vector<16xf32>,
        %swap3A_757 = arith.constant 0 : i32
        %swap3A_758 = arith.constant 0 : i32
        %swap3A_759 = tpu.memref_slice %arg8[%scan3A_49, %swap3A_757, %swap3A_758] : memref<8x200x64xf32, #tpu.memory_space<vmem>> -> memref<1x200x64xf32, #tpu.memory_space<vmem>>
        %swap3A_760 = tpu.memref_squeeze %swap3A_759 : memref<1x200x64xf32, #tpu.memory_space<vmem>> -> memref<200x64xf32, #tpu.memory_space<vmem>>
        %swap3A_761 = arith.index_cast %add3A_723 : i32 to index
        %swap3A_762 = arith.constant 48 : index
        %swap3A_763 = tpu.vector_load %swap3A_760[%swap3A_761, %swap3A_762] {strides = array<i32>} : memref<200x64xf32, #tpu.memory_space<vmem>>, vector<16xf32>,
        tpu.vector_store %swap3A_760[%swap3A_761, %swap3A_762], %get3A_756 {strides = array<i32>} : memref<200x64xf32, #tpu.memory_space<vmem>>, vector<16xf32>,
        %scan3A_764 = arith.constant 4 : i32
        %scan3A_765 = arith.addi %scan3A_583, %scan3A_764 : i32
        %mul3A_766 = arith.constant 1 : i32
        %mul3A_767 = arith.muli %scan3A_765, %mul3A_766 : i32
        %add3A_768 = arith.constant 0 : i32
        %add3A_769 = arith.addi %add3A_768, %mul3A_767 : i32
        %get3A_770 = arith.index_cast %add3A_769 : i32 to index
        %get3A_771 = arith.constant 0 : index
        %get3A_772 = tpu.vector_load %arg9[%get3A_770, %get3A_771] {strides = array<i32>} : memref<200x64xf32, #tpu.memory_space<vmem>>, vector<16xf32>,
        %swap3A_773 = arith.constant 0 : i32
        %swap3A_774 = arith.constant 0 : i32
        %swap3A_775 = tpu.memref_slice %arg8[%scan3A_49, %swap3A_773, %swap3A_774] : memref<8x200x64xf32, #tpu.memory_space<vmem>> -> memref<1x200x64xf32, #tpu.memory_space<vmem>>
        %swap3A_776 = tpu.memref_squeeze %swap3A_775 : memref<1x200x64xf32, #tpu.memory_space<vmem>> -> memref<200x64xf32, #tpu.memory_space<vmem>>
        %swap3A_777 = arith.index_cast %add3A_769 : i32 to index
        %swap3A_778 = arith.constant 0 : index
        %swap3A_779 = tpu.vector_load %swap3A_776[%swap3A_777, %swap3A_778] {strides = array<i32>} : memref<200x64xf32, #tpu.memory_space<vmem>>, vector<16xf32>,
        tpu.vector_store %swap3A_776[%swap3A_777, %swap3A_778], %get3A_772 {strides = array<i32>} : memref<200x64xf32, #tpu.memory_space<vmem>>, vector<16xf32>,
        %get3A_780 = arith.index_cast %add3A_769 : i32 to index
        %get3A_781 = arith.constant 16 : index
        %get3A_782 = tpu.vector_load %arg9[%get3A_780, %get3A_781] {strides = array<i32>} : memref<200x64xf32, #tpu.memory_space<vmem>>, vector<16xf32>,
        %swap3A_783 = arith.constant 0 : i32
        %swap3A_784 = arith.constant 0 : i32
        %swap3A_785 = tpu.memref_slice %arg8[%scan3A_49, %swap3A_783, %swap3A_784] : memref<8x200x64xf32, #tpu.memory_space<vmem>> -> memref<1x200x64xf32, #tpu.memory_space<vmem>>
        %swap3A_786 = tpu.memref_squeeze %swap3A_785 : memref<1x200x64xf32, #tpu.memory_space<vmem>> -> memref<200x64xf32, #tpu.memory_space<vmem>>
        %swap3A_787 = arith.index_cast %add3A_769 : i32 to index
        %swap3A_788 = arith.constant 16 : index
        %swap3A_789 = tpu.vector_load %swap3A_786[%swap3A_787, %swap3A_788] {strides = array<i32>} : memref<200x64xf32, #tpu.memory_space<vmem>>, vector<16xf32>,
        tpu.vector_store %swap3A_786[%swap3A_787, %swap3A_788], %get3A_782 {strides = array<i32>} : memref<200x64xf32, #tpu.memory_space<vmem>>, vector<16xf32>,
        %get3A_790 = arith.index_cast %add3A_769 : i32 to index
        %get3A_791 = arith.constant 32 : index
        %get3A_792 = tpu.vector_load %arg9[%get3A_790, %get3A_791] {strides = array<i32>} : memref<200x64xf32, #tpu.memory_space<vmem>>, vector<16xf32>,
        %swap3A_793 = arith.constant 0 : i32
        %swap3A_794 = arith.constant 0 : i32
        %swap3A_795 = tpu.memref_slice %arg8[%scan3A_49, %swap3A_793, %swap3A_794] : memref<8x200x64xf32, #tpu.memory_space<vmem>> -> memref<1x200x64xf32, #tpu.memory_space<vmem>>
        %swap3A_796 = tpu.memref_squeeze %swap3A_795 : memref<1x200x64xf32, #tpu.memory_space<vmem>> -> memref<200x64xf32, #tpu.memory_space<vmem>>
        %swap3A_797 = arith.index_cast %add3A_769 : i32 to index
        %swap3A_798 = arith.constant 32 : index
        %swap3A_799 = tpu.vector_load %swap3A_796[%swap3A_797, %swap3A_798] {strides = array<i32>} : memref<200x64xf32, #tpu.memory_space<vmem>>, vector<16xf32>,
        tpu.vector_store %swap3A_796[%swap3A_797, %swap3A_798], %get3A_792 {strides = array<i32>} : memref<200x64xf32, #tpu.memory_space<vmem>>, vector<16xf32>,
        %get3A_800 = arith.index_cast %add3A_769 : i32 to index
        %get3A_801 = arith.constant 48 : index
        %get3A_802 = tpu.vector_load %arg9[%get3A_800, %get3A_801] {strides = array<i32>} : memref<200x64xf32, #tpu.memory_space<vmem>>, vector<16xf32>,
        %swap3A_803 = arith.constant 0 : i32
        %swap3A_804 = arith.constant 0 : i32
        %swap3A_805 = tpu.memref_slice %arg8[%scan3A_49, %swap3A_803, %swap3A_804] : memref<8x200x64xf32, #tpu.memory_space<vmem>> -> memref<1x200x64xf32, #tpu.memory_space<vmem>>
        %swap3A_806 = tpu.memref_squeeze %swap3A_805 : memref<1x200x64xf32, #tpu.memory_space<vmem>> -> memref<200x64xf32, #tpu.memory_space<vmem>>
        %swap3A_807 = arith.index_cast %add3A_769 : i32 to index
        %swap3A_808 = arith.constant 48 : index
        %swap3A_809 = tpu.vector_load %swap3A_806[%swap3A_807, %swap3A_808] {strides = array<i32>} : memref<200x64xf32, #tpu.memory_space<vmem>>, vector<16xf32>,
        tpu.vector_store %swap3A_806[%swap3A_807, %swap3A_808], %get3A_802 {strides = array<i32>} : memref<200x64xf32, #tpu.memory_space<vmem>>, vector<16xf32>,
        %scan3A_810 = arith.constant 5 : i32
        %scan3A_811 = arith.addi %scan3A_583, %scan3A_810 : i32
        %mul3A_812 = arith.constant 1 : i32
        %mul3A_813 = arith.muli %scan3A_811, %mul3A_812 : i32
        %add3A_814 = arith.constant 0 : i32
        %add3A_815 = arith.addi %add3A_814, %mul3A_813 : i32
        %get3A_816 = arith.index_cast %add3A_815 : i32 to index
        %get3A_817 = arith.constant 0 : index
        %get3A_818 = tpu.vector_load %arg9[%get3A_816, %get3A_817] {strides = array<i32>} : memref<200x64xf32, #tpu.memory_space<vmem>>, vector<16xf32>,
        %swap3A_819 = arith.constant 0 : i32
        %swap3A_820 = arith.constant 0 : i32
        %swap3A_821 = tpu.memref_slice %arg8[%scan3A_49, %swap3A_819, %swap3A_820] : memref<8x200x64xf32, #tpu.memory_space<vmem>> -> memref<1x200x64xf32, #tpu.memory_space<vmem>>
        %swap3A_822 = tpu.memref_squeeze %swap3A_821 : memref<1x200x64xf32, #tpu.memory_space<vmem>> -> memref<200x64xf32, #tpu.memory_space<vmem>>
        %swap3A_823 = arith.index_cast %add3A_815 : i32 to index
        %swap3A_824 = arith.constant 0 : index
        %swap3A_825 = tpu.vector_load %swap3A_822[%swap3A_823, %swap3A_824] {strides = array<i32>} : memref<200x64xf32, #tpu.memory_space<vmem>>, vector<16xf32>,
        tpu.vector_store %swap3A_822[%swap3A_823, %swap3A_824], %get3A_818 {strides = array<i32>} : memref<200x64xf32, #tpu.memory_space<vmem>>, vector<16xf32>,
        %get3A_826 = arith.index_cast %add3A_815 : i32 to index
        %get3A_827 = arith.constant 16 : index
        %get3A_828 = tpu.vector_load %arg9[%get3A_826, %get3A_827] {strides = array<i32>} : memref<200x64xf32, #tpu.memory_space<vmem>>, vector<16xf32>,
        %swap3A_829 = arith.constant 0 : i32
        %swap3A_830 = arith.constant 0 : i32
        %swap3A_831 = tpu.memref_slice %arg8[%scan3A_49, %swap3A_829, %swap3A_830] : memref<8x200x64xf32, #tpu.memory_space<vmem>> -> memref<1x200x64xf32, #tpu.memory_space<vmem>>
        %swap3A_832 = tpu.memref_squeeze %swap3A_831 : memref<1x200x64xf32, #tpu.memory_space<vmem>> -> memref<200x64xf32, #tpu.memory_space<vmem>>
        %swap3A_833 = arith.index_cast %add3A_815 : i32 to index
        %swap3A_834 = arith.constant 16 : index
        %swap3A_835 = tpu.vector_load %swap3A_832[%swap3A_833, %swap3A_834] {strides = array<i32>} : memref<200x64xf32, #tpu.memory_space<vmem>>, vector<16xf32>,
        tpu.vector_store %swap3A_832[%swap3A_833, %swap3A_834], %get3A_828 {strides = array<i32>} : memref<200x64xf32, #tpu.memory_space<vmem>>, vector<16xf32>,
        %get3A_836 = arith.index_cast %add3A_815 : i32 to index
        %get3A_837 = arith.constant 32 : index
        %get3A_838 = tpu.vector_load %arg9[%get3A_836, %get3A_837] {strides = array<i32>} : memref<200x64xf32, #tpu.memory_space<vmem>>, vector<16xf32>,
        %swap3A_839 = arith.constant 0 : i32
        %swap3A_840 = arith.constant 0 : i32
        %swap3A_841 = tpu.memref_slice %arg8[%scan3A_49, %swap3A_839, %swap3A_840] : memref<8x200x64xf32, #tpu.memory_space<vmem>> -> memref<1x200x64xf32, #tpu.memory_space<vmem>>
        %swap3A_842 = tpu.memref_squeeze %swap3A_841 : memref<1x200x64xf32, #tpu.memory_space<vmem>> -> memref<200x64xf32, #tpu.memory_space<vmem>>
        %swap3A_843 = arith.index_cast %add3A_815 : i32 to index
        %swap3A_844 = arith.constant 32 : index
        %swap3A_845 = tpu.vector_load %swap3A_842[%swap3A_843, %swap3A_844] {strides = array<i32>} : memref<200x64xf32, #tpu.memory_space<vmem>>, vector<16xf32>,
        tpu.vector_store %swap3A_842[%swap3A_843, %swap3A_844], %get3A_838 {strides = array<i32>} : memref<200x64xf32, #tpu.memory_space<vmem>>, vector<16xf32>,
        %get3A_846 = arith.index_cast %add3A_815 : i32 to index
        %get3A_847 = arith.constant 48 : index
        %get3A_848 = tpu.vector_load %arg9[%get3A_846, %get3A_847] {strides = array<i32>} : memref<200x64xf32, #tpu.memory_space<vmem>>, vector<16xf32>,
        %swap3A_849 = arith.constant 0 : i32
        %swap3A_850 = arith.constant 0 : i32
        %swap3A_851 = tpu.memref_slice %arg8[%scan3A_49, %swap3A_849, %swap3A_850] : memref<8x200x64xf32, #tpu.memory_space<vmem>> -> memref<1x200x64xf32, #tpu.memory_space<vmem>>
        %swap3A_852 = tpu.memref_squeeze %swap3A_851 : memref<1x200x64xf32, #tpu.memory_space<vmem>> -> memref<200x64xf32, #tpu.memory_space<vmem>>
        %swap3A_853 = arith.index_cast %add3A_815 : i32 to index
        %swap3A_854 = arith.constant 48 : index
        %swap3A_855 = tpu.vector_load %swap3A_852[%swap3A_853, %swap3A_854] {strides = array<i32>} : memref<200x64xf32, #tpu.memory_space<vmem>>, vector<16xf32>,
        tpu.vector_store %swap3A_852[%swap3A_853, %swap3A_854], %get3A_848 {strides = array<i32>} : memref<200x64xf32, #tpu.memory_space<vmem>>, vector<16xf32>,
        %scan3A_856 = arith.constant 6 : i32
        %scan3A_857 = arith.addi %scan3A_583, %scan3A_856 : i32
        %mul3A_858 = arith.constant 1 : i32
        %mul3A_859 = arith.muli %scan3A_857, %mul3A_858 : i32
        %add3A_860 = arith.constant 0 : i32
        %add3A_861 = arith.addi %add3A_860, %mul3A_859 : i32
        %get3A_862 = arith.index_cast %add3A_861 : i32 to index
        %get3A_863 = arith.constant 0 : index
        %get3A_864 = tpu.vector_load %arg9[%get3A_862, %get3A_863] {strides = array<i32>} : memref<200x64xf32, #tpu.memory_space<vmem>>, vector<16xf32>,
        %swap3A_865 = arith.constant 0 : i32
        %swap3A_866 = arith.constant 0 : i32
        %swap3A_867 = tpu.memref_slice %arg8[%scan3A_49, %swap3A_865, %swap3A_866] : memref<8x200x64xf32, #tpu.memory_space<vmem>> -> memref<1x200x64xf32, #tpu.memory_space<vmem>>
        %swap3A_868 = tpu.memref_squeeze %swap3A_867 : memref<1x200x64xf32, #tpu.memory_space<vmem>> -> memref<200x64xf32, #tpu.memory_space<vmem>>
        %swap3A_869 = arith.index_cast %add3A_861 : i32 to index
        %swap3A_870 = arith.constant 0 : index
        %swap3A_871 = tpu.vector_load %swap3A_868[%swap3A_869, %swap3A_870] {strides = array<i32>} : memref<200x64xf32, #tpu.memory_space<vmem>>, vector<16xf32>,
        tpu.vector_store %swap3A_868[%swap3A_869, %swap3A_870], %get3A_864 {strides = array<i32>} : memref<200x64xf32, #tpu.memory_space<vmem>>, vector<16xf32>,
        %get3A_872 = arith.index_cast %add3A_861 : i32 to index
        %get3A_873 = arith.constant 16 : index
        %get3A_874 = tpu.vector_load %arg9[%get3A_872, %get3A_873] {strides = array<i32>} : memref<200x64xf32, #tpu.memory_space<vmem>>, vector<16xf32>,
        %swap3A_875 = arith.constant 0 : i32
        %swap3A_876 = arith.constant 0 : i32
        %swap3A_877 = tpu.memref_slice %arg8[%scan3A_49, %swap3A_875, %swap3A_876] : memref<8x200x64xf32, #tpu.memory_space<vmem>> -> memref<1x200x64xf32, #tpu.memory_space<vmem>>
        %swap3A_878 = tpu.memref_squeeze %swap3A_877 : memref<1x200x64xf32, #tpu.memory_space<vmem>> -> memref<200x64xf32, #tpu.memory_space<vmem>>
        %swap3A_879 = arith.index_cast %add3A_861 : i32 to index
        %swap3A_880 = arith.constant 16 : index
        %swap3A_881 = tpu.vector_load %swap3A_878[%swap3A_879, %swap3A_880] {strides = array<i32>} : memref<200x64xf32, #tpu.memory_space<vmem>>, vector<16xf32>,
        tpu.vector_store %swap3A_878[%swap3A_879, %swap3A_880], %get3A_874 {strides = array<i32>} : memref<200x64xf32, #tpu.memory_space<vmem>>, vector<16xf32>,
        %get3A_882 = arith.index_cast %add3A_861 : i32 to index
        %get3A_883 = arith.constant 32 : index
        %get3A_884 = tpu.vector_load %arg9[%get3A_882, %get3A_883] {strides = array<i32>} : memref<200x64xf32, #tpu.memory_space<vmem>>, vector<16xf32>,
        %swap3A_885 = arith.constant 0 : i32
        %swap3A_886 = arith.constant 0 : i32
        %swap3A_887 = tpu.memref_slice %arg8[%scan3A_49, %swap3A_885, %swap3A_886] : memref<8x200x64xf32, #tpu.memory_space<vmem>> -> memref<1x200x64xf32, #tpu.memory_space<vmem>>
        %swap3A_888 = tpu.memref_squeeze %swap3A_887 : memref<1x200x64xf32, #tpu.memory_space<vmem>> -> memref<200x64xf32, #tpu.memory_space<vmem>>
        %swap3A_889 = arith.index_cast %add3A_861 : i32 to index
        %swap3A_890 = arith.constant 32 : index
        %swap3A_891 = tpu.vector_load %swap3A_888[%swap3A_889, %swap3A_890] {strides = array<i32>} : memref<200x64xf32, #tpu.memory_space<vmem>>, vector<16xf32>,
        tpu.vector_store %swap3A_888[%swap3A_889, %swap3A_890], %get3A_884 {strides = array<i32>} : memref<200x64xf32, #tpu.memory_space<vmem>>, vector<16xf32>,
        %get3A_892 = arith.index_cast %add3A_861 : i32 to index
        %get3A_893 = arith.constant 48 : index
        %get3A_894 = tpu.vector_load %arg9[%get3A_892, %get3A_893] {strides = array<i32>} : memref<200x64xf32, #tpu.memory_space<vmem>>, vector<16xf32>,
        %swap3A_895 = arith.constant 0 : i32
        %swap3A_896 = arith.constant 0 : i32
        %swap3A_897 = tpu.memref_slice %arg8[%scan3A_49, %swap3A_895, %swap3A_896] : memref<8x200x64xf32, #tpu.memory_space<vmem>> -> memref<1x200x64xf32, #tpu.memory_space<vmem>>
        %swap3A_898 = tpu.memref_squeeze %swap3A_897 : memref<1x200x64xf32, #tpu.memory_space<vmem>> -> memref<200x64xf32, #tpu.memory_space<vmem>>
        %swap3A_899 = arith.index_cast %add3A_861 : i32 to index
        %swap3A_900 = arith.constant 48 : index
        %swap3A_901 = tpu.vector_load %swap3A_898[%swap3A_899, %swap3A_900] {strides = array<i32>} : memref<200x64xf32, #tpu.memory_space<vmem>>, vector<16xf32>,
        tpu.vector_store %swap3A_898[%swap3A_899, %swap3A_900], %get3A_894 {strides = array<i32>} : memref<200x64xf32, #tpu.memory_space<vmem>>, vector<16xf32>,
        %scan3A_902 = arith.constant 7 : i32
        %scan3A_903 = arith.addi %scan3A_583, %scan3A_902 : i32
        %mul3A_904 = arith.constant 1 : i32
        %mul3A_905 = arith.muli %scan3A_903, %mul3A_904 : i32
        %add3A_906 = arith.constant 0 : i32
        %add3A_907 = arith.addi %add3A_906, %mul3A_905 : i32
        %get3A_908 = arith.index_cast %add3A_907 : i32 to index
        %get3A_909 = arith.constant 0 : index
        %get3A_910 = tpu.vector_load %arg9[%get3A_908, %get3A_909] {strides = array<i32>} : memref<200x64xf32, #tpu.memory_space<vmem>>, vector<16xf32>,
        %swap3A_911 = arith.constant 0 : i32
        %swap3A_912 = arith.constant 0 : i32
        %swap3A_913 = tpu.memref_slice %arg8[%scan3A_49, %swap3A_911, %swap3A_912] : memref<8x200x64xf32, #tpu.memory_space<vmem>> -> memref<1x200x64xf32, #tpu.memory_space<vmem>>
        %swap3A_914 = tpu.memref_squeeze %swap3A_913 : memref<1x200x64xf32, #tpu.memory_space<vmem>> -> memref<200x64xf32, #tpu.memory_space<vmem>>
        %swap3A_915 = arith.index_cast %add3A_907 : i32 to index
        %swap3A_916 = arith.constant 0 : index
        %swap3A_917 = tpu.vector_load %swap3A_914[%swap3A_915, %swap3A_916] {strides = array<i32>} : memref<200x64xf32, #tpu.memory_space<vmem>>, vector<16xf32>,
        tpu.vector_store %swap3A_914[%swap3A_915, %swap3A_916], %get3A_910 {strides = array<i32>} : memref<200x64xf32, #tpu.memory_space<vmem>>, vector<16xf32>,
        %get3A_918 = arith.index_cast %add3A_907 : i32 to index
        %get3A_919 = arith.constant 16 : index
        %get3A_920 = tpu.vector_load %arg9[%get3A_918, %get3A_919] {strides = array<i32>} : memref<200x64xf32, #tpu.memory_space<vmem>>, vector<16xf32>,
        %swap3A_921 = arith.constant 0 : i32
        %swap3A_922 = arith.constant 0 : i32
        %swap3A_923 = tpu.memref_slice %arg8[%scan3A_49, %swap3A_921, %swap3A_922] : memref<8x200x64xf32, #tpu.memory_space<vmem>> -> memref<1x200x64xf32, #tpu.memory_space<vmem>>
        %swap3A_924 = tpu.memref_squeeze %swap3A_923 : memref<1x200x64xf32, #tpu.memory_space<vmem>> -> memref<200x64xf32, #tpu.memory_space<vmem>>
        %swap3A_925 = arith.index_cast %add3A_907 : i32 to index
        %swap3A_926 = arith.constant 16 : index
        %swap3A_927 = tpu.vector_load %swap3A_924[%swap3A_925, %swap3A_926] {strides = array<i32>} : memref<200x64xf32, #tpu.memory_space<vmem>>, vector<16xf32>,
        tpu.vector_store %swap3A_924[%swap3A_925, %swap3A_926], %get3A_920 {strides = array<i32>} : memref<200x64xf32, #tpu.memory_space<vmem>>, vector<16xf32>,
        %get3A_928 = arith.index_cast %add3A_907 : i32 to index
        %get3A_929 = arith.constant 32 : index
        %get3A_930 = tpu.vector_load %arg9[%get3A_928, %get3A_929] {strides = array<i32>} : memref<200x64xf32, #tpu.memory_space<vmem>>, vector<16xf32>,
        %swap3A_931 = arith.constant 0 : i32
        %swap3A_932 = arith.constant 0 : i32
        %swap3A_933 = tpu.memref_slice %arg8[%scan3A_49, %swap3A_931, %swap3A_932] : memref<8x200x64xf32, #tpu.memory_space<vmem>> -> memref<1x200x64xf32, #tpu.memory_space<vmem>>
        %swap3A_934 = tpu.memref_squeeze %swap3A_933 : memref<1x200x64xf32, #tpu.memory_space<vmem>> -> memref<200x64xf32, #tpu.memory_space<vmem>>
        %swap3A_935 = arith.index_cast %add3A_907 : i32 to index
        %swap3A_936 = arith.constant 32 : index
        %swap3A_937 = tpu.vector_load %swap3A_934[%swap3A_935, %swap3A_936] {strides = array<i32>} : memref<200x64xf32, #tpu.memory_space<vmem>>, vector<16xf32>,
        tpu.vector_store %swap3A_934[%swap3A_935, %swap3A_936], %get3A_930 {strides = array<i32>} : memref<200x64xf32, #tpu.memory_space<vmem>>, vector<16xf32>,
        %get3A_938 = arith.index_cast %add3A_907 : i32 to index
        %get3A_939 = arith.constant 48 : index
        %get3A_940 = tpu.vector_load %arg9[%get3A_938, %get3A_939] {strides = array<i32>} : memref<200x64xf32, #tpu.memory_space<vmem>>, vector<16xf32>,
        %swap3A_941 = arith.constant 0 : i32
        %swap3A_942 = arith.constant 0 : i32
        %swap3A_943 = tpu.memref_slice %arg8[%scan3A_49, %swap3A_941, %swap3A_942] : memref<8x200x64xf32, #tpu.memory_space<vmem>> -> memref<1x200x64xf32, #tpu.memory_space<vmem>>
        %swap3A_944 = tpu.memref_squeeze %swap3A_943 : memref<1x200x64xf32, #tpu.memory_space<vmem>> -> memref<200x64xf32, #tpu.memory_space<vmem>>
        %swap3A_945 = arith.index_cast %add3A_907 : i32 to index
        %swap3A_946 = arith.constant 48 : index
        %swap3A_947 = tpu.vector_load %swap3A_944[%swap3A_945, %swap3A_946] {strides = array<i32>} : memref<200x64xf32, #tpu.memory_space<vmem>>, vector<16xf32>,
        tpu.vector_store %swap3A_944[%swap3A_945, %swap3A_946], %get3A_940 {strides = array<i32>} : memref<200x64xf32, #tpu.memory_space<vmem>>, vector<16xf32>,
      }
      %scan3A_54 = arith.constant 200 : i32
      %scan3A_55 = arith.constant 1 : i32
      %scan3A_56 = arith.constant 0 : i32
      %scan3A_57 = arith.constant 200 : i32
      %scan3A_58 = arith.addi %scan3A_56, %scan3A_57 : i32
      %scan3A_59 = arith.constant 8 : i32
      scf.for %scan3A_583 = %scan3A_56 to %scan3A_58 step %scan3A_59  : i32 {
        %mul3A_584 = arith.constant 1 : i32
        %mul3A_585 = arith.muli %scan3A_583, %mul3A_584 : i32
        %add3A_586 = arith.constant 0 : i32
        %add3A_587 = arith.addi %add3A_586, %mul3A_585 : i32
        %get3A = arith.index_cast %add3A_587 : i32 to index
        %get3A_588 = arith.constant 0 : index
        %get3A_589 = tpu.vector_load %arg9[%get3A, %get3A_588] {strides = array<i32>} : memref<200x64xf32, #tpu.memory_space<vmem>>, vector<16xf32>,
        %swap3A = arith.constant 0 : i32
        %swap3A_590 = arith.constant 0 : i32
        %swap3A_591 = tpu.memref_slice %arg8[%scan3A_55, %swap3A, %swap3A_590] : memref<8x200x64xf32, #tpu.memory_space<vmem>> -> memref<1x200x64xf32, #tpu.memory_space<vmem>>
        %swap3A_592 = tpu.memref_squeeze %swap3A_591 : memref<1x200x64xf32, #tpu.memory_space<vmem>> -> memref<200x64xf32, #tpu.memory_space<vmem>>
        %swap3A_593 = arith.index_cast %add3A_587 : i32 to index
        %swap3A_594 = arith.constant 0 : index
        %swap3A_595 = tpu.vector_load %swap3A_592[%swap3A_593, %swap3A_594] {strides = array<i32>} : memref<200x64xf32, #tpu.memory_space<vmem>>, vector<16xf32>,
        tpu.vector_store %swap3A_592[%swap3A_593, %swap3A_594], %get3A_589 {strides = array<i32>} : memref<200x64xf32, #tpu.memory_space<vmem>>, vector<16xf32>,
        %get3A_596 = arith.index_cast %add3A_587 : i32 to index
        %get3A_597 = arith.constant 16 : index
        %get3A_598 = tpu.vector_load %arg9[%get3A_596, %get3A_597] {strides = array<i32>} : memref<200x64xf32, #tpu.memory_space<vmem>>, vector<16xf32>,
        %swap3A_599 = arith.constant 0 : i32
        %swap3A_600 = arith.constant 0 : i32
        %swap3A_601 = tpu.memref_slice %arg8[%scan3A_55, %swap3A_599, %swap3A_600] : memref<8x200x64xf32, #tpu.memory_space<vmem>> -> memref<1x200x64xf32, #tpu.memory_space<vmem>>
        %swap3A_602 = tpu.memref_squeeze %swap3A_601 : memref<1x200x64xf32, #tpu.memory_space<vmem>> -> memref<200x64xf32, #tpu.memory_space<vmem>>
        %swap3A_603 = arith.index_cast %add3A_587 : i32 to index
        %swap3A_604 = arith.constant 16 : index
        %swap3A_605 = tpu.vector_load %swap3A_602[%swap3A_603, %swap3A_604] {strides = array<i32>} : memref<200x64xf32, #tpu.memory_space<vmem>>, vector<16xf32>,
        tpu.vector_store %swap3A_602[%swap3A_603, %swap3A_604], %get3A_598 {strides = array<i32>} : memref<200x64xf32, #tpu.memory_space<vmem>>, vector<16xf32>,
        %get3A_606 = arith.index_cast %add3A_587 : i32 to index
        %get3A_607 = arith.constant 32 : index
        %get3A_608 = tpu.vector_load %arg9[%get3A_606, %get3A_607] {strides = array<i32>} : memref<200x64xf32, #tpu.memory_space<vmem>>, vector<16xf32>,
        %swap3A_609 = arith.constant 0 : i32
        %swap3A_610 = arith.constant 0 : i32
        %swap3A_611 = tpu.memref_slice %arg8[%scan3A_55, %swap3A_609, %swap3A_610] : memref<8x200x64xf32, #tpu.memory_space<vmem>> -> memref<1x200x64xf32, #tpu.memory_space<vmem>>
        %swap3A_612 = tpu.memref_squeeze %swap3A_611 : memref<1x200x64xf32, #tpu.memory_space<vmem>> -> memref<200x64xf32, #tpu.memory_space<vmem>>
        %swap3A_613 = arith.index_cast %add3A_587 : i32 to index
        %swap3A_614 = arith.constant 32 : index
        %swap3A_615 = tpu.vector_load %swap3A_612[%swap3A_613, %swap3A_614] {strides = array<i32>} : memref<200x64xf32, #tpu.memory_space<vmem>>, vector<16xf32>,
        tpu.vector_store %swap3A_612[%swap3A_613, %swap3A_614], %get3A_608 {strides = array<i32>} : memref<200x64xf32, #tpu.memory_space<vmem>>, vector<16xf32>,
        %get3A_616 = arith.index_cast %add3A_587 : i32 to index
        %get3A_617 = arith.constant 48 : index
        %get3A_618 = tpu.vector_load %arg9[%get3A_616, %get3A_617] {strides = array<i32>} : memref<200x64xf32, #tpu.memory_space<vmem>>, vector<16xf32>,
        %swap3A_619 = arith.constant 0 : i32
        %swap3A_620 = arith.constant 0 : i32
        %swap3A_621 = tpu.memref_slice %arg8[%scan3A_55, %swap3A_619, %swap3A_620] : memref<8x200x64xf32, #tpu.memory_space<vmem>> -> memref<1x200x64xf32, #tpu.memory_space<vmem>>
        %swap3A_622 = tpu.memref_squeeze %swap3A_621 : memref<1x200x64xf32, #tpu.memory_space<vmem>> -> memref<200x64xf32, #tpu.memory_space<vmem>>
        %swap3A_623 = arith.index_cast %add3A_587 : i32 to index
        %swap3A_624 = arith.constant 48 : index
        %swap3A_625 = tpu.vector_load %swap3A_622[%swap3A_623, %swap3A_624] {strides = array<i32>} : memref<200x64xf32, #tpu.memory_space<vmem>>, vector<16xf32>,
        tpu.vector_store %swap3A_622[%swap3A_623, %swap3A_624], %get3A_618 {strides = array<i32>} : memref<200x64xf32, #tpu.memory_space<vmem>>, vector<16xf32>,
        %scan3A_626 = arith.constant 1 : i32
        %scan3A_627 = arith.addi %scan3A_583, %scan3A_626 : i32
        %mul3A_628 = arith.constant 1 : i32
        %mul3A_629 = arith.muli %scan3A_627, %mul3A_628 : i32
        %add3A_630 = arith.constant 0 : i32
        %add3A_631 = arith.addi %add3A_630, %mul3A_629 : i32
        %get3A_632 = arith.index_cast %add3A_631 : i32 to index
        %get3A_633 = arith.constant 0 : index
        %get3A_634 = tpu.vector_load %arg9[%get3A_632, %get3A_633] {strides = array<i32>} : memref<200x64xf32, #tpu.memory_space<vmem>>, vector<16xf32>,
        %swap3A_635 = arith.constant 0 : i32
        %swap3A_636 = arith.constant 0 : i32
        %swap3A_637 = tpu.memref_slice %arg8[%scan3A_55, %swap3A_635, %swap3A_636] : memref<8x200x64xf32, #tpu.memory_space<vmem>> -> memref<1x200x64xf32, #tpu.memory_space<vmem>>
        %swap3A_638 = tpu.memref_squeeze %swap3A_637 : memref<1x200x64xf32, #tpu.memory_space<vmem>> -> memref<200x64xf32, #tpu.memory_space<vmem>>
        %swap3A_639 = arith.index_cast %add3A_631 : i32 to index
        %swap3A_640 = arith.constant 0 : index
        %swap3A_641 = tpu.vector_load %swap3A_638[%swap3A_639, %swap3A_640] {strides = array<i32>} : memref<200x64xf32, #tpu.memory_space<vmem>>, vector<16xf32>,
        tpu.vector_store %swap3A_638[%swap3A_639, %swap3A_640], %get3A_634 {strides = array<i32>} : memref<200x64xf32, #tpu.memory_space<vmem>>, vector<16xf32>,
        %get3A_642 = arith.index_cast %add3A_631 : i32 to index
        %get3A_643 = arith.constant 16 : index
        %get3A_644 = tpu.vector_load %arg9[%get3A_642, %get3A_643] {strides = array<i32>} : memref<200x64xf32, #tpu.memory_space<vmem>>, vector<16xf32>,
        %swap3A_645 = arith.constant 0 : i32
        %swap3A_646 = arith.constant 0 : i32
        %swap3A_647 = tpu.memref_slice %arg8[%scan3A_55, %swap3A_645, %swap3A_646] : memref<8x200x64xf32, #tpu.memory_space<vmem>> -> memref<1x200x64xf32, #tpu.memory_space<vmem>>
        %swap3A_648 = tpu.memref_squeeze %swap3A_647 : memref<1x200x64xf32, #tpu.memory_space<vmem>> -> memref<200x64xf32, #tpu.memory_space<vmem>>
        %swap3A_649 = arith.index_cast %add3A_631 : i32 to index
        %swap3A_650 = arith.constant 16 : index
        %swap3A_651 = tpu.vector_load %swap3A_648[%swap3A_649, %swap3A_650] {strides = array<i32>} : memref<200x64xf32, #tpu.memory_space<vmem>>, vector<16xf32>,
        tpu.vector_store %swap3A_648[%swap3A_649, %swap3A_650], %get3A_644 {strides = array<i32>} : memref<200x64xf32, #tpu.memory_space<vmem>>, vector<16xf32>,
        %get3A_652 = arith.index_cast %add3A_631 : i32 to index
        %get3A_653 = arith.constant 32 : index
        %get3A_654 = tpu.vector_load %arg9[%get3A_652, %get3A_653] {strides = array<i32>} : memref<200x64xf32, #tpu.memory_space<vmem>>, vector<16xf32>,
        %swap3A_655 = arith.constant 0 : i32
        %swap3A_656 = arith.constant 0 : i32
        %swap3A_657 = tpu.memref_slice %arg8[%scan3A_55, %swap3A_655, %swap3A_656] : memref<8x200x64xf32, #tpu.memory_space<vmem>> -> memref<1x200x64xf32, #tpu.memory_space<vmem>>
        %swap3A_658 = tpu.memref_squeeze %swap3A_657 : memref<1x200x64xf32, #tpu.memory_space<vmem>> -> memref<200x64xf32, #tpu.memory_space<vmem>>
        %swap3A_659 = arith.index_cast %add3A_631 : i32 to index
        %swap3A_660 = arith.constant 32 : index
        %swap3A_661 = tpu.vector_load %swap3A_658[%swap3A_659, %swap3A_660] {strides = array<i32>} : memref<200x64xf32, #tpu.memory_space<vmem>>, vector<16xf32>,
        tpu.vector_store %swap3A_658[%swap3A_659, %swap3A_660], %get3A_654 {strides = array<i32>} : memref<200x64xf32, #tpu.memory_space<vmem>>, vector<16xf32>,
        %get3A_662 = arith.index_cast %add3A_631 : i32 to index
        %get3A_663 = arith.constant 48 : index
        %get3A_664 = tpu.vector_load %arg9[%get3A_662, %get3A_663] {strides = array<i32>} : memref<200x64xf32, #tpu.memory_space<vmem>>, vector<16xf32>,
        %swap3A_665 = arith.constant 0 : i32
        %swap3A_666 = arith.constant 0 : i32
        %swap3A_667 = tpu.memref_slice %arg8[%scan3A_55, %swap3A_665, %swap3A_666] : memref<8x200x64xf32, #tpu.memory_space<vmem>> -> memref<1x200x64xf32, #tpu.memory_space<vmem>>
        %swap3A_668 = tpu.memref_squeeze %swap3A_667 : memref<1x200x64xf32, #tpu.memory_space<vmem>> -> memref<200x64xf32, #tpu.memory_space<vmem>>
        %swap3A_669 = arith.index_cast %add3A_631 : i32 to index
        %swap3A_670 = arith.constant 48 : index
        %swap3A_671 = tpu.vector_load %swap3A_668[%swap3A_669, %swap3A_670] {strides = array<i32>} : memref<200x64xf32, #tpu.memory_space<vmem>>, vector<16xf32>,
        tpu.vector_store %swap3A_668[%swap3A_669, %swap3A_670], %get3A_664 {strides = array<i32>} : memref<200x64xf32, #tpu.memory_space<vmem>>, vector<16xf32>,
        %scan3A_672 = arith.constant 2 : i32
        %scan3A_673 = arith.addi %scan3A_583, %scan3A_672 : i32
        %mul3A_674 = arith.constant 1 : i32
        %mul3A_675 = arith.muli %scan3A_673, %mul3A_674 : i32
        %add3A_676 = arith.constant 0 : i32
        %add3A_677 = arith.addi %add3A_676, %mul3A_675 : i32
        %get3A_678 = arith.index_cast %add3A_677 : i32 to index
        %get3A_679 = arith.constant 0 : index
        %get3A_680 = tpu.vector_load %arg9[%get3A_678, %get3A_679] {strides = array<i32>} : memref<200x64xf32, #tpu.memory_space<vmem>>, vector<16xf32>,
        %swap3A_681 = arith.constant 0 : i32
        %swap3A_682 = arith.constant 0 : i32
        %swap3A_683 = tpu.memref_slice %arg8[%scan3A_55, %swap3A_681, %swap3A_682] : memref<8x200x64xf32, #tpu.memory_space<vmem>> -> memref<1x200x64xf32, #tpu.memory_space<vmem>>
        %swap3A_684 = tpu.memref_squeeze %swap3A_683 : memref<1x200x64xf32, #tpu.memory_space<vmem>> -> memref<200x64xf32, #tpu.memory_space<vmem>>
        %swap3A_685 = arith.index_cast %add3A_677 : i32 to index
        %swap3A_686 = arith.constant 0 : index
        %swap3A_687 = tpu.vector_load %swap3A_684[%swap3A_685, %swap3A_686] {strides = array<i32>} : memref<200x64xf32, #tpu.memory_space<vmem>>, vector<16xf32>,
        tpu.vector_store %swap3A_684[%swap3A_685, %swap3A_686], %get3A_680 {strides = array<i32>} : memref<200x64xf32, #tpu.memory_space<vmem>>, vector<16xf32>,
        %get3A_688 = arith.index_cast %add3A_677 : i32 to index
        %get3A_689 = arith.constant 16 : index
        %get3A_690 = tpu.vector_load %arg9[%get3A_688, %get3A_689] {strides = array<i32>} : memref<200x64xf32, #tpu.memory_space<vmem>>, vector<16xf32>,
        %swap3A_691 = arith.constant 0 : i32
        %swap3A_692 = arith.constant 0 : i32
        %swap3A_693 = tpu.memref_slice %arg8[%scan3A_55, %swap3A_691, %swap3A_692] : memref<8x200x64xf32, #tpu.memory_space<vmem>> -> memref<1x200x64xf32, #tpu.memory_space<vmem>>
        %swap3A_694 = tpu.memref_squeeze %swap3A_693 : memref<1x200x64xf32, #tpu.memory_space<vmem>> -> memref<200x64xf32, #tpu.memory_space<vmem>>
        %swap3A_695 = arith.index_cast %add3A_677 : i32 to index
        %swap3A_696 = arith.constant 16 : index
        %swap3A_697 = tpu.vector_load %swap3A_694[%swap3A_695, %swap3A_696] {strides = array<i32>} : memref<200x64xf32, #tpu.memory_space<vmem>>, vector<16xf32>,
        tpu.vector_store %swap3A_694[%swap3A_695, %swap3A_696], %get3A_690 {strides = array<i32>} : memref<200x64xf32, #tpu.memory_space<vmem>>, vector<16xf32>,
        %get3A_698 = arith.index_cast %add3A_677 : i32 to index
        %get3A_699 = arith.constant 32 : index
        %get3A_700 = tpu.vector_load %arg9[%get3A_698, %get3A_699] {strides = array<i32>} : memref<200x64xf32, #tpu.memory_space<vmem>>, vector<16xf32>,
        %swap3A_701 = arith.constant 0 : i32
        %swap3A_702 = arith.constant 0 : i32
        %swap3A_703 = tpu.memref_slice %arg8[%scan3A_55, %swap3A_701, %swap3A_702] : memref<8x200x64xf32, #tpu.memory_space<vmem>> -> memref<1x200x64xf32, #tpu.memory_space<vmem>>
        %swap3A_704 = tpu.memref_squeeze %swap3A_703 : memref<1x200x64xf32, #tpu.memory_space<vmem>> -> memref<200x64xf32, #tpu.memory_space<vmem>>
        %swap3A_705 = arith.index_cast %add3A_677 : i32 to index
        %swap3A_706 = arith.constant 32 : index
        %swap3A_707 = tpu.vector_load %swap3A_704[%swap3A_705, %swap3A_706] {strides = array<i32>} : memref<200x64xf32, #tpu.memory_space<vmem>>, vector<16xf32>,
        tpu.vector_store %swap3A_704[%swap3A_705, %swap3A_706], %get3A_700 {strides = array<i32>} : memref<200x64xf32, #tpu.memory_space<vmem>>, vector<16xf32>,
        %get3A_708 = arith.index_cast %add3A_677 : i32 to index
        %get3A_709 = arith.constant 48 : index
        %get3A_710 = tpu.vector_load %arg9[%get3A_708, %get3A_709] {strides = array<i32>} : memref<200x64xf32, #tpu.memory_space<vmem>>, vector<16xf32>,
        %swap3A_711 = arith.constant 0 : i32
        %swap3A_712 = arith.constant 0 : i32
        %swap3A_713 = tpu.memref_slice %arg8[%scan3A_55, %swap3A_711, %swap3A_712] : memref<8x200x64xf32, #tpu.memory_space<vmem>> -> memref<1x200x64xf32, #tpu.memory_space<vmem>>
        %swap3A_714 = tpu.memref_squeeze %swap3A_713 : memref<1x200x64xf32, #tpu.memory_space<vmem>> -> memref<200x64xf32, #tpu.memory_space<vmem>>
        %swap3A_715 = arith.index_cast %add3A_677 : i32 to index
        %swap3A_716 = arith.constant 48 : index
        %swap3A_717 = tpu.vector_load %swap3A_714[%swap3A_715, %swap3A_716] {strides = array<i32>} : memref<200x64xf32, #tpu.memory_space<vmem>>, vector<16xf32>,
        tpu.vector_store %swap3A_714[%swap3A_715, %swap3A_716], %get3A_710 {strides = array<i32>} : memref<200x64xf32, #tpu.memory_space<vmem>>, vector<16xf32>,
        %scan3A_718 = arith.constant 3 : i32
        %scan3A_719 = arith.addi %scan3A_583, %scan3A_718 : i32
        %mul3A_720 = arith.constant 1 : i32
        %mul3A_721 = arith.muli %scan3A_719, %mul3A_720 : i32
        %add3A_722 = arith.constant 0 : i32
        %add3A_723 = arith.addi %add3A_722, %mul3A_721 : i32
        %get3A_724 = arith.index_cast %add3A_723 : i32 to index
        %get3A_725 = arith.constant 0 : index
        %get3A_726 = tpu.vector_load %arg9[%get3A_724, %get3A_725] {strides = array<i32>} : memref<200x64xf32, #tpu.memory_space<vmem>>, vector<16xf32>,
        %swap3A_727 = arith.constant 0 : i32
        %swap3A_728 = arith.constant 0 : i32
        %swap3A_729 = tpu.memref_slice %arg8[%scan3A_55, %swap3A_727, %swap3A_728] : memref<8x200x64xf32, #tpu.memory_space<vmem>> -> memref<1x200x64xf32, #tpu.memory_space<vmem>>
        %swap3A_730 = tpu.memref_squeeze %swap3A_729 : memref<1x200x64xf32, #tpu.memory_space<vmem>> -> memref<200x64xf32, #tpu.memory_space<vmem>>
        %swap3A_731 = arith.index_cast %add3A_723 : i32 to index
        %swap3A_732 = arith.constant 0 : index
        %swap3A_733 = tpu.vector_load %swap3A_730[%swap3A_731, %swap3A_732] {strides = array<i32>} : memref<200x64xf32, #tpu.memory_space<vmem>>, vector<16xf32>,
        tpu.vector_store %swap3A_730[%swap3A_731, %swap3A_732], %get3A_726 {strides = array<i32>} : memref<200x64xf32, #tpu.memory_space<vmem>>, vector<16xf32>,
        %get3A_734 = arith.index_cast %add3A_723 : i32 to index
        %get3A_735 = arith.constant 16 : index
        %get3A_736 = tpu.vector_load %arg9[%get3A_734, %get3A_735] {strides = array<i32>} : memref<200x64xf32, #tpu.memory_space<vmem>>, vector<16xf32>,
        %swap3A_737 = arith.constant 0 : i32
        %swap3A_738 = arith.constant 0 : i32
        %swap3A_739 = tpu.memref_slice %arg8[%scan3A_55, %swap3A_737, %swap3A_738] : memref<8x200x64xf32, #tpu.memory_space<vmem>> -> memref<1x200x64xf32, #tpu.memory_space<vmem>>
        %swap3A_740 = tpu.memref_squeeze %swap3A_739 : memref<1x200x64xf32, #tpu.memory_space<vmem>> -> memref<200x64xf32, #tpu.memory_space<vmem>>
        %swap3A_741 = arith.index_cast %add3A_723 : i32 to index
        %swap3A_742 = arith.constant 16 : index
        %swap3A_743 = tpu.vector_load %swap3A_740[%swap3A_741, %swap3A_742] {strides = array<i32>} : memref<200x64xf32, #tpu.memory_space<vmem>>, vector<16xf32>,
        tpu.vector_store %swap3A_740[%swap3A_741, %swap3A_742], %get3A_736 {strides = array<i32>} : memref<200x64xf32, #tpu.memory_space<vmem>>, vector<16xf32>,
        %get3A_744 = arith.index_cast %add3A_723 : i32 to index
        %get3A_745 = arith.constant 32 : index
        %get3A_746 = tpu.vector_load %arg9[%get3A_744, %get3A_745] {strides = array<i32>} : memref<200x64xf32, #tpu.memory_space<vmem>>, vector<16xf32>,
        %swap3A_747 = arith.constant 0 : i32
        %swap3A_748 = arith.constant 0 : i32
        %swap3A_749 = tpu.memref_slice %arg8[%scan3A_55, %swap3A_747, %swap3A_748] : memref<8x200x64xf32, #tpu.memory_space<vmem>> -> memref<1x200x64xf32, #tpu.memory_space<vmem>>
        %swap3A_750 = tpu.memref_squeeze %swap3A_749 : memref<1x200x64xf32, #tpu.memory_space<vmem>> -> memref<200x64xf32, #tpu.memory_space<vmem>>
        %swap3A_751 = arith.index_cast %add3A_723 : i32 to index
        %swap3A_752 = arith.constant 32 : index
        %swap3A_753 = tpu.vector_load %swap3A_750[%swap3A_751, %swap3A_752] {strides = array<i32>} : memref<200x64xf32, #tpu.memory_space<vmem>>, vector<16xf32>,
        tpu.vector_store %swap3A_750[%swap3A_751, %swap3A_752], %get3A_746 {strides = array<i32>} : memref<200x64xf32, #tpu.memory_space<vmem>>, vector<16xf32>,
        %get3A_754 = arith.index_cast %add3A_723 : i32 to index
        %get3A_755 = arith.constant 48 : index
        %get3A_756 = tpu.vector_load %arg9[%get3A_754, %get3A_755] {strides = array<i32>} : memref<200x64xf32, #tpu.memory_space<vmem>>, vector<16xf32>,
        %swap3A_757 = arith.constant 0 : i32
        %swap3A_758 = arith.constant 0 : i32
        %swap3A_759 = tpu.memref_slice %arg8[%scan3A_55, %swap3A_757, %swap3A_758] : memref<8x200x64xf32, #tpu.memory_space<vmem>> -> memref<1x200x64xf32, #tpu.memory_space<vmem>>
        %swap3A_760 = tpu.memref_squeeze %swap3A_759 : memref<1x200x64xf32, #tpu.memory_space<vmem>> -> memref<200x64xf32, #tpu.memory_space<vmem>>
        %swap3A_761 = arith.index_cast %add3A_723 : i32 to index
        %swap3A_762 = arith.constant 48 : index
        %swap3A_763 = tpu.vector_load %swap3A_760[%swap3A_761, %swap3A_762] {strides = array<i32>} : memref<200x64xf32, #tpu.memory_space<vmem>>, vector<16xf32>,
        tpu.vector_store %swap3A_760[%swap3A_761, %swap3A_762], %get3A_756 {strides = array<i32>} : memref<200x64xf32, #tpu.memory_space<vmem>>, vector<16xf32>,
        %scan3A_764 = arith.constant 4 : i32
        %scan3A_765 = arith.addi %scan3A_583, %scan3A_764 : i32
        %mul3A_766 = arith.constant 1 : i32
        %mul3A_767 = arith.muli %scan3A_765, %mul3A_766 : i32
        %add3A_768 = arith.constant 0 : i32
        %add3A_769 = arith.addi %add3A_768, %mul3A_767 : i32
        %get3A_770 = arith.index_cast %add3A_769 : i32 to index
        %get3A_771 = arith.constant 0 : index
        %get3A_772 = tpu.vector_load %arg9[%get3A_770, %get3A_771] {strides = array<i32>} : memref<200x64xf32, #tpu.memory_space<vmem>>, vector<16xf32>,
        %swap3A_773 = arith.constant 0 : i32
        %swap3A_774 = arith.constant 0 : i32
        %swap3A_775 = tpu.memref_slice %arg8[%scan3A_55, %swap3A_773, %swap3A_774] : memref<8x200x64xf32, #tpu.memory_space<vmem>> -> memref<1x200x64xf32, #tpu.memory_space<vmem>>
        %swap3A_776 = tpu.memref_squeeze %swap3A_775 : memref<1x200x64xf32, #tpu.memory_space<vmem>> -> memref<200x64xf32, #tpu.memory_space<vmem>>
        %swap3A_777 = arith.index_cast %add3A_769 : i32 to index
        %swap3A_778 = arith.constant 0 : index
        %swap3A_779 = tpu.vector_load %swap3A_776[%swap3A_777, %swap3A_778] {strides = array<i32>} : memref<200x64xf32, #tpu.memory_space<vmem>>, vector<16xf32>,
        tpu.vector_store %swap3A_776[%swap3A_777, %swap3A_778], %get3A_772 {strides = array<i32>} : memref<200x64xf32, #tpu.memory_space<vmem>>, vector<16xf32>,
        %get3A_780 = arith.index_cast %add3A_769 : i32 to index
        %get3A_781 = arith.constant 16 : index
        %get3A_782 = tpu.vector_load %arg9[%get3A_780, %get3A_781] {strides = array<i32>} : memref<200x64xf32, #tpu.memory_space<vmem>>, vector<16xf32>,
        %swap3A_783 = arith.constant 0 : i32
        %swap3A_784 = arith.constant 0 : i32
        %swap3A_785 = tpu.memref_slice %arg8[%scan3A_55, %swap3A_783, %swap3A_784] : memref<8x200x64xf32, #tpu.memory_space<vmem>> -> memref<1x200x64xf32, #tpu.memory_space<vmem>>
        %swap3A_786 = tpu.memref_squeeze %swap3A_785 : memref<1x200x64xf32, #tpu.memory_space<vmem>> -> memref<200x64xf32, #tpu.memory_space<vmem>>
        %swap3A_787 = arith.index_cast %add3A_769 : i32 to index
        %swap3A_788 = arith.constant 16 : index
        %swap3A_789 = tpu.vector_load %swap3A_786[%swap3A_787, %swap3A_788] {strides = array<i32>} : memref<200x64xf32, #tpu.memory_space<vmem>>, vector<16xf32>,
        tpu.vector_store %swap3A_786[%swap3A_787, %swap3A_788], %get3A_782 {strides = array<i32>} : memref<200x64xf32, #tpu.memory_space<vmem>>, vector<16xf32>,
        %get3A_790 = arith.index_cast %add3A_769 : i32 to index
        %get3A_791 = arith.constant 32 : index
        %get3A_792 = tpu.vector_load %arg9[%get3A_790, %get3A_791] {strides = array<i32>} : memref<200x64xf32, #tpu.memory_space<vmem>>, vector<16xf32>,
        %swap3A_793 = arith.constant 0 : i32
        %swap3A_794 = arith.constant 0 : i32
        %swap3A_795 = tpu.memref_slice %arg8[%scan3A_55, %swap3A_793, %swap3A_794] : memref<8x200x64xf32, #tpu.memory_space<vmem>> -> memref<1x200x64xf32, #tpu.memory_space<vmem>>
        %swap3A_796 = tpu.memref_squeeze %swap3A_795 : memref<1x200x64xf32, #tpu.memory_space<vmem>> -> memref<200x64xf32, #tpu.memory_space<vmem>>
        %swap3A_797 = arith.index_cast %add3A_769 : i32 to index
        %swap3A_798 = arith.constant 32 : index
        %swap3A_799 = tpu.vector_load %swap3A_796[%swap3A_797, %swap3A_798] {strides = array<i32>} : memref<200x64xf32, #tpu.memory_space<vmem>>, vector<16xf32>,
        tpu.vector_store %swap3A_796[%swap3A_797, %swap3A_798], %get3A_792 {strides = array<i32>} : memref<200x64xf32, #tpu.memory_space<vmem>>, vector<16xf32>,
        %get3A_800 = arith.index_cast %add3A_769 : i32 to index
        %get3A_801 = arith.constant 48 : index
        %get3A_802 = tpu.vector_load %arg9[%get3A_800, %get3A_801] {strides = array<i32>} : memref<200x64xf32, #tpu.memory_space<vmem>>, vector<16xf32>,
        %swap3A_803 = arith.constant 0 : i32
        %swap3A_804 = arith.constant 0 : i32
        %swap3A_805 = tpu.memref_slice %arg8[%scan3A_55, %swap3A_803, %swap3A_804] : memref<8x200x64xf32, #tpu.memory_space<vmem>> -> memref<1x200x64xf32, #tpu.memory_space<vmem>>
        %swap3A_806 = tpu.memref_squeeze %swap3A_805 : memref<1x200x64xf32, #tpu.memory_space<vmem>> -> memref<200x64xf32, #tpu.memory_space<vmem>>
        %swap3A_807 = arith.index_cast %add3A_769 : i32 to index
        %swap3A_808 = arith.constant 48 : index
        %swap3A_809 = tpu.vector_load %swap3A_806[%swap3A_807, %swap3A_808] {strides = array<i32>} : memref<200x64xf32, #tpu.memory_space<vmem>>, vector<16xf32>,
        tpu.vector_store %swap3A_806[%swap3A_807, %swap3A_808], %get3A_802 {strides = array<i32>} : memref<200x64xf32, #tpu.memory_space<vmem>>, vector<16xf32>,
        %scan3A_810 = arith.constant 5 : i32
        %scan3A_811 = arith.addi %scan3A_583, %scan3A_810 : i32
        %mul3A_812 = arith.constant 1 : i32
        %mul3A_813 = arith.muli %scan3A_811, %mul3A_812 : i32
        %add3A_814 = arith.constant 0 : i32
        %add3A_815 = arith.addi %add3A_814, %mul3A_813 : i32
        %get3A_816 = arith.index_cast %add3A_815 : i32 to index
        %get3A_817 = arith.constant 0 : index
        %get3A_818 = tpu.vector_load %arg9[%get3A_816, %get3A_817] {strides = array<i32>} : memref<200x64xf32, #tpu.memory_space<vmem>>, vector<16xf32>,
        %swap3A_819 = arith.constant 0 : i32
        %swap3A_820 = arith.constant 0 : i32
        %swap3A_821 = tpu.memref_slice %arg8[%scan3A_55, %swap3A_819, %swap3A_820] : memref<8x200x64xf32, #tpu.memory_space<vmem>> -> memref<1x200x64xf32, #tpu.memory_space<vmem>>
        %swap3A_822 = tpu.memref_squeeze %swap3A_821 : memref<1x200x64xf32, #tpu.memory_space<vmem>> -> memref<200x64xf32, #tpu.memory_space<vmem>>
        %swap3A_823 = arith.index_cast %add3A_815 : i32 to index
        %swap3A_824 = arith.constant 0 : index
        %swap3A_825 = tpu.vector_load %swap3A_822[%swap3A_823, %swap3A_824] {strides = array<i32>} : memref<200x64xf32, #tpu.memory_space<vmem>>, vector<16xf32>,
        tpu.vector_store %swap3A_822[%swap3A_823, %swap3A_824], %get3A_818 {strides = array<i32>} : memref<200x64xf32, #tpu.memory_space<vmem>>, vector<16xf32>,
        %get3A_826 = arith.index_cast %add3A_815 : i32 to index
        %get3A_827 = arith.constant 16 : index
        %get3A_828 = tpu.vector_load %arg9[%get3A_826, %get3A_827] {strides = array<i32>} : memref<200x64xf32, #tpu.memory_space<vmem>>, vector<16xf32>,
        %swap3A_829 = arith.constant 0 : i32
        %swap3A_830 = arith.constant 0 : i32
        %swap3A_831 = tpu.memref_slice %arg8[%scan3A_55, %swap3A_829, %swap3A_830] : memref<8x200x64xf32, #tpu.memory_space<vmem>> -> memref<1x200x64xf32, #tpu.memory_space<vmem>>
        %swap3A_832 = tpu.memref_squeeze %swap3A_831 : memref<1x200x64xf32, #tpu.memory_space<vmem>> -> memref<200x64xf32, #tpu.memory_space<vmem>>
        %swap3A_833 = arith.index_cast %add3A_815 : i32 to index
        %swap3A_834 = arith.constant 16 : index
        %swap3A_835 = tpu.vector_load %swap3A_832[%swap3A_833, %swap3A_834] {strides = array<i32>} : memref<200x64xf32, #tpu.memory_space<vmem>>, vector<16xf32>,
        tpu.vector_store %swap3A_832[%swap3A_833, %swap3A_834], %get3A_828 {strides = array<i32>} : memref<200x64xf32, #tpu.memory_space<vmem>>, vector<16xf32>,
        %get3A_836 = arith.index_cast %add3A_815 : i32 to index
        %get3A_837 = arith.constant 32 : index
        %get3A_838 = tpu.vector_load %arg9[%get3A_836, %get3A_837] {strides = array<i32>} : memref<200x64xf32, #tpu.memory_space<vmem>>, vector<16xf32>,
        %swap3A_839 = arith.constant 0 : i32
        %swap3A_840 = arith.constant 0 : i32
        %swap3A_841 = tpu.memref_slice %arg8[%scan3A_55, %swap3A_839, %swap3A_840] : memref<8x200x64xf32, #tpu.memory_space<vmem>> -> memref<1x200x64xf32, #tpu.memory_space<vmem>>
        %swap3A_842 = tpu.memref_squeeze %swap3A_841 : memref<1x200x64xf32, #tpu.memory_space<vmem>> -> memref<200x64xf32, #tpu.memory_space<vmem>>
        %swap3A_843 = arith.index_cast %add3A_815 : i32 to index
        %swap3A_844 = arith.constant 32 : index
        %swap3A_845 = tpu.vector_load %swap3A_842[%swap3A_843, %swap3A_844] {strides = array<i32>} : memref<200x64xf32, #tpu.memory_space<vmem>>, vector<16xf32>,
        tpu.vector_store %swap3A_842[%swap3A_843, %swap3A_844], %get3A_838 {strides = array<i32>} : memref<200x64xf32, #tpu.memory_space<vmem>>, vector<16xf32>,
        %get3A_846 = arith.index_cast %add3A_815 : i32 to index
        %get3A_847 = arith.constant 48 : index
        %get3A_848 = tpu.vector_load %arg9[%get3A_846, %get3A_847] {strides = array<i32>} : memref<200x64xf32, #tpu.memory_space<vmem>>, vector<16xf32>,
        %swap3A_849 = arith.constant 0 : i32
        %swap3A_850 = arith.constant 0 : i32
        %swap3A_851 = tpu.memref_slice %arg8[%scan3A_55, %swap3A_849, %swap3A_850] : memref<8x200x64xf32, #tpu.memory_space<vmem>> -> memref<1x200x64xf32, #tpu.memory_space<vmem>>
        %swap3A_852 = tpu.memref_squeeze %swap3A_851 : memref<1x200x64xf32, #tpu.memory_space<vmem>> -> memref<200x64xf32, #tpu.memory_space<vmem>>
        %swap3A_853 = arith.index_cast %add3A_815 : i32 to index
        %swap3A_854 = arith.constant 48 : index
        %swap3A_855 = tpu.vector_load %swap3A_852[%swap3A_853, %swap3A_854] {strides = array<i32>} : memref<200x64xf32, #tpu.memory_space<vmem>>, vector<16xf32>,
        tpu.vector_store %swap3A_852[%swap3A_853, %swap3A_854], %get3A_848 {strides = array<i32>} : memref<200x64xf32, #tpu.memory_space<vmem>>, vector<16xf32>,
        %scan3A_856 = arith.constant 6 : i32
        %scan3A_857 = arith.addi %scan3A_583, %scan3A_856 : i32
        %mul3A_858 = arith.constant 1 : i32
        %mul3A_859 = arith.muli %scan3A_857, %mul3A_858 : i32
        %add3A_860 = arith.constant 0 : i32
        %add3A_861 = arith.addi %add3A_860, %mul3A_859 : i32
        %get3A_862 = arith.index_cast %add3A_861 : i32 to index
        %get3A_863 = arith.constant 0 : index
        %get3A_864 = tpu.vector_load %arg9[%get3A_862, %get3A_863] {strides = array<i32>} : memref<200x64xf32, #tpu.memory_space<vmem>>, vector<16xf32>,
        %swap3A_865 = arith.constant 0 : i32
        %swap3A_866 = arith.constant 0 : i32
        %swap3A_867 = tpu.memref_slice %arg8[%scan3A_55, %swap3A_865, %swap3A_866] : memref<8x200x64xf32, #tpu.memory_space<vmem>> -> memref<1x200x64xf32, #tpu.memory_space<vmem>>
        %swap3A_868 = tpu.memref_squeeze %swap3A_867 : memref<1x200x64xf32, #tpu.memory_space<vmem>> -> memref<200x64xf32, #tpu.memory_space<vmem>>
        %swap3A_869 = arith.index_cast %add3A_861 : i32 to index
        %swap3A_870 = arith.constant 0 : index
        %swap3A_871 = tpu.vector_load %swap3A_868[%swap3A_869, %swap3A_870] {strides = array<i32>} : memref<200x64xf32, #tpu.memory_space<vmem>>, vector<16xf32>,
        tpu.vector_store %swap3A_868[%swap3A_869, %swap3A_870], %get3A_864 {strides = array<i32>} : memref<200x64xf32, #tpu.memory_space<vmem>>, vector<16xf32>,
        %get3A_872 = arith.index_cast %add3A_861 : i32 to index
        %get3A_873 = arith.constant 16 : index
        %get3A_874 = tpu.vector_load %arg9[%get3A_872, %get3A_873] {strides = array<i32>} : memref<200x64xf32, #tpu.memory_space<vmem>>, vector<16xf32>,
        %swap3A_875 = arith.constant 0 : i32
        %swap3A_876 = arith.constant 0 : i32
        %swap3A_877 = tpu.memref_slice %arg8[%scan3A_55, %swap3A_875, %swap3A_876] : memref<8x200x64xf32, #tpu.memory_space<vmem>> -> memref<1x200x64xf32, #tpu.memory_space<vmem>>
        %swap3A_878 = tpu.memref_squeeze %swap3A_877 : memref<1x200x64xf32, #tpu.memory_space<vmem>> -> memref<200x64xf32, #tpu.memory_space<vmem>>
        %swap3A_879 = arith.index_cast %add3A_861 : i32 to index
        %swap3A_880 = arith.constant 16 : index
        %swap3A_881 = tpu.vector_load %swap3A_878[%swap3A_879, %swap3A_880] {strides = array<i32>} : memref<200x64xf32, #tpu.memory_space<vmem>>, vector<16xf32>,
        tpu.vector_store %swap3A_878[%swap3A_879, %swap3A_880], %get3A_874 {strides = array<i32>} : memref<200x64xf32, #tpu.memory_space<vmem>>, vector<16xf32>,
        %get3A_882 = arith.index_cast %add3A_861 : i32 to index
        %get3A_883 = arith.constant 32 : index
        %get3A_884 = tpu.vector_load %arg9[%get3A_882, %get3A_883] {strides = array<i32>} : memref<200x64xf32, #tpu.memory_space<vmem>>, vector<16xf32>,
        %swap3A_885 = arith.constant 0 : i32
        %swap3A_886 = arith.constant 0 : i32
        %swap3A_887 = tpu.memref_slice %arg8[%scan3A_55, %swap3A_885, %swap3A_886] : memref<8x200x64xf32, #tpu.memory_space<vmem>> -> memref<1x200x64xf32, #tpu.memory_space<vmem>>
        %swap3A_888 = tpu.memref_squeeze %swap3A_887 : memref<1x200x64xf32, #tpu.memory_space<vmem>> -> memref<200x64xf32, #tpu.memory_space<vmem>>
        %swap3A_889 = arith.index_cast %add3A_861 : i32 to index
        %swap3A_890 = arith.constant 32 : index
        %swap3A_891 = tpu.vector_load %swap3A_888[%swap3A_889, %swap3A_890] {strides = array<i32>} : memref<200x64xf32, #tpu.memory_space<vmem>>, vector<16xf32>,
        tpu.vector_store %swap3A_888[%swap3A_889, %swap3A_890], %get3A_884 {strides = array<i32>} : memref<200x64xf32, #tpu.memory_space<vmem>>, vector<16xf32>,
        %get3A_892 = arith.index_cast %add3A_861 : i32 to index
        %get3A_893 = arith.constant 48 : index
        %get3A_894 = tpu.vector_load %arg9[%get3A_892, %get3A_893] {strides = array<i32>} : memref<200x64xf32, #tpu.memory_space<vmem>>, vector<16xf32>,
        %swap3A_895 = arith.constant 0 : i32
        %swap3A_896 = arith.constant 0 : i32
        %swap3A_897 = tpu.memref_slice %arg8[%scan3A_55, %swap3A_895, %swap3A_896] : memref<8x200x64xf32, #tpu.memory_space<vmem>> -> memref<1x200x64xf32, #tpu.memory_space<vmem>>
        %swap3A_898 = tpu.memref_squeeze %swap3A_897 : memref<1x200x64xf32, #tpu.memory_space<vmem>> -> memref<200x64xf32, #tpu.memory_space<vmem>>
        %swap3A_899 = arith.index_cast %add3A_861 : i32 to index
        %swap3A_900 = arith.constant 48 : index
        %swap3A_901 = tpu.vector_load %swap3A_898[%swap3A_899, %swap3A_900] {strides = array<i32>} : memref<200x64xf32, #tpu.memory_space<vmem>>, vector<16xf32>,
        tpu.vector_store %swap3A_898[%swap3A_899, %swap3A_900], %get3A_894 {strides = array<i32>} : memref<200x64xf32, #tpu.memory_space<vmem>>, vector<16xf32>,
        %scan3A_902 = arith.constant 7 : i32
        %scan3A_903 = arith.addi %scan3A_583, %scan3A_902 : i32
        %mul3A_904 = arith.constant 1 : i32
        %mul3A_905 = arith.muli %scan3A_903, %mul3A_904 : i32
        %add3A_906 = arith.constant 0 : i32
        %add3A_907 = arith.addi %add3A_906, %mul3A_905 : i32
        %get3A_908 = arith.index_cast %add3A_907 : i32 to index
        %get3A_909 = arith.constant 0 : index
        %get3A_910 = tpu.vector_load %arg9[%get3A_908, %get3A_909] {strides = array<i32>} : memref<200x64xf32, #tpu.memory_space<vmem>>, vector<16xf32>,
        %swap3A_911 = arith.constant 0 : i32
        %swap3A_912 = arith.constant 0 : i32
        %swap3A_913 = tpu.memref_slice %arg8[%scan3A_55, %swap3A_911, %swap3A_912] : memref<8x200x64xf32, #tpu.memory_space<vmem>> -> memref<1x200x64xf32, #tpu.memory_space<vmem>>
        %swap3A_914 = tpu.memref_squeeze %swap3A_913 : memref<1x200x64xf32, #tpu.memory_space<vmem>> -> memref<200x64xf32, #tpu.memory_space<vmem>>
        %swap3A_915 = arith.index_cast %add3A_907 : i32 to index
        %swap3A_916 = arith.constant 0 : index
        %swap3A_917 = tpu.vector_load %swap3A_914[%swap3A_915, %swap3A_916] {strides = array<i32>} : memref<200x64xf32, #tpu.memory_space<vmem>>, vector<16xf32>,
        tpu.vector_store %swap3A_914[%swap3A_915, %swap3A_916], %get3A_910 {strides = array<i32>} : memref<200x64xf32, #tpu.memory_space<vmem>>, vector<16xf32>,
        %get3A_918 = arith.index_cast %add3A_907 : i32 to index
        %get3A_919 = arith.constant 16 : index
        %get3A_920 = tpu.vector_load %arg9[%get3A_918, %get3A_919] {strides = array<i32>} : memref<200x64xf32, #tpu.memory_space<vmem>>, vector<16xf32>,
        %swap3A_921 = arith.constant 0 : i32
        %swap3A_922 = arith.constant 0 : i32
        %swap3A_923 = tpu.memref_slice %arg8[%scan3A_55, %swap3A_921, %swap3A_922] : memref<8x200x64xf32, #tpu.memory_space<vmem>> -> memref<1x200x64xf32, #tpu.memory_space<vmem>>
        %swap3A_924 = tpu.memref_squeeze %swap3A_923 : memref<1x200x64xf32, #tpu.memory_space<vmem>> -> memref<200x64xf32, #tpu.memory_space<vmem>>
        %swap3A_925 = arith.index_cast %add3A_907 : i32 to index
        %swap3A_926 = arith.constant 16 : index
        %swap3A_927 = tpu.vector_load %swap3A_924[%swap3A_925, %swap3A_926] {strides = array<i32>} : memref<200x64xf32, #tpu.memory_space<vmem>>, vector<16xf32>,
        tpu.vector_store %swap3A_924[%swap3A_925, %swap3A_926], %get3A_920 {strides = array<i32>} : memref<200x64xf32, #tpu.memory_space<vmem>>, vector<16xf32>,
        %get3A_928 = arith.index_cast %add3A_907 : i32 to index
        %get3A_929 = arith.constant 32 : index
        %get3A_930 = tpu.vector_load %arg9[%get3A_928, %get3A_929] {strides = array<i32>} : memref<200x64xf32, #tpu.memory_space<vmem>>, vector<16xf32>,
        %swap3A_931 = arith.constant 0 : i32
        %swap3A_932 = arith.constant 0 : i32
        %swap3A_933 = tpu.memref_slice %arg8[%scan3A_55, %swap3A_931, %swap3A_932] : memref<8x200x64xf32, #tpu.memory_space<vmem>> -> memref<1x200x64xf32, #tpu.memory_space<vmem>>
        %swap3A_934 = tpu.memref_squeeze %swap3A_933 : memref<1x200x64xf32, #tpu.memory_space<vmem>> -> memref<200x64xf32, #tpu.memory_space<vmem>>
        %swap3A_935 = arith.index_cast %add3A_907 : i32 to index
        %swap3A_936 = arith.constant 32 : index
        %swap3A_937 = tpu.vector_load %swap3A_934[%swap3A_935, %swap3A_936] {strides = array<i32>} : memref<200x64xf32, #tpu.memory_space<vmem>>, vector<16xf32>,
        tpu.vector_store %swap3A_934[%swap3A_935, %swap3A_936], %get3A_930 {strides = array<i32>} : memref<200x64xf32, #tpu.memory_space<vmem>>, vector<16xf32>,
        %get3A_938 = arith.index_cast %add3A_907 : i32 to index
        %get3A_939 = arith.constant 48 : index
        %get3A_940 = tpu.vector_load %arg9[%get3A_938, %get3A_939] {strides = array<i32>} : memref<200x64xf32, #tpu.memory_space<vmem>>, vector<16xf32>,
        %swap3A_941 = arith.constant 0 : i32
        %swap3A_942 = arith.constant 0 : i32
        %swap3A_943 = tpu.memref_slice %arg8[%scan3A_55, %swap3A_941, %swap3A_942] : memref<8x200x64xf32, #tpu.memory_space<vmem>> -> memref<1x200x64xf32, #tpu.memory_space<vmem>>
        %swap3A_944 = tpu.memref_squeeze %swap3A_943 : memref<1x200x64xf32, #tpu.memory_space<vmem>> -> memref<200x64xf32, #tpu.memory_space<vmem>>
        %swap3A_945 = arith.index_cast %add3A_907 : i32 to index
        %swap3A_946 = arith.constant 48 : index
        %swap3A_947 = tpu.vector_load %swap3A_944[%swap3A_945, %swap3A_946] {strides = array<i32>} : memref<200x64xf32, #tpu.memory_space<vmem>>, vector<16xf32>,
        tpu.vector_store %swap3A_944[%swap3A_945, %swap3A_946], %get3A_940 {strides = array<i32>} : memref<200x64xf32, #tpu.memory_space<vmem>>, vector<16xf32>,
      }
      %scan3A_60 = arith.constant 200 : i32
      %scan3A_61 = arith.constant 2 : i32
      %scan3A_62 = arith.constant 0 : i32
      %scan3A_63 = arith.constant 200 : i32
      %scan3A_64 = arith.addi %scan3A_62, %scan3A_63 : i32
      %scan3A_65 = arith.constant 8 : i32
      scf.for %scan3A_583 = %scan3A_62 to %scan3A_64 step %scan3A_65  : i32 {
        %mul3A_584 = arith.constant 1 : i32
        %mul3A_585 = arith.muli %scan3A_583, %mul3A_584 : i32
        %add3A_586 = arith.constant 0 : i32
        %add3A_587 = arith.addi %add3A_586, %mul3A_585 : i32
        %get3A = arith.index_cast %add3A_587 : i32 to index
        %get3A_588 = arith.constant 0 : index
        %get3A_589 = tpu.vector_load %arg9[%get3A, %get3A_588] {strides = array<i32>} : memref<200x64xf32, #tpu.memory_space<vmem>>, vector<16xf32>,
        %swap3A = arith.constant 0 : i32
        %swap3A_590 = arith.constant 0 : i32
        %swap3A_591 = tpu.memref_slice %arg8[%scan3A_61, %swap3A, %swap3A_590] : memref<8x200x64xf32, #tpu.memory_space<vmem>> -> memref<1x200x64xf32, #tpu.memory_space<vmem>>
        %swap3A_592 = tpu.memref_squeeze %swap3A_591 : memref<1x200x64xf32, #tpu.memory_space<vmem>> -> memref<200x64xf32, #tpu.memory_space<vmem>>
        %swap3A_593 = arith.index_cast %add3A_587 : i32 to index
        %swap3A_594 = arith.constant 0 : index
        %swap3A_595 = tpu.vector_load %swap3A_592[%swap3A_593, %swap3A_594] {strides = array<i32>} : memref<200x64xf32, #tpu.memory_space<vmem>>, vector<16xf32>,
        tpu.vector_store %swap3A_592[%swap3A_593, %swap3A_594], %get3A_589 {strides = array<i32>} : memref<200x64xf32, #tpu.memory_space<vmem>>, vector<16xf32>,
        %get3A_596 = arith.index_cast %add3A_587 : i32 to index
        %get3A_597 = arith.constant 16 : index
        %get3A_598 = tpu.vector_load %arg9[%get3A_596, %get3A_597] {strides = array<i32>} : memref<200x64xf32, #tpu.memory_space<vmem>>, vector<16xf32>,
        %swap3A_599 = arith.constant 0 : i32
        %swap3A_600 = arith.constant 0 : i32
        %swap3A_601 = tpu.memref_slice %arg8[%scan3A_61, %swap3A_599, %swap3A_600] : memref<8x200x64xf32, #tpu.memory_space<vmem>> -> memref<1x200x64xf32, #tpu.memory_space<vmem>>
        %swap3A_602 = tpu.memref_squeeze %swap3A_601 : memref<1x200x64xf32, #tpu.memory_space<vmem>> -> memref<200x64xf32, #tpu.memory_space<vmem>>
        %swap3A_603 = arith.index_cast %add3A_587 : i32 to index
        %swap3A_604 = arith.constant 16 : index
        %swap3A_605 = tpu.vector_load %swap3A_602[%swap3A_603, %swap3A_604] {strides = array<i32>} : memref<200x64xf32, #tpu.memory_space<vmem>>, vector<16xf32>,
        tpu.vector_store %swap3A_602[%swap3A_603, %swap3A_604], %get3A_598 {strides = array<i32>} : memref<200x64xf32, #tpu.memory_space<vmem>>, vector<16xf32>,
        %get3A_606 = arith.index_cast %add3A_587 : i32 to index
        %get3A_607 = arith.constant 32 : index
        %get3A_608 = tpu.vector_load %arg9[%get3A_606, %get3A_607] {strides = array<i32>} : memref<200x64xf32, #tpu.memory_space<vmem>>, vector<16xf32>,
        %swap3A_609 = arith.constant 0 : i32
        %swap3A_610 = arith.constant 0 : i32
        %swap3A_611 = tpu.memref_slice %arg8[%scan3A_61, %swap3A_609, %swap3A_610] : memref<8x200x64xf32, #tpu.memory_space<vmem>> -> memref<1x200x64xf32, #tpu.memory_space<vmem>>
        %swap3A_612 = tpu.memref_squeeze %swap3A_611 : memref<1x200x64xf32, #tpu.memory_space<vmem>> -> memref<200x64xf32, #tpu.memory_space<vmem>>
        %swap3A_613 = arith.index_cast %add3A_587 : i32 to index
        %swap3A_614 = arith.constant 32 : index
        %swap3A_615 = tpu.vector_load %swap3A_612[%swap3A_613, %swap3A_614] {strides = array<i32>} : memref<200x64xf32, #tpu.memory_space<vmem>>, vector<16xf32>,
        tpu.vector_store %swap3A_612[%swap3A_613, %swap3A_614], %get3A_608 {strides = array<i32>} : memref<200x64xf32, #tpu.memory_space<vmem>>, vector<16xf32>,
        %get3A_616 = arith.index_cast %add3A_587 : i32 to index
        %get3A_617 = arith.constant 48 : index
        %get3A_618 = tpu.vector_load %arg9[%get3A_616, %get3A_617] {strides = array<i32>} : memref<200x64xf32, #tpu.memory_space<vmem>>, vector<16xf32>,
        %swap3A_619 = arith.constant 0 : i32
        %swap3A_620 = arith.constant 0 : i32
        %swap3A_621 = tpu.memref_slice %arg8[%scan3A_61, %swap3A_619, %swap3A_620] : memref<8x200x64xf32, #tpu.memory_space<vmem>> -> memref<1x200x64xf32, #tpu.memory_space<vmem>>
        %swap3A_622 = tpu.memref_squeeze %swap3A_621 : memref<1x200x64xf32, #tpu.memory_space<vmem>> -> memref<200x64xf32, #tpu.memory_space<vmem>>
        %swap3A_623 = arith.index_cast %add3A_587 : i32 to index
        %swap3A_624 = arith.constant 48 : index
        %swap3A_625 = tpu.vector_load %swap3A_622[%swap3A_623, %swap3A_624] {strides = array<i32>} : memref<200x64xf32, #tpu.memory_space<vmem>>, vector<16xf32>,
        tpu.vector_store %swap3A_622[%swap3A_623, %swap3A_624], %get3A_618 {strides = array<i32>} : memref<200x64xf32, #tpu.memory_space<vmem>>, vector<16xf32>,
        %scan3A_626 = arith.constant 1 : i32
        %scan3A_627 = arith.addi %scan3A_583, %scan3A_626 : i32
        %mul3A_628 = arith.constant 1 : i32
        %mul3A_629 = arith.muli %scan3A_627, %mul3A_628 : i32
        %add3A_630 = arith.constant 0 : i32
        %add3A_631 = arith.addi %add3A_630, %mul3A_629 : i32
        %get3A_632 = arith.index_cast %add3A_631 : i32 to index
        %get3A_633 = arith.constant 0 : index
        %get3A_634 = tpu.vector_load %arg9[%get3A_632, %get3A_633] {strides = array<i32>} : memref<200x64xf32, #tpu.memory_space<vmem>>, vector<16xf32>,
        %swap3A_635 = arith.constant 0 : i32
        %swap3A_636 = arith.constant 0 : i32
        %swap3A_637 = tpu.memref_slice %arg8[%scan3A_61, %swap3A_635, %swap3A_636] : memref<8x200x64xf32, #tpu.memory_space<vmem>> -> memref<1x200x64xf32, #tpu.memory_space<vmem>>
        %swap3A_638 = tpu.memref_squeeze %swap3A_637 : memref<1x200x64xf32, #tpu.memory_space<vmem>> -> memref<200x64xf32, #tpu.memory_space<vmem>>
        %swap3A_639 = arith.index_cast %add3A_631 : i32 to index
        %swap3A_640 = arith.constant 0 : index
        %swap3A_641 = tpu.vector_load %swap3A_638[%swap3A_639, %swap3A_640] {strides = array<i32>} : memref<200x64xf32, #tpu.memory_space<vmem>>, vector<16xf32>,
        tpu.vector_store %swap3A_638[%swap3A_639, %swap3A_640], %get3A_634 {strides = array<i32>} : memref<200x64xf32, #tpu.memory_space<vmem>>, vector<16xf32>,
        %get3A_642 = arith.index_cast %add3A_631 : i32 to index
        %get3A_643 = arith.constant 16 : index
        %get3A_644 = tpu.vector_load %arg9[%get3A_642, %get3A_643] {strides = array<i32>} : memref<200x64xf32, #tpu.memory_space<vmem>>, vector<16xf32>,
        %swap3A_645 = arith.constant 0 : i32
        %swap3A_646 = arith.constant 0 : i32
        %swap3A_647 = tpu.memref_slice %arg8[%scan3A_61, %swap3A_645, %swap3A_646] : memref<8x200x64xf32, #tpu.memory_space<vmem>> -> memref<1x200x64xf32, #tpu.memory_space<vmem>>
        %swap3A_648 = tpu.memref_squeeze %swap3A_647 : memref<1x200x64xf32, #tpu.memory_space<vmem>> -> memref<200x64xf32, #tpu.memory_space<vmem>>
        %swap3A_649 = arith.index_cast %add3A_631 : i32 to index
        %swap3A_650 = arith.constant 16 : index
        %swap3A_651 = tpu.vector_load %swap3A_648[%swap3A_649, %swap3A_650] {strides = array<i32>} : memref<200x64xf32, #tpu.memory_space<vmem>>, vector<16xf32>,
        tpu.vector_store %swap3A_648[%swap3A_649, %swap3A_650], %get3A_644 {strides = array<i32>} : memref<200x64xf32, #tpu.memory_space<vmem>>, vector<16xf32>,
        %get3A_652 = arith.index_cast %add3A_631 : i32 to index
        %get3A_653 = arith.constant 32 : index
        %get3A_654 = tpu.vector_load %arg9[%get3A_652, %get3A_653] {strides = array<i32>} : memref<200x64xf32, #tpu.memory_space<vmem>>, vector<16xf32>,
        %swap3A_655 = arith.constant 0 : i32
        %swap3A_656 = arith.constant 0 : i32
        %swap3A_657 = tpu.memref_slice %arg8[%scan3A_61, %swap3A_655, %swap3A_656] : memref<8x200x64xf32, #tpu.memory_space<vmem>> -> memref<1x200x64xf32, #tpu.memory_space<vmem>>
        %swap3A_658 = tpu.memref_squeeze %swap3A_657 : memref<1x200x64xf32, #tpu.memory_space<vmem>> -> memref<200x64xf32, #tpu.memory_space<vmem>>
        %swap3A_659 = arith.index_cast %add3A_631 : i32 to index
        %swap3A_660 = arith.constant 32 : index
        %swap3A_661 = tpu.vector_load %swap3A_658[%swap3A_659, %swap3A_660] {strides = array<i32>} : memref<200x64xf32, #tpu.memory_space<vmem>>, vector<16xf32>,
        tpu.vector_store %swap3A_658[%swap3A_659, %swap3A_660], %get3A_654 {strides = array<i32>} : memref<200x64xf32, #tpu.memory_space<vmem>>, vector<16xf32>,
        %get3A_662 = arith.index_cast %add3A_631 : i32 to index
        %get3A_663 = arith.constant 48 : index
        %get3A_664 = tpu.vector_load %arg9[%get3A_662, %get3A_663] {strides = array<i32>} : memref<200x64xf32, #tpu.memory_space<vmem>>, vector<16xf32>,
        %swap3A_665 = arith.constant 0 : i32
        %swap3A_666 = arith.constant 0 : i32
        %swap3A_667 = tpu.memref_slice %arg8[%scan3A_61, %swap3A_665, %swap3A_666] : memref<8x200x64xf32, #tpu.memory_space<vmem>> -> memref<1x200x64xf32, #tpu.memory_space<vmem>>
        %swap3A_668 = tpu.memref_squeeze %swap3A_667 : memref<1x200x64xf32, #tpu.memory_space<vmem>> -> memref<200x64xf32, #tpu.memory_space<vmem>>
        %swap3A_669 = arith.index_cast %add3A_631 : i32 to index
        %swap3A_670 = arith.constant 48 : index
        %swap3A_671 = tpu.vector_load %swap3A_668[%swap3A_669, %swap3A_670] {strides = array<i32>} : memref<200x64xf32, #tpu.memory_space<vmem>>, vector<16xf32>,
        tpu.vector_store %swap3A_668[%swap3A_669, %swap3A_670], %get3A_664 {strides = array<i32>} : memref<200x64xf32, #tpu.memory_space<vmem>>, vector<16xf32>,
        %scan3A_672 = arith.constant 2 : i32
        %scan3A_673 = arith.addi %scan3A_583, %scan3A_672 : i32
        %mul3A_674 = arith.constant 1 : i32
        %mul3A_675 = arith.muli %scan3A_673, %mul3A_674 : i32
        %add3A_676 = arith.constant 0 : i32
        %add3A_677 = arith.addi %add3A_676, %mul3A_675 : i32
        %get3A_678 = arith.index_cast %add3A_677 : i32 to index
        %get3A_679 = arith.constant 0 : index
        %get3A_680 = tpu.vector_load %arg9[%get3A_678, %get3A_679] {strides = array<i32>} : memref<200x64xf32, #tpu.memory_space<vmem>>, vector<16xf32>,
        %swap3A_681 = arith.constant 0 : i32
        %swap3A_682 = arith.constant 0 : i32
        %swap3A_683 = tpu.memref_slice %arg8[%scan3A_61, %swap3A_681, %swap3A_682] : memref<8x200x64xf32, #tpu.memory_space<vmem>> -> memref<1x200x64xf32, #tpu.memory_space<vmem>>
        %swap3A_684 = tpu.memref_squeeze %swap3A_683 : memref<1x200x64xf32, #tpu.memory_space<vmem>> -> memref<200x64xf32, #tpu.memory_space<vmem>>
        %swap3A_685 = arith.index_cast %add3A_677 : i32 to index
        %swap3A_686 = arith.constant 0 : index
        %swap3A_687 = tpu.vector_load %swap3A_684[%swap3A_685, %swap3A_686] {strides = array<i32>} : memref<200x64xf32, #tpu.memory_space<vmem>>, vector<16xf32>,
        tpu.vector_store %swap3A_684[%swap3A_685, %swap3A_686], %get3A_680 {strides = array<i32>} : memref<200x64xf32, #tpu.memory_space<vmem>>, vector<16xf32>,
        %get3A_688 = arith.index_cast %add3A_677 : i32 to index
        %get3A_689 = arith.constant 16 : index
        %get3A_690 = tpu.vector_load %arg9[%get3A_688, %get3A_689] {strides = array<i32>} : memref<200x64xf32, #tpu.memory_space<vmem>>, vector<16xf32>,
        %swap3A_691 = arith.constant 0 : i32
        %swap3A_692 = arith.constant 0 : i32
        %swap3A_693 = tpu.memref_slice %arg8[%scan3A_61, %swap3A_691, %swap3A_692] : memref<8x200x64xf32, #tpu.memory_space<vmem>> -> memref<1x200x64xf32, #tpu.memory_space<vmem>>
        %swap3A_694 = tpu.memref_squeeze %swap3A_693 : memref<1x200x64xf32, #tpu.memory_space<vmem>> -> memref<200x64xf32, #tpu.memory_space<vmem>>
        %swap3A_695 = arith.index_cast %add3A_677 : i32 to index
        %swap3A_696 = arith.constant 16 : index
        %swap3A_697 = tpu.vector_load %swap3A_694[%swap3A_695, %swap3A_696] {strides = array<i32>} : memref<200x64xf32, #tpu.memory_space<vmem>>, vector<16xf32>,
        tpu.vector_store %swap3A_694[%swap3A_695, %swap3A_696], %get3A_690 {strides = array<i32>} : memref<200x64xf32, #tpu.memory_space<vmem>>, vector<16xf32>,
        %get3A_698 = arith.index_cast %add3A_677 : i32 to index
        %get3A_699 = arith.constant 32 : index
        %get3A_700 = tpu.vector_load %arg9[%get3A_698, %get3A_699] {strides = array<i32>} : memref<200x64xf32, #tpu.memory_space<vmem>>, vector<16xf32>,
        %swap3A_701 = arith.constant 0 : i32
        %swap3A_702 = arith.constant 0 : i32
        %swap3A_703 = tpu.memref_slice %arg8[%scan3A_61, %swap3A_701, %swap3A_702] : memref<8x200x64xf32, #tpu.memory_space<vmem>> -> memref<1x200x64xf32, #tpu.memory_space<vmem>>
        %swap3A_704 = tpu.memref_squeeze %swap3A_703 : memref<1x200x64xf32, #tpu.memory_space<vmem>> -> memref<200x64xf32, #tpu.memory_space<vmem>>
        %swap3A_705 = arith.index_cast %add3A_677 : i32 to index
        %swap3A_706 = arith.constant 32 : index
        %swap3A_707 = tpu.vector_load %swap3A_704[%swap3A_705, %swap3A_706] {strides = array<i32>} : memref<200x64xf32, #tpu.memory_space<vmem>>, vector<16xf32>,
        tpu.vector_store %swap3A_704[%swap3A_705, %swap3A_706], %get3A_700 {strides = array<i32>} : memref<200x64xf32, #tpu.memory_space<vmem>>, vector<16xf32>,
        %get3A_708 = arith.index_cast %add3A_677 : i32 to index
        %get3A_709 = arith.constant 48 : index
        %get3A_710 = tpu.vector_load %arg9[%get3A_708, %get3A_709] {strides = array<i32>} : memref<200x64xf32, #tpu.memory_space<vmem>>, vector<16xf32>,
        %swap3A_711 = arith.constant 0 : i32
        %swap3A_712 = arith.constant 0 : i32
        %swap3A_713 = tpu.memref_slice %arg8[%scan3A_61, %swap3A_711, %swap3A_712] : memref<8x200x64xf32, #tpu.memory_space<vmem>> -> memref<1x200x64xf32, #tpu.memory_space<vmem>>
        %swap3A_714 = tpu.memref_squeeze %swap3A_713 : memref<1x200x64xf32, #tpu.memory_space<vmem>> -> memref<200x64xf32, #tpu.memory_space<vmem>>
        %swap3A_715 = arith.index_cast %add3A_677 : i32 to index
        %swap3A_716 = arith.constant 48 : index
        %swap3A_717 = tpu.vector_load %swap3A_714[%swap3A_715, %swap3A_716] {strides = array<i32>} : memref<200x64xf32, #tpu.memory_space<vmem>>, vector<16xf32>,
        tpu.vector_store %swap3A_714[%swap3A_715, %swap3A_716], %get3A_710 {strides = array<i32>} : memref<200x64xf32, #tpu.memory_space<vmem>>, vector<16xf32>,
        %scan3A_718 = arith.constant 3 : i32
        %scan3A_719 = arith.addi %scan3A_583, %scan3A_718 : i32
        %mul3A_720 = arith.constant 1 : i32
        %mul3A_721 = arith.muli %scan3A_719, %mul3A_720 : i32
        %add3A_722 = arith.constant 0 : i32
        %add3A_723 = arith.addi %add3A_722, %mul3A_721 : i32
        %get3A_724 = arith.index_cast %add3A_723 : i32 to index
        %get3A_725 = arith.constant 0 : index
        %get3A_726 = tpu.vector_load %arg9[%get3A_724, %get3A_725] {strides = array<i32>} : memref<200x64xf32, #tpu.memory_space<vmem>>, vector<16xf32>,
        %swap3A_727 = arith.constant 0 : i32
        %swap3A_728 = arith.constant 0 : i32
        %swap3A_729 = tpu.memref_slice %arg8[%scan3A_61, %swap3A_727, %swap3A_728] : memref<8x200x64xf32, #tpu.memory_space<vmem>> -> memref<1x200x64xf32, #tpu.memory_space<vmem>>
        %swap3A_730 = tpu.memref_squeeze %swap3A_729 : memref<1x200x64xf32, #tpu.memory_space<vmem>> -> memref<200x64xf32, #tpu.memory_space<vmem>>
        %swap3A_731 = arith.index_cast %add3A_723 : i32 to index
        %swap3A_732 = arith.constant 0 : index
        %swap3A_733 = tpu.vector_load %swap3A_730[%swap3A_731, %swap3A_732] {strides = array<i32>} : memref<200x64xf32, #tpu.memory_space<vmem>>, vector<16xf32>,
        tpu.vector_store %swap3A_730[%swap3A_731, %swap3A_732], %get3A_726 {strides = array<i32>} : memref<200x64xf32, #tpu.memory_space<vmem>>, vector<16xf32>,
        %get3A_734 = arith.index_cast %add3A_723 : i32 to index
        %get3A_735 = arith.constant 16 : index
        %get3A_736 = tpu.vector_load %arg9[%get3A_734, %get3A_735] {strides = array<i32>} : memref<200x64xf32, #tpu.memory_space<vmem>>, vector<16xf32>,
        %swap3A_737 = arith.constant 0 : i32
        %swap3A_738 = arith.constant 0 : i32
        %swap3A_739 = tpu.memref_slice %arg8[%scan3A_61, %swap3A_737, %swap3A_738] : memref<8x200x64xf32, #tpu.memory_space<vmem>> -> memref<1x200x64xf32, #tpu.memory_space<vmem>>
        %swap3A_740 = tpu.memref_squeeze %swap3A_739 : memref<1x200x64xf32, #tpu.memory_space<vmem>> -> memref<200x64xf32, #tpu.memory_space<vmem>>
        %swap3A_741 = arith.index_cast %add3A_723 : i32 to index
        %swap3A_742 = arith.constant 16 : index
        %swap3A_743 = tpu.vector_load %swap3A_740[%swap3A_741, %swap3A_742] {strides = array<i32>} : memref<200x64xf32, #tpu.memory_space<vmem>>, vector<16xf32>,
        tpu.vector_store %swap3A_740[%swap3A_741, %swap3A_742], %get3A_736 {strides = array<i32>} : memref<200x64xf32, #tpu.memory_space<vmem>>, vector<16xf32>,
        %get3A_744 = arith.index_cast %add3A_723 : i32 to index
        %get3A_745 = arith.constant 32 : index
        %get3A_746 = tpu.vector_load %arg9[%get3A_744, %get3A_745] {strides = array<i32>} : memref<200x64xf32, #tpu.memory_space<vmem>>, vector<16xf32>,
        %swap3A_747 = arith.constant 0 : i32
        %swap3A_748 = arith.constant 0 : i32
        %swap3A_749 = tpu.memref_slice %arg8[%scan3A_61, %swap3A_747, %swap3A_748] : memref<8x200x64xf32, #tpu.memory_space<vmem>> -> memref<1x200x64xf32, #tpu.memory_space<vmem>>
        %swap3A_750 = tpu.memref_squeeze %swap3A_749 : memref<1x200x64xf32, #tpu.memory_space<vmem>> -> memref<200x64xf32, #tpu.memory_space<vmem>>
        %swap3A_751 = arith.index_cast %add3A_723 : i32 to index
        %swap3A_752 = arith.constant 32 : index
        %swap3A_753 = tpu.vector_load %swap3A_750[%swap3A_751, %swap3A_752] {strides = array<i32>} : memref<200x64xf32, #tpu.memory_space<vmem>>, vector<16xf32>,
        tpu.vector_store %swap3A_750[%swap3A_751, %swap3A_752], %get3A_746 {strides = array<i32>} : memref<200x64xf32, #tpu.memory_space<vmem>>, vector<16xf32>,
        %get3A_754 = arith.index_cast %add3A_723 : i32 to index
        %get3A_755 = arith.constant 48 : index
        %get3A_756 = tpu.vector_load %arg9[%get3A_754, %get3A_755] {strides = array<i32>} : memref<200x64xf32, #tpu.memory_space<vmem>>, vector<16xf32>,
        %swap3A_757 = arith.constant 0 : i32
        %swap3A_758 = arith.constant 0 : i32
        %swap3A_759 = tpu.memref_slice %arg8[%scan3A_61, %swap3A_757, %swap3A_758] : memref<8x200x64xf32, #tpu.memory_space<vmem>> -> memref<1x200x64xf32, #tpu.memory_space<vmem>>
        %swap3A_760 = tpu.memref_squeeze %swap3A_759 : memref<1x200x64xf32, #tpu.memory_space<vmem>> -> memref<200x64xf32, #tpu.memory_space<vmem>>
        %swap3A_761 = arith.index_cast %add3A_723 : i32 to index
        %swap3A_762 = arith.constant 48 : index
        %swap3A_763 = tpu.vector_load %swap3A_760[%swap3A_761, %swap3A_762] {strides = array<i32>} : memref<200x64xf32, #tpu.memory_space<vmem>>, vector<16xf32>,
        tpu.vector_store %swap3A_760[%swap3A_761, %swap3A_762], %get3A_756 {strides = array<i32>} : memref<200x64xf32, #tpu.memory_space<vmem>>, vector<16xf32>,
        %scan3A_764 = arith.constant 4 : i32
        %scan3A_765 = arith.addi %scan3A_583, %scan3A_764 : i32
        %mul3A_766 = arith.constant 1 : i32
        %mul3A_767 = arith.muli %scan3A_765, %mul3A_766 : i32
        %add3A_768 = arith.constant 0 : i32
        %add3A_769 = arith.addi %add3A_768, %mul3A_767 : i32
        %get3A_770 = arith.index_cast %add3A_769 : i32 to index
        %get3A_771 = arith.constant 0 : index
        %get3A_772 = tpu.vector_load %arg9[%get3A_770, %get3A_771] {strides = array<i32>} : memref<200x64xf32, #tpu.memory_space<vmem>>, vector<16xf32>,
        %swap3A_773 = arith.constant 0 : i32
        %swap3A_774 = arith.constant 0 : i32
        %swap3A_775 = tpu.memref_slice %arg8[%scan3A_61, %swap3A_773, %swap3A_774] : memref<8x200x64xf32, #tpu.memory_space<vmem>> -> memref<1x200x64xf32, #tpu.memory_space<vmem>>
        %swap3A_776 = tpu.memref_squeeze %swap3A_775 : memref<1x200x64xf32, #tpu.memory_space<vmem>> -> memref<200x64xf32, #tpu.memory_space<vmem>>
        %swap3A_777 = arith.index_cast %add3A_769 : i32 to index
        %swap3A_778 = arith.constant 0 : index
        %swap3A_779 = tpu.vector_load %swap3A_776[%swap3A_777, %swap3A_778] {strides = array<i32>} : memref<200x64xf32, #tpu.memory_space<vmem>>, vector<16xf32>,
        tpu.vector_store %swap3A_776[%swap3A_777, %swap3A_778], %get3A_772 {strides = array<i32>} : memref<200x64xf32, #tpu.memory_space<vmem>>, vector<16xf32>,
        %get3A_780 = arith.index_cast %add3A_769 : i32 to index
        %get3A_781 = arith.constant 16 : index
        %get3A_782 = tpu.vector_load %arg9[%get3A_780, %get3A_781] {strides = array<i32>} : memref<200x64xf32, #tpu.memory_space<vmem>>, vector<16xf32>,
        %swap3A_783 = arith.constant 0 : i32
        %swap3A_784 = arith.constant 0 : i32
        %swap3A_785 = tpu.memref_slice %arg8[%scan3A_61, %swap3A_783, %swap3A_784] : memref<8x200x64xf32, #tpu.memory_space<vmem>> -> memref<1x200x64xf32, #tpu.memory_space<vmem>>
        %swap3A_786 = tpu.memref_squeeze %swap3A_785 : memref<1x200x64xf32, #tpu.memory_space<vmem>> -> memref<200x64xf32, #tpu.memory_space<vmem>>
        %swap3A_787 = arith.index_cast %add3A_769 : i32 to index
        %swap3A_788 = arith.constant 16 : index
        %swap3A_789 = tpu.vector_load %swap3A_786[%swap3A_787, %swap3A_788] {strides = array<i32>} : memref<200x64xf32, #tpu.memory_space<vmem>>, vector<16xf32>,
        tpu.vector_store %swap3A_786[%swap3A_787, %swap3A_788], %get3A_782 {strides = array<i32>} : memref<200x64xf32, #tpu.memory_space<vmem>>, vector<16xf32>,
        %get3A_790 = arith.index_cast %add3A_769 : i32 to index
        %get3A_791 = arith.constant 32 : index
        %get3A_792 = tpu.vector_load %arg9[%get3A_790, %get3A_791] {strides = array<i32>} : memref<200x64xf32, #tpu.memory_space<vmem>>, vector<16xf32>,
        %swap3A_793 = arith.constant 0 : i32
        %swap3A_794 = arith.constant 0 : i32
        %swap3A_795 = tpu.memref_slice %arg8[%scan3A_61, %swap3A_793, %swap3A_794] : memref<8x200x64xf32, #tpu.memory_space<vmem>> -> memref<1x200x64xf32, #tpu.memory_space<vmem>>
        %swap3A_796 = tpu.memref_squeeze %swap3A_795 : memref<1x200x64xf32, #tpu.memory_space<vmem>> -> memref<200x64xf32, #tpu.memory_space<vmem>>
        %swap3A_797 = arith.index_cast %add3A_769 : i32 to index
        %swap3A_798 = arith.constant 32 : index
        %swap3A_799 = tpu.vector_load %swap3A_796[%swap3A_797, %swap3A_798] {strides = array<i32>} : memref<200x64xf32, #tpu.memory_space<vmem>>, vector<16xf32>,
        tpu.vector_store %swap3A_796[%swap3A_797, %swap3A_798], %get3A_792 {strides = array<i32>} : memref<200x64xf32, #tpu.memory_space<vmem>>, vector<16xf32>,
        %get3A_800 = arith.index_cast %add3A_769 : i32 to index
        %get3A_801 = arith.constant 48 : index
        %get3A_802 = tpu.vector_load %arg9[%get3A_800, %get3A_801] {strides = array<i32>} : memref<200x64xf32, #tpu.memory_space<vmem>>, vector<16xf32>,
        %swap3A_803 = arith.constant 0 : i32
        %swap3A_804 = arith.constant 0 : i32
        %swap3A_805 = tpu.memref_slice %arg8[%scan3A_61, %swap3A_803, %swap3A_804] : memref<8x200x64xf32, #tpu.memory_space<vmem>> -> memref<1x200x64xf32, #tpu.memory_space<vmem>>
        %swap3A_806 = tpu.memref_squeeze %swap3A_805 : memref<1x200x64xf32, #tpu.memory_space<vmem>> -> memref<200x64xf32, #tpu.memory_space<vmem>>
        %swap3A_807 = arith.index_cast %add3A_769 : i32 to index
        %swap3A_808 = arith.constant 48 : index
        %swap3A_809 = tpu.vector_load %swap3A_806[%swap3A_807, %swap3A_808] {strides = array<i32>} : memref<200x64xf32, #tpu.memory_space<vmem>>, vector<16xf32>,
        tpu.vector_store %swap3A_806[%swap3A_807, %swap3A_808], %get3A_802 {strides = array<i32>} : memref<200x64xf32, #tpu.memory_space<vmem>>, vector<16xf32>,
        %scan3A_810 = arith.constant 5 : i32
        %scan3A_811 = arith.addi %scan3A_583, %scan3A_810 : i32
        %mul3A_812 = arith.constant 1 : i32
        %mul3A_813 = arith.muli %scan3A_811, %mul3A_812 : i32
        %add3A_814 = arith.constant 0 : i32
        %add3A_815 = arith.addi %add3A_814, %mul3A_813 : i32
        %get3A_816 = arith.index_cast %add3A_815 : i32 to index
        %get3A_817 = arith.constant 0 : index
        %get3A_818 = tpu.vector_load %arg9[%get3A_816, %get3A_817] {strides = array<i32>} : memref<200x64xf32, #tpu.memory_space<vmem>>, vector<16xf32>,
        %swap3A_819 = arith.constant 0 : i32
        %swap3A_820 = arith.constant 0 : i32
        %swap3A_821 = tpu.memref_slice %arg8[%scan3A_61, %swap3A_819, %swap3A_820] : memref<8x200x64xf32, #tpu.memory_space<vmem>> -> memref<1x200x64xf32, #tpu.memory_space<vmem>>
        %swap3A_822 = tpu.memref_squeeze %swap3A_821 : memref<1x200x64xf32, #tpu.memory_space<vmem>> -> memref<200x64xf32, #tpu.memory_space<vmem>>
        %swap3A_823 = arith.index_cast %add3A_815 : i32 to index
        %swap3A_824 = arith.constant 0 : index
        %swap3A_825 = tpu.vector_load %swap3A_822[%swap3A_823, %swap3A_824] {strides = array<i32>} : memref<200x64xf32, #tpu.memory_space<vmem>>, vector<16xf32>,
        tpu.vector_store %swap3A_822[%swap3A_823, %swap3A_824], %get3A_818 {strides = array<i32>} : memref<200x64xf32, #tpu.memory_space<vmem>>, vector<16xf32>,
        %get3A_826 = arith.index_cast %add3A_815 : i32 to index
        %get3A_827 = arith.constant 16 : index
        %get3A_828 = tpu.vector_load %arg9[%get3A_826, %get3A_827] {strides = array<i32>} : memref<200x64xf32, #tpu.memory_space<vmem>>, vector<16xf32>,
        %swap3A_829 = arith.constant 0 : i32
        %swap3A_830 = arith.constant 0 : i32
        %swap3A_831 = tpu.memref_slice %arg8[%scan3A_61, %swap3A_829, %swap3A_830] : memref<8x200x64xf32, #tpu.memory_space<vmem>> -> memref<1x200x64xf32, #tpu.memory_space<vmem>>
        %swap3A_832 = tpu.memref_squeeze %swap3A_831 : memref<1x200x64xf32, #tpu.memory_space<vmem>> -> memref<200x64xf32, #tpu.memory_space<vmem>>
        %swap3A_833 = arith.index_cast %add3A_815 : i32 to index
        %swap3A_834 = arith.constant 16 : index
        %swap3A_835 = tpu.vector_load %swap3A_832[%swap3A_833, %swap3A_834] {strides = array<i32>} : memref<200x64xf32, #tpu.memory_space<vmem>>, vector<16xf32>,
        tpu.vector_store %swap3A_832[%swap3A_833, %swap3A_834], %get3A_828 {strides = array<i32>} : memref<200x64xf32, #tpu.memory_space<vmem>>, vector<16xf32>,
        %get3A_836 = arith.index_cast %add3A_815 : i32 to index
        %get3A_837 = arith.constant 32 : index
        %get3A_838 = tpu.vector_load %arg9[%get3A_836, %get3A_837] {strides = array<i32>} : memref<200x64xf32, #tpu.memory_space<vmem>>, vector<16xf32>,
        %swap3A_839 = arith.constant 0 : i32
        %swap3A_840 = arith.constant 0 : i32
        %swap3A_841 = tpu.memref_slice %arg8[%scan3A_61, %swap3A_839, %swap3A_840] : memref<8x200x64xf32, #tpu.memory_space<vmem>> -> memref<1x200x64xf32, #tpu.memory_space<vmem>>
        %swap3A_842 = tpu.memref_squeeze %swap3A_841 : memref<1x200x64xf32, #tpu.memory_space<vmem>> -> memref<200x64xf32, #tpu.memory_space<vmem>>
        %swap3A_843 = arith.index_cast %add3A_815 : i32 to index
        %swap3A_844 = arith.constant 32 : index
        %swap3A_845 = tpu.vector_load %swap3A_842[%swap3A_843, %swap3A_844] {strides = array<i32>} : memref<200x64xf32, #tpu.memory_space<vmem>>, vector<16xf32>,
        tpu.vector_store %swap3A_842[%swap3A_843, %swap3A_844], %get3A_838 {strides = array<i32>} : memref<200x64xf32, #tpu.memory_space<vmem>>, vector<16xf32>,
        %get3A_846 = arith.index_cast %add3A_815 : i32 to index
        %get3A_847 = arith.constant 48 : index
        %get3A_848 = tpu.vector_load %arg9[%get3A_846, %get3A_847] {strides = array<i32>} : memref<200x64xf32, #tpu.memory_space<vmem>>, vector<16xf32>,
        %swap3A_849 = arith.constant 0 : i32
        %swap3A_850 = arith.constant 0 : i32
        %swap3A_851 = tpu.memref_slice %arg8[%scan3A_61, %swap3A_849, %swap3A_850] : memref<8x200x64xf32, #tpu.memory_space<vmem>> -> memref<1x200x64xf32, #tpu.memory_space<vmem>>
        %swap3A_852 = tpu.memref_squeeze %swap3A_851 : memref<1x200x64xf32, #tpu.memory_space<vmem>> -> memref<200x64xf32, #tpu.memory_space<vmem>>
        %swap3A_853 = arith.index_cast %add3A_815 : i32 to index
        %swap3A_854 = arith.constant 48 : index
        %swap3A_855 = tpu.vector_load %swap3A_852[%swap3A_853, %swap3A_854] {strides = array<i32>} : memref<200x64xf32, #tpu.memory_space<vmem>>, vector<16xf32>,
        tpu.vector_store %swap3A_852[%swap3A_853, %swap3A_854], %get3A_848 {strides = array<i32>} : memref<200x64xf32, #tpu.memory_space<vmem>>, vector<16xf32>,
        %scan3A_856 = arith.constant 6 : i32
        %scan3A_857 = arith.addi %scan3A_583, %scan3A_856 : i32
        %mul3A_858 = arith.constant 1 : i32
        %mul3A_859 = arith.muli %scan3A_857, %mul3A_858 : i32
        %add3A_860 = arith.constant 0 : i32
        %add3A_861 = arith.addi %add3A_860, %mul3A_859 : i32
        %get3A_862 = arith.index_cast %add3A_861 : i32 to index
        %get3A_863 = arith.constant 0 : index
        %get3A_864 = tpu.vector_load %arg9[%get3A_862, %get3A_863] {strides = array<i32>} : memref<200x64xf32, #tpu.memory_space<vmem>>, vector<16xf32>,
        %swap3A_865 = arith.constant 0 : i32
        %swap3A_866 = arith.constant 0 : i32
        %swap3A_867 = tpu.memref_slice %arg8[%scan3A_61, %swap3A_865, %swap3A_866] : memref<8x200x64xf32, #tpu.memory_space<vmem>> -> memref<1x200x64xf32, #tpu.memory_space<vmem>>
        %swap3A_868 = tpu.memref_squeeze %swap3A_867 : memref<1x200x64xf32, #tpu.memory_space<vmem>> -> memref<200x64xf32, #tpu.memory_space<vmem>>
        %swap3A_869 = arith.index_cast %add3A_861 : i32 to index
        %swap3A_870 = arith.constant 0 : index
        %swap3A_871 = tpu.vector_load %swap3A_868[%swap3A_869, %swap3A_870] {strides = array<i32>} : memref<200x64xf32, #tpu.memory_space<vmem>>, vector<16xf32>,
        tpu.vector_store %swap3A_868[%swap3A_869, %swap3A_870], %get3A_864 {strides = array<i32>} : memref<200x64xf32, #tpu.memory_space<vmem>>, vector<16xf32>,
        %get3A_872 = arith.index_cast %add3A_861 : i32 to index
        %get3A_873 = arith.constant 16 : index
        %get3A_874 = tpu.vector_load %arg9[%get3A_872, %get3A_873] {strides = array<i32>} : memref<200x64xf32, #tpu.memory_space<vmem>>, vector<16xf32>,
        %swap3A_875 = arith.constant 0 : i32
        %swap3A_876 = arith.constant 0 : i32
        %swap3A_877 = tpu.memref_slice %arg8[%scan3A_61, %swap3A_875, %swap3A_876] : memref<8x200x64xf32, #tpu.memory_space<vmem>> -> memref<1x200x64xf32, #tpu.memory_space<vmem>>
        %swap3A_878 = tpu.memref_squeeze %swap3A_877 : memref<1x200x64xf32, #tpu.memory_space<vmem>> -> memref<200x64xf32, #tpu.memory_space<vmem>>
        %swap3A_879 = arith.index_cast %add3A_861 : i32 to index
        %swap3A_880 = arith.constant 16 : index
        %swap3A_881 = tpu.vector_load %swap3A_878[%swap3A_879, %swap3A_880] {strides = array<i32>} : memref<200x64xf32, #tpu.memory_space<vmem>>, vector<16xf32>,
        tpu.vector_store %swap3A_878[%swap3A_879, %swap3A_880], %get3A_874 {strides = array<i32>} : memref<200x64xf32, #tpu.memory_space<vmem>>, vector<16xf32>,
        %get3A_882 = arith.index_cast %add3A_861 : i32 to index
        %get3A_883 = arith.constant 32 : index
        %get3A_884 = tpu.vector_load %arg9[%get3A_882, %get3A_883] {strides = array<i32>} : memref<200x64xf32, #tpu.memory_space<vmem>>, vector<16xf32>,
        %swap3A_885 = arith.constant 0 : i32
        %swap3A_886 = arith.constant 0 : i32
        %swap3A_887 = tpu.memref_slice %arg8[%scan3A_61, %swap3A_885, %swap3A_886] : memref<8x200x64xf32, #tpu.memory_space<vmem>> -> memref<1x200x64xf32, #tpu.memory_space<vmem>>
        %swap3A_888 = tpu.memref_squeeze %swap3A_887 : memref<1x200x64xf32, #tpu.memory_space<vmem>> -> memref<200x64xf32, #tpu.memory_space<vmem>>
        %swap3A_889 = arith.index_cast %add3A_861 : i32 to index
        %swap3A_890 = arith.constant 32 : index
        %swap3A_891 = tpu.vector_load %swap3A_888[%swap3A_889, %swap3A_890] {strides = array<i32>} : memref<200x64xf32, #tpu.memory_space<vmem>>, vector<16xf32>,
        tpu.vector_store %swap3A_888[%swap3A_889, %swap3A_890], %get3A_884 {strides = array<i32>} : memref<200x64xf32, #tpu.memory_space<vmem>>, vector<16xf32>,
        %get3A_892 = arith.index_cast %add3A_861 : i32 to index
        %get3A_893 = arith.constant 48 : index
        %get3A_894 = tpu.vector_load %arg9[%get3A_892, %get3A_893] {strides = array<i32>} : memref<200x64xf32, #tpu.memory_space<vmem>>, vector<16xf32>,
        %swap3A_895 = arith.constant 0 : i32
        %swap3A_896 = arith.constant 0 : i32
        %swap3A_897 = tpu.memref_slice %arg8[%scan3A_61, %swap3A_895, %swap3A_896] : memref<8x200x64xf32, #tpu.memory_space<vmem>> -> memref<1x200x64xf32, #tpu.memory_space<vmem>>
        %swap3A_898 = tpu.memref_squeeze %swap3A_897 : memref<1x200x64xf32, #tpu.memory_space<vmem>> -> memref<200x64xf32, #tpu.memory_space<vmem>>
        %swap3A_899 = arith.index_cast %add3A_861 : i32 to index
        %swap3A_900 = arith.constant 48 : index
        %swap3A_901 = tpu.vector_load %swap3A_898[%swap3A_899, %swap3A_900] {strides = array<i32>} : memref<200x64xf32, #tpu.memory_space<vmem>>, vector<16xf32>,
        tpu.vector_store %swap3A_898[%swap3A_899, %swap3A_900], %get3A_894 {strides = array<i32>} : memref<200x64xf32, #tpu.memory_space<vmem>>, vector<16xf32>,
        %scan3A_902 = arith.constant 7 : i32
        %scan3A_903 = arith.addi %scan3A_583, %scan3A_902 : i32
        %mul3A_904 = arith.constant 1 : i32
        %mul3A_905 = arith.muli %scan3A_903, %mul3A_904 : i32
        %add3A_906 = arith.constant 0 : i32
        %add3A_907 = arith.addi %add3A_906, %mul3A_905 : i32
        %get3A_908 = arith.index_cast %add3A_907 : i32 to index
        %get3A_909 = arith.constant 0 : index
        %get3A_910 = tpu.vector_load %arg9[%get3A_908, %get3A_909] {strides = array<i32>} : memref<200x64xf32, #tpu.memory_space<vmem>>, vector<16xf32>,
        %swap3A_911 = arith.constant 0 : i32
        %swap3A_912 = arith.constant 0 : i32
        %swap3A_913 = tpu.memref_slice %arg8[%scan3A_61, %swap3A_911, %swap3A_912] : memref<8x200x64xf32, #tpu.memory_space<vmem>> -> memref<1x200x64xf32, #tpu.memory_space<vmem>>
        %swap3A_914 = tpu.memref_squeeze %swap3A_913 : memref<1x200x64xf32, #tpu.memory_space<vmem>> -> memref<200x64xf32, #tpu.memory_space<vmem>>
        %swap3A_915 = arith.index_cast %add3A_907 : i32 to index
        %swap3A_916 = arith.constant 0 : index
        %swap3A_917 = tpu.vector_load %swap3A_914[%swap3A_915, %swap3A_916] {strides = array<i32>} : memref<200x64xf32, #tpu.memory_space<vmem>>, vector<16xf32>,
        tpu.vector_store %swap3A_914[%swap3A_915, %swap3A_916], %get3A_910 {strides = array<i32>} : memref<200x64xf32, #tpu.memory_space<vmem>>, vector<16xf32>,
        %get3A_918 = arith.index_cast %add3A_907 : i32 to index
        %get3A_919 = arith.constant 16 : index
        %get3A_920 = tpu.vector_load %arg9[%get3A_918, %get3A_919] {strides = array<i32>} : memref<200x64xf32, #tpu.memory_space<vmem>>, vector<16xf32>,
        %swap3A_921 = arith.constant 0 : i32
        %swap3A_922 = arith.constant 0 : i32
        %swap3A_923 = tpu.memref_slice %arg8[%scan3A_61, %swap3A_921, %swap3A_922] : memref<8x200x64xf32, #tpu.memory_space<vmem>> -> memref<1x200x64xf32, #tpu.memory_space<vmem>>
        %swap3A_924 = tpu.memref_squeeze %swap3A_923 : memref<1x200x64xf32, #tpu.memory_space<vmem>> -> memref<200x64xf32, #tpu.memory_space<vmem>>
        %swap3A_925 = arith.index_cast %add3A_907 : i32 to index
        %swap3A_926 = arith.constant 16 : index
        %swap3A_927 = tpu.vector_load %swap3A_924[%swap3A_925, %swap3A_926] {strides = array<i32>} : memref<200x64xf32, #tpu.memory_space<vmem>>, vector<16xf32>,
        tpu.vector_store %swap3A_924[%swap3A_925, %swap3A_926], %get3A_920 {strides = array<i32>} : memref<200x64xf32, #tpu.memory_space<vmem>>, vector<16xf32>,
        %get3A_928 = arith.index_cast %add3A_907 : i32 to index
        %get3A_929 = arith.constant 32 : index
        %get3A_930 = tpu.vector_load %arg9[%get3A_928, %get3A_929] {strides = array<i32>} : memref<200x64xf32, #tpu.memory_space<vmem>>, vector<16xf32>,
        %swap3A_931 = arith.constant 0 : i32
        %swap3A_932 = arith.constant 0 : i32
        %swap3A_933 = tpu.memref_slice %arg8[%scan3A_61, %swap3A_931, %swap3A_932] : memref<8x200x64xf32, #tpu.memory_space<vmem>> -> memref<1x200x64xf32, #tpu.memory_space<vmem>>
        %swap3A_934 = tpu.memref_squeeze %swap3A_933 : memref<1x200x64xf32, #tpu.memory_space<vmem>> -> memref<200x64xf32, #tpu.memory_space<vmem>>
        %swap3A_935 = arith.index_cast %add3A_907 : i32 to index
        %swap3A_936 = arith.constant 32 : index
        %swap3A_937 = tpu.vector_load %swap3A_934[%swap3A_935, %swap3A_936] {strides = array<i32>} : memref<200x64xf32, #tpu.memory_space<vmem>>, vector<16xf32>,
        tpu.vector_store %swap3A_934[%swap3A_935, %swap3A_936], %get3A_930 {strides = array<i32>} : memref<200x64xf32, #tpu.memory_space<vmem>>, vector<16xf32>,
        %get3A_938 = arith.index_cast %add3A_907 : i32 to index
        %get3A_939 = arith.constant 48 : index
        %get3A_940 = tpu.vector_load %arg9[%get3A_938, %get3A_939] {strides = array<i32>} : memref<200x64xf32, #tpu.memory_space<vmem>>, vector<16xf32>,
        %swap3A_941 = arith.constant 0 : i32
        %swap3A_942 = arith.constant 0 : i32
        %swap3A_943 = tpu.memref_slice %arg8[%scan3A_61, %swap3A_941, %swap3A_942] : memref<8x200x64xf32, #tpu.memory_space<vmem>> -> memref<1x200x64xf32, #tpu.memory_space<vmem>>
        %swap3A_944 = tpu.memref_squeeze %swap3A_943 : memref<1x200x64xf32, #tpu.memory_space<vmem>> -> memref<200x64xf32, #tpu.memory_space<vmem>>
        %swap3A_945 = arith.index_cast %add3A_907 : i32 to index
        %swap3A_946 = arith.constant 48 : index
        %swap3A_947 = tpu.vector_load %swap3A_944[%swap3A_945, %swap3A_946] {strides = array<i32>} : memref<200x64xf32, #tpu.memory_space<vmem>>, vector<16xf32>,
        tpu.vector_store %swap3A_944[%swap3A_945, %swap3A_946], %get3A_940 {strides = array<i32>} : memref<200x64xf32, #tpu.memory_space<vmem>>, vector<16xf32>,
      }
      %scan3A_66 = arith.constant 200 : i32
      %scan3A_67 = arith.constant 3 : i32
      %scan3A_68 = arith.constant 0 : i32
      %scan3A_69 = arith.constant 200 : i32
      %scan3A_70 = arith.addi %scan3A_68, %scan3A_69 : i32
      %scan3A_71 = arith.constant 8 : i32
      scf.for %scan3A_583 = %scan3A_68 to %scan3A_70 step %scan3A_71  : i32 {
        %mul3A_584 = arith.constant 1 : i32
        %mul3A_585 = arith.muli %scan3A_583, %mul3A_584 : i32
        %add3A_586 = arith.constant 0 : i32
        %add3A_587 = arith.addi %add3A_586, %mul3A_585 : i32
        %get3A = arith.index_cast %add3A_587 : i32 to index
        %get3A_588 = arith.constant 0 : index
        %get3A_589 = tpu.vector_load %arg9[%get3A, %get3A_588] {strides = array<i32>} : memref<200x64xf32, #tpu.memory_space<vmem>>, vector<16xf32>,
        %swap3A = arith.constant 0 : i32
        %swap3A_590 = arith.constant 0 : i32
        %swap3A_591 = tpu.memref_slice %arg8[%scan3A_67, %swap3A, %swap3A_590] : memref<8x200x64xf32, #tpu.memory_space<vmem>> -> memref<1x200x64xf32, #tpu.memory_space<vmem>>
        %swap3A_592 = tpu.memref_squeeze %swap3A_591 : memref<1x200x64xf32, #tpu.memory_space<vmem>> -> memref<200x64xf32, #tpu.memory_space<vmem>>
        %swap3A_593 = arith.index_cast %add3A_587 : i32 to index
        %swap3A_594 = arith.constant 0 : index
        %swap3A_595 = tpu.vector_load %swap3A_592[%swap3A_593, %swap3A_594] {strides = array<i32>} : memref<200x64xf32, #tpu.memory_space<vmem>>, vector<16xf32>,
        tpu.vector_store %swap3A_592[%swap3A_593, %swap3A_594], %get3A_589 {strides = array<i32>} : memref<200x64xf32, #tpu.memory_space<vmem>>, vector<16xf32>,
        %get3A_596 = arith.index_cast %add3A_587 : i32 to index
        %get3A_597 = arith.constant 16 : index
        %get3A_598 = tpu.vector_load %arg9[%get3A_596, %get3A_597] {strides = array<i32>} : memref<200x64xf32, #tpu.memory_space<vmem>>, vector<16xf32>,
        %swap3A_599 = arith.constant 0 : i32
        %swap3A_600 = arith.constant 0 : i32
        %swap3A_601 = tpu.memref_slice %arg8[%scan3A_67, %swap3A_599, %swap3A_600] : memref<8x200x64xf32, #tpu.memory_space<vmem>> -> memref<1x200x64xf32, #tpu.memory_space<vmem>>
        %swap3A_602 = tpu.memref_squeeze %swap3A_601 : memref<1x200x64xf32, #tpu.memory_space<vmem>> -> memref<200x64xf32, #tpu.memory_space<vmem>>
        %swap3A_603 = arith.index_cast %add3A_587 : i32 to index
        %swap3A_604 = arith.constant 16 : index
        %swap3A_605 = tpu.vector_load %swap3A_602[%swap3A_603, %swap3A_604] {strides = array<i32>} : memref<200x64xf32, #tpu.memory_space<vmem>>, vector<16xf32>,
        tpu.vector_store %swap3A_602[%swap3A_603, %swap3A_604], %get3A_598 {strides = array<i32>} : memref<200x64xf32, #tpu.memory_space<vmem>>, vector<16xf32>,
        %get3A_606 = arith.index_cast %add3A_587 : i32 to index
        %get3A_607 = arith.constant 32 : index
        %get3A_608 = tpu.vector_load %arg9[%get3A_606, %get3A_607] {strides = array<i32>} : memref<200x64xf32, #tpu.memory_space<vmem>>, vector<16xf32>,
        %swap3A_609 = arith.constant 0 : i32
        %swap3A_610 = arith.constant 0 : i32
        %swap3A_611 = tpu.memref_slice %arg8[%scan3A_67, %swap3A_609, %swap3A_610] : memref<8x200x64xf32, #tpu.memory_space<vmem>> -> memref<1x200x64xf32, #tpu.memory_space<vmem>>
        %swap3A_612 = tpu.memref_squeeze %swap3A_611 : memref<1x200x64xf32, #tpu.memory_space<vmem>> -> memref<200x64xf32, #tpu.memory_space<vmem>>
        %swap3A_613 = arith.index_cast %add3A_587 : i32 to index
        %swap3A_614 = arith.constant 32 : index
        %swap3A_615 = tpu.vector_load %swap3A_612[%swap3A_613, %swap3A_614] {strides = array<i32>} : memref<200x64xf32, #tpu.memory_space<vmem>>, vector<16xf32>,
        tpu.vector_store %swap3A_612[%swap3A_613, %swap3A_614], %get3A_608 {strides = array<i32>} : memref<200x64xf32, #tpu.memory_space<vmem>>, vector<16xf32>,
        %get3A_616 = arith.index_cast %add3A_587 : i32 to index
        %get3A_617 = arith.constant 48 : index
        %get3A_618 = tpu.vector_load %arg9[%get3A_616, %get3A_617] {strides = array<i32>} : memref<200x64xf32, #tpu.memory_space<vmem>>, vector<16xf32>,
        %swap3A_619 = arith.constant 0 : i32
        %swap3A_620 = arith.constant 0 : i32
        %swap3A_621 = tpu.memref_slice %arg8[%scan3A_67, %swap3A_619, %swap3A_620] : memref<8x200x64xf32, #tpu.memory_space<vmem>> -> memref<1x200x64xf32, #tpu.memory_space<vmem>>
        %swap3A_622 = tpu.memref_squeeze %swap3A_621 : memref<1x200x64xf32, #tpu.memory_space<vmem>> -> memref<200x64xf32, #tpu.memory_space<vmem>>
        %swap3A_623 = arith.index_cast %add3A_587 : i32 to index
        %swap3A_624 = arith.constant 48 : index
        %swap3A_625 = tpu.vector_load %swap3A_622[%swap3A_623, %swap3A_624] {strides = array<i32>} : memref<200x64xf32, #tpu.memory_space<vmem>>, vector<16xf32>,
        tpu.vector_store %swap3A_622[%swap3A_623, %swap3A_624], %get3A_618 {strides = array<i32>} : memref<200x64xf32, #tpu.memory_space<vmem>>, vector<16xf32>,
        %scan3A_626 = arith.constant 1 : i32
        %scan3A_627 = arith.addi %scan3A_583, %scan3A_626 : i32
        %mul3A_628 = arith.constant 1 : i32
        %mul3A_629 = arith.muli %scan3A_627, %mul3A_628 : i32
        %add3A_630 = arith.constant 0 : i32
        %add3A_631 = arith.addi %add3A_630, %mul3A_629 : i32
        %get3A_632 = arith.index_cast %add3A_631 : i32 to index
        %get3A_633 = arith.constant 0 : index
        %get3A_634 = tpu.vector_load %arg9[%get3A_632, %get3A_633] {strides = array<i32>} : memref<200x64xf32, #tpu.memory_space<vmem>>, vector<16xf32>,
        %swap3A_635 = arith.constant 0 : i32
        %swap3A_636 = arith.constant 0 : i32
        %swap3A_637 = tpu.memref_slice %arg8[%scan3A_67, %swap3A_635, %swap3A_636] : memref<8x200x64xf32, #tpu.memory_space<vmem>> -> memref<1x200x64xf32, #tpu.memory_space<vmem>>
        %swap3A_638 = tpu.memref_squeeze %swap3A_637 : memref<1x200x64xf32, #tpu.memory_space<vmem>> -> memref<200x64xf32, #tpu.memory_space<vmem>>
        %swap3A_639 = arith.index_cast %add3A_631 : i32 to index
        %swap3A_640 = arith.constant 0 : index
        %swap3A_641 = tpu.vector_load %swap3A_638[%swap3A_639, %swap3A_640] {strides = array<i32>} : memref<200x64xf32, #tpu.memory_space<vmem>>, vector<16xf32>,
        tpu.vector_store %swap3A_638[%swap3A_639, %swap3A_640], %get3A_634 {strides = array<i32>} : memref<200x64xf32, #tpu.memory_space<vmem>>, vector<16xf32>,
        %get3A_642 = arith.index_cast %add3A_631 : i32 to index
        %get3A_643 = arith.constant 16 : index
        %get3A_644 = tpu.vector_load %arg9[%get3A_642, %get3A_643] {strides = array<i32>} : memref<200x64xf32, #tpu.memory_space<vmem>>, vector<16xf32>,
        %swap3A_645 = arith.constant 0 : i32
        %swap3A_646 = arith.constant 0 : i32
        %swap3A_647 = tpu.memref_slice %arg8[%scan3A_67, %swap3A_645, %swap3A_646] : memref<8x200x64xf32, #tpu.memory_space<vmem>> -> memref<1x200x64xf32, #tpu.memory_space<vmem>>
        %swap3A_648 = tpu.memref_squeeze %swap3A_647 : memref<1x200x64xf32, #tpu.memory_space<vmem>> -> memref<200x64xf32, #tpu.memory_space<vmem>>
        %swap3A_649 = arith.index_cast %add3A_631 : i32 to index
        %swap3A_650 = arith.constant 16 : index
        %swap3A_651 = tpu.vector_load %swap3A_648[%swap3A_649, %swap3A_650] {strides = array<i32>} : memref<200x64xf32, #tpu.memory_space<vmem>>, vector<16xf32>,
        tpu.vector_store %swap3A_648[%swap3A_649, %swap3A_650], %get3A_644 {strides = array<i32>} : memref<200x64xf32, #tpu.memory_space<vmem>>, vector<16xf32>,
        %get3A_652 = arith.index_cast %add3A_631 : i32 to index
        %get3A_653 = arith.constant 32 : index
        %get3A_654 = tpu.vector_load %arg9[%get3A_652, %get3A_653] {strides = array<i32>} : memref<200x64xf32, #tpu.memory_space<vmem>>, vector<16xf32>,
        %swap3A_655 = arith.constant 0 : i32
        %swap3A_656 = arith.constant 0 : i32
        %swap3A_657 = tpu.memref_slice %arg8[%scan3A_67, %swap3A_655, %swap3A_656] : memref<8x200x64xf32, #tpu.memory_space<vmem>> -> memref<1x200x64xf32, #tpu.memory_space<vmem>>
        %swap3A_658 = tpu.memref_squeeze %swap3A_657 : memref<1x200x64xf32, #tpu.memory_space<vmem>> -> memref<200x64xf32, #tpu.memory_space<vmem>>
        %swap3A_659 = arith.index_cast %add3A_631 : i32 to index
        %swap3A_660 = arith.constant 32 : index
        %swap3A_661 = tpu.vector_load %swap3A_658[%swap3A_659, %swap3A_660] {strides = array<i32>} : memref<200x64xf32, #tpu.memory_space<vmem>>, vector<16xf32>,
        tpu.vector_store %swap3A_658[%swap3A_659, %swap3A_660], %get3A_654 {strides = array<i32>} : memref<200x64xf32, #tpu.memory_space<vmem>>, vector<16xf32>,
        %get3A_662 = arith.index_cast %add3A_631 : i32 to index
        %get3A_663 = arith.constant 48 : index
        %get3A_664 = tpu.vector_load %arg9[%get3A_662, %get3A_663] {strides = array<i32>} : memref<200x64xf32, #tpu.memory_space<vmem>>, vector<16xf32>,
        %swap3A_665 = arith.constant 0 : i32
        %swap3A_666 = arith.constant 0 : i32
        %swap3A_667 = tpu.memref_slice %arg8[%scan3A_67, %swap3A_665, %swap3A_666] : memref<8x200x64xf32, #tpu.memory_space<vmem>> -> memref<1x200x64xf32, #tpu.memory_space<vmem>>
        %swap3A_668 = tpu.memref_squeeze %swap3A_667 : memref<1x200x64xf32, #tpu.memory_space<vmem>> -> memref<200x64xf32, #tpu.memory_space<vmem>>
        %swap3A_669 = arith.index_cast %add3A_631 : i32 to index
        %swap3A_670 = arith.constant 48 : index
        %swap3A_671 = tpu.vector_load %swap3A_668[%swap3A_669, %swap3A_670] {strides = array<i32>} : memref<200x64xf32, #tpu.memory_space<vmem>>, vector<16xf32>,
        tpu.vector_store %swap3A_668[%swap3A_669, %swap3A_670], %get3A_664 {strides = array<i32>} : memref<200x64xf32, #tpu.memory_space<vmem>>, vector<16xf32>,
        %scan3A_672 = arith.constant 2 : i32
        %scan3A_673 = arith.addi %scan3A_583, %scan3A_672 : i32
        %mul3A_674 = arith.constant 1 : i32
        %mul3A_675 = arith.muli %scan3A_673, %mul3A_674 : i32
        %add3A_676 = arith.constant 0 : i32
        %add3A_677 = arith.addi %add3A_676, %mul3A_675 : i32
        %get3A_678 = arith.index_cast %add3A_677 : i32 to index
        %get3A_679 = arith.constant 0 : index
        %get3A_680 = tpu.vector_load %arg9[%get3A_678, %get3A_679] {strides = array<i32>} : memref<200x64xf32, #tpu.memory_space<vmem>>, vector<16xf32>,
        %swap3A_681 = arith.constant 0 : i32
        %swap3A_682 = arith.constant 0 : i32
        %swap3A_683 = tpu.memref_slice %arg8[%scan3A_67, %swap3A_681, %swap3A_682] : memref<8x200x64xf32, #tpu.memory_space<vmem>> -> memref<1x200x64xf32, #tpu.memory_space<vmem>>
        %swap3A_684 = tpu.memref_squeeze %swap3A_683 : memref<1x200x64xf32, #tpu.memory_space<vmem>> -> memref<200x64xf32, #tpu.memory_space<vmem>>
        %swap3A_685 = arith.index_cast %add3A_677 : i32 to index
        %swap3A_686 = arith.constant 0 : index
        %swap3A_687 = tpu.vector_load %swap3A_684[%swap3A_685, %swap3A_686] {strides = array<i32>} : memref<200x64xf32, #tpu.memory_space<vmem>>, vector<16xf32>,
        tpu.vector_store %swap3A_684[%swap3A_685, %swap3A_686], %get3A_680 {strides = array<i32>} : memref<200x64xf32, #tpu.memory_space<vmem>>, vector<16xf32>,
        %get3A_688 = arith.index_cast %add3A_677 : i32 to index
        %get3A_689 = arith.constant 16 : index
        %get3A_690 = tpu.vector_load %arg9[%get3A_688, %get3A_689] {strides = array<i32>} : memref<200x64xf32, #tpu.memory_space<vmem>>, vector<16xf32>,
        %swap3A_691 = arith.constant 0 : i32
        %swap3A_692 = arith.constant 0 : i32
        %swap3A_693 = tpu.memref_slice %arg8[%scan3A_67, %swap3A_691, %swap3A_692] : memref<8x200x64xf32, #tpu.memory_space<vmem>> -> memref<1x200x64xf32, #tpu.memory_space<vmem>>
        %swap3A_694 = tpu.memref_squeeze %swap3A_693 : memref<1x200x64xf32, #tpu.memory_space<vmem>> -> memref<200x64xf32, #tpu.memory_space<vmem>>
        %swap3A_695 = arith.index_cast %add3A_677 : i32 to index
        %swap3A_696 = arith.constant 16 : index
        %swap3A_697 = tpu.vector_load %swap3A_694[%swap3A_695, %swap3A_696] {strides = array<i32>} : memref<200x64xf32, #tpu.memory_space<vmem>>, vector<16xf32>,
        tpu.vector_store %swap3A_694[%swap3A_695, %swap3A_696], %get3A_690 {strides = array<i32>} : memref<200x64xf32, #tpu.memory_space<vmem>>, vector<16xf32>,
        %get3A_698 = arith.index_cast %add3A_677 : i32 to index
        %get3A_699 = arith.constant 32 : index
        %get3A_700 = tpu.vector_load %arg9[%get3A_698, %get3A_699] {strides = array<i32>} : memref<200x64xf32, #tpu.memory_space<vmem>>, vector<16xf32>,
        %swap3A_701 = arith.constant 0 : i32
        %swap3A_702 = arith.constant 0 : i32
        %swap3A_703 = tpu.memref_slice %arg8[%scan3A_67, %swap3A_701, %swap3A_702] : memref<8x200x64xf32, #tpu.memory_space<vmem>> -> memref<1x200x64xf32, #tpu.memory_space<vmem>>
        %swap3A_704 = tpu.memref_squeeze %swap3A_703 : memref<1x200x64xf32, #tpu.memory_space<vmem>> -> memref<200x64xf32, #tpu.memory_space<vmem>>
        %swap3A_705 = arith.index_cast %add3A_677 : i32 to index
        %swap3A_706 = arith.constant 32 : index
        %swap3A_707 = tpu.vector_load %swap3A_704[%swap3A_705, %swap3A_706] {strides = array<i32>} : memref<200x64xf32, #tpu.memory_space<vmem>>, vector<16xf32>,
        tpu.vector_store %swap3A_704[%swap3A_705, %swap3A_706], %get3A_700 {strides = array<i32>} : memref<200x64xf32, #tpu.memory_space<vmem>>, vector<16xf32>,
        %get3A_708 = arith.index_cast %add3A_677 : i32 to index
        %get3A_709 = arith.constant 48 : index
        %get3A_710 = tpu.vector_load %arg9[%get3A_708, %get3A_709] {strides = array<i32>} : memref<200x64xf32, #tpu.memory_space<vmem>>, vector<16xf32>,
        %swap3A_711 = arith.constant 0 : i32
        %swap3A_712 = arith.constant 0 : i32
        %swap3A_713 = tpu.memref_slice %arg8[%scan3A_67, %swap3A_711, %swap3A_712] : memref<8x200x64xf32, #tpu.memory_space<vmem>> -> memref<1x200x64xf32, #tpu.memory_space<vmem>>
        %swap3A_714 = tpu.memref_squeeze %swap3A_713 : memref<1x200x64xf32, #tpu.memory_space<vmem>> -> memref<200x64xf32, #tpu.memory_space<vmem>>
        %swap3A_715 = arith.index_cast %add3A_677 : i32 to index
        %swap3A_716 = arith.constant 48 : index
        %swap3A_717 = tpu.vector_load %swap3A_714[%swap3A_715, %swap3A_716] {strides = array<i32>} : memref<200x64xf32, #tpu.memory_space<vmem>>, vector<16xf32>,
        tpu.vector_store %swap3A_714[%swap3A_715, %swap3A_716], %get3A_710 {strides = array<i32>} : memref<200x64xf32, #tpu.memory_space<vmem>>, vector<16xf32>,
        %scan3A_718 = arith.constant 3 : i32
        %scan3A_719 = arith.addi %scan3A_583, %scan3A_718 : i32
        %mul3A_720 = arith.constant 1 : i32
        %mul3A_721 = arith.muli %scan3A_719, %mul3A_720 : i32
        %add3A_722 = arith.constant 0 : i32
        %add3A_723 = arith.addi %add3A_722, %mul3A_721 : i32
        %get3A_724 = arith.index_cast %add3A_723 : i32 to index
        %get3A_725 = arith.constant 0 : index
        %get3A_726 = tpu.vector_load %arg9[%get3A_724, %get3A_725] {strides = array<i32>} : memref<200x64xf32, #tpu.memory_space<vmem>>, vector<16xf32>,
        %swap3A_727 = arith.constant 0 : i32
        %swap3A_728 = arith.constant 0 : i32
        %swap3A_729 = tpu.memref_slice %arg8[%scan3A_67, %swap3A_727, %swap3A_728] : memref<8x200x64xf32, #tpu.memory_space<vmem>> -> memref<1x200x64xf32, #tpu.memory_space<vmem>>
        %swap3A_730 = tpu.memref_squeeze %swap3A_729 : memref<1x200x64xf32, #tpu.memory_space<vmem>> -> memref<200x64xf32, #tpu.memory_space<vmem>>
        %swap3A_731 = arith.index_cast %add3A_723 : i32 to index
        %swap3A_732 = arith.constant 0 : index
        %swap3A_733 = tpu.vector_load %swap3A_730[%swap3A_731, %swap3A_732] {strides = array<i32>} : memref<200x64xf32, #tpu.memory_space<vmem>>, vector<16xf32>,
        tpu.vector_store %swap3A_730[%swap3A_731, %swap3A_732], %get3A_726 {strides = array<i32>} : memref<200x64xf32, #tpu.memory_space<vmem>>, vector<16xf32>,
        %get3A_734 = arith.index_cast %add3A_723 : i32 to index
        %get3A_735 = arith.constant 16 : index
        %get3A_736 = tpu.vector_load %arg9[%get3A_734, %get3A_735] {strides = array<i32>} : memref<200x64xf32, #tpu.memory_space<vmem>>, vector<16xf32>,
        %swap3A_737 = arith.constant 0 : i32
        %swap3A_738 = arith.constant 0 : i32
        %swap3A_739 = tpu.memref_slice %arg8[%scan3A_67, %swap3A_737, %swap3A_738] : memref<8x200x64xf32, #tpu.memory_space<vmem>> -> memref<1x200x64xf32, #tpu.memory_space<vmem>>
        %swap3A_740 = tpu.memref_squeeze %swap3A_739 : memref<1x200x64xf32, #tpu.memory_space<vmem>> -> memref<200x64xf32, #tpu.memory_space<vmem>>
        %swap3A_741 = arith.index_cast %add3A_723 : i32 to index
        %swap3A_742 = arith.constant 16 : index
        %swap3A_743 = tpu.vector_load %swap3A_740[%swap3A_741, %swap3A_742] {strides = array<i32>} : memref<200x64xf32, #tpu.memory_space<vmem>>, vector<16xf32>,
        tpu.vector_store %swap3A_740[%swap3A_741, %swap3A_742], %get3A_736 {strides = array<i32>} : memref<200x64xf32, #tpu.memory_space<vmem>>, vector<16xf32>,
        %get3A_744 = arith.index_cast %add3A_723 : i32 to index
        %get3A_745 = arith.constant 32 : index
        %get3A_746 = tpu.vector_load %arg9[%get3A_744, %get3A_745] {strides = array<i32>} : memref<200x64xf32, #tpu.memory_space<vmem>>, vector<16xf32>,
        %swap3A_747 = arith.constant 0 : i32
        %swap3A_748 = arith.constant 0 : i32
        %swap3A_749 = tpu.memref_slice %arg8[%scan3A_67, %swap3A_747, %swap3A_748] : memref<8x200x64xf32, #tpu.memory_space<vmem>> -> memref<1x200x64xf32, #tpu.memory_space<vmem>>
        %swap3A_750 = tpu.memref_squeeze %swap3A_749 : memref<1x200x64xf32, #tpu.memory_space<vmem>> -> memref<200x64xf32, #tpu.memory_space<vmem>>
        %swap3A_751 = arith.index_cast %add3A_723 : i32 to index
        %swap3A_752 = arith.constant 32 : index
        %swap3A_753 = tpu.vector_load %swap3A_750[%swap3A_751, %swap3A_752] {strides = array<i32>} : memref<200x64xf32, #tpu.memory_space<vmem>>, vector<16xf32>,
        tpu.vector_store %swap3A_750[%swap3A_751, %swap3A_752], %get3A_746 {strides = array<i32>} : memref<200x64xf32, #tpu.memory_space<vmem>>, vector<16xf32>,
        %get3A_754 = arith.index_cast %add3A_723 : i32 to index
        %get3A_755 = arith.constant 48 : index
        %get3A_756 = tpu.vector_load %arg9[%get3A_754, %get3A_755] {strides = array<i32>} : memref<200x64xf32, #tpu.memory_space<vmem>>, vector<16xf32>,
        %swap3A_757 = arith.constant 0 : i32
        %swap3A_758 = arith.constant 0 : i32
        %swap3A_759 = tpu.memref_slice %arg8[%scan3A_67, %swap3A_757, %swap3A_758] : memref<8x200x64xf32, #tpu.memory_space<vmem>> -> memref<1x200x64xf32, #tpu.memory_space<vmem>>
        %swap3A_760 = tpu.memref_squeeze %swap3A_759 : memref<1x200x64xf32, #tpu.memory_space<vmem>> -> memref<200x64xf32, #tpu.memory_space<vmem>>
        %swap3A_761 = arith.index_cast %add3A_723 : i32 to index
        %swap3A_762 = arith.constant 48 : index
        %swap3A_763 = tpu.vector_load %swap3A_760[%swap3A_761, %swap3A_762] {strides = array<i32>} : memref<200x64xf32, #tpu.memory_space<vmem>>, vector<16xf32>,
        tpu.vector_store %swap3A_760[%swap3A_761, %swap3A_762], %get3A_756 {strides = array<i32>} : memref<200x64xf32, #tpu.memory_space<vmem>>, vector<16xf32>,
        %scan3A_764 = arith.constant 4 : i32
        %scan3A_765 = arith.addi %scan3A_583, %scan3A_764 : i32
        %mul3A_766 = arith.constant 1 : i32
        %mul3A_767 = arith.muli %scan3A_765, %mul3A_766 : i32
        %add3A_768 = arith.constant 0 : i32
        %add3A_769 = arith.addi %add3A_768, %mul3A_767 : i32
        %get3A_770 = arith.index_cast %add3A_769 : i32 to index
        %get3A_771 = arith.constant 0 : index
        %get3A_772 = tpu.vector_load %arg9[%get3A_770, %get3A_771] {strides = array<i32>} : memref<200x64xf32, #tpu.memory_space<vmem>>, vector<16xf32>,
        %swap3A_773 = arith.constant 0 : i32
        %swap3A_774 = arith.constant 0 : i32
        %swap3A_775 = tpu.memref_slice %arg8[%scan3A_67, %swap3A_773, %swap3A_774] : memref<8x200x64xf32, #tpu.memory_space<vmem>> -> memref<1x200x64xf32, #tpu.memory_space<vmem>>
        %swap3A_776 = tpu.memref_squeeze %swap3A_775 : memref<1x200x64xf32, #tpu.memory_space<vmem>> -> memref<200x64xf32, #tpu.memory_space<vmem>>
        %swap3A_777 = arith.index_cast %add3A_769 : i32 to index
        %swap3A_778 = arith.constant 0 : index
        %swap3A_779 = tpu.vector_load %swap3A_776[%swap3A_777, %swap3A_778] {strides = array<i32>} : memref<200x64xf32, #tpu.memory_space<vmem>>, vector<16xf32>,
        tpu.vector_store %swap3A_776[%swap3A_777, %swap3A_778], %get3A_772 {strides = array<i32>} : memref<200x64xf32, #tpu.memory_space<vmem>>, vector<16xf32>,
        %get3A_780 = arith.index_cast %add3A_769 : i32 to index
        %get3A_781 = arith.constant 16 : index
        %get3A_782 = tpu.vector_load %arg9[%get3A_780, %get3A_781] {strides = array<i32>} : memref<200x64xf32, #tpu.memory_space<vmem>>, vector<16xf32>,
        %swap3A_783 = arith.constant 0 : i32
        %swap3A_784 = arith.constant 0 : i32
        %swap3A_785 = tpu.memref_slice %arg8[%scan3A_67, %swap3A_783, %swap3A_784] : memref<8x200x64xf32, #tpu.memory_space<vmem>> -> memref<1x200x64xf32, #tpu.memory_space<vmem>>
        %swap3A_786 = tpu.memref_squeeze %swap3A_785 : memref<1x200x64xf32, #tpu.memory_space<vmem>> -> memref<200x64xf32, #tpu.memory_space<vmem>>
        %swap3A_787 = arith.index_cast %add3A_769 : i32 to index
        %swap3A_788 = arith.constant 16 : index
        %swap3A_789 = tpu.vector_load %swap3A_786[%swap3A_787, %swap3A_788] {strides = array<i32>} : memref<200x64xf32, #tpu.memory_space<vmem>>, vector<16xf32>,
        tpu.vector_store %swap3A_786[%swap3A_787, %swap3A_788], %get3A_782 {strides = array<i32>} : memref<200x64xf32, #tpu.memory_space<vmem>>, vector<16xf32>,
        %get3A_790 = arith.index_cast %add3A_769 : i32 to index
        %get3A_791 = arith.constant 32 : index
        %get3A_792 = tpu.vector_load %arg9[%get3A_790, %get3A_791] {strides = array<i32>} : memref<200x64xf32, #tpu.memory_space<vmem>>, vector<16xf32>,
        %swap3A_793 = arith.constant 0 : i32
        %swap3A_794 = arith.constant 0 : i32
        %swap3A_795 = tpu.memref_slice %arg8[%scan3A_67, %swap3A_793, %swap3A_794] : memref<8x200x64xf32, #tpu.memory_space<vmem>> -> memref<1x200x64xf32, #tpu.memory_space<vmem>>
        %swap3A_796 = tpu.memref_squeeze %swap3A_795 : memref<1x200x64xf32, #tpu.memory_space<vmem>> -> memref<200x64xf32, #tpu.memory_space<vmem>>
        %swap3A_797 = arith.index_cast %add3A_769 : i32 to index
        %swap3A_798 = arith.constant 32 : index
        %swap3A_799 = tpu.vector_load %swap3A_796[%swap3A_797, %swap3A_798] {strides = array<i32>} : memref<200x64xf32, #tpu.memory_space<vmem>>, vector<16xf32>,
        tpu.vector_store %swap3A_796[%swap3A_797, %swap3A_798], %get3A_792 {strides = array<i32>} : memref<200x64xf32, #tpu.memory_space<vmem>>, vector<16xf32>,
        %get3A_800 = arith.index_cast %add3A_769 : i32 to index
        %get3A_801 = arith.constant 48 : index
        %get3A_802 = tpu.vector_load %arg9[%get3A_800, %get3A_801] {strides = array<i32>} : memref<200x64xf32, #tpu.memory_space<vmem>>, vector<16xf32>,
        %swap3A_803 = arith.constant 0 : i32
        %swap3A_804 = arith.constant 0 : i32
        %swap3A_805 = tpu.memref_slice %arg8[%scan3A_67, %swap3A_803, %swap3A_804] : memref<8x200x64xf32, #tpu.memory_space<vmem>> -> memref<1x200x64xf32, #tpu.memory_space<vmem>>
        %swap3A_806 = tpu.memref_squeeze %swap3A_805 : memref<1x200x64xf32, #tpu.memory_space<vmem>> -> memref<200x64xf32, #tpu.memory_space<vmem>>
        %swap3A_807 = arith.index_cast %add3A_769 : i32 to index
        %swap3A_808 = arith.constant 48 : index
        %swap3A_809 = tpu.vector_load %swap3A_806[%swap3A_807, %swap3A_808] {strides = array<i32>} : memref<200x64xf32, #tpu.memory_space<vmem>>, vector<16xf32>,
        tpu.vector_store %swap3A_806[%swap3A_807, %swap3A_808], %get3A_802 {strides = array<i32>} : memref<200x64xf32, #tpu.memory_space<vmem>>, vector<16xf32>,
        %scan3A_810 = arith.constant 5 : i32
        %scan3A_811 = arith.addi %scan3A_583, %scan3A_810 : i32
        %mul3A_812 = arith.constant 1 : i32
        %mul3A_813 = arith.muli %scan3A_811, %mul3A_812 : i32
        %add3A_814 = arith.constant 0 : i32
        %add3A_815 = arith.addi %add3A_814, %mul3A_813 : i32
        %get3A_816 = arith.index_cast %add3A_815 : i32 to index
        %get3A_817 = arith.constant 0 : index
        %get3A_818 = tpu.vector_load %arg9[%get3A_816, %get3A_817] {strides = array<i32>} : memref<200x64xf32, #tpu.memory_space<vmem>>, vector<16xf32>,
        %swap3A_819 = arith.constant 0 : i32
        %swap3A_820 = arith.constant 0 : i32
        %swap3A_821 = tpu.memref_slice %arg8[%scan3A_67, %swap3A_819, %swap3A_820] : memref<8x200x64xf32, #tpu.memory_space<vmem>> -> memref<1x200x64xf32, #tpu.memory_space<vmem>>
        %swap3A_822 = tpu.memref_squeeze %swap3A_821 : memref<1x200x64xf32, #tpu.memory_space<vmem>> -> memref<200x64xf32, #tpu.memory_space<vmem>>
        %swap3A_823 = arith.index_cast %add3A_815 : i32 to index
        %swap3A_824 = arith.constant 0 : index
        %swap3A_825 = tpu.vector_load %swap3A_822[%swap3A_823, %swap3A_824] {strides = array<i32>} : memref<200x64xf32, #tpu.memory_space<vmem>>, vector<16xf32>,
        tpu.vector_store %swap3A_822[%swap3A_823, %swap3A_824], %get3A_818 {strides = array<i32>} : memref<200x64xf32, #tpu.memory_space<vmem>>, vector<16xf32>,
        %get3A_826 = arith.index_cast %add3A_815 : i32 to index
        %get3A_827 = arith.constant 16 : index
        %get3A_828 = tpu.vector_load %arg9[%get3A_826, %get3A_827] {strides = array<i32>} : memref<200x64xf32, #tpu.memory_space<vmem>>, vector<16xf32>,
        %swap3A_829 = arith.constant 0 : i32
        %swap3A_830 = arith.constant 0 : i32
        %swap3A_831 = tpu.memref_slice %arg8[%scan3A_67, %swap3A_829, %swap3A_830] : memref<8x200x64xf32, #tpu.memory_space<vmem>> -> memref<1x200x64xf32, #tpu.memory_space<vmem>>
        %swap3A_832 = tpu.memref_squeeze %swap3A_831 : memref<1x200x64xf32, #tpu.memory_space<vmem>> -> memref<200x64xf32, #tpu.memory_space<vmem>>
        %swap3A_833 = arith.index_cast %add3A_815 : i32 to index
        %swap3A_834 = arith.constant 16 : index
        %swap3A_835 = tpu.vector_load %swap3A_832[%swap3A_833, %swap3A_834] {strides = array<i32>} : memref<200x64xf32, #tpu.memory_space<vmem>>, vector<16xf32>,
        tpu.vector_store %swap3A_832[%swap3A_833, %swap3A_834], %get3A_828 {strides = array<i32>} : memref<200x64xf32, #tpu.memory_space<vmem>>, vector<16xf32>,
        %get3A_836 = arith.index_cast %add3A_815 : i32 to index
        %get3A_837 = arith.constant 32 : index
        %get3A_838 = tpu.vector_load %arg9[%get3A_836, %get3A_837] {strides = array<i32>} : memref<200x64xf32, #tpu.memory_space<vmem>>, vector<16xf32>,
        %swap3A_839 = arith.constant 0 : i32
        %swap3A_840 = arith.constant 0 : i32
        %swap3A_841 = tpu.memref_slice %arg8[%scan3A_67, %swap3A_839, %swap3A_840] : memref<8x200x64xf32, #tpu.memory_space<vmem>> -> memref<1x200x64xf32, #tpu.memory_space<vmem>>
        %swap3A_842 = tpu.memref_squeeze %swap3A_841 : memref<1x200x64xf32, #tpu.memory_space<vmem>> -> memref<200x64xf32, #tpu.memory_space<vmem>>
        %swap3A_843 = arith.index_cast %add3A_815 : i32 to index
        %swap3A_844 = arith.constant 32 : index
        %swap3A_845 = tpu.vector_load %swap3A_842[%swap3A_843, %swap3A_844] {strides = array<i32>} : memref<200x64xf32, #tpu.memory_space<vmem>>, vector<16xf32>,
        tpu.vector_store %swap3A_842[%swap3A_843, %swap3A_844], %get3A_838 {strides = array<i32>} : memref<200x64xf32, #tpu.memory_space<vmem>>, vector<16xf32>,
        %get3A_846 = arith.index_cast %add3A_815 : i32 to index
        %get3A_847 = arith.constant 48 : index
        %get3A_848 = tpu.vector_load %arg9[%get3A_846, %get3A_847] {strides = array<i32>} : memref<200x64xf32, #tpu.memory_space<vmem>>, vector<16xf32>,
        %swap3A_849 = arith.constant 0 : i32
        %swap3A_850 = arith.constant 0 : i32
        %swap3A_851 = tpu.memref_slice %arg8[%scan3A_67, %swap3A_849, %swap3A_850] : memref<8x200x64xf32, #tpu.memory_space<vmem>> -> memref<1x200x64xf32, #tpu.memory_space<vmem>>
        %swap3A_852 = tpu.memref_squeeze %swap3A_851 : memref<1x200x64xf32, #tpu.memory_space<vmem>> -> memref<200x64xf32, #tpu.memory_space<vmem>>
        %swap3A_853 = arith.index_cast %add3A_815 : i32 to index
        %swap3A_854 = arith.constant 48 : index
        %swap3A_855 = tpu.vector_load %swap3A_852[%swap3A_853, %swap3A_854] {strides = array<i32>} : memref<200x64xf32, #tpu.memory_space<vmem>>, vector<16xf32>,
        tpu.vector_store %swap3A_852[%swap3A_853, %swap3A_854], %get3A_848 {strides = array<i32>} : memref<200x64xf32, #tpu.memory_space<vmem>>, vector<16xf32>,
        %scan3A_856 = arith.constant 6 : i32
        %scan3A_857 = arith.addi %scan3A_583, %scan3A_856 : i32
        %mul3A_858 = arith.constant 1 : i32
        %mul3A_859 = arith.muli %scan3A_857, %mul3A_858 : i32
        %add3A_860 = arith.constant 0 : i32
        %add3A_861 = arith.addi %add3A_860, %mul3A_859 : i32
        %get3A_862 = arith.index_cast %add3A_861 : i32 to index
        %get3A_863 = arith.constant 0 : index
        %get3A_864 = tpu.vector_load %arg9[%get3A_862, %get3A_863] {strides = array<i32>} : memref<200x64xf32, #tpu.memory_space<vmem>>, vector<16xf32>,
        %swap3A_865 = arith.constant 0 : i32
        %swap3A_866 = arith.constant 0 : i32
        %swap3A_867 = tpu.memref_slice %arg8[%scan3A_67, %swap3A_865, %swap3A_866] : memref<8x200x64xf32, #tpu.memory_space<vmem>> -> memref<1x200x64xf32, #tpu.memory_space<vmem>>
        %swap3A_868 = tpu.memref_squeeze %swap3A_867 : memref<1x200x64xf32, #tpu.memory_space<vmem>> -> memref<200x64xf32, #tpu.memory_space<vmem>>
        %swap3A_869 = arith.index_cast %add3A_861 : i32 to index
        %swap3A_870 = arith.constant 0 : index
        %swap3A_871 = tpu.vector_load %swap3A_868[%swap3A_869, %swap3A_870] {strides = array<i32>} : memref<200x64xf32, #tpu.memory_space<vmem>>, vector<16xf32>,
        tpu.vector_store %swap3A_868[%swap3A_869, %swap3A_870], %get3A_864 {strides = array<i32>} : memref<200x64xf32, #tpu.memory_space<vmem>>, vector<16xf32>,
        %get3A_872 = arith.index_cast %add3A_861 : i32 to index
        %get3A_873 = arith.constant 16 : index
        %get3A_874 = tpu.vector_load %arg9[%get3A_872, %get3A_873] {strides = array<i32>} : memref<200x64xf32, #tpu.memory_space<vmem>>, vector<16xf32>,
        %swap3A_875 = arith.constant 0 : i32
        %swap3A_876 = arith.constant 0 : i32
        %swap3A_877 = tpu.memref_slice %arg8[%scan3A_67, %swap3A_875, %swap3A_876] : memref<8x200x64xf32, #tpu.memory_space<vmem>> -> memref<1x200x64xf32, #tpu.memory_space<vmem>>
        %swap3A_878 = tpu.memref_squeeze %swap3A_877 : memref<1x200x64xf32, #tpu.memory_space<vmem>> -> memref<200x64xf32, #tpu.memory_space<vmem>>
        %swap3A_879 = arith.index_cast %add3A_861 : i32 to index
        %swap3A_880 = arith.constant 16 : index
        %swap3A_881 = tpu.vector_load %swap3A_878[%swap3A_879, %swap3A_880] {strides = array<i32>} : memref<200x64xf32, #tpu.memory_space<vmem>>, vector<16xf32>,
        tpu.vector_store %swap3A_878[%swap3A_879, %swap3A_880], %get3A_874 {strides = array<i32>} : memref<200x64xf32, #tpu.memory_space<vmem>>, vector<16xf32>,
        %get3A_882 = arith.index_cast %add3A_861 : i32 to index
        %get3A_883 = arith.constant 32 : index
        %get3A_884 = tpu.vector_load %arg9[%get3A_882, %get3A_883] {strides = array<i32>} : memref<200x64xf32, #tpu.memory_space<vmem>>, vector<16xf32>,
        %swap3A_885 = arith.constant 0 : i32
        %swap3A_886 = arith.constant 0 : i32
        %swap3A_887 = tpu.memref_slice %arg8[%scan3A_67, %swap3A_885, %swap3A_886] : memref<8x200x64xf32, #tpu.memory_space<vmem>> -> memref<1x200x64xf32, #tpu.memory_space<vmem>>
        %swap3A_888 = tpu.memref_squeeze %swap3A_887 : memref<1x200x64xf32, #tpu.memory_space<vmem>> -> memref<200x64xf32, #tpu.memory_space<vmem>>
        %swap3A_889 = arith.index_cast %add3A_861 : i32 to index
        %swap3A_890 = arith.constant 32 : index
        %swap3A_891 = tpu.vector_load %swap3A_888[%swap3A_889, %swap3A_890] {strides = array<i32>} : memref<200x64xf32, #tpu.memory_space<vmem>>, vector<16xf32>,
        tpu.vector_store %swap3A_888[%swap3A_889, %swap3A_890], %get3A_884 {strides = array<i32>} : memref<200x64xf32, #tpu.memory_space<vmem>>, vector<16xf32>,
        %get3A_892 = arith.index_cast %add3A_861 : i32 to index
        %get3A_893 = arith.constant 48 : index
        %get3A_894 = tpu.vector_load %arg9[%get3A_892, %get3A_893] {strides = array<i32>} : memref<200x64xf32, #tpu.memory_space<vmem>>, vector<16xf32>,
        %swap3A_895 = arith.constant 0 : i32
        %swap3A_896 = arith.constant 0 : i32
        %swap3A_897 = tpu.memref_slice %arg8[%scan3A_67, %swap3A_895, %swap3A_896] : memref<8x200x64xf32, #tpu.memory_space<vmem>> -> memref<1x200x64xf32, #tpu.memory_space<vmem>>
        %swap3A_898 = tpu.memref_squeeze %swap3A_897 : memref<1x200x64xf32, #tpu.memory_space<vmem>> -> memref<200x64xf32, #tpu.memory_space<vmem>>
        %swap3A_899 = arith.index_cast %add3A_861 : i32 to index
        %swap3A_900 = arith.constant 48 : index
        %swap3A_901 = tpu.vector_load %swap3A_898[%swap3A_899, %swap3A_900] {strides = array<i32>} : memref<200x64xf32, #tpu.memory_space<vmem>>, vector<16xf32>,
        tpu.vector_store %swap3A_898[%swap3A_899, %swap3A_900], %get3A_894 {strides = array<i32>} : memref<200x64xf32, #tpu.memory_space<vmem>>, vector<16xf32>,
        %scan3A_902 = arith.constant 7 : i32
        %scan3A_903 = arith.addi %scan3A_583, %scan3A_902 : i32
        %mul3A_904 = arith.constant 1 : i32
        %mul3A_905 = arith.muli %scan3A_903, %mul3A_904 : i32
        %add3A_906 = arith.constant 0 : i32
        %add3A_907 = arith.addi %add3A_906, %mul3A_905 : i32
        %get3A_908 = arith.index_cast %add3A_907 : i32 to index
        %get3A_909 = arith.constant 0 : index
        %get3A_910 = tpu.vector_load %arg9[%get3A_908, %get3A_909] {strides = array<i32>} : memref<200x64xf32, #tpu.memory_space<vmem>>, vector<16xf32>,
        %swap3A_911 = arith.constant 0 : i32
        %swap3A_912 = arith.constant 0 : i32
        %swap3A_913 = tpu.memref_slice %arg8[%scan3A_67, %swap3A_911, %swap3A_912] : memref<8x200x64xf32, #tpu.memory_space<vmem>> -> memref<1x200x64xf32, #tpu.memory_space<vmem>>
        %swap3A_914 = tpu.memref_squeeze %swap3A_913 : memref<1x200x64xf32, #tpu.memory_space<vmem>> -> memref<200x64xf32, #tpu.memory_space<vmem>>
        %swap3A_915 = arith.index_cast %add3A_907 : i32 to index
        %swap3A_916 = arith.constant 0 : index
        %swap3A_917 = tpu.vector_load %swap3A_914[%swap3A_915, %swap3A_916] {strides = array<i32>} : memref<200x64xf32, #tpu.memory_space<vmem>>, vector<16xf32>,
        tpu.vector_store %swap3A_914[%swap3A_915, %swap3A_916], %get3A_910 {strides = array<i32>} : memref<200x64xf32, #tpu.memory_space<vmem>>, vector<16xf32>,
        %get3A_918 = arith.index_cast %add3A_907 : i32 to index
        %get3A_919 = arith.constant 16 : index
        %get3A_920 = tpu.vector_load %arg9[%get3A_918, %get3A_919] {strides = array<i32>} : memref<200x64xf32, #tpu.memory_space<vmem>>, vector<16xf32>,
        %swap3A_921 = arith.constant 0 : i32
        %swap3A_922 = arith.constant 0 : i32
        %swap3A_923 = tpu.memref_slice %arg8[%scan3A_67, %swap3A_921, %swap3A_922] : memref<8x200x64xf32, #tpu.memory_space<vmem>> -> memref<1x200x64xf32, #tpu.memory_space<vmem>>
        %swap3A_924 = tpu.memref_squeeze %swap3A_923 : memref<1x200x64xf32, #tpu.memory_space<vmem>> -> memref<200x64xf32, #tpu.memory_space<vmem>>
        %swap3A_925 = arith.index_cast %add3A_907 : i32 to index
        %swap3A_926 = arith.constant 16 : index
        %swap3A_927 = tpu.vector_load %swap3A_924[%swap3A_925, %swap3A_926] {strides = array<i32>} : memref<200x64xf32, #tpu.memory_space<vmem>>, vector<16xf32>,
        tpu.vector_store %swap3A_924[%swap3A_925, %swap3A_926], %get3A_920 {strides = array<i32>} : memref<200x64xf32, #tpu.memory_space<vmem>>, vector<16xf32>,
        %get3A_928 = arith.index_cast %add3A_907 : i32 to index
        %get3A_929 = arith.constant 32 : index
        %get3A_930 = tpu.vector_load %arg9[%get3A_928, %get3A_929] {strides = array<i32>} : memref<200x64xf32, #tpu.memory_space<vmem>>, vector<16xf32>,
        %swap3A_931 = arith.constant 0 : i32
        %swap3A_932 = arith.constant 0 : i32
        %swap3A_933 = tpu.memref_slice %arg8[%scan3A_67, %swap3A_931, %swap3A_932] : memref<8x200x64xf32, #tpu.memory_space<vmem>> -> memref<1x200x64xf32, #tpu.memory_space<vmem>>
        %swap3A_934 = tpu.memref_squeeze %swap3A_933 : memref<1x200x64xf32, #tpu.memory_space<vmem>> -> memref<200x64xf32, #tpu.memory_space<vmem>>
        %swap3A_935 = arith.index_cast %add3A_907 : i32 to index
        %swap3A_936 = arith.constant 32 : index
        %swap3A_937 = tpu.vector_load %swap3A_934[%swap3A_935, %swap3A_936] {strides = array<i32>} : memref<200x64xf32, #tpu.memory_space<vmem>>, vector<16xf32>,
        tpu.vector_store %swap3A_934[%swap3A_935, %swap3A_936], %get3A_930 {strides = array<i32>} : memref<200x64xf32, #tpu.memory_space<vmem>>, vector<16xf32>,
        %get3A_938 = arith.index_cast %add3A_907 : i32 to index
        %get3A_939 = arith.constant 48 : index
        %get3A_940 = tpu.vector_load %arg9[%get3A_938, %get3A_939] {strides = array<i32>} : memref<200x64xf32, #tpu.memory_space<vmem>>, vector<16xf32>,
        %swap3A_941 = arith.constant 0 : i32
        %swap3A_942 = arith.constant 0 : i32
        %swap3A_943 = tpu.memref_slice %arg8[%scan3A_67, %swap3A_941, %swap3A_942] : memref<8x200x64xf32, #tpu.memory_space<vmem>> -> memref<1x200x64xf32, #tpu.memory_space<vmem>>
        %swap3A_944 = tpu.memref_squeeze %swap3A_943 : memref<1x200x64xf32, #tpu.memory_space<vmem>> -> memref<200x64xf32, #tpu.memory_space<vmem>>
        %swap3A_945 = arith.index_cast %add3A_907 : i32 to index
        %swap3A_946 = arith.constant 48 : index
        %swap3A_947 = tpu.vector_load %swap3A_944[%swap3A_945, %swap3A_946] {strides = array<i32>} : memref<200x64xf32, #tpu.memory_space<vmem>>, vector<16xf32>,
        tpu.vector_store %swap3A_944[%swap3A_945, %swap3A_946], %get3A_940 {strides = array<i32>} : memref<200x64xf32, #tpu.memory_space<vmem>>, vector<16xf32>,
      }
      %scan3A_72 = arith.constant 200 : i32
      %scan3A_73 = arith.constant 4 : i32
      %scan3A_74 = arith.constant 0 : i32
      %scan3A_75 = arith.constant 200 : i32
      %scan3A_76 = arith.addi %scan3A_74, %scan3A_75 : i32
      %scan3A_77 = arith.constant 8 : i32
      scf.for %scan3A_583 = %scan3A_74 to %scan3A_76 step %scan3A_77  : i32 {
        %mul3A_584 = arith.constant 1 : i32
        %mul3A_585 = arith.muli %scan3A_583, %mul3A_584 : i32
        %add3A_586 = arith.constant 0 : i32
        %add3A_587 = arith.addi %add3A_586, %mul3A_585 : i32
        %get3A = arith.index_cast %add3A_587 : i32 to index
        %get3A_588 = arith.constant 0 : index
        %get3A_589 = tpu.vector_load %arg9[%get3A, %get3A_588] {strides = array<i32>} : memref<200x64xf32, #tpu.memory_space<vmem>>, vector<16xf32>,
        %swap3A = arith.constant 0 : i32
        %swap3A_590 = arith.constant 0 : i32
        %swap3A_591 = tpu.memref_slice %arg8[%scan3A_73, %swap3A, %swap3A_590] : memref<8x200x64xf32, #tpu.memory_space<vmem>> -> memref<1x200x64xf32, #tpu.memory_space<vmem>>
        %swap3A_592 = tpu.memref_squeeze %swap3A_591 : memref<1x200x64xf32, #tpu.memory_space<vmem>> -> memref<200x64xf32, #tpu.memory_space<vmem>>
        %swap3A_593 = arith.index_cast %add3A_587 : i32 to index
        %swap3A_594 = arith.constant 0 : index
        %swap3A_595 = tpu.vector_load %swap3A_592[%swap3A_593, %swap3A_594] {strides = array<i32>} : memref<200x64xf32, #tpu.memory_space<vmem>>, vector<16xf32>,
        tpu.vector_store %swap3A_592[%swap3A_593, %swap3A_594], %get3A_589 {strides = array<i32>} : memref<200x64xf32, #tpu.memory_space<vmem>>, vector<16xf32>,
        %get3A_596 = arith.index_cast %add3A_587 : i32 to index
        %get3A_597 = arith.constant 16 : index
        %get3A_598 = tpu.vector_load %arg9[%get3A_596, %get3A_597] {strides = array<i32>} : memref<200x64xf32, #tpu.memory_space<vmem>>, vector<16xf32>,
        %swap3A_599 = arith.constant 0 : i32
        %swap3A_600 = arith.constant 0 : i32
        %swap3A_601 = tpu.memref_slice %arg8[%scan3A_73, %swap3A_599, %swap3A_600] : memref<8x200x64xf32, #tpu.memory_space<vmem>> -> memref<1x200x64xf32, #tpu.memory_space<vmem>>
        %swap3A_602 = tpu.memref_squeeze %swap3A_601 : memref<1x200x64xf32, #tpu.memory_space<vmem>> -> memref<200x64xf32, #tpu.memory_space<vmem>>
        %swap3A_603 = arith.index_cast %add3A_587 : i32 to index
        %swap3A_604 = arith.constant 16 : index
        %swap3A_605 = tpu.vector_load %swap3A_602[%swap3A_603, %swap3A_604] {strides = array<i32>} : memref<200x64xf32, #tpu.memory_space<vmem>>, vector<16xf32>,
        tpu.vector_store %swap3A_602[%swap3A_603, %swap3A_604], %get3A_598 {strides = array<i32>} : memref<200x64xf32, #tpu.memory_space<vmem>>, vector<16xf32>,
        %get3A_606 = arith.index_cast %add3A_587 : i32 to index
        %get3A_607 = arith.constant 32 : index
        %get3A_608 = tpu.vector_load %arg9[%get3A_606, %get3A_607] {strides = array<i32>} : memref<200x64xf32, #tpu.memory_space<vmem>>, vector<16xf32>,
        %swap3A_609 = arith.constant 0 : i32
        %swap3A_610 = arith.constant 0 : i32
        %swap3A_611 = tpu.memref_slice %arg8[%scan3A_73, %swap3A_609, %swap3A_610] : memref<8x200x64xf32, #tpu.memory_space<vmem>> -> memref<1x200x64xf32, #tpu.memory_space<vmem>>
        %swap3A_612 = tpu.memref_squeeze %swap3A_611 : memref<1x200x64xf32, #tpu.memory_space<vmem>> -> memref<200x64xf32, #tpu.memory_space<vmem>>
        %swap3A_613 = arith.index_cast %add3A_587 : i32 to index
        %swap3A_614 = arith.constant 32 : index
        %swap3A_615 = tpu.vector_load %swap3A_612[%swap3A_613, %swap3A_614] {strides = array<i32>} : memref<200x64xf32, #tpu.memory_space<vmem>>, vector<16xf32>,
        tpu.vector_store %swap3A_612[%swap3A_613, %swap3A_614], %get3A_608 {strides = array<i32>} : memref<200x64xf32, #tpu.memory_space<vmem>>, vector<16xf32>,
        %get3A_616 = arith.index_cast %add3A_587 : i32 to index
        %get3A_617 = arith.constant 48 : index
        %get3A_618 = tpu.vector_load %arg9[%get3A_616, %get3A_617] {strides = array<i32>} : memref<200x64xf32, #tpu.memory_space<vmem>>, vector<16xf32>,
        %swap3A_619 = arith.constant 0 : i32
        %swap3A_620 = arith.constant 0 : i32
        %swap3A_621 = tpu.memref_slice %arg8[%scan3A_73, %swap3A_619, %swap3A_620] : memref<8x200x64xf32, #tpu.memory_space<vmem>> -> memref<1x200x64xf32, #tpu.memory_space<vmem>>
        %swap3A_622 = tpu.memref_squeeze %swap3A_621 : memref<1x200x64xf32, #tpu.memory_space<vmem>> -> memref<200x64xf32, #tpu.memory_space<vmem>>
        %swap3A_623 = arith.index_cast %add3A_587 : i32 to index
        %swap3A_624 = arith.constant 48 : index
        %swap3A_625 = tpu.vector_load %swap3A_622[%swap3A_623, %swap3A_624] {strides = array<i32>} : memref<200x64xf32, #tpu.memory_space<vmem>>, vector<16xf32>,
        tpu.vector_store %swap3A_622[%swap3A_623, %swap3A_624], %get3A_618 {strides = array<i32>} : memref<200x64xf32, #tpu.memory_space<vmem>>, vector<16xf32>,
        %scan3A_626 = arith.constant 1 : i32
        %scan3A_627 = arith.addi %scan3A_583, %scan3A_626 : i32
        %mul3A_628 = arith.constant 1 : i32
        %mul3A_629 = arith.muli %scan3A_627, %mul3A_628 : i32
        %add3A_630 = arith.constant 0 : i32
        %add3A_631 = arith.addi %add3A_630, %mul3A_629 : i32
        %get3A_632 = arith.index_cast %add3A_631 : i32 to index
        %get3A_633 = arith.constant 0 : index
        %get3A_634 = tpu.vector_load %arg9[%get3A_632, %get3A_633] {strides = array<i32>} : memref<200x64xf32, #tpu.memory_space<vmem>>, vector<16xf32>,
        %swap3A_635 = arith.constant 0 : i32
        %swap3A_636 = arith.constant 0 : i32
        %swap3A_637 = tpu.memref_slice %arg8[%scan3A_73, %swap3A_635, %swap3A_636] : memref<8x200x64xf32, #tpu.memory_space<vmem>> -> memref<1x200x64xf32, #tpu.memory_space<vmem>>
        %swap3A_638 = tpu.memref_squeeze %swap3A_637 : memref<1x200x64xf32, #tpu.memory_space<vmem>> -> memref<200x64xf32, #tpu.memory_space<vmem>>
        %swap3A_639 = arith.index_cast %add3A_631 : i32 to index
        %swap3A_640 = arith.constant 0 : index
        %swap3A_641 = tpu.vector_load %swap3A_638[%swap3A_639, %swap3A_640] {strides = array<i32>} : memref<200x64xf32, #tpu.memory_space<vmem>>, vector<16xf32>,
        tpu.vector_store %swap3A_638[%swap3A_639, %swap3A_640], %get3A_634 {strides = array<i32>} : memref<200x64xf32, #tpu.memory_space<vmem>>, vector<16xf32>,
        %get3A_642 = arith.index_cast %add3A_631 : i32 to index
        %get3A_643 = arith.constant 16 : index
        %get3A_644 = tpu.vector_load %arg9[%get3A_642, %get3A_643] {strides = array<i32>} : memref<200x64xf32, #tpu.memory_space<vmem>>, vector<16xf32>,
        %swap3A_645 = arith.constant 0 : i32
        %swap3A_646 = arith.constant 0 : i32
        %swap3A_647 = tpu.memref_slice %arg8[%scan3A_73, %swap3A_645, %swap3A_646] : memref<8x200x64xf32, #tpu.memory_space<vmem>> -> memref<1x200x64xf32, #tpu.memory_space<vmem>>
        %swap3A_648 = tpu.memref_squeeze %swap3A_647 : memref<1x200x64xf32, #tpu.memory_space<vmem>> -> memref<200x64xf32, #tpu.memory_space<vmem>>
        %swap3A_649 = arith.index_cast %add3A_631 : i32 to index
        %swap3A_650 = arith.constant 16 : index
        %swap3A_651 = tpu.vector_load %swap3A_648[%swap3A_649, %swap3A_650] {strides = array<i32>} : memref<200x64xf32, #tpu.memory_space<vmem>>, vector<16xf32>,
        tpu.vector_store %swap3A_648[%swap3A_649, %swap3A_650], %get3A_644 {strides = array<i32>} : memref<200x64xf32, #tpu.memory_space<vmem>>, vector<16xf32>,
        %get3A_652 = arith.index_cast %add3A_631 : i32 to index
        %get3A_653 = arith.constant 32 : index
        %get3A_654 = tpu.vector_load %arg9[%get3A_652, %get3A_653] {strides = array<i32>} : memref<200x64xf32, #tpu.memory_space<vmem>>, vector<16xf32>,
        %swap3A_655 = arith.constant 0 : i32
        %swap3A_656 = arith.constant 0 : i32
        %swap3A_657 = tpu.memref_slice %arg8[%scan3A_73, %swap3A_655, %swap3A_656] : memref<8x200x64xf32, #tpu.memory_space<vmem>> -> memref<1x200x64xf32, #tpu.memory_space<vmem>>
        %swap3A_658 = tpu.memref_squeeze %swap3A_657 : memref<1x200x64xf32, #tpu.memory_space<vmem>> -> memref<200x64xf32, #tpu.memory_space<vmem>>
        %swap3A_659 = arith.index_cast %add3A_631 : i32 to index
        %swap3A_660 = arith.constant 32 : index
        %swap3A_661 = tpu.vector_load %swap3A_658[%swap3A_659, %swap3A_660] {strides = array<i32>} : memref<200x64xf32, #tpu.memory_space<vmem>>, vector<16xf32>,
        tpu.vector_store %swap3A_658[%swap3A_659, %swap3A_660], %get3A_654 {strides = array<i32>} : memref<200x64xf32, #tpu.memory_space<vmem>>, vector<16xf32>,
        %get3A_662 = arith.index_cast %add3A_631 : i32 to index
        %get3A_663 = arith.constant 48 : index
        %get3A_664 = tpu.vector_load %arg9[%get3A_662, %get3A_663] {strides = array<i32>} : memref<200x64xf32, #tpu.memory_space<vmem>>, vector<16xf32>,
        %swap3A_665 = arith.constant 0 : i32
        %swap3A_666 = arith.constant 0 : i32
        %swap3A_667 = tpu.memref_slice %arg8[%scan3A_73, %swap3A_665, %swap3A_666] : memref<8x200x64xf32, #tpu.memory_space<vmem>> -> memref<1x200x64xf32, #tpu.memory_space<vmem>>
        %swap3A_668 = tpu.memref_squeeze %swap3A_667 : memref<1x200x64xf32, #tpu.memory_space<vmem>> -> memref<200x64xf32, #tpu.memory_space<vmem>>
        %swap3A_669 = arith.index_cast %add3A_631 : i32 to index
        %swap3A_670 = arith.constant 48 : index
        %swap3A_671 = tpu.vector_load %swap3A_668[%swap3A_669, %swap3A_670] {strides = array<i32>} : memref<200x64xf32, #tpu.memory_space<vmem>>, vector<16xf32>,
        tpu.vector_store %swap3A_668[%swap3A_669, %swap3A_670], %get3A_664 {strides = array<i32>} : memref<200x64xf32, #tpu.memory_space<vmem>>, vector<16xf32>,
        %scan3A_672 = arith.constant 2 : i32
        %scan3A_673 = arith.addi %scan3A_583, %scan3A_672 : i32
        %mul3A_674 = arith.constant 1 : i32
        %mul3A_675 = arith.muli %scan3A_673, %mul3A_674 : i32
        %add3A_676 = arith.constant 0 : i32
        %add3A_677 = arith.addi %add3A_676, %mul3A_675 : i32
        %get3A_678 = arith.index_cast %add3A_677 : i32 to index
        %get3A_679 = arith.constant 0 : index
        %get3A_680 = tpu.vector_load %arg9[%get3A_678, %get3A_679] {strides = array<i32>} : memref<200x64xf32, #tpu.memory_space<vmem>>, vector<16xf32>,
        %swap3A_681 = arith.constant 0 : i32
        %swap3A_682 = arith.constant 0 : i32
        %swap3A_683 = tpu.memref_slice %arg8[%scan3A_73, %swap3A_681, %swap3A_682] : memref<8x200x64xf32, #tpu.memory_space<vmem>> -> memref<1x200x64xf32, #tpu.memory_space<vmem>>
        %swap3A_684 = tpu.memref_squeeze %swap3A_683 : memref<1x200x64xf32, #tpu.memory_space<vmem>> -> memref<200x64xf32, #tpu.memory_space<vmem>>
        %swap3A_685 = arith.index_cast %add3A_677 : i32 to index
        %swap3A_686 = arith.constant 0 : index
        %swap3A_687 = tpu.vector_load %swap3A_684[%swap3A_685, %swap3A_686] {strides = array<i32>} : memref<200x64xf32, #tpu.memory_space<vmem>>, vector<16xf32>,
        tpu.vector_store %swap3A_684[%swap3A_685, %swap3A_686], %get3A_680 {strides = array<i32>} : memref<200x64xf32, #tpu.memory_space<vmem>>, vector<16xf32>,
        %get3A_688 = arith.index_cast %add3A_677 : i32 to index
        %get3A_689 = arith.constant 16 : index
        %get3A_690 = tpu.vector_load %arg9[%get3A_688, %get3A_689] {strides = array<i32>} : memref<200x64xf32, #tpu.memory_space<vmem>>, vector<16xf32>,
        %swap3A_691 = arith.constant 0 : i32
        %swap3A_692 = arith.constant 0 : i32
        %swap3A_693 = tpu.memref_slice %arg8[%scan3A_73, %swap3A_691, %swap3A_692] : memref<8x200x64xf32, #tpu.memory_space<vmem>> -> memref<1x200x64xf32, #tpu.memory_space<vmem>>
        %swap3A_694 = tpu.memref_squeeze %swap3A_693 : memref<1x200x64xf32, #tpu.memory_space<vmem>> -> memref<200x64xf32, #tpu.memory_space<vmem>>
        %swap3A_695 = arith.index_cast %add3A_677 : i32 to index
        %swap3A_696 = arith.constant 16 : index
        %swap3A_697 = tpu.vector_load %swap3A_694[%swap3A_695, %swap3A_696] {strides = array<i32>} : memref<200x64xf32, #tpu.memory_space<vmem>>, vector<16xf32>,
        tpu.vector_store %swap3A_694[%swap3A_695, %swap3A_696], %get3A_690 {strides = array<i32>} : memref<200x64xf32, #tpu.memory_space<vmem>>, vector<16xf32>,
        %get3A_698 = arith.index_cast %add3A_677 : i32 to index
        %get3A_699 = arith.constant 32 : index
        %get3A_700 = tpu.vector_load %arg9[%get3A_698, %get3A_699] {strides = array<i32>} : memref<200x64xf32, #tpu.memory_space<vmem>>, vector<16xf32>,
        %swap3A_701 = arith.constant 0 : i32
        %swap3A_702 = arith.constant 0 : i32
        %swap3A_703 = tpu.memref_slice %arg8[%scan3A_73, %swap3A_701, %swap3A_702] : memref<8x200x64xf32, #tpu.memory_space<vmem>> -> memref<1x200x64xf32, #tpu.memory_space<vmem>>
        %swap3A_704 = tpu.memref_squeeze %swap3A_703 : memref<1x200x64xf32, #tpu.memory_space<vmem>> -> memref<200x64xf32, #tpu.memory_space<vmem>>
        %swap3A_705 = arith.index_cast %add3A_677 : i32 to index
        %swap3A_706 = arith.constant 32 : index
        %swap3A_707 = tpu.vector_load %swap3A_704[%swap3A_705, %swap3A_706] {strides = array<i32>} : memref<200x64xf32, #tpu.memory_space<vmem>>, vector<16xf32>,
        tpu.vector_store %swap3A_704[%swap3A_705, %swap3A_706], %get3A_700 {strides = array<i32>} : memref<200x64xf32, #tpu.memory_space<vmem>>, vector<16xf32>,
        %get3A_708 = arith.index_cast %add3A_677 : i32 to index
        %get3A_709 = arith.constant 48 : index
        %get3A_710 = tpu.vector_load %arg9[%get3A_708, %get3A_709] {strides = array<i32>} : memref<200x64xf32, #tpu.memory_space<vmem>>, vector<16xf32>,
        %swap3A_711 = arith.constant 0 : i32
        %swap3A_712 = arith.constant 0 : i32
        %swap3A_713 = tpu.memref_slice %arg8[%scan3A_73, %swap3A_711, %swap3A_712] : memref<8x200x64xf32, #tpu.memory_space<vmem>> -> memref<1x200x64xf32, #tpu.memory_space<vmem>>
        %swap3A_714 = tpu.memref_squeeze %swap3A_713 : memref<1x200x64xf32, #tpu.memory_space<vmem>> -> memref<200x64xf32, #tpu.memory_space<vmem>>
        %swap3A_715 = arith.index_cast %add3A_677 : i32 to index
        %swap3A_716 = arith.constant 48 : index
        %swap3A_717 = tpu.vector_load %swap3A_714[%swap3A_715, %swap3A_716] {strides = array<i32>} : memref<200x64xf32, #tpu.memory_space<vmem>>, vector<16xf32>,
        tpu.vector_store %swap3A_714[%swap3A_715, %swap3A_716], %get3A_710 {strides = array<i32>} : memref<200x64xf32, #tpu.memory_space<vmem>>, vector<16xf32>,
        %scan3A_718 = arith.constant 3 : i32
        %scan3A_719 = arith.addi %scan3A_583, %scan3A_718 : i32
        %mul3A_720 = arith.constant 1 : i32
        %mul3A_721 = arith.muli %scan3A_719, %mul3A_720 : i32
        %add3A_722 = arith.constant 0 : i32
        %add3A_723 = arith.addi %add3A_722, %mul3A_721 : i32
        %get3A_724 = arith.index_cast %add3A_723 : i32 to index
        %get3A_725 = arith.constant 0 : index
        %get3A_726 = tpu.vector_load %arg9[%get3A_724, %get3A_725] {strides = array<i32>} : memref<200x64xf32, #tpu.memory_space<vmem>>, vector<16xf32>,
        %swap3A_727 = arith.constant 0 : i32
        %swap3A_728 = arith.constant 0 : i32
        %swap3A_729 = tpu.memref_slice %arg8[%scan3A_73, %swap3A_727, %swap3A_728] : memref<8x200x64xf32, #tpu.memory_space<vmem>> -> memref<1x200x64xf32, #tpu.memory_space<vmem>>
        %swap3A_730 = tpu.memref_squeeze %swap3A_729 : memref<1x200x64xf32, #tpu.memory_space<vmem>> -> memref<200x64xf32, #tpu.memory_space<vmem>>
        %swap3A_731 = arith.index_cast %add3A_723 : i32 to index
        %swap3A_732 = arith.constant 0 : index
        %swap3A_733 = tpu.vector_load %swap3A_730[%swap3A_731, %swap3A_732] {strides = array<i32>} : memref<200x64xf32, #tpu.memory_space<vmem>>, vector<16xf32>,
        tpu.vector_store %swap3A_730[%swap3A_731, %swap3A_732], %get3A_726 {strides = array<i32>} : memref<200x64xf32, #tpu.memory_space<vmem>>, vector<16xf32>,
        %get3A_734 = arith.index_cast %add3A_723 : i32 to index
        %get3A_735 = arith.constant 16 : index
        %get3A_736 = tpu.vector_load %arg9[%get3A_734, %get3A_735] {strides = array<i32>} : memref<200x64xf32, #tpu.memory_space<vmem>>, vector<16xf32>,
        %swap3A_737 = arith.constant 0 : i32
        %swap3A_738 = arith.constant 0 : i32
        %swap3A_739 = tpu.memref_slice %arg8[%scan3A_73, %swap3A_737, %swap3A_738] : memref<8x200x64xf32, #tpu.memory_space<vmem>> -> memref<1x200x64xf32, #tpu.memory_space<vmem>>
        %swap3A_740 = tpu.memref_squeeze %swap3A_739 : memref<1x200x64xf32, #tpu.memory_space<vmem>> -> memref<200x64xf32, #tpu.memory_space<vmem>>
        %swap3A_741 = arith.index_cast %add3A_723 : i32 to index
        %swap3A_742 = arith.constant 16 : index
        %swap3A_743 = tpu.vector_load %swap3A_740[%swap3A_741, %swap3A_742] {strides = array<i32>} : memref<200x64xf32, #tpu.memory_space<vmem>>, vector<16xf32>,
        tpu.vector_store %swap3A_740[%swap3A_741, %swap3A_742], %get3A_736 {strides = array<i32>} : memref<200x64xf32, #tpu.memory_space<vmem>>, vector<16xf32>,
        %get3A_744 = arith.index_cast %add3A_723 : i32 to index
        %get3A_745 = arith.constant 32 : index
        %get3A_746 = tpu.vector_load %arg9[%get3A_744, %get3A_745] {strides = array<i32>} : memref<200x64xf32, #tpu.memory_space<vmem>>, vector<16xf32>,
        %swap3A_747 = arith.constant 0 : i32
        %swap3A_748 = arith.constant 0 : i32
        %swap3A_749 = tpu.memref_slice %arg8[%scan3A_73, %swap3A_747, %swap3A_748] : memref<8x200x64xf32, #tpu.memory_space<vmem>> -> memref<1x200x64xf32, #tpu.memory_space<vmem>>
        %swap3A_750 = tpu.memref_squeeze %swap3A_749 : memref<1x200x64xf32, #tpu.memory_space<vmem>> -> memref<200x64xf32, #tpu.memory_space<vmem>>
        %swap3A_751 = arith.index_cast %add3A_723 : i32 to index
        %swap3A_752 = arith.constant 32 : index
        %swap3A_753 = tpu.vector_load %swap3A_750[%swap3A_751, %swap3A_752] {strides = array<i32>} : memref<200x64xf32, #tpu.memory_space<vmem>>, vector<16xf32>,
        tpu.vector_store %swap3A_750[%swap3A_751, %swap3A_752], %get3A_746 {strides = array<i32>} : memref<200x64xf32, #tpu.memory_space<vmem>>, vector<16xf32>,
        %get3A_754 = arith.index_cast %add3A_723 : i32 to index
        %get3A_755 = arith.constant 48 : index
        %get3A_756 = tpu.vector_load %arg9[%get3A_754, %get3A_755] {strides = array<i32>} : memref<200x64xf32, #tpu.memory_space<vmem>>, vector<16xf32>,
        %swap3A_757 = arith.constant 0 : i32
        %swap3A_758 = arith.constant 0 : i32
        %swap3A_759 = tpu.memref_slice %arg8[%scan3A_73, %swap3A_757, %swap3A_758] : memref<8x200x64xf32, #tpu.memory_space<vmem>> -> memref<1x200x64xf32, #tpu.memory_space<vmem>>
        %swap3A_760 = tpu.memref_squeeze %swap3A_759 : memref<1x200x64xf32, #tpu.memory_space<vmem>> -> memref<200x64xf32, #tpu.memory_space<vmem>>
        %swap3A_761 = arith.index_cast %add3A_723 : i32 to index
        %swap3A_762 = arith.constant 48 : index
        %swap3A_763 = tpu.vector_load %swap3A_760[%swap3A_761, %swap3A_762] {strides = array<i32>} : memref<200x64xf32, #tpu.memory_space<vmem>>, vector<16xf32>,
        tpu.vector_store %swap3A_760[%swap3A_761, %swap3A_762], %get3A_756 {strides = array<i32>} : memref<200x64xf32, #tpu.memory_space<vmem>>, vector<16xf32>,
        %scan3A_764 = arith.constant 4 : i32
        %scan3A_765 = arith.addi %scan3A_583, %scan3A_764 : i32
        %mul3A_766 = arith.constant 1 : i32
        %mul3A_767 = arith.muli %scan3A_765, %mul3A_766 : i32
        %add3A_768 = arith.constant 0 : i32
        %add3A_769 = arith.addi %add3A_768, %mul3A_767 : i32
        %get3A_770 = arith.index_cast %add3A_769 : i32 to index
        %get3A_771 = arith.constant 0 : index
        %get3A_772 = tpu.vector_load %arg9[%get3A_770, %get3A_771] {strides = array<i32>} : memref<200x64xf32, #tpu.memory_space<vmem>>, vector<16xf32>,
        %swap3A_773 = arith.constant 0 : i32
        %swap3A_774 = arith.constant 0 : i32
        %swap3A_775 = tpu.memref_slice %arg8[%scan3A_73, %swap3A_773, %swap3A_774] : memref<8x200x64xf32, #tpu.memory_space<vmem>> -> memref<1x200x64xf32, #tpu.memory_space<vmem>>
        %swap3A_776 = tpu.memref_squeeze %swap3A_775 : memref<1x200x64xf32, #tpu.memory_space<vmem>> -> memref<200x64xf32, #tpu.memory_space<vmem>>
        %swap3A_777 = arith.index_cast %add3A_769 : i32 to index
        %swap3A_778 = arith.constant 0 : index
        %swap3A_779 = tpu.vector_load %swap3A_776[%swap3A_777, %swap3A_778] {strides = array<i32>} : memref<200x64xf32, #tpu.memory_space<vmem>>, vector<16xf32>,
        tpu.vector_store %swap3A_776[%swap3A_777, %swap3A_778], %get3A_772 {strides = array<i32>} : memref<200x64xf32, #tpu.memory_space<vmem>>, vector<16xf32>,
        %get3A_780 = arith.index_cast %add3A_769 : i32 to index
        %get3A_781 = arith.constant 16 : index
        %get3A_782 = tpu.vector_load %arg9[%get3A_780, %get3A_781] {strides = array<i32>} : memref<200x64xf32, #tpu.memory_space<vmem>>, vector<16xf32>,
        %swap3A_783 = arith.constant 0 : i32
        %swap3A_784 = arith.constant 0 : i32
        %swap3A_785 = tpu.memref_slice %arg8[%scan3A_73, %swap3A_783, %swap3A_784] : memref<8x200x64xf32, #tpu.memory_space<vmem>> -> memref<1x200x64xf32, #tpu.memory_space<vmem>>
        %swap3A_786 = tpu.memref_squeeze %swap3A_785 : memref<1x200x64xf32, #tpu.memory_space<vmem>> -> memref<200x64xf32, #tpu.memory_space<vmem>>
        %swap3A_787 = arith.index_cast %add3A_769 : i32 to index
        %swap3A_788 = arith.constant 16 : index
        %swap3A_789 = tpu.vector_load %swap3A_786[%swap3A_787, %swap3A_788] {strides = array<i32>} : memref<200x64xf32, #tpu.memory_space<vmem>>, vector<16xf32>,
        tpu.vector_store %swap3A_786[%swap3A_787, %swap3A_788], %get3A_782 {strides = array<i32>} : memref<200x64xf32, #tpu.memory_space<vmem>>, vector<16xf32>,
        %get3A_790 = arith.index_cast %add3A_769 : i32 to index
        %get3A_791 = arith.constant 32 : index
        %get3A_792 = tpu.vector_load %arg9[%get3A_790, %get3A_791] {strides = array<i32>} : memref<200x64xf32, #tpu.memory_space<vmem>>, vector<16xf32>,
        %swap3A_793 = arith.constant 0 : i32
        %swap3A_794 = arith.constant 0 : i32
        %swap3A_795 = tpu.memref_slice %arg8[%scan3A_73, %swap3A_793, %swap3A_794] : memref<8x200x64xf32, #tpu.memory_space<vmem>> -> memref<1x200x64xf32, #tpu.memory_space<vmem>>
        %swap3A_796 = tpu.memref_squeeze %swap3A_795 : memref<1x200x64xf32, #tpu.memory_space<vmem>> -> memref<200x64xf32, #tpu.memory_space<vmem>>
        %swap3A_797 = arith.index_cast %add3A_769 : i32 to index
        %swap3A_798 = arith.constant 32 : index
        %swap3A_799 = tpu.vector_load %swap3A_796[%swap3A_797, %swap3A_798] {strides = array<i32>} : memref<200x64xf32, #tpu.memory_space<vmem>>, vector<16xf32>,
        tpu.vector_store %swap3A_796[%swap3A_797, %swap3A_798], %get3A_792 {strides = array<i32>} : memref<200x64xf32, #tpu.memory_space<vmem>>, vector<16xf32>,
        %get3A_800 = arith.index_cast %add3A_769 : i32 to index
        %get3A_801 = arith.constant 48 : index
        %get3A_802 = tpu.vector_load %arg9[%get3A_800, %get3A_801] {strides = array<i32>} : memref<200x64xf32, #tpu.memory_space<vmem>>, vector<16xf32>,
        %swap3A_803 = arith.constant 0 : i32
        %swap3A_804 = arith.constant 0 : i32
        %swap3A_805 = tpu.memref_slice %arg8[%scan3A_73, %swap3A_803, %swap3A_804] : memref<8x200x64xf32, #tpu.memory_space<vmem>> -> memref<1x200x64xf32, #tpu.memory_space<vmem>>
        %swap3A_806 = tpu.memref_squeeze %swap3A_805 : memref<1x200x64xf32, #tpu.memory_space<vmem>> -> memref<200x64xf32, #tpu.memory_space<vmem>>
        %swap3A_807 = arith.index_cast %add3A_769 : i32 to index
        %swap3A_808 = arith.constant 48 : index
        %swap3A_809 = tpu.vector_load %swap3A_806[%swap3A_807, %swap3A_808] {strides = array<i32>} : memref<200x64xf32, #tpu.memory_space<vmem>>, vector<16xf32>,
        tpu.vector_store %swap3A_806[%swap3A_807, %swap3A_808], %get3A_802 {strides = array<i32>} : memref<200x64xf32, #tpu.memory_space<vmem>>, vector<16xf32>,
        %scan3A_810 = arith.constant 5 : i32
        %scan3A_811 = arith.addi %scan3A_583, %scan3A_810 : i32
        %mul3A_812 = arith.constant 1 : i32
        %mul3A_813 = arith.muli %scan3A_811, %mul3A_812 : i32
        %add3A_814 = arith.constant 0 : i32
        %add3A_815 = arith.addi %add3A_814, %mul3A_813 : i32
        %get3A_816 = arith.index_cast %add3A_815 : i32 to index
        %get3A_817 = arith.constant 0 : index
        %get3A_818 = tpu.vector_load %arg9[%get3A_816, %get3A_817] {strides = array<i32>} : memref<200x64xf32, #tpu.memory_space<vmem>>, vector<16xf32>,
        %swap3A_819 = arith.constant 0 : i32
        %swap3A_820 = arith.constant 0 : i32
        %swap3A_821 = tpu.memref_slice %arg8[%scan3A_73, %swap3A_819, %swap3A_820] : memref<8x200x64xf32, #tpu.memory_space<vmem>> -> memref<1x200x64xf32, #tpu.memory_space<vmem>>
        %swap3A_822 = tpu.memref_squeeze %swap3A_821 : memref<1x200x64xf32, #tpu.memory_space<vmem>> -> memref<200x64xf32, #tpu.memory_space<vmem>>
        %swap3A_823 = arith.index_cast %add3A_815 : i32 to index
        %swap3A_824 = arith.constant 0 : index
        %swap3A_825 = tpu.vector_load %swap3A_822[%swap3A_823, %swap3A_824] {strides = array<i32>} : memref<200x64xf32, #tpu.memory_space<vmem>>, vector<16xf32>,
        tpu.vector_store %swap3A_822[%swap3A_823, %swap3A_824], %get3A_818 {strides = array<i32>} : memref<200x64xf32, #tpu.memory_space<vmem>>, vector<16xf32>,
        %get3A_826 = arith.index_cast %add3A_815 : i32 to index
        %get3A_827 = arith.constant 16 : index
        %get3A_828 = tpu.vector_load %arg9[%get3A_826, %get3A_827] {strides = array<i32>} : memref<200x64xf32, #tpu.memory_space<vmem>>, vector<16xf32>,
        %swap3A_829 = arith.constant 0 : i32
        %swap3A_830 = arith.constant 0 : i32
        %swap3A_831 = tpu.memref_slice %arg8[%scan3A_73, %swap3A_829, %swap3A_830] : memref<8x200x64xf32, #tpu.memory_space<vmem>> -> memref<1x200x64xf32, #tpu.memory_space<vmem>>
        %swap3A_832 = tpu.memref_squeeze %swap3A_831 : memref<1x200x64xf32, #tpu.memory_space<vmem>> -> memref<200x64xf32, #tpu.memory_space<vmem>>
        %swap3A_833 = arith.index_cast %add3A_815 : i32 to index
        %swap3A_834 = arith.constant 16 : index
        %swap3A_835 = tpu.vector_load %swap3A_832[%swap3A_833, %swap3A_834] {strides = array<i32>} : memref<200x64xf32, #tpu.memory_space<vmem>>, vector<16xf32>,
        tpu.vector_store %swap3A_832[%swap3A_833, %swap3A_834], %get3A_828 {strides = array<i32>} : memref<200x64xf32, #tpu.memory_space<vmem>>, vector<16xf32>,
        %get3A_836 = arith.index_cast %add3A_815 : i32 to index
        %get3A_837 = arith.constant 32 : index
        %get3A_838 = tpu.vector_load %arg9[%get3A_836, %get3A_837] {strides = array<i32>} : memref<200x64xf32, #tpu.memory_space<vmem>>, vector<16xf32>,
        %swap3A_839 = arith.constant 0 : i32
        %swap3A_840 = arith.constant 0 : i32
        %swap3A_841 = tpu.memref_slice %arg8[%scan3A_73, %swap3A_839, %swap3A_840] : memref<8x200x64xf32, #tpu.memory_space<vmem>> -> memref<1x200x64xf32, #tpu.memory_space<vmem>>
        %swap3A_842 = tpu.memref_squeeze %swap3A_841 : memref<1x200x64xf32, #tpu.memory_space<vmem>> -> memref<200x64xf32, #tpu.memory_space<vmem>>
        %swap3A_843 = arith.index_cast %add3A_815 : i32 to index
        %swap3A_844 = arith.constant 32 : index
        %swap3A_845 = tpu.vector_load %swap3A_842[%swap3A_843, %swap3A_844] {strides = array<i32>} : memref<200x64xf32, #tpu.memory_space<vmem>>, vector<16xf32>,
        tpu.vector_store %swap3A_842[%swap3A_843, %swap3A_844], %get3A_838 {strides = array<i32>} : memref<200x64xf32, #tpu.memory_space<vmem>>, vector<16xf32>,
        %get3A_846 = arith.index_cast %add3A_815 : i32 to index
        %get3A_847 = arith.constant 48 : index
        %get3A_848 = tpu.vector_load %arg9[%get3A_846, %get3A_847] {strides = array<i32>} : memref<200x64xf32, #tpu.memory_space<vmem>>, vector<16xf32>,
        %swap3A_849 = arith.constant 0 : i32
        %swap3A_850 = arith.constant 0 : i32
        %swap3A_851 = tpu.memref_slice %arg8[%scan3A_73, %swap3A_849, %swap3A_850] : memref<8x200x64xf32, #tpu.memory_space<vmem>> -> memref<1x200x64xf32, #tpu.memory_space<vmem>>
        %swap3A_852 = tpu.memref_squeeze %swap3A_851 : memref<1x200x64xf32, #tpu.memory_space<vmem>> -> memref<200x64xf32, #tpu.memory_space<vmem>>
        %swap3A_853 = arith.index_cast %add3A_815 : i32 to index
        %swap3A_854 = arith.constant 48 : index
        %swap3A_855 = tpu.vector_load %swap3A_852[%swap3A_853, %swap3A_854] {strides = array<i32>} : memref<200x64xf32, #tpu.memory_space<vmem>>, vector<16xf32>,
        tpu.vector_store %swap3A_852[%swap3A_853, %swap3A_854], %get3A_848 {strides = array<i32>} : memref<200x64xf32, #tpu.memory_space<vmem>>, vector<16xf32>,
        %scan3A_856 = arith.constant 6 : i32
        %scan3A_857 = arith.addi %scan3A_583, %scan3A_856 : i32
        %mul3A_858 = arith.constant 1 : i32
        %mul3A_859 = arith.muli %scan3A_857, %mul3A_858 : i32
        %add3A_860 = arith.constant 0 : i32
        %add3A_861 = arith.addi %add3A_860, %mul3A_859 : i32
        %get3A_862 = arith.index_cast %add3A_861 : i32 to index
        %get3A_863 = arith.constant 0 : index
        %get3A_864 = tpu.vector_load %arg9[%get3A_862, %get3A_863] {strides = array<i32>} : memref<200x64xf32, #tpu.memory_space<vmem>>, vector<16xf32>,
        %swap3A_865 = arith.constant 0 : i32
        %swap3A_866 = arith.constant 0 : i32
        %swap3A_867 = tpu.memref_slice %arg8[%scan3A_73, %swap3A_865, %swap3A_866] : memref<8x200x64xf32, #tpu.memory_space<vmem>> -> memref<1x200x64xf32, #tpu.memory_space<vmem>>
        %swap3A_868 = tpu.memref_squeeze %swap3A_867 : memref<1x200x64xf32, #tpu.memory_space<vmem>> -> memref<200x64xf32, #tpu.memory_space<vmem>>
        %swap3A_869 = arith.index_cast %add3A_861 : i32 to index
        %swap3A_870 = arith.constant 0 : index
        %swap3A_871 = tpu.vector_load %swap3A_868[%swap3A_869, %swap3A_870] {strides = array<i32>} : memref<200x64xf32, #tpu.memory_space<vmem>>, vector<16xf32>,
        tpu.vector_store %swap3A_868[%swap3A_869, %swap3A_870], %get3A_864 {strides = array<i32>} : memref<200x64xf32, #tpu.memory_space<vmem>>, vector<16xf32>,
        %get3A_872 = arith.index_cast %add3A_861 : i32 to index
        %get3A_873 = arith.constant 16 : index
        %get3A_874 = tpu.vector_load %arg9[%get3A_872, %get3A_873] {strides = array<i32>} : memref<200x64xf32, #tpu.memory_space<vmem>>, vector<16xf32>,
        %swap3A_875 = arith.constant 0 : i32
        %swap3A_876 = arith.constant 0 : i32
        %swap3A_877 = tpu.memref_slice %arg8[%scan3A_73, %swap3A_875, %swap3A_876] : memref<8x200x64xf32, #tpu.memory_space<vmem>> -> memref<1x200x64xf32, #tpu.memory_space<vmem>>
        %swap3A_878 = tpu.memref_squeeze %swap3A_877 : memref<1x200x64xf32, #tpu.memory_space<vmem>> -> memref<200x64xf32, #tpu.memory_space<vmem>>
        %swap3A_879 = arith.index_cast %add3A_861 : i32 to index
        %swap3A_880 = arith.constant 16 : index
        %swap3A_881 = tpu.vector_load %swap3A_878[%swap3A_879, %swap3A_880] {strides = array<i32>} : memref<200x64xf32, #tpu.memory_space<vmem>>, vector<16xf32>,
        tpu.vector_store %swap3A_878[%swap3A_879, %swap3A_880], %get3A_874 {strides = array<i32>} : memref<200x64xf32, #tpu.memory_space<vmem>>, vector<16xf32>,
        %get3A_882 = arith.index_cast %add3A_861 : i32 to index
        %get3A_883 = arith.constant 32 : index
        %get3A_884 = tpu.vector_load %arg9[%get3A_882, %get3A_883] {strides = array<i32>} : memref<200x64xf32, #tpu.memory_space<vmem>>, vector<16xf32>,
        %swap3A_885 = arith.constant 0 : i32
        %swap3A_886 = arith.constant 0 : i32
        %swap3A_887 = tpu.memref_slice %arg8[%scan3A_73, %swap3A_885, %swap3A_886] : memref<8x200x64xf32, #tpu.memory_space<vmem>> -> memref<1x200x64xf32, #tpu.memory_space<vmem>>
        %swap3A_888 = tpu.memref_squeeze %swap3A_887 : memref<1x200x64xf32, #tpu.memory_space<vmem>> -> memref<200x64xf32, #tpu.memory_space<vmem>>
        %swap3A_889 = arith.index_cast %add3A_861 : i32 to index
        %swap3A_890 = arith.constant 32 : index
        %swap3A_891 = tpu.vector_load %swap3A_888[%swap3A_889, %swap3A_890] {strides = array<i32>} : memref<200x64xf32, #tpu.memory_space<vmem>>, vector<16xf32>,
        tpu.vector_store %swap3A_888[%swap3A_889, %swap3A_890], %get3A_884 {strides = array<i32>} : memref<200x64xf32, #tpu.memory_space<vmem>>, vector<16xf32>,
        %get3A_892 = arith.index_cast %add3A_861 : i32 to index
        %get3A_893 = arith.constant 48 : index
        %get3A_894 = tpu.vector_load %arg9[%get3A_892, %get3A_893] {strides = array<i32>} : memref<200x64xf32, #tpu.memory_space<vmem>>, vector<16xf32>,
        %swap3A_895 = arith.constant 0 : i32
        %swap3A_896 = arith.constant 0 : i32
        %swap3A_897 = tpu.memref_slice %arg8[%scan3A_73, %swap3A_895, %swap3A_896] : memref<8x200x64xf32, #tpu.memory_space<vmem>> -> memref<1x200x64xf32, #tpu.memory_space<vmem>>
        %swap3A_898 = tpu.memref_squeeze %swap3A_897 : memref<1x200x64xf32, #tpu.memory_space<vmem>> -> memref<200x64xf32, #tpu.memory_space<vmem>>
        %swap3A_899 = arith.index_cast %add3A_861 : i32 to index
        %swap3A_900 = arith.constant 48 : index
        %swap3A_901 = tpu.vector_load %swap3A_898[%swap3A_899, %swap3A_900] {strides = array<i32>} : memref<200x64xf32, #tpu.memory_space<vmem>>, vector<16xf32>,
        tpu.vector_store %swap3A_898[%swap3A_899, %swap3A_900], %get3A_894 {strides = array<i32>} : memref<200x64xf32, #tpu.memory_space<vmem>>, vector<16xf32>,
        %scan3A_902 = arith.constant 7 : i32
        %scan3A_903 = arith.addi %scan3A_583, %scan3A_902 : i32
        %mul3A_904 = arith.constant 1 : i32
        %mul3A_905 = arith.muli %scan3A_903, %mul3A_904 : i32
        %add3A_906 = arith.constant 0 : i32
        %add3A_907 = arith.addi %add3A_906, %mul3A_905 : i32
        %get3A_908 = arith.index_cast %add3A_907 : i32 to index
        %get3A_909 = arith.constant 0 : index
        %get3A_910 = tpu.vector_load %arg9[%get3A_908, %get3A_909] {strides = array<i32>} : memref<200x64xf32, #tpu.memory_space<vmem>>, vector<16xf32>,
        %swap3A_911 = arith.constant 0 : i32
        %swap3A_912 = arith.constant 0 : i32
        %swap3A_913 = tpu.memref_slice %arg8[%scan3A_73, %swap3A_911, %swap3A_912] : memref<8x200x64xf32, #tpu.memory_space<vmem>> -> memref<1x200x64xf32, #tpu.memory_space<vmem>>
        %swap3A_914 = tpu.memref_squeeze %swap3A_913 : memref<1x200x64xf32, #tpu.memory_space<vmem>> -> memref<200x64xf32, #tpu.memory_space<vmem>>
        %swap3A_915 = arith.index_cast %add3A_907 : i32 to index
        %swap3A_916 = arith.constant 0 : index
        %swap3A_917 = tpu.vector_load %swap3A_914[%swap3A_915, %swap3A_916] {strides = array<i32>} : memref<200x64xf32, #tpu.memory_space<vmem>>, vector<16xf32>,
        tpu.vector_store %swap3A_914[%swap3A_915, %swap3A_916], %get3A_910 {strides = array<i32>} : memref<200x64xf32, #tpu.memory_space<vmem>>, vector<16xf32>,
        %get3A_918 = arith.index_cast %add3A_907 : i32 to index
        %get3A_919 = arith.constant 16 : index
        %get3A_920 = tpu.vector_load %arg9[%get3A_918, %get3A_919] {strides = array<i32>} : memref<200x64xf32, #tpu.memory_space<vmem>>, vector<16xf32>,
        %swap3A_921 = arith.constant 0 : i32
        %swap3A_922 = arith.constant 0 : i32
        %swap3A_923 = tpu.memref_slice %arg8[%scan3A_73, %swap3A_921, %swap3A_922] : memref<8x200x64xf32, #tpu.memory_space<vmem>> -> memref<1x200x64xf32, #tpu.memory_space<vmem>>
        %swap3A_924 = tpu.memref_squeeze %swap3A_923 : memref<1x200x64xf32, #tpu.memory_space<vmem>> -> memref<200x64xf32, #tpu.memory_space<vmem>>
        %swap3A_925 = arith.index_cast %add3A_907 : i32 to index
        %swap3A_926 = arith.constant 16 : index
        %swap3A_927 = tpu.vector_load %swap3A_924[%swap3A_925, %swap3A_926] {strides = array<i32>} : memref<200x64xf32, #tpu.memory_space<vmem>>, vector<16xf32>,
        tpu.vector_store %swap3A_924[%swap3A_925, %swap3A_926], %get3A_920 {strides = array<i32>} : memref<200x64xf32, #tpu.memory_space<vmem>>, vector<16xf32>,
        %get3A_928 = arith.index_cast %add3A_907 : i32 to index
        %get3A_929 = arith.constant 32 : index
        %get3A_930 = tpu.vector_load %arg9[%get3A_928, %get3A_929] {strides = array<i32>} : memref<200x64xf32, #tpu.memory_space<vmem>>, vector<16xf32>,
        %swap3A_931 = arith.constant 0 : i32
        %swap3A_932 = arith.constant 0 : i32
        %swap3A_933 = tpu.memref_slice %arg8[%scan3A_73, %swap3A_931, %swap3A_932] : memref<8x200x64xf32, #tpu.memory_space<vmem>> -> memref<1x200x64xf32, #tpu.memory_space<vmem>>
        %swap3A_934 = tpu.memref_squeeze %swap3A_933 : memref<1x200x64xf32, #tpu.memory_space<vmem>> -> memref<200x64xf32, #tpu.memory_space<vmem>>
        %swap3A_935 = arith.index_cast %add3A_907 : i32 to index
        %swap3A_936 = arith.constant 32 : index
        %swap3A_937 = tpu.vector_load %swap3A_934[%swap3A_935, %swap3A_936] {strides = array<i32>} : memref<200x64xf32, #tpu.memory_space<vmem>>, vector<16xf32>,
        tpu.vector_store %swap3A_934[%swap3A_935, %swap3A_936], %get3A_930 {strides = array<i32>} : memref<200x64xf32, #tpu.memory_space<vmem>>, vector<16xf32>,
        %get3A_938 = arith.index_cast %add3A_907 : i32 to index
        %get3A_939 = arith.constant 48 : index
        %get3A_940 = tpu.vector_load %arg9[%get3A_938, %get3A_939] {strides = array<i32>} : memref<200x64xf32, #tpu.memory_space<vmem>>, vector<16xf32>,
        %swap3A_941 = arith.constant 0 : i32
        %swap3A_942 = arith.constant 0 : i32
        %swap3A_943 = tpu.memref_slice %arg8[%scan3A_73, %swap3A_941, %swap3A_942] : memref<8x200x64xf32, #tpu.memory_space<vmem>> -> memref<1x200x64xf32, #tpu.memory_space<vmem>>
        %swap3A_944 = tpu.memref_squeeze %swap3A_943 : memref<1x200x64xf32, #tpu.memory_space<vmem>> -> memref<200x64xf32, #tpu.memory_space<vmem>>
        %swap3A_945 = arith.index_cast %add3A_907 : i32 to index
        %swap3A_946 = arith.constant 48 : index
        %swap3A_947 = tpu.vector_load %swap3A_944[%swap3A_945, %swap3A_946] {strides = array<i32>} : memref<200x64xf32, #tpu.memory_space<vmem>>, vector<16xf32>,
        tpu.vector_store %swap3A_944[%swap3A_945, %swap3A_946], %get3A_940 {strides = array<i32>} : memref<200x64xf32, #tpu.memory_space<vmem>>, vector<16xf32>,
      }
      %scan3A_78 = arith.constant 200 : i32
      %scan3A_79 = arith.constant 5 : i32
      %scan3A_80 = arith.constant 0 : i32
      %scan3A_81 = arith.constant 200 : i32
      %scan3A_82 = arith.addi %scan3A_80, %scan3A_81 : i32
      %scan3A_83 = arith.constant 8 : i32
      scf.for %scan3A_583 = %scan3A_80 to %scan3A_82 step %scan3A_83  : i32 {
        %mul3A_584 = arith.constant 1 : i32
        %mul3A_585 = arith.muli %scan3A_583, %mul3A_584 : i32
        %add3A_586 = arith.constant 0 : i32
        %add3A_587 = arith.addi %add3A_586, %mul3A_585 : i32
        %get3A = arith.index_cast %add3A_587 : i32 to index
        %get3A_588 = arith.constant 0 : index
        %get3A_589 = tpu.vector_load %arg9[%get3A, %get3A_588] {strides = array<i32>} : memref<200x64xf32, #tpu.memory_space<vmem>>, vector<16xf32>,
        %swap3A = arith.constant 0 : i32
        %swap3A_590 = arith.constant 0 : i32
        %swap3A_591 = tpu.memref_slice %arg8[%scan3A_79, %swap3A, %swap3A_590] : memref<8x200x64xf32, #tpu.memory_space<vmem>> -> memref<1x200x64xf32, #tpu.memory_space<vmem>>
        %swap3A_592 = tpu.memref_squeeze %swap3A_591 : memref<1x200x64xf32, #tpu.memory_space<vmem>> -> memref<200x64xf32, #tpu.memory_space<vmem>>
        %swap3A_593 = arith.index_cast %add3A_587 : i32 to index
        %swap3A_594 = arith.constant 0 : index
        %swap3A_595 = tpu.vector_load %swap3A_592[%swap3A_593, %swap3A_594] {strides = array<i32>} : memref<200x64xf32, #tpu.memory_space<vmem>>, vector<16xf32>,
        tpu.vector_store %swap3A_592[%swap3A_593, %swap3A_594], %get3A_589 {strides = array<i32>} : memref<200x64xf32, #tpu.memory_space<vmem>>, vector<16xf32>,
        %get3A_596 = arith.index_cast %add3A_587 : i32 to index
        %get3A_597 = arith.constant 16 : index
        %get3A_598 = tpu.vector_load %arg9[%get3A_596, %get3A_597] {strides = array<i32>} : memref<200x64xf32, #tpu.memory_space<vmem>>, vector<16xf32>,
        %swap3A_599 = arith.constant 0 : i32
        %swap3A_600 = arith.constant 0 : i32
        %swap3A_601 = tpu.memref_slice %arg8[%scan3A_79, %swap3A_599, %swap3A_600] : memref<8x200x64xf32, #tpu.memory_space<vmem>> -> memref<1x200x64xf32, #tpu.memory_space<vmem>>
        %swap3A_602 = tpu.memref_squeeze %swap3A_601 : memref<1x200x64xf32, #tpu.memory_space<vmem>> -> memref<200x64xf32, #tpu.memory_space<vmem>>
        %swap3A_603 = arith.index_cast %add3A_587 : i32 to index
        %swap3A_604 = arith.constant 16 : index
        %swap3A_605 = tpu.vector_load %swap3A_602[%swap3A_603, %swap3A_604] {strides = array<i32>} : memref<200x64xf32, #tpu.memory_space<vmem>>, vector<16xf32>,
        tpu.vector_store %swap3A_602[%swap3A_603, %swap3A_604], %get3A_598 {strides = array<i32>} : memref<200x64xf32, #tpu.memory_space<vmem>>, vector<16xf32>,
        %get3A_606 = arith.index_cast %add3A_587 : i32 to index
        %get3A_607 = arith.constant 32 : index
        %get3A_608 = tpu.vector_load %arg9[%get3A_606, %get3A_607] {strides = array<i32>} : memref<200x64xf32, #tpu.memory_space<vmem>>, vector<16xf32>,
        %swap3A_609 = arith.constant 0 : i32
        %swap3A_610 = arith.constant 0 : i32
        %swap3A_611 = tpu.memref_slice %arg8[%scan3A_79, %swap3A_609, %swap3A_610] : memref<8x200x64xf32, #tpu.memory_space<vmem>> -> memref<1x200x64xf32, #tpu.memory_space<vmem>>
        %swap3A_612 = tpu.memref_squeeze %swap3A_611 : memref<1x200x64xf32, #tpu.memory_space<vmem>> -> memref<200x64xf32, #tpu.memory_space<vmem>>
        %swap3A_613 = arith.index_cast %add3A_587 : i32 to index
        %swap3A_614 = arith.constant 32 : index
        %swap3A_615 = tpu.vector_load %swap3A_612[%swap3A_613, %swap3A_614] {strides = array<i32>} : memref<200x64xf32, #tpu.memory_space<vmem>>, vector<16xf32>,
        tpu.vector_store %swap3A_612[%swap3A_613, %swap3A_614], %get3A_608 {strides = array<i32>} : memref<200x64xf32, #tpu.memory_space<vmem>>, vector<16xf32>,
        %get3A_616 = arith.index_cast %add3A_587 : i32 to index
        %get3A_617 = arith.constant 48 : index
        %get3A_618 = tpu.vector_load %arg9[%get3A_616, %get3A_617] {strides = array<i32>} : memref<200x64xf32, #tpu.memory_space<vmem>>, vector<16xf32>,
        %swap3A_619 = arith.constant 0 : i32
        %swap3A_620 = arith.constant 0 : i32
        %swap3A_621 = tpu.memref_slice %arg8[%scan3A_79, %swap3A_619, %swap3A_620] : memref<8x200x64xf32, #tpu.memory_space<vmem>> -> memref<1x200x64xf32, #tpu.memory_space<vmem>>
        %swap3A_622 = tpu.memref_squeeze %swap3A_621 : memref<1x200x64xf32, #tpu.memory_space<vmem>> -> memref<200x64xf32, #tpu.memory_space<vmem>>
        %swap3A_623 = arith.index_cast %add3A_587 : i32 to index
        %swap3A_624 = arith.constant 48 : index
        %swap3A_625 = tpu.vector_load %swap3A_622[%swap3A_623, %swap3A_624] {strides = array<i32>} : memref<200x64xf32, #tpu.memory_space<vmem>>, vector<16xf32>,
        tpu.vector_store %swap3A_622[%swap3A_623, %swap3A_624], %get3A_618 {strides = array<i32>} : memref<200x64xf32, #tpu.memory_space<vmem>>, vector<16xf32>,
        %scan3A_626 = arith.constant 1 : i32
        %scan3A_627 = arith.addi %scan3A_583, %scan3A_626 : i32
        %mul3A_628 = arith.constant 1 : i32
        %mul3A_629 = arith.muli %scan3A_627, %mul3A_628 : i32
        %add3A_630 = arith.constant 0 : i32
        %add3A_631 = arith.addi %add3A_630, %mul3A_629 : i32
        %get3A_632 = arith.index_cast %add3A_631 : i32 to index
        %get3A_633 = arith.constant 0 : index
        %get3A_634 = tpu.vector_load %arg9[%get3A_632, %get3A_633] {strides = array<i32>} : memref<200x64xf32, #tpu.memory_space<vmem>>, vector<16xf32>,
        %swap3A_635 = arith.constant 0 : i32
        %swap3A_636 = arith.constant 0 : i32
        %swap3A_637 = tpu.memref_slice %arg8[%scan3A_79, %swap3A_635, %swap3A_636] : memref<8x200x64xf32, #tpu.memory_space<vmem>> -> memref<1x200x64xf32, #tpu.memory_space<vmem>>
        %swap3A_638 = tpu.memref_squeeze %swap3A_637 : memref<1x200x64xf32, #tpu.memory_space<vmem>> -> memref<200x64xf32, #tpu.memory_space<vmem>>
        %swap3A_639 = arith.index_cast %add3A_631 : i32 to index
        %swap3A_640 = arith.constant 0 : index
        %swap3A_641 = tpu.vector_load %swap3A_638[%swap3A_639, %swap3A_640] {strides = array<i32>} : memref<200x64xf32, #tpu.memory_space<vmem>>, vector<16xf32>,
        tpu.vector_store %swap3A_638[%swap3A_639, %swap3A_640], %get3A_634 {strides = array<i32>} : memref<200x64xf32, #tpu.memory_space<vmem>>, vector<16xf32>,
        %get3A_642 = arith.index_cast %add3A_631 : i32 to index
        %get3A_643 = arith.constant 16 : index
        %get3A_644 = tpu.vector_load %arg9[%get3A_642, %get3A_643] {strides = array<i32>} : memref<200x64xf32, #tpu.memory_space<vmem>>, vector<16xf32>,
        %swap3A_645 = arith.constant 0 : i32
        %swap3A_646 = arith.constant 0 : i32
        %swap3A_647 = tpu.memref_slice %arg8[%scan3A_79, %swap3A_645, %swap3A_646] : memref<8x200x64xf32, #tpu.memory_space<vmem>> -> memref<1x200x64xf32, #tpu.memory_space<vmem>>
        %swap3A_648 = tpu.memref_squeeze %swap3A_647 : memref<1x200x64xf32, #tpu.memory_space<vmem>> -> memref<200x64xf32, #tpu.memory_space<vmem>>
        %swap3A_649 = arith.index_cast %add3A_631 : i32 to index
        %swap3A_650 = arith.constant 16 : index
        %swap3A_651 = tpu.vector_load %swap3A_648[%swap3A_649, %swap3A_650] {strides = array<i32>} : memref<200x64xf32, #tpu.memory_space<vmem>>, vector<16xf32>,
        tpu.vector_store %swap3A_648[%swap3A_649, %swap3A_650], %get3A_644 {strides = array<i32>} : memref<200x64xf32, #tpu.memory_space<vmem>>, vector<16xf32>,
        %get3A_652 = arith.index_cast %add3A_631 : i32 to index
        %get3A_653 = arith.constant 32 : index
        %get3A_654 = tpu.vector_load %arg9[%get3A_652, %get3A_653] {strides = array<i32>} : memref<200x64xf32, #tpu.memory_space<vmem>>, vector<16xf32>,
        %swap3A_655 = arith.constant 0 : i32
        %swap3A_656 = arith.constant 0 : i32
        %swap3A_657 = tpu.memref_slice %arg8[%scan3A_79, %swap3A_655, %swap3A_656] : memref<8x200x64xf32, #tpu.memory_space<vmem>> -> memref<1x200x64xf32, #tpu.memory_space<vmem>>
        %swap3A_658 = tpu.memref_squeeze %swap3A_657 : memref<1x200x64xf32, #tpu.memory_space<vmem>> -> memref<200x64xf32, #tpu.memory_space<vmem>>
        %swap3A_659 = arith.index_cast %add3A_631 : i32 to index
        %swap3A_660 = arith.constant 32 : index
        %swap3A_661 = tpu.vector_load %swap3A_658[%swap3A_659, %swap3A_660] {strides = array<i32>} : memref<200x64xf32, #tpu.memory_space<vmem>>, vector<16xf32>,
        tpu.vector_store %swap3A_658[%swap3A_659, %swap3A_660], %get3A_654 {strides = array<i32>} : memref<200x64xf32, #tpu.memory_space<vmem>>, vector<16xf32>,
        %get3A_662 = arith.index_cast %add3A_631 : i32 to index
        %get3A_663 = arith.constant 48 : index
        %get3A_664 = tpu.vector_load %arg9[%get3A_662, %get3A_663] {strides = array<i32>} : memref<200x64xf32, #tpu.memory_space<vmem>>, vector<16xf32>,
        %swap3A_665 = arith.constant 0 : i32
        %swap3A_666 = arith.constant 0 : i32
        %swap3A_667 = tpu.memref_slice %arg8[%scan3A_79, %swap3A_665, %swap3A_666] : memref<8x200x64xf32, #tpu.memory_space<vmem>> -> memref<1x200x64xf32, #tpu.memory_space<vmem>>
        %swap3A_668 = tpu.memref_squeeze %swap3A_667 : memref<1x200x64xf32, #tpu.memory_space<vmem>> -> memref<200x64xf32, #tpu.memory_space<vmem>>
        %swap3A_669 = arith.index_cast %add3A_631 : i32 to index
        %swap3A_670 = arith.constant 48 : index
        %swap3A_671 = tpu.vector_load %swap3A_668[%swap3A_669, %swap3A_670] {strides = array<i32>} : memref<200x64xf32, #tpu.memory_space<vmem>>, vector<16xf32>,
        tpu.vector_store %swap3A_668[%swap3A_669, %swap3A_670], %get3A_664 {strides = array<i32>} : memref<200x64xf32, #tpu.memory_space<vmem>>, vector<16xf32>,
        %scan3A_672 = arith.constant 2 : i32
        %scan3A_673 = arith.addi %scan3A_583, %scan3A_672 : i32
        %mul3A_674 = arith.constant 1 : i32
        %mul3A_675 = arith.muli %scan3A_673, %mul3A_674 : i32
        %add3A_676 = arith.constant 0 : i32
        %add3A_677 = arith.addi %add3A_676, %mul3A_675 : i32
        %get3A_678 = arith.index_cast %add3A_677 : i32 to index
        %get3A_679 = arith.constant 0 : index
        %get3A_680 = tpu.vector_load %arg9[%get3A_678, %get3A_679] {strides = array<i32>} : memref<200x64xf32, #tpu.memory_space<vmem>>, vector<16xf32>,
        %swap3A_681 = arith.constant 0 : i32
        %swap3A_682 = arith.constant 0 : i32
        %swap3A_683 = tpu.memref_slice %arg8[%scan3A_79, %swap3A_681, %swap3A_682] : memref<8x200x64xf32, #tpu.memory_space<vmem>> -> memref<1x200x64xf32, #tpu.memory_space<vmem>>
        %swap3A_684 = tpu.memref_squeeze %swap3A_683 : memref<1x200x64xf32, #tpu.memory_space<vmem>> -> memref<200x64xf32, #tpu.memory_space<vmem>>
        %swap3A_685 = arith.index_cast %add3A_677 : i32 to index
        %swap3A_686 = arith.constant 0 : index
        %swap3A_687 = tpu.vector_load %swap3A_684[%swap3A_685, %swap3A_686] {strides = array<i32>} : memref<200x64xf32, #tpu.memory_space<vmem>>, vector<16xf32>,
        tpu.vector_store %swap3A_684[%swap3A_685, %swap3A_686], %get3A_680 {strides = array<i32>} : memref<200x64xf32, #tpu.memory_space<vmem>>, vector<16xf32>,
        %get3A_688 = arith.index_cast %add3A_677 : i32 to index
        %get3A_689 = arith.constant 16 : index
        %get3A_690 = tpu.vector_load %arg9[%get3A_688, %get3A_689] {strides = array<i32>} : memref<200x64xf32, #tpu.memory_space<vmem>>, vector<16xf32>,
        %swap3A_691 = arith.constant 0 : i32
        %swap3A_692 = arith.constant 0 : i32
        %swap3A_693 = tpu.memref_slice %arg8[%scan3A_79, %swap3A_691, %swap3A_692] : memref<8x200x64xf32, #tpu.memory_space<vmem>> -> memref<1x200x64xf32, #tpu.memory_space<vmem>>
        %swap3A_694 = tpu.memref_squeeze %swap3A_693 : memref<1x200x64xf32, #tpu.memory_space<vmem>> -> memref<200x64xf32, #tpu.memory_space<vmem>>
        %swap3A_695 = arith.index_cast %add3A_677 : i32 to index
        %swap3A_696 = arith.constant 16 : index
        %swap3A_697 = tpu.vector_load %swap3A_694[%swap3A_695, %swap3A_696] {strides = array<i32>} : memref<200x64xf32, #tpu.memory_space<vmem>>, vector<16xf32>,
        tpu.vector_store %swap3A_694[%swap3A_695, %swap3A_696], %get3A_690 {strides = array<i32>} : memref<200x64xf32, #tpu.memory_space<vmem>>, vector<16xf32>,
        %get3A_698 = arith.index_cast %add3A_677 : i32 to index
        %get3A_699 = arith.constant 32 : index
        %get3A_700 = tpu.vector_load %arg9[%get3A_698, %get3A_699] {strides = array<i32>} : memref<200x64xf32, #tpu.memory_space<vmem>>, vector<16xf32>,
        %swap3A_701 = arith.constant 0 : i32
        %swap3A_702 = arith.constant 0 : i32
        %swap3A_703 = tpu.memref_slice %arg8[%scan3A_79, %swap3A_701, %swap3A_702] : memref<8x200x64xf32, #tpu.memory_space<vmem>> -> memref<1x200x64xf32, #tpu.memory_space<vmem>>
        %swap3A_704 = tpu.memref_squeeze %swap3A_703 : memref<1x200x64xf32, #tpu.memory_space<vmem>> -> memref<200x64xf32, #tpu.memory_space<vmem>>
        %swap3A_705 = arith.index_cast %add3A_677 : i32 to index
        %swap3A_706 = arith.constant 32 : index
        %swap3A_707 = tpu.vector_load %swap3A_704[%swap3A_705, %swap3A_706] {strides = array<i32>} : memref<200x64xf32, #tpu.memory_space<vmem>>, vector<16xf32>,
        tpu.vector_store %swap3A_704[%swap3A_705, %swap3A_706], %get3A_700 {strides = array<i32>} : memref<200x64xf32, #tpu.memory_space<vmem>>, vector<16xf32>,
        %get3A_708 = arith.index_cast %add3A_677 : i32 to index
        %get3A_709 = arith.constant 48 : index
        %get3A_710 = tpu.vector_load %arg9[%get3A_708, %get3A_709] {strides = array<i32>} : memref<200x64xf32, #tpu.memory_space<vmem>>, vector<16xf32>,
        %swap3A_711 = arith.constant 0 : i32
        %swap3A_712 = arith.constant 0 : i32
        %swap3A_713 = tpu.memref_slice %arg8[%scan3A_79, %swap3A_711, %swap3A_712] : memref<8x200x64xf32, #tpu.memory_space<vmem>> -> memref<1x200x64xf32, #tpu.memory_space<vmem>>
        %swap3A_714 = tpu.memref_squeeze %swap3A_713 : memref<1x200x64xf32, #tpu.memory_space<vmem>> -> memref<200x64xf32, #tpu.memory_space<vmem>>
        %swap3A_715 = arith.index_cast %add3A_677 : i32 to index
        %swap3A_716 = arith.constant 48 : index
        %swap3A_717 = tpu.vector_load %swap3A_714[%swap3A_715, %swap3A_716] {strides = array<i32>} : memref<200x64xf32, #tpu.memory_space<vmem>>, vector<16xf32>,
        tpu.vector_store %swap3A_714[%swap3A_715, %swap3A_716], %get3A_710 {strides = array<i32>} : memref<200x64xf32, #tpu.memory_space<vmem>>, vector<16xf32>,
        %scan3A_718 = arith.constant 3 : i32
        %scan3A_719 = arith.addi %scan3A_583, %scan3A_718 : i32
        %mul3A_720 = arith.constant 1 : i32
        %mul3A_721 = arith.muli %scan3A_719, %mul3A_720 : i32
        %add3A_722 = arith.constant 0 : i32
        %add3A_723 = arith.addi %add3A_722, %mul3A_721 : i32
        %get3A_724 = arith.index_cast %add3A_723 : i32 to index
        %get3A_725 = arith.constant 0 : index
        %get3A_726 = tpu.vector_load %arg9[%get3A_724, %get3A_725] {strides = array<i32>} : memref<200x64xf32, #tpu.memory_space<vmem>>, vector<16xf32>,
        %swap3A_727 = arith.constant 0 : i32
        %swap3A_728 = arith.constant 0 : i32
        %swap3A_729 = tpu.memref_slice %arg8[%scan3A_79, %swap3A_727, %swap3A_728] : memref<8x200x64xf32, #tpu.memory_space<vmem>> -> memref<1x200x64xf32, #tpu.memory_space<vmem>>
        %swap3A_730 = tpu.memref_squeeze %swap3A_729 : memref<1x200x64xf32, #tpu.memory_space<vmem>> -> memref<200x64xf32, #tpu.memory_space<vmem>>
        %swap3A_731 = arith.index_cast %add3A_723 : i32 to index
        %swap3A_732 = arith.constant 0 : index
        %swap3A_733 = tpu.vector_load %swap3A_730[%swap3A_731, %swap3A_732] {strides = array<i32>} : memref<200x64xf32, #tpu.memory_space<vmem>>, vector<16xf32>,
        tpu.vector_store %swap3A_730[%swap3A_731, %swap3A_732], %get3A_726 {strides = array<i32>} : memref<200x64xf32, #tpu.memory_space<vmem>>, vector<16xf32>,
        %get3A_734 = arith.index_cast %add3A_723 : i32 to index
        %get3A_735 = arith.constant 16 : index
        %get3A_736 = tpu.vector_load %arg9[%get3A_734, %get3A_735] {strides = array<i32>} : memref<200x64xf32, #tpu.memory_space<vmem>>, vector<16xf32>,
        %swap3A_737 = arith.constant 0 : i32
        %swap3A_738 = arith.constant 0 : i32
        %swap3A_739 = tpu.memref_slice %arg8[%scan3A_79, %swap3A_737, %swap3A_738] : memref<8x200x64xf32, #tpu.memory_space<vmem>> -> memref<1x200x64xf32, #tpu.memory_space<vmem>>
        %swap3A_740 = tpu.memref_squeeze %swap3A_739 : memref<1x200x64xf32, #tpu.memory_space<vmem>> -> memref<200x64xf32, #tpu.memory_space<vmem>>
        %swap3A_741 = arith.index_cast %add3A_723 : i32 to index
        %swap3A_742 = arith.constant 16 : index
        %swap3A_743 = tpu.vector_load %swap3A_740[%swap3A_741, %swap3A_742] {strides = array<i32>} : memref<200x64xf32, #tpu.memory_space<vmem>>, vector<16xf32>,
        tpu.vector_store %swap3A_740[%swap3A_741, %swap3A_742], %get3A_736 {strides = array<i32>} : memref<200x64xf32, #tpu.memory_space<vmem>>, vector<16xf32>,
        %get3A_744 = arith.index_cast %add3A_723 : i32 to index
        %get3A_745 = arith.constant 32 : index
        %get3A_746 = tpu.vector_load %arg9[%get3A_744, %get3A_745] {strides = array<i32>} : memref<200x64xf32, #tpu.memory_space<vmem>>, vector<16xf32>,
        %swap3A_747 = arith.constant 0 : i32
        %swap3A_748 = arith.constant 0 : i32
        %swap3A_749 = tpu.memref_slice %arg8[%scan3A_79, %swap3A_747, %swap3A_748] : memref<8x200x64xf32, #tpu.memory_space<vmem>> -> memref<1x200x64xf32, #tpu.memory_space<vmem>>
        %swap3A_750 = tpu.memref_squeeze %swap3A_749 : memref<1x200x64xf32, #tpu.memory_space<vmem>> -> memref<200x64xf32, #tpu.memory_space<vmem>>
        %swap3A_751 = arith.index_cast %add3A_723 : i32 to index
        %swap3A_752 = arith.constant 32 : index
        %swap3A_753 = tpu.vector_load %swap3A_750[%swap3A_751, %swap3A_752] {strides = array<i32>} : memref<200x64xf32, #tpu.memory_space<vmem>>, vector<16xf32>,
        tpu.vector_store %swap3A_750[%swap3A_751, %swap3A_752], %get3A_746 {strides = array<i32>} : memref<200x64xf32, #tpu.memory_space<vmem>>, vector<16xf32>,
        %get3A_754 = arith.index_cast %add3A_723 : i32 to index
        %get3A_755 = arith.constant 48 : index
        %get3A_756 = tpu.vector_load %arg9[%get3A_754, %get3A_755] {strides = array<i32>} : memref<200x64xf32, #tpu.memory_space<vmem>>, vector<16xf32>,
        %swap3A_757 = arith.constant 0 : i32
        %swap3A_758 = arith.constant 0 : i32
        %swap3A_759 = tpu.memref_slice %arg8[%scan3A_79, %swap3A_757, %swap3A_758] : memref<8x200x64xf32, #tpu.memory_space<vmem>> -> memref<1x200x64xf32, #tpu.memory_space<vmem>>
        %swap3A_760 = tpu.memref_squeeze %swap3A_759 : memref<1x200x64xf32, #tpu.memory_space<vmem>> -> memref<200x64xf32, #tpu.memory_space<vmem>>
        %swap3A_761 = arith.index_cast %add3A_723 : i32 to index
        %swap3A_762 = arith.constant 48 : index
        %swap3A_763 = tpu.vector_load %swap3A_760[%swap3A_761, %swap3A_762] {strides = array<i32>} : memref<200x64xf32, #tpu.memory_space<vmem>>, vector<16xf32>,
        tpu.vector_store %swap3A_760[%swap3A_761, %swap3A_762], %get3A_756 {strides = array<i32>} : memref<200x64xf32, #tpu.memory_space<vmem>>, vector<16xf32>,
        %scan3A_764 = arith.constant 4 : i32
        %scan3A_765 = arith.addi %scan3A_583, %scan3A_764 : i32
        %mul3A_766 = arith.constant 1 : i32
        %mul3A_767 = arith.muli %scan3A_765, %mul3A_766 : i32
        %add3A_768 = arith.constant 0 : i32
        %add3A_769 = arith.addi %add3A_768, %mul3A_767 : i32
        %get3A_770 = arith.index_cast %add3A_769 : i32 to index
        %get3A_771 = arith.constant 0 : index
        %get3A_772 = tpu.vector_load %arg9[%get3A_770, %get3A_771] {strides = array<i32>} : memref<200x64xf32, #tpu.memory_space<vmem>>, vector<16xf32>,
        %swap3A_773 = arith.constant 0 : i32
        %swap3A_774 = arith.constant 0 : i32
        %swap3A_775 = tpu.memref_slice %arg8[%scan3A_79, %swap3A_773, %swap3A_774] : memref<8x200x64xf32, #tpu.memory_space<vmem>> -> memref<1x200x64xf32, #tpu.memory_space<vmem>>
        %swap3A_776 = tpu.memref_squeeze %swap3A_775 : memref<1x200x64xf32, #tpu.memory_space<vmem>> -> memref<200x64xf32, #tpu.memory_space<vmem>>
        %swap3A_777 = arith.index_cast %add3A_769 : i32 to index
        %swap3A_778 = arith.constant 0 : index
        %swap3A_779 = tpu.vector_load %swap3A_776[%swap3A_777, %swap3A_778] {strides = array<i32>} : memref<200x64xf32, #tpu.memory_space<vmem>>, vector<16xf32>,
        tpu.vector_store %swap3A_776[%swap3A_777, %swap3A_778], %get3A_772 {strides = array<i32>} : memref<200x64xf32, #tpu.memory_space<vmem>>, vector<16xf32>,
        %get3A_780 = arith.index_cast %add3A_769 : i32 to index
        %get3A_781 = arith.constant 16 : index
        %get3A_782 = tpu.vector_load %arg9[%get3A_780, %get3A_781] {strides = array<i32>} : memref<200x64xf32, #tpu.memory_space<vmem>>, vector<16xf32>,
        %swap3A_783 = arith.constant 0 : i32
        %swap3A_784 = arith.constant 0 : i32
        %swap3A_785 = tpu.memref_slice %arg8[%scan3A_79, %swap3A_783, %swap3A_784] : memref<8x200x64xf32, #tpu.memory_space<vmem>> -> memref<1x200x64xf32, #tpu.memory_space<vmem>>
        %swap3A_786 = tpu.memref_squeeze %swap3A_785 : memref<1x200x64xf32, #tpu.memory_space<vmem>> -> memref<200x64xf32, #tpu.memory_space<vmem>>
        %swap3A_787 = arith.index_cast %add3A_769 : i32 to index
        %swap3A_788 = arith.constant 16 : index
        %swap3A_789 = tpu.vector_load %swap3A_786[%swap3A_787, %swap3A_788] {strides = array<i32>} : memref<200x64xf32, #tpu.memory_space<vmem>>, vector<16xf32>,
        tpu.vector_store %swap3A_786[%swap3A_787, %swap3A_788], %get3A_782 {strides = array<i32>} : memref<200x64xf32, #tpu.memory_space<vmem>>, vector<16xf32>,
        %get3A_790 = arith.index_cast %add3A_769 : i32 to index
        %get3A_791 = arith.constant 32 : index
        %get3A_792 = tpu.vector_load %arg9[%get3A_790, %get3A_791] {strides = array<i32>} : memref<200x64xf32, #tpu.memory_space<vmem>>, vector<16xf32>,
        %swap3A_793 = arith.constant 0 : i32
        %swap3A_794 = arith.constant 0 : i32
        %swap3A_795 = tpu.memref_slice %arg8[%scan3A_79, %swap3A_793, %swap3A_794] : memref<8x200x64xf32, #tpu.memory_space<vmem>> -> memref<1x200x64xf32, #tpu.memory_space<vmem>>
        %swap3A_796 = tpu.memref_squeeze %swap3A_795 : memref<1x200x64xf32, #tpu.memory_space<vmem>> -> memref<200x64xf32, #tpu.memory_space<vmem>>
        %swap3A_797 = arith.index_cast %add3A_769 : i32 to index
        %swap3A_798 = arith.constant 32 : index
        %swap3A_799 = tpu.vector_load %swap3A_796[%swap3A_797, %swap3A_798] {strides = array<i32>} : memref<200x64xf32, #tpu.memory_space<vmem>>, vector<16xf32>,
        tpu.vector_store %swap3A_796[%swap3A_797, %swap3A_798], %get3A_792 {strides = array<i32>} : memref<200x64xf32, #tpu.memory_space<vmem>>, vector<16xf32>,
        %get3A_800 = arith.index_cast %add3A_769 : i32 to index
        %get3A_801 = arith.constant 48 : index
        %get3A_802 = tpu.vector_load %arg9[%get3A_800, %get3A_801] {strides = array<i32>} : memref<200x64xf32, #tpu.memory_space<vmem>>, vector<16xf32>,
        %swap3A_803 = arith.constant 0 : i32
        %swap3A_804 = arith.constant 0 : i32
        %swap3A_805 = tpu.memref_slice %arg8[%scan3A_79, %swap3A_803, %swap3A_804] : memref<8x200x64xf32, #tpu.memory_space<vmem>> -> memref<1x200x64xf32, #tpu.memory_space<vmem>>
        %swap3A_806 = tpu.memref_squeeze %swap3A_805 : memref<1x200x64xf32, #tpu.memory_space<vmem>> -> memref<200x64xf32, #tpu.memory_space<vmem>>
        %swap3A_807 = arith.index_cast %add3A_769 : i32 to index
        %swap3A_808 = arith.constant 48 : index
        %swap3A_809 = tpu.vector_load %swap3A_806[%swap3A_807, %swap3A_808] {strides = array<i32>} : memref<200x64xf32, #tpu.memory_space<vmem>>, vector<16xf32>,
        tpu.vector_store %swap3A_806[%swap3A_807, %swap3A_808], %get3A_802 {strides = array<i32>} : memref<200x64xf32, #tpu.memory_space<vmem>>, vector<16xf32>,
        %scan3A_810 = arith.constant 5 : i32
        %scan3A_811 = arith.addi %scan3A_583, %scan3A_810 : i32
        %mul3A_812 = arith.constant 1 : i32
        %mul3A_813 = arith.muli %scan3A_811, %mul3A_812 : i32
        %add3A_814 = arith.constant 0 : i32
        %add3A_815 = arith.addi %add3A_814, %mul3A_813 : i32
        %get3A_816 = arith.index_cast %add3A_815 : i32 to index
        %get3A_817 = arith.constant 0 : index
        %get3A_818 = tpu.vector_load %arg9[%get3A_816, %get3A_817] {strides = array<i32>} : memref<200x64xf32, #tpu.memory_space<vmem>>, vector<16xf32>,
        %swap3A_819 = arith.constant 0 : i32
        %swap3A_820 = arith.constant 0 : i32
        %swap3A_821 = tpu.memref_slice %arg8[%scan3A_79, %swap3A_819, %swap3A_820] : memref<8x200x64xf32, #tpu.memory_space<vmem>> -> memref<1x200x64xf32, #tpu.memory_space<vmem>>
        %swap3A_822 = tpu.memref_squeeze %swap3A_821 : memref<1x200x64xf32, #tpu.memory_space<vmem>> -> memref<200x64xf32, #tpu.memory_space<vmem>>
        %swap3A_823 = arith.index_cast %add3A_815 : i32 to index
        %swap3A_824 = arith.constant 0 : index
        %swap3A_825 = tpu.vector_load %swap3A_822[%swap3A_823, %swap3A_824] {strides = array<i32>} : memref<200x64xf32, #tpu.memory_space<vmem>>, vector<16xf32>,
        tpu.vector_store %swap3A_822[%swap3A_823, %swap3A_824], %get3A_818 {strides = array<i32>} : memref<200x64xf32, #tpu.memory_space<vmem>>, vector<16xf32>,
        %get3A_826 = arith.index_cast %add3A_815 : i32 to index
        %get3A_827 = arith.constant 16 : index
        %get3A_828 = tpu.vector_load %arg9[%get3A_826, %get3A_827] {strides = array<i32>} : memref<200x64xf32, #tpu.memory_space<vmem>>, vector<16xf32>,
        %swap3A_829 = arith.constant 0 : i32
        %swap3A_830 = arith.constant 0 : i32
        %swap3A_831 = tpu.memref_slice %arg8[%scan3A_79, %swap3A_829, %swap3A_830] : memref<8x200x64xf32, #tpu.memory_space<vmem>> -> memref<1x200x64xf32, #tpu.memory_space<vmem>>
        %swap3A_832 = tpu.memref_squeeze %swap3A_831 : memref<1x200x64xf32, #tpu.memory_space<vmem>> -> memref<200x64xf32, #tpu.memory_space<vmem>>
        %swap3A_833 = arith.index_cast %add3A_815 : i32 to index
        %swap3A_834 = arith.constant 16 : index
        %swap3A_835 = tpu.vector_load %swap3A_832[%swap3A_833, %swap3A_834] {strides = array<i32>} : memref<200x64xf32, #tpu.memory_space<vmem>>, vector<16xf32>,
        tpu.vector_store %swap3A_832[%swap3A_833, %swap3A_834], %get3A_828 {strides = array<i32>} : memref<200x64xf32, #tpu.memory_space<vmem>>, vector<16xf32>,
        %get3A_836 = arith.index_cast %add3A_815 : i32 to index
        %get3A_837 = arith.constant 32 : index
        %get3A_838 = tpu.vector_load %arg9[%get3A_836, %get3A_837] {strides = array<i32>} : memref<200x64xf32, #tpu.memory_space<vmem>>, vector<16xf32>,
        %swap3A_839 = arith.constant 0 : i32
        %swap3A_840 = arith.constant 0 : i32
        %swap3A_841 = tpu.memref_slice %arg8[%scan3A_79, %swap3A_839, %swap3A_840] : memref<8x200x64xf32, #tpu.memory_space<vmem>> -> memref<1x200x64xf32, #tpu.memory_space<vmem>>
        %swap3A_842 = tpu.memref_squeeze %swap3A_841 : memref<1x200x64xf32, #tpu.memory_space<vmem>> -> memref<200x64xf32, #tpu.memory_space<vmem>>
        %swap3A_843 = arith.index_cast %add3A_815 : i32 to index
        %swap3A_844 = arith.constant 32 : index
        %swap3A_845 = tpu.vector_load %swap3A_842[%swap3A_843, %swap3A_844] {strides = array<i32>} : memref<200x64xf32, #tpu.memory_space<vmem>>, vector<16xf32>,
        tpu.vector_store %swap3A_842[%swap3A_843, %swap3A_844], %get3A_838 {strides = array<i32>} : memref<200x64xf32, #tpu.memory_space<vmem>>, vector<16xf32>,
        %get3A_846 = arith.index_cast %add3A_815 : i32 to index
        %get3A_847 = arith.constant 48 : index
        %get3A_848 = tpu.vector_load %arg9[%get3A_846, %get3A_847] {strides = array<i32>} : memref<200x64xf32, #tpu.memory_space<vmem>>, vector<16xf32>,
        %swap3A_849 = arith.constant 0 : i32
        %swap3A_850 = arith.constant 0 : i32
        %swap3A_851 = tpu.memref_slice %arg8[%scan3A_79, %swap3A_849, %swap3A_850] : memref<8x200x64xf32, #tpu.memory_space<vmem>> -> memref<1x200x64xf32, #tpu.memory_space<vmem>>
        %swap3A_852 = tpu.memref_squeeze %swap3A_851 : memref<1x200x64xf32, #tpu.memory_space<vmem>> -> memref<200x64xf32, #tpu.memory_space<vmem>>
        %swap3A_853 = arith.index_cast %add3A_815 : i32 to index
        %swap3A_854 = arith.constant 48 : index
        %swap3A_855 = tpu.vector_load %swap3A_852[%swap3A_853, %swap3A_854] {strides = array<i32>} : memref<200x64xf32, #tpu.memory_space<vmem>>, vector<16xf32>,
        tpu.vector_store %swap3A_852[%swap3A_853, %swap3A_854], %get3A_848 {strides = array<i32>} : memref<200x64xf32, #tpu.memory_space<vmem>>, vector<16xf32>,
        %scan3A_856 = arith.constant 6 : i32
        %scan3A_857 = arith.addi %scan3A_583, %scan3A_856 : i32
        %mul3A_858 = arith.constant 1 : i32
        %mul3A_859 = arith.muli %scan3A_857, %mul3A_858 : i32
        %add3A_860 = arith.constant 0 : i32
        %add3A_861 = arith.addi %add3A_860, %mul3A_859 : i32
        %get3A_862 = arith.index_cast %add3A_861 : i32 to index
        %get3A_863 = arith.constant 0 : index
        %get3A_864 = tpu.vector_load %arg9[%get3A_862, %get3A_863] {strides = array<i32>} : memref<200x64xf32, #tpu.memory_space<vmem>>, vector<16xf32>,
        %swap3A_865 = arith.constant 0 : i32
        %swap3A_866 = arith.constant 0 : i32
        %swap3A_867 = tpu.memref_slice %arg8[%scan3A_79, %swap3A_865, %swap3A_866] : memref<8x200x64xf32, #tpu.memory_space<vmem>> -> memref<1x200x64xf32, #tpu.memory_space<vmem>>
        %swap3A_868 = tpu.memref_squeeze %swap3A_867 : memref<1x200x64xf32, #tpu.memory_space<vmem>> -> memref<200x64xf32, #tpu.memory_space<vmem>>
        %swap3A_869 = arith.index_cast %add3A_861 : i32 to index
        %swap3A_870 = arith.constant 0 : index
        %swap3A_871 = tpu.vector_load %swap3A_868[%swap3A_869, %swap3A_870] {strides = array<i32>} : memref<200x64xf32, #tpu.memory_space<vmem>>, vector<16xf32>,
        tpu.vector_store %swap3A_868[%swap3A_869, %swap3A_870], %get3A_864 {strides = array<i32>} : memref<200x64xf32, #tpu.memory_space<vmem>>, vector<16xf32>,
        %get3A_872 = arith.index_cast %add3A_861 : i32 to index
        %get3A_873 = arith.constant 16 : index
        %get3A_874 = tpu.vector_load %arg9[%get3A_872, %get3A_873] {strides = array<i32>} : memref<200x64xf32, #tpu.memory_space<vmem>>, vector<16xf32>,
        %swap3A_875 = arith.constant 0 : i32
        %swap3A_876 = arith.constant 0 : i32
        %swap3A_877 = tpu.memref_slice %arg8[%scan3A_79, %swap3A_875, %swap3A_876] : memref<8x200x64xf32, #tpu.memory_space<vmem>> -> memref<1x200x64xf32, #tpu.memory_space<vmem>>
        %swap3A_878 = tpu.memref_squeeze %swap3A_877 : memref<1x200x64xf32, #tpu.memory_space<vmem>> -> memref<200x64xf32, #tpu.memory_space<vmem>>
        %swap3A_879 = arith.index_cast %add3A_861 : i32 to index
        %swap3A_880 = arith.constant 16 : index
        %swap3A_881 = tpu.vector_load %swap3A_878[%swap3A_879, %swap3A_880] {strides = array<i32>} : memref<200x64xf32, #tpu.memory_space<vmem>>, vector<16xf32>,
        tpu.vector_store %swap3A_878[%swap3A_879, %swap3A_880], %get3A_874 {strides = array<i32>} : memref<200x64xf32, #tpu.memory_space<vmem>>, vector<16xf32>,
        %get3A_882 = arith.index_cast %add3A_861 : i32 to index
        %get3A_883 = arith.constant 32 : index
        %get3A_884 = tpu.vector_load %arg9[%get3A_882, %get3A_883] {strides = array<i32>} : memref<200x64xf32, #tpu.memory_space<vmem>>, vector<16xf32>,
        %swap3A_885 = arith.constant 0 : i32
        %swap3A_886 = arith.constant 0 : i32
        %swap3A_887 = tpu.memref_slice %arg8[%scan3A_79, %swap3A_885, %swap3A_886] : memref<8x200x64xf32, #tpu.memory_space<vmem>> -> memref<1x200x64xf32, #tpu.memory_space<vmem>>
        %swap3A_888 = tpu.memref_squeeze %swap3A_887 : memref<1x200x64xf32, #tpu.memory_space<vmem>> -> memref<200x64xf32, #tpu.memory_space<vmem>>
        %swap3A_889 = arith.index_cast %add3A_861 : i32 to index
        %swap3A_890 = arith.constant 32 : index
        %swap3A_891 = tpu.vector_load %swap3A_888[%swap3A_889, %swap3A_890] {strides = array<i32>} : memref<200x64xf32, #tpu.memory_space<vmem>>, vector<16xf32>,
        tpu.vector_store %swap3A_888[%swap3A_889, %swap3A_890], %get3A_884 {strides = array<i32>} : memref<200x64xf32, #tpu.memory_space<vmem>>, vector<16xf32>,
        %get3A_892 = arith.index_cast %add3A_861 : i32 to index
        %get3A_893 = arith.constant 48 : index
        %get3A_894 = tpu.vector_load %arg9[%get3A_892, %get3A_893] {strides = array<i32>} : memref<200x64xf32, #tpu.memory_space<vmem>>, vector<16xf32>,
        %swap3A_895 = arith.constant 0 : i32
        %swap3A_896 = arith.constant 0 : i32
        %swap3A_897 = tpu.memref_slice %arg8[%scan3A_79, %swap3A_895, %swap3A_896] : memref<8x200x64xf32, #tpu.memory_space<vmem>> -> memref<1x200x64xf32, #tpu.memory_space<vmem>>
        %swap3A_898 = tpu.memref_squeeze %swap3A_897 : memref<1x200x64xf32, #tpu.memory_space<vmem>> -> memref<200x64xf32, #tpu.memory_space<vmem>>
        %swap3A_899 = arith.index_cast %add3A_861 : i32 to index
        %swap3A_900 = arith.constant 48 : index
        %swap3A_901 = tpu.vector_load %swap3A_898[%swap3A_899, %swap3A_900] {strides = array<i32>} : memref<200x64xf32, #tpu.memory_space<vmem>>, vector<16xf32>,
        tpu.vector_store %swap3A_898[%swap3A_899, %swap3A_900], %get3A_894 {strides = array<i32>} : memref<200x64xf32, #tpu.memory_space<vmem>>, vector<16xf32>,
        %scan3A_902 = arith.constant 7 : i32
        %scan3A_903 = arith.addi %scan3A_583, %scan3A_902 : i32
        %mul3A_904 = arith.constant 1 : i32
        %mul3A_905 = arith.muli %scan3A_903, %mul3A_904 : i32
        %add3A_906 = arith.constant 0 : i32
        %add3A_907 = arith.addi %add3A_906, %mul3A_905 : i32
        %get3A_908 = arith.index_cast %add3A_907 : i32 to index
        %get3A_909 = arith.constant 0 : index
        %get3A_910 = tpu.vector_load %arg9[%get3A_908, %get3A_909] {strides = array<i32>} : memref<200x64xf32, #tpu.memory_space<vmem>>, vector<16xf32>,
        %swap3A_911 = arith.constant 0 : i32
        %swap3A_912 = arith.constant 0 : i32
        %swap3A_913 = tpu.memref_slice %arg8[%scan3A_79, %swap3A_911, %swap3A_912] : memref<8x200x64xf32, #tpu.memory_space<vmem>> -> memref<1x200x64xf32, #tpu.memory_space<vmem>>
        %swap3A_914 = tpu.memref_squeeze %swap3A_913 : memref<1x200x64xf32, #tpu.memory_space<vmem>> -> memref<200x64xf32, #tpu.memory_space<vmem>>
        %swap3A_915 = arith.index_cast %add3A_907 : i32 to index
        %swap3A_916 = arith.constant 0 : index
        %swap3A_917 = tpu.vector_load %swap3A_914[%swap3A_915, %swap3A_916] {strides = array<i32>} : memref<200x64xf32, #tpu.memory_space<vmem>>, vector<16xf32>,
        tpu.vector_store %swap3A_914[%swap3A_915, %swap3A_916], %get3A_910 {strides = array<i32>} : memref<200x64xf32, #tpu.memory_space<vmem>>, vector<16xf32>,
        %get3A_918 = arith.index_cast %add3A_907 : i32 to index
        %get3A_919 = arith.constant 16 : index
        %get3A_920 = tpu.vector_load %arg9[%get3A_918, %get3A_919] {strides = array<i32>} : memref<200x64xf32, #tpu.memory_space<vmem>>, vector<16xf32>,
        %swap3A_921 = arith.constant 0 : i32
        %swap3A_922 = arith.constant 0 : i32
        %swap3A_923 = tpu.memref_slice %arg8[%scan3A_79, %swap3A_921, %swap3A_922] : memref<8x200x64xf32, #tpu.memory_space<vmem>> -> memref<1x200x64xf32, #tpu.memory_space<vmem>>
        %swap3A_924 = tpu.memref_squeeze %swap3A_923 : memref<1x200x64xf32, #tpu.memory_space<vmem>> -> memref<200x64xf32, #tpu.memory_space<vmem>>
        %swap3A_925 = arith.index_cast %add3A_907 : i32 to index
        %swap3A_926 = arith.constant 16 : index
        %swap3A_927 = tpu.vector_load %swap3A_924[%swap3A_925, %swap3A_926] {strides = array<i32>} : memref<200x64xf32, #tpu.memory_space<vmem>>, vector<16xf32>,
        tpu.vector_store %swap3A_924[%swap3A_925, %swap3A_926], %get3A_920 {strides = array<i32>} : memref<200x64xf32, #tpu.memory_space<vmem>>, vector<16xf32>,
        %get3A_928 = arith.index_cast %add3A_907 : i32 to index
        %get3A_929 = arith.constant 32 : index
        %get3A_930 = tpu.vector_load %arg9[%get3A_928, %get3A_929] {strides = array<i32>} : memref<200x64xf32, #tpu.memory_space<vmem>>, vector<16xf32>,
        %swap3A_931 = arith.constant 0 : i32
        %swap3A_932 = arith.constant 0 : i32
        %swap3A_933 = tpu.memref_slice %arg8[%scan3A_79, %swap3A_931, %swap3A_932] : memref<8x200x64xf32, #tpu.memory_space<vmem>> -> memref<1x200x64xf32, #tpu.memory_space<vmem>>
        %swap3A_934 = tpu.memref_squeeze %swap3A_933 : memref<1x200x64xf32, #tpu.memory_space<vmem>> -> memref<200x64xf32, #tpu.memory_space<vmem>>
        %swap3A_935 = arith.index_cast %add3A_907 : i32 to index
        %swap3A_936 = arith.constant 32 : index
        %swap3A_937 = tpu.vector_load %swap3A_934[%swap3A_935, %swap3A_936] {strides = array<i32>} : memref<200x64xf32, #tpu.memory_space<vmem>>, vector<16xf32>,
        tpu.vector_store %swap3A_934[%swap3A_935, %swap3A_936], %get3A_930 {strides = array<i32>} : memref<200x64xf32, #tpu.memory_space<vmem>>, vector<16xf32>,
        %get3A_938 = arith.index_cast %add3A_907 : i32 to index
        %get3A_939 = arith.constant 48 : index
        %get3A_940 = tpu.vector_load %arg9[%get3A_938, %get3A_939] {strides = array<i32>} : memref<200x64xf32, #tpu.memory_space<vmem>>, vector<16xf32>,
        %swap3A_941 = arith.constant 0 : i32
        %swap3A_942 = arith.constant 0 : i32
        %swap3A_943 = tpu.memref_slice %arg8[%scan3A_79, %swap3A_941, %swap3A_942] : memref<8x200x64xf32, #tpu.memory_space<vmem>> -> memref<1x200x64xf32, #tpu.memory_space<vmem>>
        %swap3A_944 = tpu.memref_squeeze %swap3A_943 : memref<1x200x64xf32, #tpu.memory_space<vmem>> -> memref<200x64xf32, #tpu.memory_space<vmem>>
        %swap3A_945 = arith.index_cast %add3A_907 : i32 to index
        %swap3A_946 = arith.constant 48 : index
        %swap3A_947 = tpu.vector_load %swap3A_944[%swap3A_945, %swap3A_946] {strides = array<i32>} : memref<200x64xf32, #tpu.memory_space<vmem>>, vector<16xf32>,
        tpu.vector_store %swap3A_944[%swap3A_945, %swap3A_946], %get3A_940 {strides = array<i32>} : memref<200x64xf32, #tpu.memory_space<vmem>>, vector<16xf32>,
      }
      %scan3A_84 = arith.constant 200 : i32
      %scan3A_85 = arith.constant 6 : i32
      %scan3A_86 = arith.constant 0 : i32
      %scan3A_87 = arith.constant 200 : i32
      %scan3A_88 = arith.addi %scan3A_86, %scan3A_87 : i32
      %scan3A_89 = arith.constant 8 : i32
      scf.for %scan3A_583 = %scan3A_86 to %scan3A_88 step %scan3A_89  : i32 {
        %mul3A_584 = arith.constant 1 : i32
        %mul3A_585 = arith.muli %scan3A_583, %mul3A_584 : i32
        %add3A_586 = arith.constant 0 : i32
        %add3A_587 = arith.addi %add3A_586, %mul3A_585 : i32
        %get3A = arith.index_cast %add3A_587 : i32 to index
        %get3A_588 = arith.constant 0 : index
        %get3A_589 = tpu.vector_load %arg9[%get3A, %get3A_588] {strides = array<i32>} : memref<200x64xf32, #tpu.memory_space<vmem>>, vector<16xf32>,
        %swap3A = arith.constant 0 : i32
        %swap3A_590 = arith.constant 0 : i32
        %swap3A_591 = tpu.memref_slice %arg8[%scan3A_85, %swap3A, %swap3A_590] : memref<8x200x64xf32, #tpu.memory_space<vmem>> -> memref<1x200x64xf32, #tpu.memory_space<vmem>>
        %swap3A_592 = tpu.memref_squeeze %swap3A_591 : memref<1x200x64xf32, #tpu.memory_space<vmem>> -> memref<200x64xf32, #tpu.memory_space<vmem>>
        %swap3A_593 = arith.index_cast %add3A_587 : i32 to index
        %swap3A_594 = arith.constant 0 : index
        %swap3A_595 = tpu.vector_load %swap3A_592[%swap3A_593, %swap3A_594] {strides = array<i32>} : memref<200x64xf32, #tpu.memory_space<vmem>>, vector<16xf32>,
        tpu.vector_store %swap3A_592[%swap3A_593, %swap3A_594], %get3A_589 {strides = array<i32>} : memref<200x64xf32, #tpu.memory_space<vmem>>, vector<16xf32>,
        %get3A_596 = arith.index_cast %add3A_587 : i32 to index
        %get3A_597 = arith.constant 16 : index
        %get3A_598 = tpu.vector_load %arg9[%get3A_596, %get3A_597] {strides = array<i32>} : memref<200x64xf32, #tpu.memory_space<vmem>>, vector<16xf32>,
        %swap3A_599 = arith.constant 0 : i32
        %swap3A_600 = arith.constant 0 : i32
        %swap3A_601 = tpu.memref_slice %arg8[%scan3A_85, %swap3A_599, %swap3A_600] : memref<8x200x64xf32, #tpu.memory_space<vmem>> -> memref<1x200x64xf32, #tpu.memory_space<vmem>>
        %swap3A_602 = tpu.memref_squeeze %swap3A_601 : memref<1x200x64xf32, #tpu.memory_space<vmem>> -> memref<200x64xf32, #tpu.memory_space<vmem>>
        %swap3A_603 = arith.index_cast %add3A_587 : i32 to index
        %swap3A_604 = arith.constant 16 : index
        %swap3A_605 = tpu.vector_load %swap3A_602[%swap3A_603, %swap3A_604] {strides = array<i32>} : memref<200x64xf32, #tpu.memory_space<vmem>>, vector<16xf32>,
        tpu.vector_store %swap3A_602[%swap3A_603, %swap3A_604], %get3A_598 {strides = array<i32>} : memref<200x64xf32, #tpu.memory_space<vmem>>, vector<16xf32>,
        %get3A_606 = arith.index_cast %add3A_587 : i32 to index
        %get3A_607 = arith.constant 32 : index
        %get3A_608 = tpu.vector_load %arg9[%get3A_606, %get3A_607] {strides = array<i32>} : memref<200x64xf32, #tpu.memory_space<vmem>>, vector<16xf32>,
        %swap3A_609 = arith.constant 0 : i32
        %swap3A_610 = arith.constant 0 : i32
        %swap3A_611 = tpu.memref_slice %arg8[%scan3A_85, %swap3A_609, %swap3A_610] : memref<8x200x64xf32, #tpu.memory_space<vmem>> -> memref<1x200x64xf32, #tpu.memory_space<vmem>>
        %swap3A_612 = tpu.memref_squeeze %swap3A_611 : memref<1x200x64xf32, #tpu.memory_space<vmem>> -> memref<200x64xf32, #tpu.memory_space<vmem>>
        %swap3A_613 = arith.index_cast %add3A_587 : i32 to index
        %swap3A_614 = arith.constant 32 : index
        %swap3A_615 = tpu.vector_load %swap3A_612[%swap3A_613, %swap3A_614] {strides = array<i32>} : memref<200x64xf32, #tpu.memory_space<vmem>>, vector<16xf32>,
        tpu.vector_store %swap3A_612[%swap3A_613, %swap3A_614], %get3A_608 {strides = array<i32>} : memref<200x64xf32, #tpu.memory_space<vmem>>, vector<16xf32>,
        %get3A_616 = arith.index_cast %add3A_587 : i32 to index
        %get3A_617 = arith.constant 48 : index
        %get3A_618 = tpu.vector_load %arg9[%get3A_616, %get3A_617] {strides = array<i32>} : memref<200x64xf32, #tpu.memory_space<vmem>>, vector<16xf32>,
        %swap3A_619 = arith.constant 0 : i32
        %swap3A_620 = arith.constant 0 : i32
        %swap3A_621 = tpu.memref_slice %arg8[%scan3A_85, %swap3A_619, %swap3A_620] : memref<8x200x64xf32, #tpu.memory_space<vmem>> -> memref<1x200x64xf32, #tpu.memory_space<vmem>>
        %swap3A_622 = tpu.memref_squeeze %swap3A_621 : memref<1x200x64xf32, #tpu.memory_space<vmem>> -> memref<200x64xf32, #tpu.memory_space<vmem>>
        %swap3A_623 = arith.index_cast %add3A_587 : i32 to index
        %swap3A_624 = arith.constant 48 : index
        %swap3A_625 = tpu.vector_load %swap3A_622[%swap3A_623, %swap3A_624] {strides = array<i32>} : memref<200x64xf32, #tpu.memory_space<vmem>>, vector<16xf32>,
        tpu.vector_store %swap3A_622[%swap3A_623, %swap3A_624], %get3A_618 {strides = array<i32>} : memref<200x64xf32, #tpu.memory_space<vmem>>, vector<16xf32>,
        %scan3A_626 = arith.constant 1 : i32
        %scan3A_627 = arith.addi %scan3A_583, %scan3A_626 : i32
        %mul3A_628 = arith.constant 1 : i32
        %mul3A_629 = arith.muli %scan3A_627, %mul3A_628 : i32
        %add3A_630 = arith.constant 0 : i32
        %add3A_631 = arith.addi %add3A_630, %mul3A_629 : i32
        %get3A_632 = arith.index_cast %add3A_631 : i32 to index
        %get3A_633 = arith.constant 0 : index
        %get3A_634 = tpu.vector_load %arg9[%get3A_632, %get3A_633] {strides = array<i32>} : memref<200x64xf32, #tpu.memory_space<vmem>>, vector<16xf32>,
        %swap3A_635 = arith.constant 0 : i32
        %swap3A_636 = arith.constant 0 : i32
        %swap3A_637 = tpu.memref_slice %arg8[%scan3A_85, %swap3A_635, %swap3A_636] : memref<8x200x64xf32, #tpu.memory_space<vmem>> -> memref<1x200x64xf32, #tpu.memory_space<vmem>>
        %swap3A_638 = tpu.memref_squeeze %swap3A_637 : memref<1x200x64xf32, #tpu.memory_space<vmem>> -> memref<200x64xf32, #tpu.memory_space<vmem>>
        %swap3A_639 = arith.index_cast %add3A_631 : i32 to index
        %swap3A_640 = arith.constant 0 : index
        %swap3A_641 = tpu.vector_load %swap3A_638[%swap3A_639, %swap3A_640] {strides = array<i32>} : memref<200x64xf32, #tpu.memory_space<vmem>>, vector<16xf32>,
        tpu.vector_store %swap3A_638[%swap3A_639, %swap3A_640], %get3A_634 {strides = array<i32>} : memref<200x64xf32, #tpu.memory_space<vmem>>, vector<16xf32>,
        %get3A_642 = arith.index_cast %add3A_631 : i32 to index
        %get3A_643 = arith.constant 16 : index
        %get3A_644 = tpu.vector_load %arg9[%get3A_642, %get3A_643] {strides = array<i32>} : memref<200x64xf32, #tpu.memory_space<vmem>>, vector<16xf32>,
        %swap3A_645 = arith.constant 0 : i32
        %swap3A_646 = arith.constant 0 : i32
        %swap3A_647 = tpu.memref_slice %arg8[%scan3A_85, %swap3A_645, %swap3A_646] : memref<8x200x64xf32, #tpu.memory_space<vmem>> -> memref<1x200x64xf32, #tpu.memory_space<vmem>>
        %swap3A_648 = tpu.memref_squeeze %swap3A_647 : memref<1x200x64xf32, #tpu.memory_space<vmem>> -> memref<200x64xf32, #tpu.memory_space<vmem>>
        %swap3A_649 = arith.index_cast %add3A_631 : i32 to index
        %swap3A_650 = arith.constant 16 : index
        %swap3A_651 = tpu.vector_load %swap3A_648[%swap3A_649, %swap3A_650] {strides = array<i32>} : memref<200x64xf32, #tpu.memory_space<vmem>>, vector<16xf32>,
        tpu.vector_store %swap3A_648[%swap3A_649, %swap3A_650], %get3A_644 {strides = array<i32>} : memref<200x64xf32, #tpu.memory_space<vmem>>, vector<16xf32>,
        %get3A_652 = arith.index_cast %add3A_631 : i32 to index
        %get3A_653 = arith.constant 32 : index
        %get3A_654 = tpu.vector_load %arg9[%get3A_652, %get3A_653] {strides = array<i32>} : memref<200x64xf32, #tpu.memory_space<vmem>>, vector<16xf32>,
        %swap3A_655 = arith.constant 0 : i32
        %swap3A_656 = arith.constant 0 : i32
        %swap3A_657 = tpu.memref_slice %arg8[%scan3A_85, %swap3A_655, %swap3A_656] : memref<8x200x64xf32, #tpu.memory_space<vmem>> -> memref<1x200x64xf32, #tpu.memory_space<vmem>>
        %swap3A_658 = tpu.memref_squeeze %swap3A_657 : memref<1x200x64xf32, #tpu.memory_space<vmem>> -> memref<200x64xf32, #tpu.memory_space<vmem>>
        %swap3A_659 = arith.index_cast %add3A_631 : i32 to index
        %swap3A_660 = arith.constant 32 : index
        %swap3A_661 = tpu.vector_load %swap3A_658[%swap3A_659, %swap3A_660] {strides = array<i32>} : memref<200x64xf32, #tpu.memory_space<vmem>>, vector<16xf32>,
        tpu.vector_store %swap3A_658[%swap3A_659, %swap3A_660], %get3A_654 {strides = array<i32>} : memref<200x64xf32, #tpu.memory_space<vmem>>, vector<16xf32>,
        %get3A_662 = arith.index_cast %add3A_631 : i32 to index
        %get3A_663 = arith.constant 48 : index
        %get3A_664 = tpu.vector_load %arg9[%get3A_662, %get3A_663] {strides = array<i32>} : memref<200x64xf32, #tpu.memory_space<vmem>>, vector<16xf32>,
        %swap3A_665 = arith.constant 0 : i32
        %swap3A_666 = arith.constant 0 : i32
        %swap3A_667 = tpu.memref_slice %arg8[%scan3A_85, %swap3A_665, %swap3A_666] : memref<8x200x64xf32, #tpu.memory_space<vmem>> -> memref<1x200x64xf32, #tpu.memory_space<vmem>>
        %swap3A_668 = tpu.memref_squeeze %swap3A_667 : memref<1x200x64xf32, #tpu.memory_space<vmem>> -> memref<200x64xf32, #tpu.memory_space<vmem>>
        %swap3A_669 = arith.index_cast %add3A_631 : i32 to index
        %swap3A_670 = arith.constant 48 : index
        %swap3A_671 = tpu.vector_load %swap3A_668[%swap3A_669, %swap3A_670] {strides = array<i32>} : memref<200x64xf32, #tpu.memory_space<vmem>>, vector<16xf32>,
        tpu.vector_store %swap3A_668[%swap3A_669, %swap3A_670], %get3A_664 {strides = array<i32>} : memref<200x64xf32, #tpu.memory_space<vmem>>, vector<16xf32>,
        %scan3A_672 = arith.constant 2 : i32
        %scan3A_673 = arith.addi %scan3A_583, %scan3A_672 : i32
        %mul3A_674 = arith.constant 1 : i32
        %mul3A_675 = arith.muli %scan3A_673, %mul3A_674 : i32
        %add3A_676 = arith.constant 0 : i32
        %add3A_677 = arith.addi %add3A_676, %mul3A_675 : i32
        %get3A_678 = arith.index_cast %add3A_677 : i32 to index
        %get3A_679 = arith.constant 0 : index
        %get3A_680 = tpu.vector_load %arg9[%get3A_678, %get3A_679] {strides = array<i32>} : memref<200x64xf32, #tpu.memory_space<vmem>>, vector<16xf32>,
        %swap3A_681 = arith.constant 0 : i32
        %swap3A_682 = arith.constant 0 : i32
        %swap3A_683 = tpu.memref_slice %arg8[%scan3A_85, %swap3A_681, %swap3A_682] : memref<8x200x64xf32, #tpu.memory_space<vmem>> -> memref<1x200x64xf32, #tpu.memory_space<vmem>>
        %swap3A_684 = tpu.memref_squeeze %swap3A_683 : memref<1x200x64xf32, #tpu.memory_space<vmem>> -> memref<200x64xf32, #tpu.memory_space<vmem>>
        %swap3A_685 = arith.index_cast %add3A_677 : i32 to index
        %swap3A_686 = arith.constant 0 : index
        %swap3A_687 = tpu.vector_load %swap3A_684[%swap3A_685, %swap3A_686] {strides = array<i32>} : memref<200x64xf32, #tpu.memory_space<vmem>>, vector<16xf32>,
        tpu.vector_store %swap3A_684[%swap3A_685, %swap3A_686], %get3A_680 {strides = array<i32>} : memref<200x64xf32, #tpu.memory_space<vmem>>, vector<16xf32>,
        %get3A_688 = arith.index_cast %add3A_677 : i32 to index
        %get3A_689 = arith.constant 16 : index
        %get3A_690 = tpu.vector_load %arg9[%get3A_688, %get3A_689] {strides = array<i32>} : memref<200x64xf32, #tpu.memory_space<vmem>>, vector<16xf32>,
        %swap3A_691 = arith.constant 0 : i32
        %swap3A_692 = arith.constant 0 : i32
        %swap3A_693 = tpu.memref_slice %arg8[%scan3A_85, %swap3A_691, %swap3A_692] : memref<8x200x64xf32, #tpu.memory_space<vmem>> -> memref<1x200x64xf32, #tpu.memory_space<vmem>>
        %swap3A_694 = tpu.memref_squeeze %swap3A_693 : memref<1x200x64xf32, #tpu.memory_space<vmem>> -> memref<200x64xf32, #tpu.memory_space<vmem>>
        %swap3A_695 = arith.index_cast %add3A_677 : i32 to index
        %swap3A_696 = arith.constant 16 : index
        %swap3A_697 = tpu.vector_load %swap3A_694[%swap3A_695, %swap3A_696] {strides = array<i32>} : memref<200x64xf32, #tpu.memory_space<vmem>>, vector<16xf32>,
        tpu.vector_store %swap3A_694[%swap3A_695, %swap3A_696], %get3A_690 {strides = array<i32>} : memref<200x64xf32, #tpu.memory_space<vmem>>, vector<16xf32>,
        %get3A_698 = arith.index_cast %add3A_677 : i32 to index
        %get3A_699 = arith.constant 32 : index
        %get3A_700 = tpu.vector_load %arg9[%get3A_698, %get3A_699] {strides = array<i32>} : memref<200x64xf32, #tpu.memory_space<vmem>>, vector<16xf32>,
        %swap3A_701 = arith.constant 0 : i32
        %swap3A_702 = arith.constant 0 : i32
        %swap3A_703 = tpu.memref_slice %arg8[%scan3A_85, %swap3A_701, %swap3A_702] : memref<8x200x64xf32, #tpu.memory_space<vmem>> -> memref<1x200x64xf32, #tpu.memory_space<vmem>>
        %swap3A_704 = tpu.memref_squeeze %swap3A_703 : memref<1x200x64xf32, #tpu.memory_space<vmem>> -> memref<200x64xf32, #tpu.memory_space<vmem>>
        %swap3A_705 = arith.index_cast %add3A_677 : i32 to index
        %swap3A_706 = arith.constant 32 : index
        %swap3A_707 = tpu.vector_load %swap3A_704[%swap3A_705, %swap3A_706] {strides = array<i32>} : memref<200x64xf32, #tpu.memory_space<vmem>>, vector<16xf32>,
        tpu.vector_store %swap3A_704[%swap3A_705, %swap3A_706], %get3A_700 {strides = array<i32>} : memref<200x64xf32, #tpu.memory_space<vmem>>, vector<16xf32>,
        %get3A_708 = arith.index_cast %add3A_677 : i32 to index
        %get3A_709 = arith.constant 48 : index
        %get3A_710 = tpu.vector_load %arg9[%get3A_708, %get3A_709] {strides = array<i32>} : memref<200x64xf32, #tpu.memory_space<vmem>>, vector<16xf32>,
        %swap3A_711 = arith.constant 0 : i32
        %swap3A_712 = arith.constant 0 : i32
        %swap3A_713 = tpu.memref_slice %arg8[%scan3A_85, %swap3A_711, %swap3A_712] : memref<8x200x64xf32, #tpu.memory_space<vmem>> -> memref<1x200x64xf32, #tpu.memory_space<vmem>>
        %swap3A_714 = tpu.memref_squeeze %swap3A_713 : memref<1x200x64xf32, #tpu.memory_space<vmem>> -> memref<200x64xf32, #tpu.memory_space<vmem>>
        %swap3A_715 = arith.index_cast %add3A_677 : i32 to index
        %swap3A_716 = arith.constant 48 : index
        %swap3A_717 = tpu.vector_load %swap3A_714[%swap3A_715, %swap3A_716] {strides = array<i32>} : memref<200x64xf32, #tpu.memory_space<vmem>>, vector<16xf32>,
        tpu.vector_store %swap3A_714[%swap3A_715, %swap3A_716], %get3A_710 {strides = array<i32>} : memref<200x64xf32, #tpu.memory_space<vmem>>, vector<16xf32>,
        %scan3A_718 = arith.constant 3 : i32
        %scan3A_719 = arith.addi %scan3A_583, %scan3A_718 : i32
        %mul3A_720 = arith.constant 1 : i32
        %mul3A_721 = arith.muli %scan3A_719, %mul3A_720 : i32
        %add3A_722 = arith.constant 0 : i32
        %add3A_723 = arith.addi %add3A_722, %mul3A_721 : i32
        %get3A_724 = arith.index_cast %add3A_723 : i32 to index
        %get3A_725 = arith.constant 0 : index
        %get3A_726 = tpu.vector_load %arg9[%get3A_724, %get3A_725] {strides = array<i32>} : memref<200x64xf32, #tpu.memory_space<vmem>>, vector<16xf32>,
        %swap3A_727 = arith.constant 0 : i32
        %swap3A_728 = arith.constant 0 : i32
        %swap3A_729 = tpu.memref_slice %arg8[%scan3A_85, %swap3A_727, %swap3A_728] : memref<8x200x64xf32, #tpu.memory_space<vmem>> -> memref<1x200x64xf32, #tpu.memory_space<vmem>>
        %swap3A_730 = tpu.memref_squeeze %swap3A_729 : memref<1x200x64xf32, #tpu.memory_space<vmem>> -> memref<200x64xf32, #tpu.memory_space<vmem>>
        %swap3A_731 = arith.index_cast %add3A_723 : i32 to index
        %swap3A_732 = arith.constant 0 : index
        %swap3A_733 = tpu.vector_load %swap3A_730[%swap3A_731, %swap3A_732] {strides = array<i32>} : memref<200x64xf32, #tpu.memory_space<vmem>>, vector<16xf32>,
        tpu.vector_store %swap3A_730[%swap3A_731, %swap3A_732], %get3A_726 {strides = array<i32>} : memref<200x64xf32, #tpu.memory_space<vmem>>, vector<16xf32>,
        %get3A_734 = arith.index_cast %add3A_723 : i32 to index
        %get3A_735 = arith.constant 16 : index
        %get3A_736 = tpu.vector_load %arg9[%get3A_734, %get3A_735] {strides = array<i32>} : memref<200x64xf32, #tpu.memory_space<vmem>>, vector<16xf32>,
        %swap3A_737 = arith.constant 0 : i32
        %swap3A_738 = arith.constant 0 : i32
        %swap3A_739 = tpu.memref_slice %arg8[%scan3A_85, %swap3A_737, %swap3A_738] : memref<8x200x64xf32, #tpu.memory_space<vmem>> -> memref<1x200x64xf32, #tpu.memory_space<vmem>>
        %swap3A_740 = tpu.memref_squeeze %swap3A_739 : memref<1x200x64xf32, #tpu.memory_space<vmem>> -> memref<200x64xf32, #tpu.memory_space<vmem>>
        %swap3A_741 = arith.index_cast %add3A_723 : i32 to index
        %swap3A_742 = arith.constant 16 : index
        %swap3A_743 = tpu.vector_load %swap3A_740[%swap3A_741, %swap3A_742] {strides = array<i32>} : memref<200x64xf32, #tpu.memory_space<vmem>>, vector<16xf32>,
        tpu.vector_store %swap3A_740[%swap3A_741, %swap3A_742], %get3A_736 {strides = array<i32>} : memref<200x64xf32, #tpu.memory_space<vmem>>, vector<16xf32>,
        %get3A_744 = arith.index_cast %add3A_723 : i32 to index
        %get3A_745 = arith.constant 32 : index
        %get3A_746 = tpu.vector_load %arg9[%get3A_744, %get3A_745] {strides = array<i32>} : memref<200x64xf32, #tpu.memory_space<vmem>>, vector<16xf32>,
        %swap3A_747 = arith.constant 0 : i32
        %swap3A_748 = arith.constant 0 : i32
        %swap3A_749 = tpu.memref_slice %arg8[%scan3A_85, %swap3A_747, %swap3A_748] : memref<8x200x64xf32, #tpu.memory_space<vmem>> -> memref<1x200x64xf32, #tpu.memory_space<vmem>>
        %swap3A_750 = tpu.memref_squeeze %swap3A_749 : memref<1x200x64xf32, #tpu.memory_space<vmem>> -> memref<200x64xf32, #tpu.memory_space<vmem>>
        %swap3A_751 = arith.index_cast %add3A_723 : i32 to index
        %swap3A_752 = arith.constant 32 : index
        %swap3A_753 = tpu.vector_load %swap3A_750[%swap3A_751, %swap3A_752] {strides = array<i32>} : memref<200x64xf32, #tpu.memory_space<vmem>>, vector<16xf32>,
        tpu.vector_store %swap3A_750[%swap3A_751, %swap3A_752], %get3A_746 {strides = array<i32>} : memref<200x64xf32, #tpu.memory_space<vmem>>, vector<16xf32>,
        %get3A_754 = arith.index_cast %add3A_723 : i32 to index
        %get3A_755 = arith.constant 48 : index
        %get3A_756 = tpu.vector_load %arg9[%get3A_754, %get3A_755] {strides = array<i32>} : memref<200x64xf32, #tpu.memory_space<vmem>>, vector<16xf32>,
        %swap3A_757 = arith.constant 0 : i32
        %swap3A_758 = arith.constant 0 : i32
        %swap3A_759 = tpu.memref_slice %arg8[%scan3A_85, %swap3A_757, %swap3A_758] : memref<8x200x64xf32, #tpu.memory_space<vmem>> -> memref<1x200x64xf32, #tpu.memory_space<vmem>>
        %swap3A_760 = tpu.memref_squeeze %swap3A_759 : memref<1x200x64xf32, #tpu.memory_space<vmem>> -> memref<200x64xf32, #tpu.memory_space<vmem>>
        %swap3A_761 = arith.index_cast %add3A_723 : i32 to index
        %swap3A_762 = arith.constant 48 : index
        %swap3A_763 = tpu.vector_load %swap3A_760[%swap3A_761, %swap3A_762] {strides = array<i32>} : memref<200x64xf32, #tpu.memory_space<vmem>>, vector<16xf32>,
        tpu.vector_store %swap3A_760[%swap3A_761, %swap3A_762], %get3A_756 {strides = array<i32>} : memref<200x64xf32, #tpu.memory_space<vmem>>, vector<16xf32>,
        %scan3A_764 = arith.constant 4 : i32
        %scan3A_765 = arith.addi %scan3A_583, %scan3A_764 : i32
        %mul3A_766 = arith.constant 1 : i32
        %mul3A_767 = arith.muli %scan3A_765, %mul3A_766 : i32
        %add3A_768 = arith.constant 0 : i32
        %add3A_769 = arith.addi %add3A_768, %mul3A_767 : i32
        %get3A_770 = arith.index_cast %add3A_769 : i32 to index
        %get3A_771 = arith.constant 0 : index
        %get3A_772 = tpu.vector_load %arg9[%get3A_770, %get3A_771] {strides = array<i32>} : memref<200x64xf32, #tpu.memory_space<vmem>>, vector<16xf32>,
        %swap3A_773 = arith.constant 0 : i32
        %swap3A_774 = arith.constant 0 : i32
        %swap3A_775 = tpu.memref_slice %arg8[%scan3A_85, %swap3A_773, %swap3A_774] : memref<8x200x64xf32, #tpu.memory_space<vmem>> -> memref<1x200x64xf32, #tpu.memory_space<vmem>>
        %swap3A_776 = tpu.memref_squeeze %swap3A_775 : memref<1x200x64xf32, #tpu.memory_space<vmem>> -> memref<200x64xf32, #tpu.memory_space<vmem>>
        %swap3A_777 = arith.index_cast %add3A_769 : i32 to index
        %swap3A_778 = arith.constant 0 : index
        %swap3A_779 = tpu.vector_load %swap3A_776[%swap3A_777, %swap3A_778] {strides = array<i32>} : memref<200x64xf32, #tpu.memory_space<vmem>>, vector<16xf32>,
        tpu.vector_store %swap3A_776[%swap3A_777, %swap3A_778], %get3A_772 {strides = array<i32>} : memref<200x64xf32, #tpu.memory_space<vmem>>, vector<16xf32>,
        %get3A_780 = arith.index_cast %add3A_769 : i32 to index
        %get3A_781 = arith.constant 16 : index
        %get3A_782 = tpu.vector_load %arg9[%get3A_780, %get3A_781] {strides = array<i32>} : memref<200x64xf32, #tpu.memory_space<vmem>>, vector<16xf32>,
        %swap3A_783 = arith.constant 0 : i32
        %swap3A_784 = arith.constant 0 : i32
        %swap3A_785 = tpu.memref_slice %arg8[%scan3A_85, %swap3A_783, %swap3A_784] : memref<8x200x64xf32, #tpu.memory_space<vmem>> -> memref<1x200x64xf32, #tpu.memory_space<vmem>>
        %swap3A_786 = tpu.memref_squeeze %swap3A_785 : memref<1x200x64xf32, #tpu.memory_space<vmem>> -> memref<200x64xf32, #tpu.memory_space<vmem>>
        %swap3A_787 = arith.index_cast %add3A_769 : i32 to index
        %swap3A_788 = arith.constant 16 : index
        %swap3A_789 = tpu.vector_load %swap3A_786[%swap3A_787, %swap3A_788] {strides = array<i32>} : memref<200x64xf32, #tpu.memory_space<vmem>>, vector<16xf32>,
        tpu.vector_store %swap3A_786[%swap3A_787, %swap3A_788], %get3A_782 {strides = array<i32>} : memref<200x64xf32, #tpu.memory_space<vmem>>, vector<16xf32>,
        %get3A_790 = arith.index_cast %add3A_769 : i32 to index
        %get3A_791 = arith.constant 32 : index
        %get3A_792 = tpu.vector_load %arg9[%get3A_790, %get3A_791] {strides = array<i32>} : memref<200x64xf32, #tpu.memory_space<vmem>>, vector<16xf32>,
        %swap3A_793 = arith.constant 0 : i32
        %swap3A_794 = arith.constant 0 : i32
        %swap3A_795 = tpu.memref_slice %arg8[%scan3A_85, %swap3A_793, %swap3A_794] : memref<8x200x64xf32, #tpu.memory_space<vmem>> -> memref<1x200x64xf32, #tpu.memory_space<vmem>>
        %swap3A_796 = tpu.memref_squeeze %swap3A_795 : memref<1x200x64xf32, #tpu.memory_space<vmem>> -> memref<200x64xf32, #tpu.memory_space<vmem>>
        %swap3A_797 = arith.index_cast %add3A_769 : i32 to index
        %swap3A_798 = arith.constant 32 : index
        %swap3A_799 = tpu.vector_load %swap3A_796[%swap3A_797, %swap3A_798] {strides = array<i32>} : memref<200x64xf32, #tpu.memory_space<vmem>>, vector<16xf32>,
        tpu.vector_store %swap3A_796[%swap3A_797, %swap3A_798], %get3A_792 {strides = array<i32>} : memref<200x64xf32, #tpu.memory_space<vmem>>, vector<16xf32>,
        %get3A_800 = arith.index_cast %add3A_769 : i32 to index
        %get3A_801 = arith.constant 48 : index
        %get3A_802 = tpu.vector_load %arg9[%get3A_800, %get3A_801] {strides = array<i32>} : memref<200x64xf32, #tpu.memory_space<vmem>>, vector<16xf32>,
        %swap3A_803 = arith.constant 0 : i32
        %swap3A_804 = arith.constant 0 : i32
        %swap3A_805 = tpu.memref_slice %arg8[%scan3A_85, %swap3A_803, %swap3A_804] : memref<8x200x64xf32, #tpu.memory_space<vmem>> -> memref<1x200x64xf32, #tpu.memory_space<vmem>>
        %swap3A_806 = tpu.memref_squeeze %swap3A_805 : memref<1x200x64xf32, #tpu.memory_space<vmem>> -> memref<200x64xf32, #tpu.memory_space<vmem>>
        %swap3A_807 = arith.index_cast %add3A_769 : i32 to index
        %swap3A_808 = arith.constant 48 : index
        %swap3A_809 = tpu.vector_load %swap3A_806[%swap3A_807, %swap3A_808] {strides = array<i32>} : memref<200x64xf32, #tpu.memory_space<vmem>>, vector<16xf32>,
        tpu.vector_store %swap3A_806[%swap3A_807, %swap3A_808], %get3A_802 {strides = array<i32>} : memref<200x64xf32, #tpu.memory_space<vmem>>, vector<16xf32>,
        %scan3A_810 = arith.constant 5 : i32
        %scan3A_811 = arith.addi %scan3A_583, %scan3A_810 : i32
        %mul3A_812 = arith.constant 1 : i32
        %mul3A_813 = arith.muli %scan3A_811, %mul3A_812 : i32
        %add3A_814 = arith.constant 0 : i32
        %add3A_815 = arith.addi %add3A_814, %mul3A_813 : i32
        %get3A_816 = arith.index_cast %add3A_815 : i32 to index
        %get3A_817 = arith.constant 0 : index
        %get3A_818 = tpu.vector_load %arg9[%get3A_816, %get3A_817] {strides = array<i32>} : memref<200x64xf32, #tpu.memory_space<vmem>>, vector<16xf32>,
        %swap3A_819 = arith.constant 0 : i32
        %swap3A_820 = arith.constant 0 : i32
        %swap3A_821 = tpu.memref_slice %arg8[%scan3A_85, %swap3A_819, %swap3A_820] : memref<8x200x64xf32, #tpu.memory_space<vmem>> -> memref<1x200x64xf32, #tpu.memory_space<vmem>>
        %swap3A_822 = tpu.memref_squeeze %swap3A_821 : memref<1x200x64xf32, #tpu.memory_space<vmem>> -> memref<200x64xf32, #tpu.memory_space<vmem>>
        %swap3A_823 = arith.index_cast %add3A_815 : i32 to index
        %swap3A_824 = arith.constant 0 : index
        %swap3A_825 = tpu.vector_load %swap3A_822[%swap3A_823, %swap3A_824] {strides = array<i32>} : memref<200x64xf32, #tpu.memory_space<vmem>>, vector<16xf32>,
        tpu.vector_store %swap3A_822[%swap3A_823, %swap3A_824], %get3A_818 {strides = array<i32>} : memref<200x64xf32, #tpu.memory_space<vmem>>, vector<16xf32>,
        %get3A_826 = arith.index_cast %add3A_815 : i32 to index
        %get3A_827 = arith.constant 16 : index
        %get3A_828 = tpu.vector_load %arg9[%get3A_826, %get3A_827] {strides = array<i32>} : memref<200x64xf32, #tpu.memory_space<vmem>>, vector<16xf32>,
        %swap3A_829 = arith.constant 0 : i32
        %swap3A_830 = arith.constant 0 : i32
        %swap3A_831 = tpu.memref_slice %arg8[%scan3A_85, %swap3A_829, %swap3A_830] : memref<8x200x64xf32, #tpu.memory_space<vmem>> -> memref<1x200x64xf32, #tpu.memory_space<vmem>>
        %swap3A_832 = tpu.memref_squeeze %swap3A_831 : memref<1x200x64xf32, #tpu.memory_space<vmem>> -> memref<200x64xf32, #tpu.memory_space<vmem>>
        %swap3A_833 = arith.index_cast %add3A_815 : i32 to index
        %swap3A_834 = arith.constant 16 : index
        %swap3A_835 = tpu.vector_load %swap3A_832[%swap3A_833, %swap3A_834] {strides = array<i32>} : memref<200x64xf32, #tpu.memory_space<vmem>>, vector<16xf32>,
        tpu.vector_store %swap3A_832[%swap3A_833, %swap3A_834], %get3A_828 {strides = array<i32>} : memref<200x64xf32, #tpu.memory_space<vmem>>, vector<16xf32>,
        %get3A_836 = arith.index_cast %add3A_815 : i32 to index
        %get3A_837 = arith.constant 32 : index
        %get3A_838 = tpu.vector_load %arg9[%get3A_836, %get3A_837] {strides = array<i32>} : memref<200x64xf32, #tpu.memory_space<vmem>>, vector<16xf32>,
        %swap3A_839 = arith.constant 0 : i32
        %swap3A_840 = arith.constant 0 : i32
        %swap3A_841 = tpu.memref_slice %arg8[%scan3A_85, %swap3A_839, %swap3A_840] : memref<8x200x64xf32, #tpu.memory_space<vmem>> -> memref<1x200x64xf32, #tpu.memory_space<vmem>>
        %swap3A_842 = tpu.memref_squeeze %swap3A_841 : memref<1x200x64xf32, #tpu.memory_space<vmem>> -> memref<200x64xf32, #tpu.memory_space<vmem>>
        %swap3A_843 = arith.index_cast %add3A_815 : i32 to index
        %swap3A_844 = arith.constant 32 : index
        %swap3A_845 = tpu.vector_load %swap3A_842[%swap3A_843, %swap3A_844] {strides = array<i32>} : memref<200x64xf32, #tpu.memory_space<vmem>>, vector<16xf32>,
        tpu.vector_store %swap3A_842[%swap3A_843, %swap3A_844], %get3A_838 {strides = array<i32>} : memref<200x64xf32, #tpu.memory_space<vmem>>, vector<16xf32>,
        %get3A_846 = arith.index_cast %add3A_815 : i32 to index
        %get3A_847 = arith.constant 48 : index
        %get3A_848 = tpu.vector_load %arg9[%get3A_846, %get3A_847] {strides = array<i32>} : memref<200x64xf32, #tpu.memory_space<vmem>>, vector<16xf32>,
        %swap3A_849 = arith.constant 0 : i32
        %swap3A_850 = arith.constant 0 : i32
        %swap3A_851 = tpu.memref_slice %arg8[%scan3A_85, %swap3A_849, %swap3A_850] : memref<8x200x64xf32, #tpu.memory_space<vmem>> -> memref<1x200x64xf32, #tpu.memory_space<vmem>>
        %swap3A_852 = tpu.memref_squeeze %swap3A_851 : memref<1x200x64xf32, #tpu.memory_space<vmem>> -> memref<200x64xf32, #tpu.memory_space<vmem>>
        %swap3A_853 = arith.index_cast %add3A_815 : i32 to index
        %swap3A_854 = arith.constant 48 : index
        %swap3A_855 = tpu.vector_load %swap3A_852[%swap3A_853, %swap3A_854] {strides = array<i32>} : memref<200x64xf32, #tpu.memory_space<vmem>>, vector<16xf32>,
        tpu.vector_store %swap3A_852[%swap3A_853, %swap3A_854], %get3A_848 {strides = array<i32>} : memref<200x64xf32, #tpu.memory_space<vmem>>, vector<16xf32>,
        %scan3A_856 = arith.constant 6 : i32
        %scan3A_857 = arith.addi %scan3A_583, %scan3A_856 : i32
        %mul3A_858 = arith.constant 1 : i32
        %mul3A_859 = arith.muli %scan3A_857, %mul3A_858 : i32
        %add3A_860 = arith.constant 0 : i32
        %add3A_861 = arith.addi %add3A_860, %mul3A_859 : i32
        %get3A_862 = arith.index_cast %add3A_861 : i32 to index
        %get3A_863 = arith.constant 0 : index
        %get3A_864 = tpu.vector_load %arg9[%get3A_862, %get3A_863] {strides = array<i32>} : memref<200x64xf32, #tpu.memory_space<vmem>>, vector<16xf32>,
        %swap3A_865 = arith.constant 0 : i32
        %swap3A_866 = arith.constant 0 : i32
        %swap3A_867 = tpu.memref_slice %arg8[%scan3A_85, %swap3A_865, %swap3A_866] : memref<8x200x64xf32, #tpu.memory_space<vmem>> -> memref<1x200x64xf32, #tpu.memory_space<vmem>>
        %swap3A_868 = tpu.memref_squeeze %swap3A_867 : memref<1x200x64xf32, #tpu.memory_space<vmem>> -> memref<200x64xf32, #tpu.memory_space<vmem>>
        %swap3A_869 = arith.index_cast %add3A_861 : i32 to index
        %swap3A_870 = arith.constant 0 : index
        %swap3A_871 = tpu.vector_load %swap3A_868[%swap3A_869, %swap3A_870] {strides = array<i32>} : memref<200x64xf32, #tpu.memory_space<vmem>>, vector<16xf32>,
        tpu.vector_store %swap3A_868[%swap3A_869, %swap3A_870], %get3A_864 {strides = array<i32>} : memref<200x64xf32, #tpu.memory_space<vmem>>, vector<16xf32>,
        %get3A_872 = arith.index_cast %add3A_861 : i32 to index
        %get3A_873 = arith.constant 16 : index
        %get3A_874 = tpu.vector_load %arg9[%get3A_872, %get3A_873] {strides = array<i32>} : memref<200x64xf32, #tpu.memory_space<vmem>>, vector<16xf32>,
        %swap3A_875 = arith.constant 0 : i32
        %swap3A_876 = arith.constant 0 : i32
        %swap3A_877 = tpu.memref_slice %arg8[%scan3A_85, %swap3A_875, %swap3A_876] : memref<8x200x64xf32, #tpu.memory_space<vmem>> -> memref<1x200x64xf32, #tpu.memory_space<vmem>>
        %swap3A_878 = tpu.memref_squeeze %swap3A_877 : memref<1x200x64xf32, #tpu.memory_space<vmem>> -> memref<200x64xf32, #tpu.memory_space<vmem>>
        %swap3A_879 = arith.index_cast %add3A_861 : i32 to index
        %swap3A_880 = arith.constant 16 : index
        %swap3A_881 = tpu.vector_load %swap3A_878[%swap3A_879, %swap3A_880] {strides = array<i32>} : memref<200x64xf32, #tpu.memory_space<vmem>>, vector<16xf32>,
        tpu.vector_store %swap3A_878[%swap3A_879, %swap3A_880], %get3A_874 {strides = array<i32>} : memref<200x64xf32, #tpu.memory_space<vmem>>, vector<16xf32>,
        %get3A_882 = arith.index_cast %add3A_861 : i32 to index
        %get3A_883 = arith.constant 32 : index
        %get3A_884 = tpu.vector_load %arg9[%get3A_882, %get3A_883] {strides = array<i32>} : memref<200x64xf32, #tpu.memory_space<vmem>>, vector<16xf32>,
        %swap3A_885 = arith.constant 0 : i32
        %swap3A_886 = arith.constant 0 : i32
        %swap3A_887 = tpu.memref_slice %arg8[%scan3A_85, %swap3A_885, %swap3A_886] : memref<8x200x64xf32, #tpu.memory_space<vmem>> -> memref<1x200x64xf32, #tpu.memory_space<vmem>>
        %swap3A_888 = tpu.memref_squeeze %swap3A_887 : memref<1x200x64xf32, #tpu.memory_space<vmem>> -> memref<200x64xf32, #tpu.memory_space<vmem>>
        %swap3A_889 = arith.index_cast %add3A_861 : i32 to index
        %swap3A_890 = arith.constant 32 : index
        %swap3A_891 = tpu.vector_load %swap3A_888[%swap3A_889, %swap3A_890] {strides = array<i32>} : memref<200x64xf32, #tpu.memory_space<vmem>>, vector<16xf32>,
        tpu.vector_store %swap3A_888[%swap3A_889, %swap3A_890], %get3A_884 {strides = array<i32>} : memref<200x64xf32, #tpu.memory_space<vmem>>, vector<16xf32>,
        %get3A_892 = arith.index_cast %add3A_861 : i32 to index
        %get3A_893 = arith.constant 48 : index
        %get3A_894 = tpu.vector_load %arg9[%get3A_892, %get3A_893] {strides = array<i32>} : memref<200x64xf32, #tpu.memory_space<vmem>>, vector<16xf32>,
        %swap3A_895 = arith.constant 0 : i32
        %swap3A_896 = arith.constant 0 : i32
        %swap3A_897 = tpu.memref_slice %arg8[%scan3A_85, %swap3A_895, %swap3A_896] : memref<8x200x64xf32, #tpu.memory_space<vmem>> -> memref<1x200x64xf32, #tpu.memory_space<vmem>>
        %swap3A_898 = tpu.memref_squeeze %swap3A_897 : memref<1x200x64xf32, #tpu.memory_space<vmem>> -> memref<200x64xf32, #tpu.memory_space<vmem>>
        %swap3A_899 = arith.index_cast %add3A_861 : i32 to index
        %swap3A_900 = arith.constant 48 : index
        %swap3A_901 = tpu.vector_load %swap3A_898[%swap3A_899, %swap3A_900] {strides = array<i32>} : memref<200x64xf32, #tpu.memory_space<vmem>>, vector<16xf32>,
        tpu.vector_store %swap3A_898[%swap3A_899, %swap3A_900], %get3A_894 {strides = array<i32>} : memref<200x64xf32, #tpu.memory_space<vmem>>, vector<16xf32>,
        %scan3A_902 = arith.constant 7 : i32
        %scan3A_903 = arith.addi %scan3A_583, %scan3A_902 : i32
        %mul3A_904 = arith.constant 1 : i32
        %mul3A_905 = arith.muli %scan3A_903, %mul3A_904 : i32
        %add3A_906 = arith.constant 0 : i32
        %add3A_907 = arith.addi %add3A_906, %mul3A_905 : i32
        %get3A_908 = arith.index_cast %add3A_907 : i32 to index
        %get3A_909 = arith.constant 0 : index
        %get3A_910 = tpu.vector_load %arg9[%get3A_908, %get3A_909] {strides = array<i32>} : memref<200x64xf32, #tpu.memory_space<vmem>>, vector<16xf32>,
        %swap3A_911 = arith.constant 0 : i32
        %swap3A_912 = arith.constant 0 : i32
        %swap3A_913 = tpu.memref_slice %arg8[%scan3A_85, %swap3A_911, %swap3A_912] : memref<8x200x64xf32, #tpu.memory_space<vmem>> -> memref<1x200x64xf32, #tpu.memory_space<vmem>>
        %swap3A_914 = tpu.memref_squeeze %swap3A_913 : memref<1x200x64xf32, #tpu.memory_space<vmem>> -> memref<200x64xf32, #tpu.memory_space<vmem>>
        %swap3A_915 = arith.index_cast %add3A_907 : i32 to index
        %swap3A_916 = arith.constant 0 : index
        %swap3A_917 = tpu.vector_load %swap3A_914[%swap3A_915, %swap3A_916] {strides = array<i32>} : memref<200x64xf32, #tpu.memory_space<vmem>>, vector<16xf32>,
        tpu.vector_store %swap3A_914[%swap3A_915, %swap3A_916], %get3A_910 {strides = array<i32>} : memref<200x64xf32, #tpu.memory_space<vmem>>, vector<16xf32>,
        %get3A_918 = arith.index_cast %add3A_907 : i32 to index
        %get3A_919 = arith.constant 16 : index
        %get3A_920 = tpu.vector_load %arg9[%get3A_918, %get3A_919] {strides = array<i32>} : memref<200x64xf32, #tpu.memory_space<vmem>>, vector<16xf32>,
        %swap3A_921 = arith.constant 0 : i32
        %swap3A_922 = arith.constant 0 : i32
        %swap3A_923 = tpu.memref_slice %arg8[%scan3A_85, %swap3A_921, %swap3A_922] : memref<8x200x64xf32, #tpu.memory_space<vmem>> -> memref<1x200x64xf32, #tpu.memory_space<vmem>>
        %swap3A_924 = tpu.memref_squeeze %swap3A_923 : memref<1x200x64xf32, #tpu.memory_space<vmem>> -> memref<200x64xf32, #tpu.memory_space<vmem>>
        %swap3A_925 = arith.index_cast %add3A_907 : i32 to index
        %swap3A_926 = arith.constant 16 : index
        %swap3A_927 = tpu.vector_load %swap3A_924[%swap3A_925, %swap3A_926] {strides = array<i32>} : memref<200x64xf32, #tpu.memory_space<vmem>>, vector<16xf32>,
        tpu.vector_store %swap3A_924[%swap3A_925, %swap3A_926], %get3A_920 {strides = array<i32>} : memref<200x64xf32, #tpu.memory_space<vmem>>, vector<16xf32>,
        %get3A_928 = arith.index_cast %add3A_907 : i32 to index
        %get3A_929 = arith.constant 32 : index
        %get3A_930 = tpu.vector_load %arg9[%get3A_928, %get3A_929] {strides = array<i32>} : memref<200x64xf32, #tpu.memory_space<vmem>>, vector<16xf32>,
        %swap3A_931 = arith.constant 0 : i32
        %swap3A_932 = arith.constant 0 : i32
        %swap3A_933 = tpu.memref_slice %arg8[%scan3A_85, %swap3A_931, %swap3A_932] : memref<8x200x64xf32, #tpu.memory_space<vmem>> -> memref<1x200x64xf32, #tpu.memory_space<vmem>>
        %swap3A_934 = tpu.memref_squeeze %swap3A_933 : memref<1x200x64xf32, #tpu.memory_space<vmem>> -> memref<200x64xf32, #tpu.memory_space<vmem>>
        %swap3A_935 = arith.index_cast %add3A_907 : i32 to index
        %swap3A_936 = arith.constant 32 : index
        %swap3A_937 = tpu.vector_load %swap3A_934[%swap3A_935, %swap3A_936] {strides = array<i32>} : memref<200x64xf32, #tpu.memory_space<vmem>>, vector<16xf32>,
        tpu.vector_store %swap3A_934[%swap3A_935, %swap3A_936], %get3A_930 {strides = array<i32>} : memref<200x64xf32, #tpu.memory_space<vmem>>, vector<16xf32>,
        %get3A_938 = arith.index_cast %add3A_907 : i32 to index
        %get3A_939 = arith.constant 48 : index
        %get3A_940 = tpu.vector_load %arg9[%get3A_938, %get3A_939] {strides = array<i32>} : memref<200x64xf32, #tpu.memory_space<vmem>>, vector<16xf32>,
        %swap3A_941 = arith.constant 0 : i32
        %swap3A_942 = arith.constant 0 : i32
        %swap3A_943 = tpu.memref_slice %arg8[%scan3A_85, %swap3A_941, %swap3A_942] : memref<8x200x64xf32, #tpu.memory_space<vmem>> -> memref<1x200x64xf32, #tpu.memory_space<vmem>>
        %swap3A_944 = tpu.memref_squeeze %swap3A_943 : memref<1x200x64xf32, #tpu.memory_space<vmem>> -> memref<200x64xf32, #tpu.memory_space<vmem>>
        %swap3A_945 = arith.index_cast %add3A_907 : i32 to index
        %swap3A_946 = arith.constant 48 : index
        %swap3A_947 = tpu.vector_load %swap3A_944[%swap3A_945, %swap3A_946] {strides = array<i32>} : memref<200x64xf32, #tpu.memory_space<vmem>>, vector<16xf32>,
        tpu.vector_store %swap3A_944[%swap3A_945, %swap3A_946], %get3A_940 {strides = array<i32>} : memref<200x64xf32, #tpu.memory_space<vmem>>, vector<16xf32>,
      }
      %scan3A_90 = arith.constant 200 : i32
      %scan3A_91 = arith.constant 7 : i32
      %scan3A_92 = arith.constant 0 : i32
      %scan3A_93 = arith.constant 200 : i32
      %scan3A_94 = arith.addi %scan3A_92, %scan3A_93 : i32
      %scan3A_95 = arith.constant 8 : i32
      scf.for %scan3A_583 = %scan3A_92 to %scan3A_94 step %scan3A_95  : i32 {
        %mul3A_584 = arith.constant 1 : i32
        %mul3A_585 = arith.muli %scan3A_583, %mul3A_584 : i32
        %add3A_586 = arith.constant 0 : i32
        %add3A_587 = arith.addi %add3A_586, %mul3A_585 : i32
        %get3A = arith.index_cast %add3A_587 : i32 to index
        %get3A_588 = arith.constant 0 : index
        %get3A_589 = tpu.vector_load %arg9[%get3A, %get3A_588] {strides = array<i32>} : memref<200x64xf32, #tpu.memory_space<vmem>>, vector<16xf32>,
        %swap3A = arith.constant 0 : i32
        %swap3A_590 = arith.constant 0 : i32
        %swap3A_591 = tpu.memref_slice %arg8[%scan3A_91, %swap3A, %swap3A_590] : memref<8x200x64xf32, #tpu.memory_space<vmem>> -> memref<1x200x64xf32, #tpu.memory_space<vmem>>
        %swap3A_592 = tpu.memref_squeeze %swap3A_591 : memref<1x200x64xf32, #tpu.memory_space<vmem>> -> memref<200x64xf32, #tpu.memory_space<vmem>>
        %swap3A_593 = arith.index_cast %add3A_587 : i32 to index
        %swap3A_594 = arith.constant 0 : index
        %swap3A_595 = tpu.vector_load %swap3A_592[%swap3A_593, %swap3A_594] {strides = array<i32>} : memref<200x64xf32, #tpu.memory_space<vmem>>, vector<16xf32>,
        tpu.vector_store %swap3A_592[%swap3A_593, %swap3A_594], %get3A_589 {strides = array<i32>} : memref<200x64xf32, #tpu.memory_space<vmem>>, vector<16xf32>,
        %get3A_596 = arith.index_cast %add3A_587 : i32 to index
        %get3A_597 = arith.constant 16 : index
        %get3A_598 = tpu.vector_load %arg9[%get3A_596, %get3A_597] {strides = array<i32>} : memref<200x64xf32, #tpu.memory_space<vmem>>, vector<16xf32>,
        %swap3A_599 = arith.constant 0 : i32
        %swap3A_600 = arith.constant 0 : i32
        %swap3A_601 = tpu.memref_slice %arg8[%scan3A_91, %swap3A_599, %swap3A_600] : memref<8x200x64xf32, #tpu.memory_space<vmem>> -> memref<1x200x64xf32, #tpu.memory_space<vmem>>
        %swap3A_602 = tpu.memref_squeeze %swap3A_601 : memref<1x200x64xf32, #tpu.memory_space<vmem>> -> memref<200x64xf32, #tpu.memory_space<vmem>>
        %swap3A_603 = arith.index_cast %add3A_587 : i32 to index
        %swap3A_604 = arith.constant 16 : index
        %swap3A_605 = tpu.vector_load %swap3A_602[%swap3A_603, %swap3A_604] {strides = array<i32>} : memref<200x64xf32, #tpu.memory_space<vmem>>, vector<16xf32>,
        tpu.vector_store %swap3A_602[%swap3A_603, %swap3A_604], %get3A_598 {strides = array<i32>} : memref<200x64xf32, #tpu.memory_space<vmem>>, vector<16xf32>,
        %get3A_606 = arith.index_cast %add3A_587 : i32 to index
        %get3A_607 = arith.constant 32 : index
        %get3A_608 = tpu.vector_load %arg9[%get3A_606, %get3A_607] {strides = array<i32>} : memref<200x64xf32, #tpu.memory_space<vmem>>, vector<16xf32>,
        %swap3A_609 = arith.constant 0 : i32
        %swap3A_610 = arith.constant 0 : i32
        %swap3A_611 = tpu.memref_slice %arg8[%scan3A_91, %swap3A_609, %swap3A_610] : memref<8x200x64xf32, #tpu.memory_space<vmem>> -> memref<1x200x64xf32, #tpu.memory_space<vmem>>
        %swap3A_612 = tpu.memref_squeeze %swap3A_611 : memref<1x200x64xf32, #tpu.memory_space<vmem>> -> memref<200x64xf32, #tpu.memory_space<vmem>>
        %swap3A_613 = arith.index_cast %add3A_587 : i32 to index
        %swap3A_614 = arith.constant 32 : index
        %swap3A_615 = tpu.vector_load %swap3A_612[%swap3A_613, %swap3A_614] {strides = array<i32>} : memref<200x64xf32, #tpu.memory_space<vmem>>, vector<16xf32>,
        tpu.vector_store %swap3A_612[%swap3A_613, %swap3A_614], %get3A_608 {strides = array<i32>} : memref<200x64xf32, #tpu.memory_space<vmem>>, vector<16xf32>,
        %get3A_616 = arith.index_cast %add3A_587 : i32 to index
        %get3A_617 = arith.constant 48 : index
        %get3A_618 = tpu.vector_load %arg9[%get3A_616, %get3A_617] {strides = array<i32>} : memref<200x64xf32, #tpu.memory_space<vmem>>, vector<16xf32>,
        %swap3A_619 = arith.constant 0 : i32
        %swap3A_620 = arith.constant 0 : i32
        %swap3A_621 = tpu.memref_slice %arg8[%scan3A_91, %swap3A_619, %swap3A_620] : memref<8x200x64xf32, #tpu.memory_space<vmem>> -> memref<1x200x64xf32, #tpu.memory_space<vmem>>
        %swap3A_622 = tpu.memref_squeeze %swap3A_621 : memref<1x200x64xf32, #tpu.memory_space<vmem>> -> memref<200x64xf32, #tpu.memory_space<vmem>>
        %swap3A_623 = arith.index_cast %add3A_587 : i32 to index
        %swap3A_624 = arith.constant 48 : index
        %swap3A_625 = tpu.vector_load %swap3A_622[%swap3A_623, %swap3A_624] {strides = array<i32>} : memref<200x64xf32, #tpu.memory_space<vmem>>, vector<16xf32>,
        tpu.vector_store %swap3A_622[%swap3A_623, %swap3A_624], %get3A_618 {strides = array<i32>} : memref<200x64xf32, #tpu.memory_space<vmem>>, vector<16xf32>,
        %scan3A_626 = arith.constant 1 : i32
        %scan3A_627 = arith.addi %scan3A_583, %scan3A_626 : i32
        %mul3A_628 = arith.constant 1 : i32
        %mul3A_629 = arith.muli %scan3A_627, %mul3A_628 : i32
        %add3A_630 = arith.constant 0 : i32
        %add3A_631 = arith.addi %add3A_630, %mul3A_629 : i32
        %get3A_632 = arith.index_cast %add3A_631 : i32 to index
        %get3A_633 = arith.constant 0 : index
        %get3A_634 = tpu.vector_load %arg9[%get3A_632, %get3A_633] {strides = array<i32>} : memref<200x64xf32, #tpu.memory_space<vmem>>, vector<16xf32>,
        %swap3A_635 = arith.constant 0 : i32
        %swap3A_636 = arith.constant 0 : i32
        %swap3A_637 = tpu.memref_slice %arg8[%scan3A_91, %swap3A_635, %swap3A_636] : memref<8x200x64xf32, #tpu.memory_space<vmem>> -> memref<1x200x64xf32, #tpu.memory_space<vmem>>
        %swap3A_638 = tpu.memref_squeeze %swap3A_637 : memref<1x200x64xf32, #tpu.memory_space<vmem>> -> memref<200x64xf32, #tpu.memory_space<vmem>>
        %swap3A_639 = arith.index_cast %add3A_631 : i32 to index
        %swap3A_640 = arith.constant 0 : index
        %swap3A_641 = tpu.vector_load %swap3A_638[%swap3A_639, %swap3A_640] {strides = array<i32>} : memref<200x64xf32, #tpu.memory_space<vmem>>, vector<16xf32>,
        tpu.vector_store %swap3A_638[%swap3A_639, %swap3A_640], %get3A_634 {strides = array<i32>} : memref<200x64xf32, #tpu.memory_space<vmem>>, vector<16xf32>,
        %get3A_642 = arith.index_cast %add3A_631 : i32 to index
        %get3A_643 = arith.constant 16 : index
        %get3A_644 = tpu.vector_load %arg9[%get3A_642, %get3A_643] {strides = array<i32>} : memref<200x64xf32, #tpu.memory_space<vmem>>, vector<16xf32>,
        %swap3A_645 = arith.constant 0 : i32
        %swap3A_646 = arith.constant 0 : i32
        %swap3A_647 = tpu.memref_slice %arg8[%scan3A_91, %swap3A_645, %swap3A_646] : memref<8x200x64xf32, #tpu.memory_space<vmem>> -> memref<1x200x64xf32, #tpu.memory_space<vmem>>
        %swap3A_648 = tpu.memref_squeeze %swap3A_647 : memref<1x200x64xf32, #tpu.memory_space<vmem>> -> memref<200x64xf32, #tpu.memory_space<vmem>>
        %swap3A_649 = arith.index_cast %add3A_631 : i32 to index
        %swap3A_650 = arith.constant 16 : index
        %swap3A_651 = tpu.vector_load %swap3A_648[%swap3A_649, %swap3A_650] {strides = array<i32>} : memref<200x64xf32, #tpu.memory_space<vmem>>, vector<16xf32>,
        tpu.vector_store %swap3A_648[%swap3A_649, %swap3A_650], %get3A_644 {strides = array<i32>} : memref<200x64xf32, #tpu.memory_space<vmem>>, vector<16xf32>,
        %get3A_652 = arith.index_cast %add3A_631 : i32 to index
        %get3A_653 = arith.constant 32 : index
        %get3A_654 = tpu.vector_load %arg9[%get3A_652, %get3A_653] {strides = array<i32>} : memref<200x64xf32, #tpu.memory_space<vmem>>, vector<16xf32>,
        %swap3A_655 = arith.constant 0 : i32
        %swap3A_656 = arith.constant 0 : i32
        %swap3A_657 = tpu.memref_slice %arg8[%scan3A_91, %swap3A_655, %swap3A_656] : memref<8x200x64xf32, #tpu.memory_space<vmem>> -> memref<1x200x64xf32, #tpu.memory_space<vmem>>
        %swap3A_658 = tpu.memref_squeeze %swap3A_657 : memref<1x200x64xf32, #tpu.memory_space<vmem>> -> memref<200x64xf32, #tpu.memory_space<vmem>>
        %swap3A_659 = arith.index_cast %add3A_631 : i32 to index
        %swap3A_660 = arith.constant 32 : index
        %swap3A_661 = tpu.vector_load %swap3A_658[%swap3A_659, %swap3A_660] {strides = array<i32>} : memref<200x64xf32, #tpu.memory_space<vmem>>, vector<16xf32>,
        tpu.vector_store %swap3A_658[%swap3A_659, %swap3A_660], %get3A_654 {strides = array<i32>} : memref<200x64xf32, #tpu.memory_space<vmem>>, vector<16xf32>,
        %get3A_662 = arith.index_cast %add3A_631 : i32 to index
        %get3A_663 = arith.constant 48 : index
        %get3A_664 = tpu.vector_load %arg9[%get3A_662, %get3A_663] {strides = array<i32>} : memref<200x64xf32, #tpu.memory_space<vmem>>, vector<16xf32>,
        %swap3A_665 = arith.constant 0 : i32
        %swap3A_666 = arith.constant 0 : i32
        %swap3A_667 = tpu.memref_slice %arg8[%scan3A_91, %swap3A_665, %swap3A_666] : memref<8x200x64xf32, #tpu.memory_space<vmem>> -> memref<1x200x64xf32, #tpu.memory_space<vmem>>
        %swap3A_668 = tpu.memref_squeeze %swap3A_667 : memref<1x200x64xf32, #tpu.memory_space<vmem>> -> memref<200x64xf32, #tpu.memory_space<vmem>>
        %swap3A_669 = arith.index_cast %add3A_631 : i32 to index
        %swap3A_670 = arith.constant 48 : index
        %swap3A_671 = tpu.vector_load %swap3A_668[%swap3A_669, %swap3A_670] {strides = array<i32>} : memref<200x64xf32, #tpu.memory_space<vmem>>, vector<16xf32>,
        tpu.vector_store %swap3A_668[%swap3A_669, %swap3A_670], %get3A_664 {strides = array<i32>} : memref<200x64xf32, #tpu.memory_space<vmem>>, vector<16xf32>,
        %scan3A_672 = arith.constant 2 : i32
        %scan3A_673 = arith.addi %scan3A_583, %scan3A_672 : i32
        %mul3A_674 = arith.constant 1 : i32
        %mul3A_675 = arith.muli %scan3A_673, %mul3A_674 : i32
        %add3A_676 = arith.constant 0 : i32
        %add3A_677 = arith.addi %add3A_676, %mul3A_675 : i32
        %get3A_678 = arith.index_cast %add3A_677 : i32 to index
        %get3A_679 = arith.constant 0 : index
        %get3A_680 = tpu.vector_load %arg9[%get3A_678, %get3A_679] {strides = array<i32>} : memref<200x64xf32, #tpu.memory_space<vmem>>, vector<16xf32>,
        %swap3A_681 = arith.constant 0 : i32
        %swap3A_682 = arith.constant 0 : i32
        %swap3A_683 = tpu.memref_slice %arg8[%scan3A_91, %swap3A_681, %swap3A_682] : memref<8x200x64xf32, #tpu.memory_space<vmem>> -> memref<1x200x64xf32, #tpu.memory_space<vmem>>
        %swap3A_684 = tpu.memref_squeeze %swap3A_683 : memref<1x200x64xf32, #tpu.memory_space<vmem>> -> memref<200x64xf32, #tpu.memory_space<vmem>>
        %swap3A_685 = arith.index_cast %add3A_677 : i32 to index
        %swap3A_686 = arith.constant 0 : index
        %swap3A_687 = tpu.vector_load %swap3A_684[%swap3A_685, %swap3A_686] {strides = array<i32>} : memref<200x64xf32, #tpu.memory_space<vmem>>, vector<16xf32>,
        tpu.vector_store %swap3A_684[%swap3A_685, %swap3A_686], %get3A_680 {strides = array<i32>} : memref<200x64xf32, #tpu.memory_space<vmem>>, vector<16xf32>,
        %get3A_688 = arith.index_cast %add3A_677 : i32 to index
        %get3A_689 = arith.constant 16 : index
        %get3A_690 = tpu.vector_load %arg9[%get3A_688, %get3A_689] {strides = array<i32>} : memref<200x64xf32, #tpu.memory_space<vmem>>, vector<16xf32>,
        %swap3A_691 = arith.constant 0 : i32
        %swap3A_692 = arith.constant 0 : i32
        %swap3A_693 = tpu.memref_slice %arg8[%scan3A_91, %swap3A_691, %swap3A_692] : memref<8x200x64xf32, #tpu.memory_space<vmem>> -> memref<1x200x64xf32, #tpu.memory_space<vmem>>
        %swap3A_694 = tpu.memref_squeeze %swap3A_693 : memref<1x200x64xf32, #tpu.memory_space<vmem>> -> memref<200x64xf32, #tpu.memory_space<vmem>>
        %swap3A_695 = arith.index_cast %add3A_677 : i32 to index
        %swap3A_696 = arith.constant 16 : index
        %swap3A_697 = tpu.vector_load %swap3A_694[%swap3A_695, %swap3A_696] {strides = array<i32>} : memref<200x64xf32, #tpu.memory_space<vmem>>, vector<16xf32>,
        tpu.vector_store %swap3A_694[%swap3A_695, %swap3A_696], %get3A_690 {strides = array<i32>} : memref<200x64xf32, #tpu.memory_space<vmem>>, vector<16xf32>,
        %get3A_698 = arith.index_cast %add3A_677 : i32 to index
        %get3A_699 = arith.constant 32 : index
        %get3A_700 = tpu.vector_load %arg9[%get3A_698, %get3A_699] {strides = array<i32>} : memref<200x64xf32, #tpu.memory_space<vmem>>, vector<16xf32>,
        %swap3A_701 = arith.constant 0 : i32
        %swap3A_702 = arith.constant 0 : i32
        %swap3A_703 = tpu.memref_slice %arg8[%scan3A_91, %swap3A_701, %swap3A_702] : memref<8x200x64xf32, #tpu.memory_space<vmem>> -> memref<1x200x64xf32, #tpu.memory_space<vmem>>
        %swap3A_704 = tpu.memref_squeeze %swap3A_703 : memref<1x200x64xf32, #tpu.memory_space<vmem>> -> memref<200x64xf32, #tpu.memory_space<vmem>>
        %swap3A_705 = arith.index_cast %add3A_677 : i32 to index
        %swap3A_706 = arith.constant 32 : index
        %swap3A_707 = tpu.vector_load %swap3A_704[%swap3A_705, %swap3A_706] {strides = array<i32>} : memref<200x64xf32, #tpu.memory_space<vmem>>, vector<16xf32>,
        tpu.vector_store %swap3A_704[%swap3A_705, %swap3A_706], %get3A_700 {strides = array<i32>} : memref<200x64xf32, #tpu.memory_space<vmem>>, vector<16xf32>,
        %get3A_708 = arith.index_cast %add3A_677 : i32 to index
        %get3A_709 = arith.constant 48 : index
        %get3A_710 = tpu.vector_load %arg9[%get3A_708, %get3A_709] {strides = array<i32>} : memref<200x64xf32, #tpu.memory_space<vmem>>, vector<16xf32>,
        %swap3A_711 = arith.constant 0 : i32
        %swap3A_712 = arith.constant 0 : i32
        %swap3A_713 = tpu.memref_slice %arg8[%scan3A_91, %swap3A_711, %swap3A_712] : memref<8x200x64xf32, #tpu.memory_space<vmem>> -> memref<1x200x64xf32, #tpu.memory_space<vmem>>
        %swap3A_714 = tpu.memref_squeeze %swap3A_713 : memref<1x200x64xf32, #tpu.memory_space<vmem>> -> memref<200x64xf32, #tpu.memory_space<vmem>>
        %swap3A_715 = arith.index_cast %add3A_677 : i32 to index
        %swap3A_716 = arith.constant 48 : index
        %swap3A_717 = tpu.vector_load %swap3A_714[%swap3A_715, %swap3A_716] {strides = array<i32>} : memref<200x64xf32, #tpu.memory_space<vmem>>, vector<16xf32>,
        tpu.vector_store %swap3A_714[%swap3A_715, %swap3A_716], %get3A_710 {strides = array<i32>} : memref<200x64xf32, #tpu.memory_space<vmem>>, vector<16xf32>,
        %scan3A_718 = arith.constant 3 : i32
        %scan3A_719 = arith.addi %scan3A_583, %scan3A_718 : i32
        %mul3A_720 = arith.constant 1 : i32
        %mul3A_721 = arith.muli %scan3A_719, %mul3A_720 : i32
        %add3A_722 = arith.constant 0 : i32
        %add3A_723 = arith.addi %add3A_722, %mul3A_721 : i32
        %get3A_724 = arith.index_cast %add3A_723 : i32 to index
        %get3A_725 = arith.constant 0 : index
        %get3A_726 = tpu.vector_load %arg9[%get3A_724, %get3A_725] {strides = array<i32>} : memref<200x64xf32, #tpu.memory_space<vmem>>, vector<16xf32>,
        %swap3A_727 = arith.constant 0 : i32
        %swap3A_728 = arith.constant 0 : i32
        %swap3A_729 = tpu.memref_slice %arg8[%scan3A_91, %swap3A_727, %swap3A_728] : memref<8x200x64xf32, #tpu.memory_space<vmem>> -> memref<1x200x64xf32, #tpu.memory_space<vmem>>
        %swap3A_730 = tpu.memref_squeeze %swap3A_729 : memref<1x200x64xf32, #tpu.memory_space<vmem>> -> memref<200x64xf32, #tpu.memory_space<vmem>>
        %swap3A_731 = arith.index_cast %add3A_723 : i32 to index
        %swap3A_732 = arith.constant 0 : index
        %swap3A_733 = tpu.vector_load %swap3A_730[%swap3A_731, %swap3A_732] {strides = array<i32>} : memref<200x64xf32, #tpu.memory_space<vmem>>, vector<16xf32>,
        tpu.vector_store %swap3A_730[%swap3A_731, %swap3A_732], %get3A_726 {strides = array<i32>} : memref<200x64xf32, #tpu.memory_space<vmem>>, vector<16xf32>,
        %get3A_734 = arith.index_cast %add3A_723 : i32 to index
        %get3A_735 = arith.constant 16 : index
        %get3A_736 = tpu.vector_load %arg9[%get3A_734, %get3A_735] {strides = array<i32>} : memref<200x64xf32, #tpu.memory_space<vmem>>, vector<16xf32>,
        %swap3A_737 = arith.constant 0 : i32
        %swap3A_738 = arith.constant 0 : i32
        %swap3A_739 = tpu.memref_slice %arg8[%scan3A_91, %swap3A_737, %swap3A_738] : memref<8x200x64xf32, #tpu.memory_space<vmem>> -> memref<1x200x64xf32, #tpu.memory_space<vmem>>
        %swap3A_740 = tpu.memref_squeeze %swap3A_739 : memref<1x200x64xf32, #tpu.memory_space<vmem>> -> memref<200x64xf32, #tpu.memory_space<vmem>>
        %swap3A_741 = arith.index_cast %add3A_723 : i32 to index
        %swap3A_742 = arith.constant 16 : index
        %swap3A_743 = tpu.vector_load %swap3A_740[%swap3A_741, %swap3A_742] {strides = array<i32>} : memref<200x64xf32, #tpu.memory_space<vmem>>, vector<16xf32>,
        tpu.vector_store %swap3A_740[%swap3A_741, %swap3A_742], %get3A_736 {strides = array<i32>} : memref<200x64xf32, #tpu.memory_space<vmem>>, vector<16xf32>,
        %get3A_744 = arith.index_cast %add3A_723 : i32 to index
        %get3A_745 = arith.constant 32 : index
        %get3A_746 = tpu.vector_load %arg9[%get3A_744, %get3A_745] {strides = array<i32>} : memref<200x64xf32, #tpu.memory_space<vmem>>, vector<16xf32>,
        %swap3A_747 = arith.constant 0 : i32
        %swap3A_748 = arith.constant 0 : i32
        %swap3A_749 = tpu.memref_slice %arg8[%scan3A_91, %swap3A_747, %swap3A_748] : memref<8x200x64xf32, #tpu.memory_space<vmem>> -> memref<1x200x64xf32, #tpu.memory_space<vmem>>
        %swap3A_750 = tpu.memref_squeeze %swap3A_749 : memref<1x200x64xf32, #tpu.memory_space<vmem>> -> memref<200x64xf32, #tpu.memory_space<vmem>>
        %swap3A_751 = arith.index_cast %add3A_723 : i32 to index
        %swap3A_752 = arith.constant 32 : index
        %swap3A_753 = tpu.vector_load %swap3A_750[%swap3A_751, %swap3A_752] {strides = array<i32>} : memref<200x64xf32, #tpu.memory_space<vmem>>, vector<16xf32>,
        tpu.vector_store %swap3A_750[%swap3A_751, %swap3A_752], %get3A_746 {strides = array<i32>} : memref<200x64xf32, #tpu.memory_space<vmem>>, vector<16xf32>,
        %get3A_754 = arith.index_cast %add3A_723 : i32 to index
        %get3A_755 = arith.constant 48 : index
        %get3A_756 = tpu.vector_load %arg9[%get3A_754, %get3A_755] {strides = array<i32>} : memref<200x64xf32, #tpu.memory_space<vmem>>, vector<16xf32>,
        %swap3A_757 = arith.constant 0 : i32
        %swap3A_758 = arith.constant 0 : i32
        %swap3A_759 = tpu.memref_slice %arg8[%scan3A_91, %swap3A_757, %swap3A_758] : memref<8x200x64xf32, #tpu.memory_space<vmem>> -> memref<1x200x64xf32, #tpu.memory_space<vmem>>
        %swap3A_760 = tpu.memref_squeeze %swap3A_759 : memref<1x200x64xf32, #tpu.memory_space<vmem>> -> memref<200x64xf32, #tpu.memory_space<vmem>>
        %swap3A_761 = arith.index_cast %add3A_723 : i32 to index
        %swap3A_762 = arith.constant 48 : index
        %swap3A_763 = tpu.vector_load %swap3A_760[%swap3A_761, %swap3A_762] {strides = array<i32>} : memref<200x64xf32, #tpu.memory_space<vmem>>, vector<16xf32>,
        tpu.vector_store %swap3A_760[%swap3A_761, %swap3A_762], %get3A_756 {strides = array<i32>} : memref<200x64xf32, #tpu.memory_space<vmem>>, vector<16xf32>,
        %scan3A_764 = arith.constant 4 : i32
        %scan3A_765 = arith.addi %scan3A_583, %scan3A_764 : i32
        %mul3A_766 = arith.constant 1 : i32
        %mul3A_767 = arith.muli %scan3A_765, %mul3A_766 : i32
        %add3A_768 = arith.constant 0 : i32
        %add3A_769 = arith.addi %add3A_768, %mul3A_767 : i32
        %get3A_770 = arith.index_cast %add3A_769 : i32 to index
        %get3A_771 = arith.constant 0 : index
        %get3A_772 = tpu.vector_load %arg9[%get3A_770, %get3A_771] {strides = array<i32>} : memref<200x64xf32, #tpu.memory_space<vmem>>, vector<16xf32>,
        %swap3A_773 = arith.constant 0 : i32
        %swap3A_774 = arith.constant 0 : i32
        %swap3A_775 = tpu.memref_slice %arg8[%scan3A_91, %swap3A_773, %swap3A_774] : memref<8x200x64xf32, #tpu.memory_space<vmem>> -> memref<1x200x64xf32, #tpu.memory_space<vmem>>
        %swap3A_776 = tpu.memref_squeeze %swap3A_775 : memref<1x200x64xf32, #tpu.memory_space<vmem>> -> memref<200x64xf32, #tpu.memory_space<vmem>>
        %swap3A_777 = arith.index_cast %add3A_769 : i32 to index
        %swap3A_778 = arith.constant 0 : index
        %swap3A_779 = tpu.vector_load %swap3A_776[%swap3A_777, %swap3A_778] {strides = array<i32>} : memref<200x64xf32, #tpu.memory_space<vmem>>, vector<16xf32>,
        tpu.vector_store %swap3A_776[%swap3A_777, %swap3A_778], %get3A_772 {strides = array<i32>} : memref<200x64xf32, #tpu.memory_space<vmem>>, vector<16xf32>,
        %get3A_780 = arith.index_cast %add3A_769 : i32 to index
        %get3A_781 = arith.constant 16 : index
        %get3A_782 = tpu.vector_load %arg9[%get3A_780, %get3A_781] {strides = array<i32>} : memref<200x64xf32, #tpu.memory_space<vmem>>, vector<16xf32>,
        %swap3A_783 = arith.constant 0 : i32
        %swap3A_784 = arith.constant 0 : i32
        %swap3A_785 = tpu.memref_slice %arg8[%scan3A_91, %swap3A_783, %swap3A_784] : memref<8x200x64xf32, #tpu.memory_space<vmem>> -> memref<1x200x64xf32, #tpu.memory_space<vmem>>
        %swap3A_786 = tpu.memref_squeeze %swap3A_785 : memref<1x200x64xf32, #tpu.memory_space<vmem>> -> memref<200x64xf32, #tpu.memory_space<vmem>>
        %swap3A_787 = arith.index_cast %add3A_769 : i32 to index
        %swap3A_788 = arith.constant 16 : index
        %swap3A_789 = tpu.vector_load %swap3A_786[%swap3A_787, %swap3A_788] {strides = array<i32>} : memref<200x64xf32, #tpu.memory_space<vmem>>, vector<16xf32>,
        tpu.vector_store %swap3A_786[%swap3A_787, %swap3A_788], %get3A_782 {strides = array<i32>} : memref<200x64xf32, #tpu.memory_space<vmem>>, vector<16xf32>,
        %get3A_790 = arith.index_cast %add3A_769 : i32 to index
        %get3A_791 = arith.constant 32 : index
        %get3A_792 = tpu.vector_load %arg9[%get3A_790, %get3A_791] {strides = array<i32>} : memref<200x64xf32, #tpu.memory_space<vmem>>, vector<16xf32>,
        %swap3A_793 = arith.constant 0 : i32
        %swap3A_794 = arith.constant 0 : i32
        %swap3A_795 = tpu.memref_slice %arg8[%scan3A_91, %swap3A_793, %swap3A_794] : memref<8x200x64xf32, #tpu.memory_space<vmem>> -> memref<1x200x64xf32, #tpu.memory_space<vmem>>
        %swap3A_796 = tpu.memref_squeeze %swap3A_795 : memref<1x200x64xf32, #tpu.memory_space<vmem>> -> memref<200x64xf32, #tpu.memory_space<vmem>>
        %swap3A_797 = arith.index_cast %add3A_769 : i32 to index
        %swap3A_798 = arith.constant 32 : index
        %swap3A_799 = tpu.vector_load %swap3A_796[%swap3A_797, %swap3A_798] {strides = array<i32>} : memref<200x64xf32, #tpu.memory_space<vmem>>, vector<16xf32>,
        tpu.vector_store %swap3A_796[%swap3A_797, %swap3A_798], %get3A_792 {strides = array<i32>} : memref<200x64xf32, #tpu.memory_space<vmem>>, vector<16xf32>,
        %get3A_800 = arith.index_cast %add3A_769 : i32 to index
        %get3A_801 = arith.constant 48 : index
        %get3A_802 = tpu.vector_load %arg9[%get3A_800, %get3A_801] {strides = array<i32>} : memref<200x64xf32, #tpu.memory_space<vmem>>, vector<16xf32>,
        %swap3A_803 = arith.constant 0 : i32
        %swap3A_804 = arith.constant 0 : i32
        %swap3A_805 = tpu.memref_slice %arg8[%scan3A_91, %swap3A_803, %swap3A_804] : memref<8x200x64xf32, #tpu.memory_space<vmem>> -> memref<1x200x64xf32, #tpu.memory_space<vmem>>
        %swap3A_806 = tpu.memref_squeeze %swap3A_805 : memref<1x200x64xf32, #tpu.memory_space<vmem>> -> memref<200x64xf32, #tpu.memory_space<vmem>>
        %swap3A_807 = arith.index_cast %add3A_769 : i32 to index
        %swap3A_808 = arith.constant 48 : index
        %swap3A_809 = tpu.vector_load %swap3A_806[%swap3A_807, %swap3A_808] {strides = array<i32>} : memref<200x64xf32, #tpu.memory_space<vmem>>, vector<16xf32>,
        tpu.vector_store %swap3A_806[%swap3A_807, %swap3A_808], %get3A_802 {strides = array<i32>} : memref<200x64xf32, #tpu.memory_space<vmem>>, vector<16xf32>,
        %scan3A_810 = arith.constant 5 : i32
        %scan3A_811 = arith.addi %scan3A_583, %scan3A_810 : i32
        %mul3A_812 = arith.constant 1 : i32
        %mul3A_813 = arith.muli %scan3A_811, %mul3A_812 : i32
        %add3A_814 = arith.constant 0 : i32
        %add3A_815 = arith.addi %add3A_814, %mul3A_813 : i32
        %get3A_816 = arith.index_cast %add3A_815 : i32 to index
        %get3A_817 = arith.constant 0 : index
        %get3A_818 = tpu.vector_load %arg9[%get3A_816, %get3A_817] {strides = array<i32>} : memref<200x64xf32, #tpu.memory_space<vmem>>, vector<16xf32>,
        %swap3A_819 = arith.constant 0 : i32
        %swap3A_820 = arith.constant 0 : i32
        %swap3A_821 = tpu.memref_slice %arg8[%scan3A_91, %swap3A_819, %swap3A_820] : memref<8x200x64xf32, #tpu.memory_space<vmem>> -> memref<1x200x64xf32, #tpu.memory_space<vmem>>
        %swap3A_822 = tpu.memref_squeeze %swap3A_821 : memref<1x200x64xf32, #tpu.memory_space<vmem>> -> memref<200x64xf32, #tpu.memory_space<vmem>>
        %swap3A_823 = arith.index_cast %add3A_815 : i32 to index
        %swap3A_824 = arith.constant 0 : index
        %swap3A_825 = tpu.vector_load %swap3A_822[%swap3A_823, %swap3A_824] {strides = array<i32>} : memref<200x64xf32, #tpu.memory_space<vmem>>, vector<16xf32>,
        tpu.vector_store %swap3A_822[%swap3A_823, %swap3A_824], %get3A_818 {strides = array<i32>} : memref<200x64xf32, #tpu.memory_space<vmem>>, vector<16xf32>,
        %get3A_826 = arith.index_cast %add3A_815 : i32 to index
        %get3A_827 = arith.constant 16 : index
        %get3A_828 = tpu.vector_load %arg9[%get3A_826, %get3A_827] {strides = array<i32>} : memref<200x64xf32, #tpu.memory_space<vmem>>, vector<16xf32>,
        %swap3A_829 = arith.constant 0 : i32
        %swap3A_830 = arith.constant 0 : i32
        %swap3A_831 = tpu.memref_slice %arg8[%scan3A_91, %swap3A_829, %swap3A_830] : memref<8x200x64xf32, #tpu.memory_space<vmem>> -> memref<1x200x64xf32, #tpu.memory_space<vmem>>
        %swap3A_832 = tpu.memref_squeeze %swap3A_831 : memref<1x200x64xf32, #tpu.memory_space<vmem>> -> memref<200x64xf32, #tpu.memory_space<vmem>>
        %swap3A_833 = arith.index_cast %add3A_815 : i32 to index
        %swap3A_834 = arith.constant 16 : index
        %swap3A_835 = tpu.vector_load %swap3A_832[%swap3A_833, %swap3A_834] {strides = array<i32>} : memref<200x64xf32, #tpu.memory_space<vmem>>, vector<16xf32>,
        tpu.vector_store %swap3A_832[%swap3A_833, %swap3A_834], %get3A_828 {strides = array<i32>} : memref<200x64xf32, #tpu.memory_space<vmem>>, vector<16xf32>,
        %get3A_836 = arith.index_cast %add3A_815 : i32 to index
        %get3A_837 = arith.constant 32 : index
        %get3A_838 = tpu.vector_load %arg9[%get3A_836, %get3A_837] {strides = array<i32>} : memref<200x64xf32, #tpu.memory_space<vmem>>, vector<16xf32>,
        %swap3A_839 = arith.constant 0 : i32
        %swap3A_840 = arith.constant 0 : i32
        %swap3A_841 = tpu.memref_slice %arg8[%scan3A_91, %swap3A_839, %swap3A_840] : memref<8x200x64xf32, #tpu.memory_space<vmem>> -> memref<1x200x64xf32, #tpu.memory_space<vmem>>
        %swap3A_842 = tpu.memref_squeeze %swap3A_841 : memref<1x200x64xf32, #tpu.memory_space<vmem>> -> memref<200x64xf32, #tpu.memory_space<vmem>>
        %swap3A_843 = arith.index_cast %add3A_815 : i32 to index
        %swap3A_844 = arith.constant 32 : index
        %swap3A_845 = tpu.vector_load %swap3A_842[%swap3A_843, %swap3A_844] {strides = array<i32>} : memref<200x64xf32, #tpu.memory_space<vmem>>, vector<16xf32>,
        tpu.vector_store %swap3A_842[%swap3A_843, %swap3A_844], %get3A_838 {strides = array<i32>} : memref<200x64xf32, #tpu.memory_space<vmem>>, vector<16xf32>,
        %get3A_846 = arith.index_cast %add3A_815 : i32 to index
        %get3A_847 = arith.constant 48 : index
        %get3A_848 = tpu.vector_load %arg9[%get3A_846, %get3A_847] {strides = array<i32>} : memref<200x64xf32, #tpu.memory_space<vmem>>, vector<16xf32>,
        %swap3A_849 = arith.constant 0 : i32
        %swap3A_850 = arith.constant 0 : i32
        %swap3A_851 = tpu.memref_slice %arg8[%scan3A_91, %swap3A_849, %swap3A_850] : memref<8x200x64xf32, #tpu.memory_space<vmem>> -> memref<1x200x64xf32, #tpu.memory_space<vmem>>
        %swap3A_852 = tpu.memref_squeeze %swap3A_851 : memref<1x200x64xf32, #tpu.memory_space<vmem>> -> memref<200x64xf32, #tpu.memory_space<vmem>>
        %swap3A_853 = arith.index_cast %add3A_815 : i32 to index
        %swap3A_854 = arith.constant 48 : index
        %swap3A_855 = tpu.vector_load %swap3A_852[%swap3A_853, %swap3A_854] {strides = array<i32>} : memref<200x64xf32, #tpu.memory_space<vmem>>, vector<16xf32>,
        tpu.vector_store %swap3A_852[%swap3A_853, %swap3A_854], %get3A_848 {strides = array<i32>} : memref<200x64xf32, #tpu.memory_space<vmem>>, vector<16xf32>,
        %scan3A_856 = arith.constant 6 : i32
        %scan3A_857 = arith.addi %scan3A_583, %scan3A_856 : i32
        %mul3A_858 = arith.constant 1 : i32
        %mul3A_859 = arith.muli %scan3A_857, %mul3A_858 : i32
        %add3A_860 = arith.constant 0 : i32
        %add3A_861 = arith.addi %add3A_860, %mul3A_859 : i32
        %get3A_862 = arith.index_cast %add3A_861 : i32 to index
        %get3A_863 = arith.constant 0 : index
        %get3A_864 = tpu.vector_load %arg9[%get3A_862, %get3A_863] {strides = array<i32>} : memref<200x64xf32, #tpu.memory_space<vmem>>, vector<16xf32>,
        %swap3A_865 = arith.constant 0 : i32
        %swap3A_866 = arith.constant 0 : i32
        %swap3A_867 = tpu.memref_slice %arg8[%scan3A_91, %swap3A_865, %swap3A_866] : memref<8x200x64xf32, #tpu.memory_space<vmem>> -> memref<1x200x64xf32, #tpu.memory_space<vmem>>
        %swap3A_868 = tpu.memref_squeeze %swap3A_867 : memref<1x200x64xf32, #tpu.memory_space<vmem>> -> memref<200x64xf32, #tpu.memory_space<vmem>>
        %swap3A_869 = arith.index_cast %add3A_861 : i32 to index
        %swap3A_870 = arith.constant 0 : index
        %swap3A_871 = tpu.vector_load %swap3A_868[%swap3A_869, %swap3A_870] {strides = array<i32>} : memref<200x64xf32, #tpu.memory_space<vmem>>, vector<16xf32>,
        tpu.vector_store %swap3A_868[%swap3A_869, %swap3A_870], %get3A_864 {strides = array<i32>} : memref<200x64xf32, #tpu.memory_space<vmem>>, vector<16xf32>,
        %get3A_872 = arith.index_cast %add3A_861 : i32 to index
        %get3A_873 = arith.constant 16 : index
        %get3A_874 = tpu.vector_load %arg9[%get3A_872, %get3A_873] {strides = array<i32>} : memref<200x64xf32, #tpu.memory_space<vmem>>, vector<16xf32>,
        %swap3A_875 = arith.constant 0 : i32
        %swap3A_876 = arith.constant 0 : i32
        %swap3A_877 = tpu.memref_slice %arg8[%scan3A_91, %swap3A_875, %swap3A_876] : memref<8x200x64xf32, #tpu.memory_space<vmem>> -> memref<1x200x64xf32, #tpu.memory_space<vmem>>
        %swap3A_878 = tpu.memref_squeeze %swap3A_877 : memref<1x200x64xf32, #tpu.memory_space<vmem>> -> memref<200x64xf32, #tpu.memory_space<vmem>>
        %swap3A_879 = arith.index_cast %add3A_861 : i32 to index
        %swap3A_880 = arith.constant 16 : index
        %swap3A_881 = tpu.vector_load %swap3A_878[%swap3A_879, %swap3A_880] {strides = array<i32>} : memref<200x64xf32, #tpu.memory_space<vmem>>, vector<16xf32>,
        tpu.vector_store %swap3A_878[%swap3A_879, %swap3A_880], %get3A_874 {strides = array<i32>} : memref<200x64xf32, #tpu.memory_space<vmem>>, vector<16xf32>,
        %get3A_882 = arith.index_cast %add3A_861 : i32 to index
        %get3A_883 = arith.constant 32 : index
        %get3A_884 = tpu.vector_load %arg9[%get3A_882, %get3A_883] {strides = array<i32>} : memref<200x64xf32, #tpu.memory_space<vmem>>, vector<16xf32>,
        %swap3A_885 = arith.constant 0 : i32
        %swap3A_886 = arith.constant 0 : i32
        %swap3A_887 = tpu.memref_slice %arg8[%scan3A_91, %swap3A_885, %swap3A_886] : memref<8x200x64xf32, #tpu.memory_space<vmem>> -> memref<1x200x64xf32, #tpu.memory_space<vmem>>
        %swap3A_888 = tpu.memref_squeeze %swap3A_887 : memref<1x200x64xf32, #tpu.memory_space<vmem>> -> memref<200x64xf32, #tpu.memory_space<vmem>>
        %swap3A_889 = arith.index_cast %add3A_861 : i32 to index
        %swap3A_890 = arith.constant 32 : index
        %swap3A_891 = tpu.vector_load %swap3A_888[%swap3A_889, %swap3A_890] {strides = array<i32>} : memref<200x64xf32, #tpu.memory_space<vmem>>, vector<16xf32>,
        tpu.vector_store %swap3A_888[%swap3A_889, %swap3A_890], %get3A_884 {strides = array<i32>} : memref<200x64xf32, #tpu.memory_space<vmem>>, vector<16xf32>,
        %get3A_892 = arith.index_cast %add3A_861 : i32 to index
        %get3A_893 = arith.constant 48 : index
        %get3A_894 = tpu.vector_load %arg9[%get3A_892, %get3A_893] {strides = array<i32>} : memref<200x64xf32, #tpu.memory_space<vmem>>, vector<16xf32>,
        %swap3A_895 = arith.constant 0 : i32
        %swap3A_896 = arith.constant 0 : i32
        %swap3A_897 = tpu.memref_slice %arg8[%scan3A_91, %swap3A_895, %swap3A_896] : memref<8x200x64xf32, #tpu.memory_space<vmem>> -> memref<1x200x64xf32, #tpu.memory_space<vmem>>
        %swap3A_898 = tpu.memref_squeeze %swap3A_897 : memref<1x200x64xf32, #tpu.memory_space<vmem>> -> memref<200x64xf32, #tpu.memory_space<vmem>>
        %swap3A_899 = arith.index_cast %add3A_861 : i32 to index
        %swap3A_900 = arith.constant 48 : index
        %swap3A_901 = tpu.vector_load %swap3A_898[%swap3A_899, %swap3A_900] {strides = array<i32>} : memref<200x64xf32, #tpu.memory_space<vmem>>, vector<16xf32>,
        tpu.vector_store %swap3A_898[%swap3A_899, %swap3A_900], %get3A_894 {strides = array<i32>} : memref<200x64xf32, #tpu.memory_space<vmem>>, vector<16xf32>,
        %scan3A_902 = arith.constant 7 : i32
        %scan3A_903 = arith.addi %scan3A_583, %scan3A_902 : i32
        %mul3A_904 = arith.constant 1 : i32
        %mul3A_905 = arith.muli %scan3A_903, %mul3A_904 : i32
        %add3A_906 = arith.constant 0 : i32
        %add3A_907 = arith.addi %add3A_906, %mul3A_905 : i32
        %get3A_908 = arith.index_cast %add3A_907 : i32 to index
        %get3A_909 = arith.constant 0 : index
        %get3A_910 = tpu.vector_load %arg9[%get3A_908, %get3A_909] {strides = array<i32>} : memref<200x64xf32, #tpu.memory_space<vmem>>, vector<16xf32>,
        %swap3A_911 = arith.constant 0 : i32
        %swap3A_912 = arith.constant 0 : i32
        %swap3A_913 = tpu.memref_slice %arg8[%scan3A_91, %swap3A_911, %swap3A_912] : memref<8x200x64xf32, #tpu.memory_space<vmem>> -> memref<1x200x64xf32, #tpu.memory_space<vmem>>
        %swap3A_914 = tpu.memref_squeeze %swap3A_913 : memref<1x200x64xf32, #tpu.memory_space<vmem>> -> memref<200x64xf32, #tpu.memory_space<vmem>>
        %swap3A_915 = arith.index_cast %add3A_907 : i32 to index
        %swap3A_916 = arith.constant 0 : index
        %swap3A_917 = tpu.vector_load %swap3A_914[%swap3A_915, %swap3A_916] {strides = array<i32>} : memref<200x64xf32, #tpu.memory_space<vmem>>, vector<16xf32>,
        tpu.vector_store %swap3A_914[%swap3A_915, %swap3A_916], %get3A_910 {strides = array<i32>} : memref<200x64xf32, #tpu.memory_space<vmem>>, vector<16xf32>,
        %get3A_918 = arith.index_cast %add3A_907 : i32 to index
        %get3A_919 = arith.constant 16 : index
        %get3A_920 = tpu.vector_load %arg9[%get3A_918, %get3A_919] {strides = array<i32>} : memref<200x64xf32, #tpu.memory_space<vmem>>, vector<16xf32>,
        %swap3A_921 = arith.constant 0 : i32
        %swap3A_922 = arith.constant 0 : i32
        %swap3A_923 = tpu.memref_slice %arg8[%scan3A_91, %swap3A_921, %swap3A_922] : memref<8x200x64xf32, #tpu.memory_space<vmem>> -> memref<1x200x64xf32, #tpu.memory_space<vmem>>
        %swap3A_924 = tpu.memref_squeeze %swap3A_923 : memref<1x200x64xf32, #tpu.memory_space<vmem>> -> memref<200x64xf32, #tpu.memory_space<vmem>>
        %swap3A_925 = arith.index_cast %add3A_907 : i32 to index
        %swap3A_926 = arith.constant 16 : index
        %swap3A_927 = tpu.vector_load %swap3A_924[%swap3A_925, %swap3A_926] {strides = array<i32>} : memref<200x64xf32, #tpu.memory_space<vmem>>, vector<16xf32>,
        tpu.vector_store %swap3A_924[%swap3A_925, %swap3A_926], %get3A_920 {strides = array<i32>} : memref<200x64xf32, #tpu.memory_space<vmem>>, vector<16xf32>,
        %get3A_928 = arith.index_cast %add3A_907 : i32 to index
        %get3A_929 = arith.constant 32 : index
        %get3A_930 = tpu.vector_load %arg9[%get3A_928, %get3A_929] {strides = array<i32>} : memref<200x64xf32, #tpu.memory_space<vmem>>, vector<16xf32>,
        %swap3A_931 = arith.constant 0 : i32
        %swap3A_932 = arith.constant 0 : i32
        %swap3A_933 = tpu.memref_slice %arg8[%scan3A_91, %swap3A_931, %swap3A_932] : memref<8x200x64xf32, #tpu.memory_space<vmem>> -> memref<1x200x64xf32, #tpu.memory_space<vmem>>
        %swap3A_934 = tpu.memref_squeeze %swap3A_933 : memref<1x200x64xf32, #tpu.memory_space<vmem>> -> memref<200x64xf32, #tpu.memory_space<vmem>>
        %swap3A_935 = arith.index_cast %add3A_907 : i32 to index
        %swap3A_936 = arith.constant 32 : index
        %swap3A_937 = tpu.vector_load %swap3A_934[%swap3A_935, %swap3A_936] {strides = array<i32>} : memref<200x64xf32, #tpu.memory_space<vmem>>, vector<16xf32>,
        tpu.vector_store %swap3A_934[%swap3A_935, %swap3A_936], %get3A_930 {strides = array<i32>} : memref<200x64xf32, #tpu.memory_space<vmem>>, vector<16xf32>,
        %get3A_938 = arith.index_cast %add3A_907 : i32 to index
        %get3A_939 = arith.constant 48 : index
        %get3A_940 = tpu.vector_load %arg9[%get3A_938, %get3A_939] {strides = array<i32>} : memref<200x64xf32, #tpu.memory_space<vmem>>, vector<16xf32>,
        %swap3A_941 = arith.constant 0 : i32
        %swap3A_942 = arith.constant 0 : i32
        %swap3A_943 = tpu.memref_slice %arg8[%scan3A_91, %swap3A_941, %swap3A_942] : memref<8x200x64xf32, #tpu.memory_space<vmem>> -> memref<1x200x64xf32, #tpu.memory_space<vmem>>
        %swap3A_944 = tpu.memref_squeeze %swap3A_943 : memref<1x200x64xf32, #tpu.memory_space<vmem>> -> memref<200x64xf32, #tpu.memory_space<vmem>>
        %swap3A_945 = arith.index_cast %add3A_907 : i32 to index
        %swap3A_946 = arith.constant 48 : index
        %swap3A_947 = tpu.vector_load %swap3A_944[%swap3A_945, %swap3A_946] {strides = array<i32>} : memref<200x64xf32, #tpu.memory_space<vmem>>, vector<16xf32>,
        tpu.vector_store %swap3A_944[%swap3A_945, %swap3A_946], %get3A_940 {strides = array<i32>} : memref<200x64xf32, #tpu.memory_space<vmem>>, vector<16xf32>,
      }
      %scan3A_96 = arith.constant 200 : i32
      %add3A_97 = arith.constant 0 : i32
      %add3A_98 = arith.addi %mul3A_48, %add3A_97 : i32
      %dma_start3A = arith.constant 0 : i32
      %dma_start3A_99 = arith.constant 0 : i32
      %dma_start3A_100 = arith.constant 0 : i32
      %dma_start3A_101 = tpu.memref_slice %arg8[%dma_start3A, %dma_start3A_99, %dma_start3A_100] : memref<8x200x64xf32, #tpu.memory_space<vmem>> -> memref<1x200x64xf32, #tpu.memory_space<vmem>>
      %dma_start3A_102 = tpu.memref_squeeze %dma_start3A_101 : memref<1x200x64xf32, #tpu.memory_space<vmem>> -> memref<200x64xf32, #tpu.memory_space<vmem>>
      %dma_start3A_103 = arith.constant 0 : i32
      %dma_start3A_104 = tpu.memref_slice %arg7[%add3A_98, %dma_start3A_103] : memref<32x208xi32, #tpu.memory_space<vmem>> -> memref<1x200xi32, #tpu.memory_space<vmem>>
      %dma_start3A_105 = tpu.memref_squeeze %dma_start3A_104 : memref<1x200xi32, #tpu.memory_space<vmem>> -> memref<200xi32, #tpu.memory_space<vmem>>
      %dma_start3A_106 = arith.constant 0 : i32
      %dma_start3A_107 = arith.constant 0 : i32
      %dma_start3A_108 = tpu.memref_slice %arg3[%dma_start3A_106, %dma_start3A_107] : memref<1000000x64xf32, #tpu.memory_space<hbm>> -> memref<1000000x64xf32, #tpu.memory_space<hbm>>
      tpu.enqueue_indirect_dma source(%dma_start3A_108 : memref<1000000x64xf32, #tpu.memory_space<hbm>>) target(%dma_start3A_102 : memref<200x64xf32, #tpu.memory_space<vmem>>) offsets(%dma_start3A_105 : memref<200xi32, #tpu.memory_space<vmem>>) semaphore(%arg10 : memref<!tpu.dma_semaphore, #tpu.memory_space<semaphore_mem>>) {add = true}
      %add3A_109 = arith.constant 1 : i32
      %add3A_110 = arith.addi %mul3A_48, %add3A_109 : i32
      %dma_start3A_111 = arith.constant 1 : i32
      %dma_start3A_112 = arith.constant 0 : i32
      %dma_start3A_113 = arith.constant 0 : i32
      %dma_start3A_114 = tpu.memref_slice %arg8[%dma_start3A_111, %dma_start3A_112, %dma_start3A_113] : memref<8x200x64xf32, #tpu.memory_space<vmem>> -> memref<1x200x64xf32, #tpu.memory_space<vmem>>
      %dma_start3A_115 = tpu.memref_squeeze %dma_start3A_114 : memref<1x200x64xf32, #tpu.memory_space<vmem>> -> memref<200x64xf32, #tpu.memory_space<vmem>>
      %dma_start3A_116 = arith.constant 0 : i32
      %dma_start3A_117 = tpu.memref_slice %arg7[%add3A_110, %dma_start3A_116] : memref<32x208xi32, #tpu.memory_space<vmem>> -> memref<1x200xi32, #tpu.memory_space<vmem>>
      %dma_start3A_118 = tpu.memref_squeeze %dma_start3A_117 : memref<1x200xi32, #tpu.memory_space<vmem>> -> memref<200xi32, #tpu.memory_space<vmem>>
      %dma_start3A_119 = arith.constant 0 : i32
      %dma_start3A_120 = arith.constant 0 : i32
      %dma_start3A_121 = tpu.memref_slice %arg3[%dma_start3A_119, %dma_start3A_120] : memref<1000000x64xf32, #tpu.memory_space<hbm>> -> memref<1000000x64xf32, #tpu.memory_space<hbm>>
      tpu.enqueue_indirect_dma source(%dma_start3A_121 : memref<1000000x64xf32, #tpu.memory_space<hbm>>) target(%dma_start3A_115 : memref<200x64xf32, #tpu.memory_space<vmem>>) offsets(%dma_start3A_118 : memref<200xi32, #tpu.memory_space<vmem>>) semaphore(%arg11 : memref<!tpu.dma_semaphore, #tpu.memory_space<semaphore_mem>>) {add = true}
      %add3A_122 = arith.constant 2 : i32
      %add3A_123 = arith.addi %mul3A_48, %add3A_122 : i32
      %dma_start3A_124 = arith.constant 2 : i32
      %dma_start3A_125 = arith.constant 0 : i32
      %dma_start3A_126 = arith.constant 0 : i32
      %dma_start3A_127 = tpu.memref_slice %arg8[%dma_start3A_124, %dma_start3A_125, %dma_start3A_126] : memref<8x200x64xf32, #tpu.memory_space<vmem>> -> memref<1x200x64xf32, #tpu.memory_space<vmem>>
      %dma_start3A_128 = tpu.memref_squeeze %dma_start3A_127 : memref<1x200x64xf32, #tpu.memory_space<vmem>> -> memref<200x64xf32, #tpu.memory_space<vmem>>
      %dma_start3A_129 = arith.constant 0 : i32
      %dma_start3A_130 = tpu.memref_slice %arg7[%add3A_123, %dma_start3A_129] : memref<32x208xi32, #tpu.memory_space<vmem>> -> memref<1x200xi32, #tpu.memory_space<vmem>>
      %dma_start3A_131 = tpu.memref_squeeze %dma_start3A_130 : memref<1x200xi32, #tpu.memory_space<vmem>> -> memref<200xi32, #tpu.memory_space<vmem>>
      %dma_start3A_132 = arith.constant 0 : i32
      %dma_start3A_133 = arith.constant 0 : i32
      %dma_start3A_134 = tpu.memref_slice %arg3[%dma_start3A_132, %dma_start3A_133] : memref<1000000x64xf32, #tpu.memory_space<hbm>> -> memref<1000000x64xf32, #tpu.memory_space<hbm>>
      tpu.enqueue_indirect_dma source(%dma_start3A_134 : memref<1000000x64xf32, #tpu.memory_space<hbm>>) target(%dma_start3A_128 : memref<200x64xf32, #tpu.memory_space<vmem>>) offsets(%dma_start3A_131 : memref<200xi32, #tpu.memory_space<vmem>>) semaphore(%arg12 : memref<!tpu.dma_semaphore, #tpu.memory_space<semaphore_mem>>) {add = true}
      %add3A_135 = arith.constant 3 : i32
      %add3A_136 = arith.addi %mul3A_48, %add3A_135 : i32
      %dma_start3A_137 = arith.constant 3 : i32
      %dma_start3A_138 = arith.constant 0 : i32
      %dma_start3A_139 = arith.constant 0 : i32
      %dma_start3A_140 = tpu.memref_slice %arg8[%dma_start3A_137, %dma_start3A_138, %dma_start3A_139] : memref<8x200x64xf32, #tpu.memory_space<vmem>> -> memref<1x200x64xf32, #tpu.memory_space<vmem>>
      %dma_start3A_141 = tpu.memref_squeeze %dma_start3A_140 : memref<1x200x64xf32, #tpu.memory_space<vmem>> -> memref<200x64xf32, #tpu.memory_space<vmem>>
      %dma_start3A_142 = arith.constant 0 : i32
      %dma_start3A_143 = tpu.memref_slice %arg7[%add3A_136, %dma_start3A_142] : memref<32x208xi32, #tpu.memory_space<vmem>> -> memref<1x200xi32, #tpu.memory_space<vmem>>
      %dma_start3A_144 = tpu.memref_squeeze %dma_start3A_143 : memref<1x200xi32, #tpu.memory_space<vmem>> -> memref<200xi32, #tpu.memory_space<vmem>>
      %dma_start3A_145 = arith.constant 0 : i32
      %dma_start3A_146 = arith.constant 0 : i32
      %dma_start3A_147 = tpu.memref_slice %arg3[%dma_start3A_145, %dma_start3A_146] : memref<1000000x64xf32, #tpu.memory_space<hbm>> -> memref<1000000x64xf32, #tpu.memory_space<hbm>>
      tpu.enqueue_indirect_dma source(%dma_start3A_147 : memref<1000000x64xf32, #tpu.memory_space<hbm>>) target(%dma_start3A_141 : memref<200x64xf32, #tpu.memory_space<vmem>>) offsets(%dma_start3A_144 : memref<200xi32, #tpu.memory_space<vmem>>) semaphore(%arg13 : memref<!tpu.dma_semaphore, #tpu.memory_space<semaphore_mem>>) {add = true}
      %add3A_148 = arith.constant 4 : i32
      %add3A_149 = arith.addi %mul3A_48, %add3A_148 : i32
      %dma_start3A_150 = arith.constant 4 : i32
      %dma_start3A_151 = arith.constant 0 : i32
      %dma_start3A_152 = arith.constant 0 : i32
      %dma_start3A_153 = tpu.memref_slice %arg8[%dma_start3A_150, %dma_start3A_151, %dma_start3A_152] : memref<8x200x64xf32, #tpu.memory_space<vmem>> -> memref<1x200x64xf32, #tpu.memory_space<vmem>>
      %dma_start3A_154 = tpu.memref_squeeze %dma_start3A_153 : memref<1x200x64xf32, #tpu.memory_space<vmem>> -> memref<200x64xf32, #tpu.memory_space<vmem>>
      %dma_start3A_155 = arith.constant 0 : i32
      %dma_start3A_156 = tpu.memref_slice %arg7[%add3A_149, %dma_start3A_155] : memref<32x208xi32, #tpu.memory_space<vmem>> -> memref<1x200xi32, #tpu.memory_space<vmem>>
      %dma_start3A_157 = tpu.memref_squeeze %dma_start3A_156 : memref<1x200xi32, #tpu.memory_space<vmem>> -> memref<200xi32, #tpu.memory_space<vmem>>
      %dma_start3A_158 = arith.constant 0 : i32
      %dma_start3A_159 = arith.constant 0 : i32
      %dma_start3A_160 = tpu.memref_slice %arg3[%dma_start3A_158, %dma_start3A_159] : memref<1000000x64xf32, #tpu.memory_space<hbm>> -> memref<1000000x64xf32, #tpu.memory_space<hbm>>
      tpu.enqueue_indirect_dma source(%dma_start3A_160 : memref<1000000x64xf32, #tpu.memory_space<hbm>>) target(%dma_start3A_154 : memref<200x64xf32, #tpu.memory_space<vmem>>) offsets(%dma_start3A_157 : memref<200xi32, #tpu.memory_space<vmem>>) semaphore(%arg14 : memref<!tpu.dma_semaphore, #tpu.memory_space<semaphore_mem>>) {add = true}
      %add3A_161 = arith.constant 5 : i32
      %add3A_162 = arith.addi %mul3A_48, %add3A_161 : i32
      %dma_start3A_163 = arith.constant 5 : i32
      %dma_start3A_164 = arith.constant 0 : i32
      %dma_start3A_165 = arith.constant 0 : i32
      %dma_start3A_166 = tpu.memref_slice %arg8[%dma_start3A_163, %dma_start3A_164, %dma_start3A_165] : memref<8x200x64xf32, #tpu.memory_space<vmem>> -> memref<1x200x64xf32, #tpu.memory_space<vmem>>
      %dma_start3A_167 = tpu.memref_squeeze %dma_start3A_166 : memref<1x200x64xf32, #tpu.memory_space<vmem>> -> memref<200x64xf32, #tpu.memory_space<vmem>>
      %dma_start3A_168 = arith.constant 0 : i32
      %dma_start3A_169 = tpu.memref_slice %arg7[%add3A_162, %dma_start3A_168] : memref<32x208xi32, #tpu.memory_space<vmem>> -> memref<1x200xi32, #tpu.memory_space<vmem>>
      %dma_start3A_170 = tpu.memref_squeeze %dma_start3A_169 : memref<1x200xi32, #tpu.memory_space<vmem>> -> memref<200xi32, #tpu.memory_space<vmem>>
      %dma_start3A_171 = arith.constant 0 : i32
      %dma_start3A_172 = arith.constant 0 : i32
      %dma_start3A_173 = tpu.memref_slice %arg3[%dma_start3A_171, %dma_start3A_172] : memref<1000000x64xf32, #tpu.memory_space<hbm>> -> memref<1000000x64xf32, #tpu.memory_space<hbm>>
      tpu.enqueue_indirect_dma source(%dma_start3A_173 : memref<1000000x64xf32, #tpu.memory_space<hbm>>) target(%dma_start3A_167 : memref<200x64xf32, #tpu.memory_space<vmem>>) offsets(%dma_start3A_170 : memref<200xi32, #tpu.memory_space<vmem>>) semaphore(%arg15 : memref<!tpu.dma_semaphore, #tpu.memory_space<semaphore_mem>>) {add = true}
      %add3A_174 = arith.constant 6 : i32
      %add3A_175 = arith.addi %mul3A_48, %add3A_174 : i32
      %dma_start3A_176 = arith.constant 6 : i32
      %dma_start3A_177 = arith.constant 0 : i32
      %dma_start3A_178 = arith.constant 0 : i32
      %dma_start3A_179 = tpu.memref_slice %arg8[%dma_start3A_176, %dma_start3A_177, %dma_start3A_178] : memref<8x200x64xf32, #tpu.memory_space<vmem>> -> memref<1x200x64xf32, #tpu.memory_space<vmem>>
      %dma_start3A_180 = tpu.memref_squeeze %dma_start3A_179 : memref<1x200x64xf32, #tpu.memory_space<vmem>> -> memref<200x64xf32, #tpu.memory_space<vmem>>
      %dma_start3A_181 = arith.constant 0 : i32
      %dma_start3A_182 = tpu.memref_slice %arg7[%add3A_175, %dma_start3A_181] : memref<32x208xi32, #tpu.memory_space<vmem>> -> memref<1x200xi32, #tpu.memory_space<vmem>>
      %dma_start3A_183 = tpu.memref_squeeze %dma_start3A_182 : memref<1x200xi32, #tpu.memory_space<vmem>> -> memref<200xi32, #tpu.memory_space<vmem>>
      %dma_start3A_184 = arith.constant 0 : i32
      %dma_start3A_185 = arith.constant 0 : i32
      %dma_start3A_186 = tpu.memref_slice %arg3[%dma_start3A_184, %dma_start3A_185] : memref<1000000x64xf32, #tpu.memory_space<hbm>> -> memref<1000000x64xf32, #tpu.memory_space<hbm>>
      tpu.enqueue_indirect_dma source(%dma_start3A_186 : memref<1000000x64xf32, #tpu.memory_space<hbm>>) target(%dma_start3A_180 : memref<200x64xf32, #tpu.memory_space<vmem>>) offsets(%dma_start3A_183 : memref<200xi32, #tpu.memory_space<vmem>>) semaphore(%arg16 : memref<!tpu.dma_semaphore, #tpu.memory_space<semaphore_mem>>) {add = true}
      %add3A_187 = arith.constant 7 : i32
      %add3A_188 = arith.addi %mul3A_48, %add3A_187 : i32
      %dma_start3A_189 = arith.constant 7 : i32
      %dma_start3A_190 = arith.constant 0 : i32
      %dma_start3A_191 = arith.constant 0 : i32
      %dma_start3A_192 = tpu.memref_slice %arg8[%dma_start3A_189, %dma_start3A_190, %dma_start3A_191] : memref<8x200x64xf32, #tpu.memory_space<vmem>> -> memref<1x200x64xf32, #tpu.memory_space<vmem>>
      %dma_start3A_193 = tpu.memref_squeeze %dma_start3A_192 : memref<1x200x64xf32, #tpu.memory_space<vmem>> -> memref<200x64xf32, #tpu.memory_space<vmem>>
      %dma_start3A_194 = arith.constant 0 : i32
      %dma_start3A_195 = tpu.memref_slice %arg7[%add3A_188, %dma_start3A_194] : memref<32x208xi32, #tpu.memory_space<vmem>> -> memref<1x200xi32, #tpu.memory_space<vmem>>
      %dma_start3A_196 = tpu.memref_squeeze %dma_start3A_195 : memref<1x200xi32, #tpu.memory_space<vmem>> -> memref<200xi32, #tpu.memory_space<vmem>>
      %dma_start3A_197 = arith.constant 0 : i32
      %dma_start3A_198 = arith.constant 0 : i32
      %dma_start3A_199 = tpu.memref_slice %arg3[%dma_start3A_197, %dma_start3A_198] : memref<1000000x64xf32, #tpu.memory_space<hbm>> -> memref<1000000x64xf32, #tpu.memory_space<hbm>>
      tpu.enqueue_indirect_dma source(%dma_start3A_199 : memref<1000000x64xf32, #tpu.memory_space<hbm>>) target(%dma_start3A_193 : memref<200x64xf32, #tpu.memory_space<vmem>>) offsets(%dma_start3A_196 : memref<200xi32, #tpu.memory_space<vmem>>) semaphore(%arg17 : memref<!tpu.dma_semaphore, #tpu.memory_space<semaphore_mem>>) {add = true}
      %dma_wait3A = arith.constant 0 : i32
      %dma_wait3A_200 = arith.constant 0 : i32
      %dma_wait3A_201 = arith.constant 0 : i32
      %dma_wait3A_202 = tpu.memref_slice %arg8[%dma_wait3A, %dma_wait3A_200, %dma_wait3A_201] : memref<8x200x64xf32, #tpu.memory_space<vmem>> -> memref<1x200x64xf32, #tpu.memory_space<vmem>>
      %dma_wait3A_203 = tpu.memref_squeeze %dma_wait3A_202 : memref<1x200x64xf32, #tpu.memory_space<vmem>> -> memref<200x64xf32, #tpu.memory_space<vmem>>
      %dma_wait3A_204 = arith.constant 0 : i32
      %dma_wait3A_205 = tpu.memref_slice %arg7[%add3A_98, %dma_wait3A_204] : memref<32x208xi32, #tpu.memory_space<vmem>> -> memref<1x200xi32, #tpu.memory_space<vmem>>
      %dma_wait3A_206 = tpu.memref_squeeze %dma_wait3A_205 : memref<1x200xi32, #tpu.memory_space<vmem>> -> memref<200xi32, #tpu.memory_space<vmem>>
      %dma_wait3A_207 = arith.constant 0 : i32
      %dma_wait3A_208 = arith.constant 0 : i32
      %dma_wait3A_209 = tpu.memref_slice %arg3[%dma_wait3A_207, %dma_wait3A_208] : memref<1000000x64xf32, #tpu.memory_space<hbm>> -> memref<1000000x64xf32, #tpu.memory_space<hbm>>
      tpu.wait_indirect_dma semaphore(%arg10 : memref<!tpu.dma_semaphore, #tpu.memory_space<semaphore_mem>>) src(%dma_wait3A_209 : memref<1000000x64xf32, #tpu.memory_space<hbm>>) dst(%dma_wait3A_203 : memref<200x64xf32, #tpu.memory_space<vmem>>)
      %add3A_210 = arith.addi %mul3A_2, %mul3A_48 : i32
      %add3A_211 = arith.constant 0 : i32
      %add3A_212 = arith.addi %add3A_210, %add3A_211 : i32
      %dma_start3A_213 = arith.constant 0 : i32
      %dma_start3A_214 = arith.constant 0 : i32
      %dma_start3A_215 = arith.constant 0 : i32
      %dma_start3A_216 = tpu.memref_slice %arg8[%dma_start3A_213, %dma_start3A_214, %dma_start3A_215] : memref<8x200x64xf32, #tpu.memory_space<vmem>> -> memref<1x200x64xf32, #tpu.memory_space<vmem>>
      %dma_start3A_217 = tpu.memref_squeeze %dma_start3A_216 : memref<1x200x64xf32, #tpu.memory_space<vmem>> -> memref<200x64xf32, #tpu.memory_space<vmem>>
      %dma_start3A_218 = arith.constant 0 : i32
      %dma_start3A_219 = arith.constant 0 : i32
      %dma_start3A_220 = tpu.memref_slice %arg5[%add3A_212, %dma_start3A_218, %dma_start3A_219] : memref<1024x200x128xf32, #tpu.memory_space<hbm>> -> memref<1x200x64xf32, #tpu.memory_space<hbm>>
      %dma_start3A_221 = tpu.memref_squeeze %dma_start3A_220 : memref<1x200x64xf32, #tpu.memory_space<hbm>> -> memref<200x64xf32, #tpu.memory_space<hbm>>
      %dma_start3A_222 = arith.constant 0 : i32
      %dma_start3A_223 = arith.constant 0 : i32
      %dma_start3A_224 = tpu.memref_slice %arg5[%add3A_212, %dma_start3A_222, %dma_start3A_223] : memref<1024x200x128xf32, #tpu.memory_space<hbm>> -> memref<1x200x64xf32, #tpu.memory_space<hbm>>
      %dma_start3A_225 = tpu.memref_squeeze %dma_start3A_224 : memref<1x200x64xf32, #tpu.memory_space<hbm>> -> memref<200x64xf32, #tpu.memory_space<hbm>>
      %dma_start3A_226 = arith.constant 0 : i32
      %dma_start3A_227 = arith.constant 0 : i32
      %dma_start3A_228 = tpu.memref_slice %arg8[%dma_start3A_213, %dma_start3A_226, %dma_start3A_227] : memref<8x200x64xf32, #tpu.memory_space<vmem>> -> memref<1x200x64xf32, #tpu.memory_space<vmem>>
      %dma_start3A_229 = tpu.memref_squeeze %dma_start3A_228 : memref<1x200x64xf32, #tpu.memory_space<vmem>> -> memref<200x64xf32, #tpu.memory_space<vmem>>
      tpu.enqueue_dma source(%dma_start3A_229 : memref<200x64xf32, #tpu.memory_space<vmem>>) target(%dma_start3A_225 : memref<200x64xf32, #tpu.memory_space<hbm>>) target_semaphore(%arg18 : memref<!tpu.dma_semaphore, #tpu.memory_space<semaphore_mem>>)
      %dma_wait3A_230 = arith.constant 1 : i32
      %dma_wait3A_231 = arith.constant 0 : i32
      %dma_wait3A_232 = arith.constant 0 : i32
      %dma_wait3A_233 = tpu.memref_slice %arg8[%dma_wait3A_230, %dma_wait3A_231, %dma_wait3A_232] : memref<8x200x64xf32, #tpu.memory_space<vmem>> -> memref<1x200x64xf32, #tpu.memory_space<vmem>>
      %dma_wait3A_234 = tpu.memref_squeeze %dma_wait3A_233 : memref<1x200x64xf32, #tpu.memory_space<vmem>> -> memref<200x64xf32, #tpu.memory_space<vmem>>
      %dma_wait3A_235 = arith.constant 0 : i32
      %dma_wait3A_236 = tpu.memref_slice %arg7[%add3A_110, %dma_wait3A_235] : memref<32x208xi32, #tpu.memory_space<vmem>> -> memref<1x200xi32, #tpu.memory_space<vmem>>
      %dma_wait3A_237 = tpu.memref_squeeze %dma_wait3A_236 : memref<1x200xi32, #tpu.memory_space<vmem>> -> memref<200xi32, #tpu.memory_space<vmem>>
      %dma_wait3A_238 = arith.constant 0 : i32
      %dma_wait3A_239 = arith.constant 0 : i32
      %dma_wait3A_240 = tpu.memref_slice %arg3[%dma_wait3A_238, %dma_wait3A_239] : memref<1000000x64xf32, #tpu.memory_space<hbm>> -> memref<1000000x64xf32, #tpu.memory_space<hbm>>
      tpu.wait_indirect_dma semaphore(%arg11 : memref<!tpu.dma_semaphore, #tpu.memory_space<semaphore_mem>>) src(%dma_wait3A_240 : memref<1000000x64xf32, #tpu.memory_space<hbm>>) dst(%dma_wait3A_234 : memref<200x64xf32, #tpu.memory_space<vmem>>)
      %add3A_241 = arith.addi %mul3A_2, %mul3A_48 : i32
      %add3A_242 = arith.constant 1 : i32
      %add3A_243 = arith.addi %add3A_241, %add3A_242 : i32
      %dma_start3A_244 = arith.constant 1 : i32
      %dma_start3A_245 = arith.constant 0 : i32
      %dma_start3A_246 = arith.constant 0 : i32
      %dma_start3A_247 = tpu.memref_slice %arg8[%dma_start3A_244, %dma_start3A_245, %dma_start3A_246] : memref<8x200x64xf32, #tpu.memory_space<vmem>> -> memref<1x200x64xf32, #tpu.memory_space<vmem>>
      %dma_start3A_248 = tpu.memref_squeeze %dma_start3A_247 : memref<1x200x64xf32, #tpu.memory_space<vmem>> -> memref<200x64xf32, #tpu.memory_space<vmem>>
      %dma_start3A_249 = arith.constant 0 : i32
      %dma_start3A_250 = arith.constant 0 : i32
      %dma_start3A_251 = tpu.memref_slice %arg5[%add3A_243, %dma_start3A_249, %dma_start3A_250] : memref<1024x200x128xf32, #tpu.memory_space<hbm>> -> memref<1x200x64xf32, #tpu.memory_space<hbm>>
      %dma_start3A_252 = tpu.memref_squeeze %dma_start3A_251 : memref<1x200x64xf32, #tpu.memory_space<hbm>> -> memref<200x64xf32, #tpu.memory_space<hbm>>
      %dma_start3A_253 = arith.constant 0 : i32
      %dma_start3A_254 = arith.constant 0 : i32
      %dma_start3A_255 = tpu.memref_slice %arg5[%add3A_243, %dma_start3A_253, %dma_start3A_254] : memref<1024x200x128xf32, #tpu.memory_space<hbm>> -> memref<1x200x64xf32, #tpu.memory_space<hbm>>
      %dma_start3A_256 = tpu.memref_squeeze %dma_start3A_255 : memref<1x200x64xf32, #tpu.memory_space<hbm>> -> memref<200x64xf32, #tpu.memory_space<hbm>>
      %dma_start3A_257 = arith.constant 0 : i32
      %dma_start3A_258 = arith.constant 0 : i32
      %dma_start3A_259 = tpu.memref_slice %arg8[%dma_start3A_244, %dma_start3A_257, %dma_start3A_258] : memref<8x200x64xf32, #tpu.memory_space<vmem>> -> memref<1x200x64xf32, #tpu.memory_space<vmem>>
      %dma_start3A_260 = tpu.memref_squeeze %dma_start3A_259 : memref<1x200x64xf32, #tpu.memory_space<vmem>> -> memref<200x64xf32, #tpu.memory_space<vmem>>
      tpu.enqueue_dma source(%dma_start3A_260 : memref<200x64xf32, #tpu.memory_space<vmem>>) target(%dma_start3A_256 : memref<200x64xf32, #tpu.memory_space<hbm>>) target_semaphore(%arg19 : memref<!tpu.dma_semaphore, #tpu.memory_space<semaphore_mem>>)
      %dma_wait3A_261 = arith.constant 2 : i32
      %dma_wait3A_262 = arith.constant 0 : i32
      %dma_wait3A_263 = arith.constant 0 : i32
      %dma_wait3A_264 = tpu.memref_slice %arg8[%dma_wait3A_261, %dma_wait3A_262, %dma_wait3A_263] : memref<8x200x64xf32, #tpu.memory_space<vmem>> -> memref<1x200x64xf32, #tpu.memory_space<vmem>>
      %dma_wait3A_265 = tpu.memref_squeeze %dma_wait3A_264 : memref<1x200x64xf32, #tpu.memory_space<vmem>> -> memref<200x64xf32, #tpu.memory_space<vmem>>
      %dma_wait3A_266 = arith.constant 0 : i32
      %dma_wait3A_267 = tpu.memref_slice %arg7[%add3A_123, %dma_wait3A_266] : memref<32x208xi32, #tpu.memory_space<vmem>> -> memref<1x200xi32, #tpu.memory_space<vmem>>
      %dma_wait3A_268 = tpu.memref_squeeze %dma_wait3A_267 : memref<1x200xi32, #tpu.memory_space<vmem>> -> memref<200xi32, #tpu.memory_space<vmem>>
      %dma_wait3A_269 = arith.constant 0 : i32
      %dma_wait3A_270 = arith.constant 0 : i32
      %dma_wait3A_271 = tpu.memref_slice %arg3[%dma_wait3A_269, %dma_wait3A_270] : memref<1000000x64xf32, #tpu.memory_space<hbm>> -> memref<1000000x64xf32, #tpu.memory_space<hbm>>
      tpu.wait_indirect_dma semaphore(%arg12 : memref<!tpu.dma_semaphore, #tpu.memory_space<semaphore_mem>>) src(%dma_wait3A_271 : memref<1000000x64xf32, #tpu.memory_space<hbm>>) dst(%dma_wait3A_265 : memref<200x64xf32, #tpu.memory_space<vmem>>)
      %add3A_272 = arith.addi %mul3A_2, %mul3A_48 : i32
      %add3A_273 = arith.constant 2 : i32
      %add3A_274 = arith.addi %add3A_272, %add3A_273 : i32
      %dma_start3A_275 = arith.constant 2 : i32
      %dma_start3A_276 = arith.constant 0 : i32
      %dma_start3A_277 = arith.constant 0 : i32
      %dma_start3A_278 = tpu.memref_slice %arg8[%dma_start3A_275, %dma_start3A_276, %dma_start3A_277] : memref<8x200x64xf32, #tpu.memory_space<vmem>> -> memref<1x200x64xf32, #tpu.memory_space<vmem>>
      %dma_start3A_279 = tpu.memref_squeeze %dma_start3A_278 : memref<1x200x64xf32, #tpu.memory_space<vmem>> -> memref<200x64xf32, #tpu.memory_space<vmem>>
      %dma_start3A_280 = arith.constant 0 : i32
      %dma_start3A_281 = arith.constant 0 : i32
      %dma_start3A_282 = tpu.memref_slice %arg5[%add3A_274, %dma_start3A_280, %dma_start3A_281] : memref<1024x200x128xf32, #tpu.memory_space<hbm>> -> memref<1x200x64xf32, #tpu.memory_space<hbm>>
      %dma_start3A_283 = tpu.memref_squeeze %dma_start3A_282 : memref<1x200x64xf32, #tpu.memory_space<hbm>> -> memref<200x64xf32, #tpu.memory_space<hbm>>
      %dma_start3A_284 = arith.constant 0 : i32
      %dma_start3A_285 = arith.constant 0 : i32
      %dma_start3A_286 = tpu.memref_slice %arg5[%add3A_274, %dma_start3A_284, %dma_start3A_285] : memref<1024x200x128xf32, #tpu.memory_space<hbm>> -> memref<1x200x64xf32, #tpu.memory_space<hbm>>
      %dma_start3A_287 = tpu.memref_squeeze %dma_start3A_286 : memref<1x200x64xf32, #tpu.memory_space<hbm>> -> memref<200x64xf32, #tpu.memory_space<hbm>>
      %dma_start3A_288 = arith.constant 0 : i32
      %dma_start3A_289 = arith.constant 0 : i32
      %dma_start3A_290 = tpu.memref_slice %arg8[%dma_start3A_275, %dma_start3A_288, %dma_start3A_289] : memref<8x200x64xf32, #tpu.memory_space<vmem>> -> memref<1x200x64xf32, #tpu.memory_space<vmem>>
      %dma_start3A_291 = tpu.memref_squeeze %dma_start3A_290 : memref<1x200x64xf32, #tpu.memory_space<vmem>> -> memref<200x64xf32, #tpu.memory_space<vmem>>
      tpu.enqueue_dma source(%dma_start3A_291 : memref<200x64xf32, #tpu.memory_space<vmem>>) target(%dma_start3A_287 : memref<200x64xf32, #tpu.memory_space<hbm>>) target_semaphore(%arg20 : memref<!tpu.dma_semaphore, #tpu.memory_space<semaphore_mem>>)
      %dma_wait3A_292 = arith.constant 3 : i32
      %dma_wait3A_293 = arith.constant 0 : i32
      %dma_wait3A_294 = arith.constant 0 : i32
      %dma_wait3A_295 = tpu.memref_slice %arg8[%dma_wait3A_292, %dma_wait3A_293, %dma_wait3A_294] : memref<8x200x64xf32, #tpu.memory_space<vmem>> -> memref<1x200x64xf32, #tpu.memory_space<vmem>>
      %dma_wait3A_296 = tpu.memref_squeeze %dma_wait3A_295 : memref<1x200x64xf32, #tpu.memory_space<vmem>> -> memref<200x64xf32, #tpu.memory_space<vmem>>
      %dma_wait3A_297 = arith.constant 0 : i32
      %dma_wait3A_298 = tpu.memref_slice %arg7[%add3A_136, %dma_wait3A_297] : memref<32x208xi32, #tpu.memory_space<vmem>> -> memref<1x200xi32, #tpu.memory_space<vmem>>
      %dma_wait3A_299 = tpu.memref_squeeze %dma_wait3A_298 : memref<1x200xi32, #tpu.memory_space<vmem>> -> memref<200xi32, #tpu.memory_space<vmem>>
      %dma_wait3A_300 = arith.constant 0 : i32
      %dma_wait3A_301 = arith.constant 0 : i32
      %dma_wait3A_302 = tpu.memref_slice %arg3[%dma_wait3A_300, %dma_wait3A_301] : memref<1000000x64xf32, #tpu.memory_space<hbm>> -> memref<1000000x64xf32, #tpu.memory_space<hbm>>
      tpu.wait_indirect_dma semaphore(%arg13 : memref<!tpu.dma_semaphore, #tpu.memory_space<semaphore_mem>>) src(%dma_wait3A_302 : memref<1000000x64xf32, #tpu.memory_space<hbm>>) dst(%dma_wait3A_296 : memref<200x64xf32, #tpu.memory_space<vmem>>)
      %add3A_303 = arith.addi %mul3A_2, %mul3A_48 : i32
      %add3A_304 = arith.constant 3 : i32
      %add3A_305 = arith.addi %add3A_303, %add3A_304 : i32
      %dma_start3A_306 = arith.constant 3 : i32
      %dma_start3A_307 = arith.constant 0 : i32
      %dma_start3A_308 = arith.constant 0 : i32
      %dma_start3A_309 = tpu.memref_slice %arg8[%dma_start3A_306, %dma_start3A_307, %dma_start3A_308] : memref<8x200x64xf32, #tpu.memory_space<vmem>> -> memref<1x200x64xf32, #tpu.memory_space<vmem>>
      %dma_start3A_310 = tpu.memref_squeeze %dma_start3A_309 : memref<1x200x64xf32, #tpu.memory_space<vmem>> -> memref<200x64xf32, #tpu.memory_space<vmem>>
      %dma_start3A_311 = arith.constant 0 : i32
      %dma_start3A_312 = arith.constant 0 : i32
      %dma_start3A_313 = tpu.memref_slice %arg5[%add3A_305, %dma_start3A_311, %dma_start3A_312] : memref<1024x200x128xf32, #tpu.memory_space<hbm>> -> memref<1x200x64xf32, #tpu.memory_space<hbm>>
      %dma_start3A_314 = tpu.memref_squeeze %dma_start3A_313 : memref<1x200x64xf32, #tpu.memory_space<hbm>> -> memref<200x64xf32, #tpu.memory_space<hbm>>
      %dma_start3A_315 = arith.constant 0 : i32
      %dma_start3A_316 = arith.constant 0 : i32
      %dma_start3A_317 = tpu.memref_slice %arg5[%add3A_305, %dma_start3A_315, %dma_start3A_316] : memref<1024x200x128xf32, #tpu.memory_space<hbm>> -> memref<1x200x64xf32, #tpu.memory_space<hbm>>
      %dma_start3A_318 = tpu.memref_squeeze %dma_start3A_317 : memref<1x200x64xf32, #tpu.memory_space<hbm>> -> memref<200x64xf32, #tpu.memory_space<hbm>>
      %dma_start3A_319 = arith.constant 0 : i32
      %dma_start3A_320 = arith.constant 0 : i32
      %dma_start3A_321 = tpu.memref_slice %arg8[%dma_start3A_306, %dma_start3A_319, %dma_start3A_320] : memref<8x200x64xf32, #tpu.memory_space<vmem>> -> memref<1x200x64xf32, #tpu.memory_space<vmem>>
      %dma_start3A_322 = tpu.memref_squeeze %dma_start3A_321 : memref<1x200x64xf32, #tpu.memory_space<vmem>> -> memref<200x64xf32, #tpu.memory_space<vmem>>
      tpu.enqueue_dma source(%dma_start3A_322 : memref<200x64xf32, #tpu.memory_space<vmem>>) target(%dma_start3A_318 : memref<200x64xf32, #tpu.memory_space<hbm>>) target_semaphore(%arg21 : memref<!tpu.dma_semaphore, #tpu.memory_space<semaphore_mem>>)
      %dma_wait3A_323 = arith.constant 4 : i32
      %dma_wait3A_324 = arith.constant 0 : i32
      %dma_wait3A_325 = arith.constant 0 : i32
      %dma_wait3A_326 = tpu.memref_slice %arg8[%dma_wait3A_323, %dma_wait3A_324, %dma_wait3A_325] : memref<8x200x64xf32, #tpu.memory_space<vmem>> -> memref<1x200x64xf32, #tpu.memory_space<vmem>>
      %dma_wait3A_327 = tpu.memref_squeeze %dma_wait3A_326 : memref<1x200x64xf32, #tpu.memory_space<vmem>> -> memref<200x64xf32, #tpu.memory_space<vmem>>
      %dma_wait3A_328 = arith.constant 0 : i32
      %dma_wait3A_329 = tpu.memref_slice %arg7[%add3A_149, %dma_wait3A_328] : memref<32x208xi32, #tpu.memory_space<vmem>> -> memref<1x200xi32, #tpu.memory_space<vmem>>
      %dma_wait3A_330 = tpu.memref_squeeze %dma_wait3A_329 : memref<1x200xi32, #tpu.memory_space<vmem>> -> memref<200xi32, #tpu.memory_space<vmem>>
      %dma_wait3A_331 = arith.constant 0 : i32
      %dma_wait3A_332 = arith.constant 0 : i32
      %dma_wait3A_333 = tpu.memref_slice %arg3[%dma_wait3A_331, %dma_wait3A_332] : memref<1000000x64xf32, #tpu.memory_space<hbm>> -> memref<1000000x64xf32, #tpu.memory_space<hbm>>
      tpu.wait_indirect_dma semaphore(%arg14 : memref<!tpu.dma_semaphore, #tpu.memory_space<semaphore_mem>>) src(%dma_wait3A_333 : memref<1000000x64xf32, #tpu.memory_space<hbm>>) dst(%dma_wait3A_327 : memref<200x64xf32, #tpu.memory_space<vmem>>)
      %add3A_334 = arith.addi %mul3A_2, %mul3A_48 : i32
      %add3A_335 = arith.constant 4 : i32
      %add3A_336 = arith.addi %add3A_334, %add3A_335 : i32
      %dma_start3A_337 = arith.constant 4 : i32
      %dma_start3A_338 = arith.constant 0 : i32
      %dma_start3A_339 = arith.constant 0 : i32
      %dma_start3A_340 = tpu.memref_slice %arg8[%dma_start3A_337, %dma_start3A_338, %dma_start3A_339] : memref<8x200x64xf32, #tpu.memory_space<vmem>> -> memref<1x200x64xf32, #tpu.memory_space<vmem>>
      %dma_start3A_341 = tpu.memref_squeeze %dma_start3A_340 : memref<1x200x64xf32, #tpu.memory_space<vmem>> -> memref<200x64xf32, #tpu.memory_space<vmem>>
      %dma_start3A_342 = arith.constant 0 : i32
      %dma_start3A_343 = arith.constant 0 : i32
      %dma_start3A_344 = tpu.memref_slice %arg5[%add3A_336, %dma_start3A_342, %dma_start3A_343] : memref<1024x200x128xf32, #tpu.memory_space<hbm>> -> memref<1x200x64xf32, #tpu.memory_space<hbm>>
      %dma_start3A_345 = tpu.memref_squeeze %dma_start3A_344 : memref<1x200x64xf32, #tpu.memory_space<hbm>> -> memref<200x64xf32, #tpu.memory_space<hbm>>
      %dma_start3A_346 = arith.constant 0 : i32
      %dma_start3A_347 = arith.constant 0 : i32
      %dma_start3A_348 = tpu.memref_slice %arg5[%add3A_336, %dma_start3A_346, %dma_start3A_347] : memref<1024x200x128xf32, #tpu.memory_space<hbm>> -> memref<1x200x64xf32, #tpu.memory_space<hbm>>
      %dma_start3A_349 = tpu.memref_squeeze %dma_start3A_348 : memref<1x200x64xf32, #tpu.memory_space<hbm>> -> memref<200x64xf32, #tpu.memory_space<hbm>>
      %dma_start3A_350 = arith.constant 0 : i32
      %dma_start3A_351 = arith.constant 0 : i32
      %dma_start3A_352 = tpu.memref_slice %arg8[%dma_start3A_337, %dma_start3A_350, %dma_start3A_351] : memref<8x200x64xf32, #tpu.memory_space<vmem>> -> memref<1x200x64xf32, #tpu.memory_space<vmem>>
      %dma_start3A_353 = tpu.memref_squeeze %dma_start3A_352 : memref<1x200x64xf32, #tpu.memory_space<vmem>> -> memref<200x64xf32, #tpu.memory_space<vmem>>
      tpu.enqueue_dma source(%dma_start3A_353 : memref<200x64xf32, #tpu.memory_space<vmem>>) target(%dma_start3A_349 : memref<200x64xf32, #tpu.memory_space<hbm>>) target_semaphore(%arg22 : memref<!tpu.dma_semaphore, #tpu.memory_space<semaphore_mem>>)
      %dma_wait3A_354 = arith.constant 5 : i32
      %dma_wait3A_355 = arith.constant 0 : i32
      %dma_wait3A_356 = arith.constant 0 : i32
      %dma_wait3A_357 = tpu.memref_slice %arg8[%dma_wait3A_354, %dma_wait3A_355, %dma_wait3A_356] : memref<8x200x64xf32, #tpu.memory_space<vmem>> -> memref<1x200x64xf32, #tpu.memory_space<vmem>>
      %dma_wait3A_358 = tpu.memref_squeeze %dma_wait3A_357 : memref<1x200x64xf32, #tpu.memory_space<vmem>> -> memref<200x64xf32, #tpu.memory_space<vmem>>
      %dma_wait3A_359 = arith.constant 0 : i32
      %dma_wait3A_360 = tpu.memref_slice %arg7[%add3A_162, %dma_wait3A_359] : memref<32x208xi32, #tpu.memory_space<vmem>> -> memref<1x200xi32, #tpu.memory_space<vmem>>
      %dma_wait3A_361 = tpu.memref_squeeze %dma_wait3A_360 : memref<1x200xi32, #tpu.memory_space<vmem>> -> memref<200xi32, #tpu.memory_space<vmem>>
      %dma_wait3A_362 = arith.constant 0 : i32
      %dma_wait3A_363 = arith.constant 0 : i32
      %dma_wait3A_364 = tpu.memref_slice %arg3[%dma_wait3A_362, %dma_wait3A_363] : memref<1000000x64xf32, #tpu.memory_space<hbm>> -> memref<1000000x64xf32, #tpu.memory_space<hbm>>
      tpu.wait_indirect_dma semaphore(%arg15 : memref<!tpu.dma_semaphore, #tpu.memory_space<semaphore_mem>>) src(%dma_wait3A_364 : memref<1000000x64xf32, #tpu.memory_space<hbm>>) dst(%dma_wait3A_358 : memref<200x64xf32, #tpu.memory_space<vmem>>)
      %add3A_365 = arith.addi %mul3A_2, %mul3A_48 : i32
      %add3A_366 = arith.constant 5 : i32
      %add3A_367 = arith.addi %add3A_365, %add3A_366 : i32
      %dma_start3A_368 = arith.constant 5 : i32
      %dma_start3A_369 = arith.constant 0 : i32
      %dma_start3A_370 = arith.constant 0 : i32
      %dma_start3A_371 = tpu.memref_slice %arg8[%dma_start3A_368, %dma_start3A_369, %dma_start3A_370] : memref<8x200x64xf32, #tpu.memory_space<vmem>> -> memref<1x200x64xf32, #tpu.memory_space<vmem>>
      %dma_start3A_372 = tpu.memref_squeeze %dma_start3A_371 : memref<1x200x64xf32, #tpu.memory_space<vmem>> -> memref<200x64xf32, #tpu.memory_space<vmem>>
      %dma_start3A_373 = arith.constant 0 : i32
      %dma_start3A_374 = arith.constant 0 : i32
      %dma_start3A_375 = tpu.memref_slice %arg5[%add3A_367, %dma_start3A_373, %dma_start3A_374] : memref<1024x200x128xf32, #tpu.memory_space<hbm>> -> memref<1x200x64xf32, #tpu.memory_space<hbm>>
      %dma_start3A_376 = tpu.memref_squeeze %dma_start3A_375 : memref<1x200x64xf32, #tpu.memory_space<hbm>> -> memref<200x64xf32, #tpu.memory_space<hbm>>
      %dma_start3A_377 = arith.constant 0 : i32
      %dma_start3A_378 = arith.constant 0 : i32
      %dma_start3A_379 = tpu.memref_slice %arg5[%add3A_367, %dma_start3A_377, %dma_start3A_378] : memref<1024x200x128xf32, #tpu.memory_space<hbm>> -> memref<1x200x64xf32, #tpu.memory_space<hbm>>
      %dma_start3A_380 = tpu.memref_squeeze %dma_start3A_379 : memref<1x200x64xf32, #tpu.memory_space<hbm>> -> memref<200x64xf32, #tpu.memory_space<hbm>>
      %dma_start3A_381 = arith.constant 0 : i32
      %dma_start3A_382 = arith.constant 0 : i32
      %dma_start3A_383 = tpu.memref_slice %arg8[%dma_start3A_368, %dma_start3A_381, %dma_start3A_382] : memref<8x200x64xf32, #tpu.memory_space<vmem>> -> memref<1x200x64xf32, #tpu.memory_space<vmem>>
      %dma_start3A_384 = tpu.memref_squeeze %dma_start3A_383 : memref<1x200x64xf32, #tpu.memory_space<vmem>> -> memref<200x64xf32, #tpu.memory_space<vmem>>
      tpu.enqueue_dma source(%dma_start3A_384 : memref<200x64xf32, #tpu.memory_space<vmem>>) target(%dma_start3A_380 : memref<200x64xf32, #tpu.memory_space<hbm>>) target_semaphore(%arg23 : memref<!tpu.dma_semaphore, #tpu.memory_space<semaphore_mem>>)
      %dma_wait3A_385 = arith.constant 6 : i32
      %dma_wait3A_386 = arith.constant 0 : i32
      %dma_wait3A_387 = arith.constant 0 : i32
      %dma_wait3A_388 = tpu.memref_slice %arg8[%dma_wait3A_385, %dma_wait3A_386, %dma_wait3A_387] : memref<8x200x64xf32, #tpu.memory_space<vmem>> -> memref<1x200x64xf32, #tpu.memory_space<vmem>>
      %dma_wait3A_389 = tpu.memref_squeeze %dma_wait3A_388 : memref<1x200x64xf32, #tpu.memory_space<vmem>> -> memref<200x64xf32, #tpu.memory_space<vmem>>
      %dma_wait3A_390 = arith.constant 0 : i32
      %dma_wait3A_391 = tpu.memref_slice %arg7[%add3A_175, %dma_wait3A_390] : memref<32x208xi32, #tpu.memory_space<vmem>> -> memref<1x200xi32, #tpu.memory_space<vmem>>
      %dma_wait3A_392 = tpu.memref_squeeze %dma_wait3A_391 : memref<1x200xi32, #tpu.memory_space<vmem>> -> memref<200xi32, #tpu.memory_space<vmem>>
      %dma_wait3A_393 = arith.constant 0 : i32
      %dma_wait3A_394 = arith.constant 0 : i32
      %dma_wait3A_395 = tpu.memref_slice %arg3[%dma_wait3A_393, %dma_wait3A_394] : memref<1000000x64xf32, #tpu.memory_space<hbm>> -> memref<1000000x64xf32, #tpu.memory_space<hbm>>
      tpu.wait_indirect_dma semaphore(%arg16 : memref<!tpu.dma_semaphore, #tpu.memory_space<semaphore_mem>>) src(%dma_wait3A_395 : memref<1000000x64xf32, #tpu.memory_space<hbm>>) dst(%dma_wait3A_389 : memref<200x64xf32, #tpu.memory_space<vmem>>)
      %add3A_396 = arith.addi %mul3A_2, %mul3A_48 : i32
      %add3A_397 = arith.constant 6 : i32
      %add3A_398 = arith.addi %add3A_396, %add3A_397 : i32
      %dma_start3A_399 = arith.constant 6 : i32
      %dma_start3A_400 = arith.constant 0 : i32
      %dma_start3A_401 = arith.constant 0 : i32
      %dma_start3A_402 = tpu.memref_slice %arg8[%dma_start3A_399, %dma_start3A_400, %dma_start3A_401] : memref<8x200x64xf32, #tpu.memory_space<vmem>> -> memref<1x200x64xf32, #tpu.memory_space<vmem>>
      %dma_start3A_403 = tpu.memref_squeeze %dma_start3A_402 : memref<1x200x64xf32, #tpu.memory_space<vmem>> -> memref<200x64xf32, #tpu.memory_space<vmem>>
      %dma_start3A_404 = arith.constant 0 : i32
      %dma_start3A_405 = arith.constant 0 : i32
      %dma_start3A_406 = tpu.memref_slice %arg5[%add3A_398, %dma_start3A_404, %dma_start3A_405] : memref<1024x200x128xf32, #tpu.memory_space<hbm>> -> memref<1x200x64xf32, #tpu.memory_space<hbm>>
      %dma_start3A_407 = tpu.memref_squeeze %dma_start3A_406 : memref<1x200x64xf32, #tpu.memory_space<hbm>> -> memref<200x64xf32, #tpu.memory_space<hbm>>
      %dma_start3A_408 = arith.constant 0 : i32
      %dma_start3A_409 = arith.constant 0 : i32
      %dma_start3A_410 = tpu.memref_slice %arg5[%add3A_398, %dma_start3A_408, %dma_start3A_409] : memref<1024x200x128xf32, #tpu.memory_space<hbm>> -> memref<1x200x64xf32, #tpu.memory_space<hbm>>
      %dma_start3A_411 = tpu.memref_squeeze %dma_start3A_410 : memref<1x200x64xf32, #tpu.memory_space<hbm>> -> memref<200x64xf32, #tpu.memory_space<hbm>>
      %dma_start3A_412 = arith.constant 0 : i32
      %dma_start3A_413 = arith.constant 0 : i32
      %dma_start3A_414 = tpu.memref_slice %arg8[%dma_start3A_399, %dma_start3A_412, %dma_start3A_413] : memref<8x200x64xf32, #tpu.memory_space<vmem>> -> memref<1x200x64xf32, #tpu.memory_space<vmem>>
      %dma_start3A_415 = tpu.memref_squeeze %dma_start3A_414 : memref<1x200x64xf32, #tpu.memory_space<vmem>> -> memref<200x64xf32, #tpu.memory_space<vmem>>
      tpu.enqueue_dma source(%dma_start3A_415 : memref<200x64xf32, #tpu.memory_space<vmem>>) target(%dma_start3A_411 : memref<200x64xf32, #tpu.memory_space<hbm>>) target_semaphore(%arg24 : memref<!tpu.dma_semaphore, #tpu.memory_space<semaphore_mem>>)
      %dma_wait3A_416 = arith.constant 7 : i32
      %dma_wait3A_417 = arith.constant 0 : i32
      %dma_wait3A_418 = arith.constant 0 : i32
      %dma_wait3A_419 = tpu.memref_slice %arg8[%dma_wait3A_416, %dma_wait3A_417, %dma_wait3A_418] : memref<8x200x64xf32, #tpu.memory_space<vmem>> -> memref<1x200x64xf32, #tpu.memory_space<vmem>>
      %dma_wait3A_420 = tpu.memref_squeeze %dma_wait3A_419 : memref<1x200x64xf32, #tpu.memory_space<vmem>> -> memref<200x64xf32, #tpu.memory_space<vmem>>
      %dma_wait3A_421 = arith.constant 0 : i32
      %dma_wait3A_422 = tpu.memref_slice %arg7[%add3A_188, %dma_wait3A_421] : memref<32x208xi32, #tpu.memory_space<vmem>> -> memref<1x200xi32, #tpu.memory_space<vmem>>
      %dma_wait3A_423 = tpu.memref_squeeze %dma_wait3A_422 : memref<1x200xi32, #tpu.memory_space<vmem>> -> memref<200xi32, #tpu.memory_space<vmem>>
      %dma_wait3A_424 = arith.constant 0 : i32
      %dma_wait3A_425 = arith.constant 0 : i32
      %dma_wait3A_426 = tpu.memref_slice %arg3[%dma_wait3A_424, %dma_wait3A_425] : memref<1000000x64xf32, #tpu.memory_space<hbm>> -> memref<1000000x64xf32, #tpu.memory_space<hbm>>
      tpu.wait_indirect_dma semaphore(%arg17 : memref<!tpu.dma_semaphore, #tpu.memory_space<semaphore_mem>>) src(%dma_wait3A_426 : memref<1000000x64xf32, #tpu.memory_space<hbm>>) dst(%dma_wait3A_420 : memref<200x64xf32, #tpu.memory_space<vmem>>)
      %add3A_427 = arith.addi %mul3A_2, %mul3A_48 : i32
      %add3A_428 = arith.constant 7 : i32
      %add3A_429 = arith.addi %add3A_427, %add3A_428 : i32
      %dma_start3A_430 = arith.constant 7 : i32
      %dma_start3A_431 = arith.constant 0 : i32
      %dma_start3A_432 = arith.constant 0 : i32
      %dma_start3A_433 = tpu.memref_slice %arg8[%dma_start3A_430, %dma_start3A_431, %dma_start3A_432] : memref<8x200x64xf32, #tpu.memory_space<vmem>> -> memref<1x200x64xf32, #tpu.memory_space<vmem>>
      %dma_start3A_434 = tpu.memref_squeeze %dma_start3A_433 : memref<1x200x64xf32, #tpu.memory_space<vmem>> -> memref<200x64xf32, #tpu.memory_space<vmem>>
      %dma_start3A_435 = arith.constant 0 : i32
      %dma_start3A_436 = arith.constant 0 : i32
      %dma_start3A_437 = tpu.memref_slice %arg5[%add3A_429, %dma_start3A_435, %dma_start3A_436] : memref<1024x200x128xf32, #tpu.memory_space<hbm>> -> memref<1x200x64xf32, #tpu.memory_space<hbm>>
      %dma_start3A_438 = tpu.memref_squeeze %dma_start3A_437 : memref<1x200x64xf32, #tpu.memory_space<hbm>> -> memref<200x64xf32, #tpu.memory_space<hbm>>
      %dma_start3A_439 = arith.constant 0 : i32
      %dma_start3A_440 = arith.constant 0 : i32
      %dma_start3A_441 = tpu.memref_slice %arg5[%add3A_429, %dma_start3A_439, %dma_start3A_440] : memref<1024x200x128xf32, #tpu.memory_space<hbm>> -> memref<1x200x64xf32, #tpu.memory_space<hbm>>
      %dma_start3A_442 = tpu.memref_squeeze %dma_start3A_441 : memref<1x200x64xf32, #tpu.memory_space<hbm>> -> memref<200x64xf32, #tpu.memory_space<hbm>>
      %dma_start3A_443 = arith.constant 0 : i32
      %dma_start3A_444 = arith.constant 0 : i32
      %dma_start3A_445 = tpu.memref_slice %arg8[%dma_start3A_430, %dma_start3A_443, %dma_start3A_444] : memref<8x200x64xf32, #tpu.memory_space<vmem>> -> memref<1x200x64xf32, #tpu.memory_space<vmem>>
      %dma_start3A_446 = tpu.memref_squeeze %dma_start3A_445 : memref<1x200x64xf32, #tpu.memory_space<vmem>> -> memref<200x64xf32, #tpu.memory_space<vmem>>
      tpu.enqueue_dma source(%dma_start3A_446 : memref<200x64xf32, #tpu.memory_space<vmem>>) target(%dma_start3A_442 : memref<200x64xf32, #tpu.memory_space<hbm>>) target_semaphore(%arg25 : memref<!tpu.dma_semaphore, #tpu.memory_space<semaphore_mem>>)
      %dma_wait3A_447 = arith.constant 0 : i32
      %dma_wait3A_448 = arith.constant 0 : i32
      %dma_wait3A_449 = arith.constant 0 : i32
      %dma_wait3A_450 = tpu.memref_slice %arg8[%dma_wait3A_447, %dma_wait3A_448, %dma_wait3A_449] : memref<8x200x64xf32, #tpu.memory_space<vmem>> -> memref<1x200x64xf32, #tpu.memory_space<vmem>>
      %dma_wait3A_451 = tpu.memref_squeeze %dma_wait3A_450 : memref<1x200x64xf32, #tpu.memory_space<vmem>> -> memref<200x64xf32, #tpu.memory_space<vmem>>
      %dma_wait3A_452 = arith.constant 0 : i32
      %dma_wait3A_453 = arith.constant 0 : i32
      %dma_wait3A_454 = tpu.memref_slice %arg5[%add3A_212, %dma_wait3A_452, %dma_wait3A_453] : memref<1024x200x128xf32, #tpu.memory_space<hbm>> -> memref<1x200x64xf32, #tpu.memory_space<hbm>>
      %dma_wait3A_455 = tpu.memref_squeeze %dma_wait3A_454 : memref<1x200x64xf32, #tpu.memory_space<hbm>> -> memref<200x64xf32, #tpu.memory_space<hbm>>
      %dma_wait3A_456 = arith.constant 0 : i32
      %dma_wait3A_457 = arith.constant 0 : i32
      %dma_wait3A_458 = tpu.memref_slice %arg5[%add3A_212, %dma_wait3A_456, %dma_wait3A_457] : memref<1024x200x128xf32, #tpu.memory_space<hbm>> -> memref<1x200x64xf32, #tpu.memory_space<hbm>>
      %dma_wait3A_459 = tpu.memref_squeeze %dma_wait3A_458 : memref<1x200x64xf32, #tpu.memory_space<hbm>> -> memref<200x64xf32, #tpu.memory_space<hbm>>
      %dma_wait3A_460 = arith.constant 0 : i32
      %dma_wait3A_461 = arith.constant 0 : i32
      %dma_wait3A_462 = tpu.memref_slice %arg8[%dma_wait3A_447, %dma_wait3A_460, %dma_wait3A_461] : memref<8x200x64xf32, #tpu.memory_space<vmem>> -> memref<1x200x64xf32, #tpu.memory_space<vmem>>
      %dma_wait3A_463 = tpu.memref_squeeze %dma_wait3A_462 : memref<1x200x64xf32, #tpu.memory_space<vmem>> -> memref<200x64xf32, #tpu.memory_space<vmem>>
      tpu.wait_dma2 semaphore(%arg18 : memref<!tpu.dma_semaphore, #tpu.memory_space<semaphore_mem>>) src(%dma_wait3A_463 : memref<200x64xf32, #tpu.memory_space<vmem>>) dst(%dma_wait3A_459 : memref<200x64xf32, #tpu.memory_space<hbm>>)
      %dma_wait3A_464 = arith.constant 1 : i32
      %dma_wait3A_465 = arith.constant 0 : i32
      %dma_wait3A_466 = arith.constant 0 : i32
      %dma_wait3A_467 = tpu.memref_slice %arg8[%dma_wait3A_464, %dma_wait3A_465, %dma_wait3A_466] : memref<8x200x64xf32, #tpu.memory_space<vmem>> -> memref<1x200x64xf32, #tpu.memory_space<vmem>>
      %dma_wait3A_468 = tpu.memref_squeeze %dma_wait3A_467 : memref<1x200x64xf32, #tpu.memory_space<vmem>> -> memref<200x64xf32, #tpu.memory_space<vmem>>
      %dma_wait3A_469 = arith.constant 0 : i32
      %dma_wait3A_470 = arith.constant 0 : i32
      %dma_wait3A_471 = tpu.memref_slice %arg5[%add3A_243, %dma_wait3A_469, %dma_wait3A_470] : memref<1024x200x128xf32, #tpu.memory_space<hbm>> -> memref<1x200x64xf32, #tpu.memory_space<hbm>>
      %dma_wait3A_472 = tpu.memref_squeeze %dma_wait3A_471 : memref<1x200x64xf32, #tpu.memory_space<hbm>> -> memref<200x64xf32, #tpu.memory_space<hbm>>
      %dma_wait3A_473 = arith.constant 0 : i32
      %dma_wait3A_474 = arith.constant 0 : i32
      %dma_wait3A_475 = tpu.memref_slice %arg5[%add3A_243, %dma_wait3A_473, %dma_wait3A_474] : memref<1024x200x128xf32, #tpu.memory_space<hbm>> -> memref<1x200x64xf32, #tpu.memory_space<hbm>>
      %dma_wait3A_476 = tpu.memref_squeeze %dma_wait3A_475 : memref<1x200x64xf32, #tpu.memory_space<hbm>> -> memref<200x64xf32, #tpu.memory_space<hbm>>
      %dma_wait3A_477 = arith.constant 0 : i32
      %dma_wait3A_478 = arith.constant 0 : i32
      %dma_wait3A_479 = tpu.memref_slice %arg8[%dma_wait3A_464, %dma_wait3A_477, %dma_wait3A_478] : memref<8x200x64xf32, #tpu.memory_space<vmem>> -> memref<1x200x64xf32, #tpu.memory_space<vmem>>
      %dma_wait3A_480 = tpu.memref_squeeze %dma_wait3A_479 : memref<1x200x64xf32, #tpu.memory_space<vmem>> -> memref<200x64xf32, #tpu.memory_space<vmem>>
      tpu.wait_dma2 semaphore(%arg19 : memref<!tpu.dma_semaphore, #tpu.memory_space<semaphore_mem>>) src(%dma_wait3A_480 : memref<200x64xf32, #tpu.memory_space<vmem>>) dst(%dma_wait3A_476 : memref<200x64xf32, #tpu.memory_space<hbm>>)
      %dma_wait3A_481 = arith.constant 2 : i32
      %dma_wait3A_482 = arith.constant 0 : i32
      %dma_wait3A_483 = arith.constant 0 : i32
      %dma_wait3A_484 = tpu.memref_slice %arg8[%dma_wait3A_481, %dma_wait3A_482, %dma_wait3A_483] : memref<8x200x64xf32, #tpu.memory_space<vmem>> -> memref<1x200x64xf32, #tpu.memory_space<vmem>>
      %dma_wait3A_485 = tpu.memref_squeeze %dma_wait3A_484 : memref<1x200x64xf32, #tpu.memory_space<vmem>> -> memref<200x64xf32, #tpu.memory_space<vmem>>
      %dma_wait3A_486 = arith.constant 0 : i32
      %dma_wait3A_487 = arith.constant 0 : i32
      %dma_wait3A_488 = tpu.memref_slice %arg5[%add3A_274, %dma_wait3A_486, %dma_wait3A_487] : memref<1024x200x128xf32, #tpu.memory_space<hbm>> -> memref<1x200x64xf32, #tpu.memory_space<hbm>>
      %dma_wait3A_489 = tpu.memref_squeeze %dma_wait3A_488 : memref<1x200x64xf32, #tpu.memory_space<hbm>> -> memref<200x64xf32, #tpu.memory_space<hbm>>
      %dma_wait3A_490 = arith.constant 0 : i32
      %dma_wait3A_491 = arith.constant 0 : i32
      %dma_wait3A_492 = tpu.memref_slice %arg5[%add3A_274, %dma_wait3A_490, %dma_wait3A_491] : memref<1024x200x128xf32, #tpu.memory_space<hbm>> -> memref<1x200x64xf32, #tpu.memory_space<hbm>>
      %dma_wait3A_493 = tpu.memref_squeeze %dma_wait3A_492 : memref<1x200x64xf32, #tpu.memory_space<hbm>> -> memref<200x64xf32, #tpu.memory_space<hbm>>
      %dma_wait3A_494 = arith.constant 0 : i32
      %dma_wait3A_495 = arith.constant 0 : i32
      %dma_wait3A_496 = tpu.memref_slice %arg8[%dma_wait3A_481, %dma_wait3A_494, %dma_wait3A_495] : memref<8x200x64xf32, #tpu.memory_space<vmem>> -> memref<1x200x64xf32, #tpu.memory_space<vmem>>
      %dma_wait3A_497 = tpu.memref_squeeze %dma_wait3A_496 : memref<1x200x64xf32, #tpu.memory_space<vmem>> -> memref<200x64xf32, #tpu.memory_space<vmem>>
      tpu.wait_dma2 semaphore(%arg20 : memref<!tpu.dma_semaphore, #tpu.memory_space<semaphore_mem>>) src(%dma_wait3A_497 : memref<200x64xf32, #tpu.memory_space<vmem>>) dst(%dma_wait3A_493 : memref<200x64xf32, #tpu.memory_space<hbm>>)
      %dma_wait3A_498 = arith.constant 3 : i32
      %dma_wait3A_499 = arith.constant 0 : i32
      %dma_wait3A_500 = arith.constant 0 : i32
      %dma_wait3A_501 = tpu.memref_slice %arg8[%dma_wait3A_498, %dma_wait3A_499, %dma_wait3A_500] : memref<8x200x64xf32, #tpu.memory_space<vmem>> -> memref<1x200x64xf32, #tpu.memory_space<vmem>>
      %dma_wait3A_502 = tpu.memref_squeeze %dma_wait3A_501 : memref<1x200x64xf32, #tpu.memory_space<vmem>> -> memref<200x64xf32, #tpu.memory_space<vmem>>
      %dma_wait3A_503 = arith.constant 0 : i32
      %dma_wait3A_504 = arith.constant 0 : i32
      %dma_wait3A_505 = tpu.memref_slice %arg5[%add3A_305, %dma_wait3A_503, %dma_wait3A_504] : memref<1024x200x128xf32, #tpu.memory_space<hbm>> -> memref<1x200x64xf32, #tpu.memory_space<hbm>>
      %dma_wait3A_506 = tpu.memref_squeeze %dma_wait3A_505 : memref<1x200x64xf32, #tpu.memory_space<hbm>> -> memref<200x64xf32, #tpu.memory_space<hbm>>
      %dma_wait3A_507 = arith.constant 0 : i32
      %dma_wait3A_508 = arith.constant 0 : i32
      %dma_wait3A_509 = tpu.memref_slice %arg5[%add3A_305, %dma_wait3A_507, %dma_wait3A_508] : memref<1024x200x128xf32, #tpu.memory_space<hbm>> -> memref<1x200x64xf32, #tpu.memory_space<hbm>>
      %dma_wait3A_510 = tpu.memref_squeeze %dma_wait3A_509 : memref<1x200x64xf32, #tpu.memory_space<hbm>> -> memref<200x64xf32, #tpu.memory_space<hbm>>
      %dma_wait3A_511 = arith.constant 0 : i32
      %dma_wait3A_512 = arith.constant 0 : i32
      %dma_wait3A_513 = tpu.memref_slice %arg8[%dma_wait3A_498, %dma_wait3A_511, %dma_wait3A_512] : memref<8x200x64xf32, #tpu.memory_space<vmem>> -> memref<1x200x64xf32, #tpu.memory_space<vmem>>
      %dma_wait3A_514 = tpu.memref_squeeze %dma_wait3A_513 : memref<1x200x64xf32, #tpu.memory_space<vmem>> -> memref<200x64xf32, #tpu.memory_space<vmem>>
      tpu.wait_dma2 semaphore(%arg21 : memref<!tpu.dma_semaphore, #tpu.memory_space<semaphore_mem>>) src(%dma_wait3A_514 : memref<200x64xf32, #tpu.memory_space<vmem>>) dst(%dma_wait3A_510 : memref<200x64xf32, #tpu.memory_space<hbm>>)
      %dma_wait3A_515 = arith.constant 4 : i32
      %dma_wait3A_516 = arith.constant 0 : i32
      %dma_wait3A_517 = arith.constant 0 : i32
      %dma_wait3A_518 = tpu.memref_slice %arg8[%dma_wait3A_515, %dma_wait3A_516, %dma_wait3A_517] : memref<8x200x64xf32, #tpu.memory_space<vmem>> -> memref<1x200x64xf32, #tpu.memory_space<vmem>>
      %dma_wait3A_519 = tpu.memref_squeeze %dma_wait3A_518 : memref<1x200x64xf32, #tpu.memory_space<vmem>> -> memref<200x64xf32, #tpu.memory_space<vmem>>
      %dma_wait3A_520 = arith.constant 0 : i32
      %dma_wait3A_521 = arith.constant 0 : i32
      %dma_wait3A_522 = tpu.memref_slice %arg5[%add3A_336, %dma_wait3A_520, %dma_wait3A_521] : memref<1024x200x128xf32, #tpu.memory_space<hbm>> -> memref<1x200x64xf32, #tpu.memory_space<hbm>>
      %dma_wait3A_523 = tpu.memref_squeeze %dma_wait3A_522 : memref<1x200x64xf32, #tpu.memory_space<hbm>> -> memref<200x64xf32, #tpu.memory_space<hbm>>
      %dma_wait3A_524 = arith.constant 0 : i32
      %dma_wait3A_525 = arith.constant 0 : i32
      %dma_wait3A_526 = tpu.memref_slice %arg5[%add3A_336, %dma_wait3A_524, %dma_wait3A_525] : memref<1024x200x128xf32, #tpu.memory_space<hbm>> -> memref<1x200x64xf32, #tpu.memory_space<hbm>>
      %dma_wait3A_527 = tpu.memref_squeeze %dma_wait3A_526 : memref<1x200x64xf32, #tpu.memory_space<hbm>> -> memref<200x64xf32, #tpu.memory_space<hbm>>
      %dma_wait3A_528 = arith.constant 0 : i32
      %dma_wait3A_529 = arith.constant 0 : i32
      %dma_wait3A_530 = tpu.memref_slice %arg8[%dma_wait3A_515, %dma_wait3A_528, %dma_wait3A_529] : memref<8x200x64xf32, #tpu.memory_space<vmem>> -> memref<1x200x64xf32, #tpu.memory_space<vmem>>
      %dma_wait3A_531 = tpu.memref_squeeze %dma_wait3A_530 : memref<1x200x64xf32, #tpu.memory_space<vmem>> -> memref<200x64xf32, #tpu.memory_space<vmem>>
      tpu.wait_dma2 semaphore(%arg22 : memref<!tpu.dma_semaphore, #tpu.memory_space<semaphore_mem>>) src(%dma_wait3A_531 : memref<200x64xf32, #tpu.memory_space<vmem>>) dst(%dma_wait3A_527 : memref<200x64xf32, #tpu.memory_space<hbm>>)
      %dma_wait3A_532 = arith.constant 5 : i32
      %dma_wait3A_533 = arith.constant 0 : i32
      %dma_wait3A_534 = arith.constant 0 : i32
      %dma_wait3A_535 = tpu.memref_slice %arg8[%dma_wait3A_532, %dma_wait3A_533, %dma_wait3A_534] : memref<8x200x64xf32, #tpu.memory_space<vmem>> -> memref<1x200x64xf32, #tpu.memory_space<vmem>>
      %dma_wait3A_536 = tpu.memref_squeeze %dma_wait3A_535 : memref<1x200x64xf32, #tpu.memory_space<vmem>> -> memref<200x64xf32, #tpu.memory_space<vmem>>
      %dma_wait3A_537 = arith.constant 0 : i32
      %dma_wait3A_538 = arith.constant 0 : i32
      %dma_wait3A_539 = tpu.memref_slice %arg5[%add3A_367, %dma_wait3A_537, %dma_wait3A_538] : memref<1024x200x128xf32, #tpu.memory_space<hbm>> -> memref<1x200x64xf32, #tpu.memory_space<hbm>>
      %dma_wait3A_540 = tpu.memref_squeeze %dma_wait3A_539 : memref<1x200x64xf32, #tpu.memory_space<hbm>> -> memref<200x64xf32, #tpu.memory_space<hbm>>
      %dma_wait3A_541 = arith.constant 0 : i32
      %dma_wait3A_542 = arith.constant 0 : i32
      %dma_wait3A_543 = tpu.memref_slice %arg5[%add3A_367, %dma_wait3A_541, %dma_wait3A_542] : memref<1024x200x128xf32, #tpu.memory_space<hbm>> -> memref<1x200x64xf32, #tpu.memory_space<hbm>>
      %dma_wait3A_544 = tpu.memref_squeeze %dma_wait3A_543 : memref<1x200x64xf32, #tpu.memory_space<hbm>> -> memref<200x64xf32, #tpu.memory_space<hbm>>
      %dma_wait3A_545 = arith.constant 0 : i32
      %dma_wait3A_546 = arith.constant 0 : i32
      %dma_wait3A_547 = tpu.memref_slice %arg8[%dma_wait3A_532, %dma_wait3A_545, %dma_wait3A_546] : memref<8x200x64xf32, #tpu.memory_space<vmem>> -> memref<1x200x64xf32, #tpu.memory_space<vmem>>
      %dma_wait3A_548 = tpu.memref_squeeze %dma_wait3A_547 : memref<1x200x64xf32, #tpu.memory_space<vmem>> -> memref<200x64xf32, #tpu.memory_space<vmem>>
      tpu.wait_dma2 semaphore(%arg23 : memref<!tpu.dma_semaphore, #tpu.memory_space<semaphore_mem>>) src(%dma_wait3A_548 : memref<200x64xf32, #tpu.memory_space<vmem>>) dst(%dma_wait3A_544 : memref<200x64xf32, #tpu.memory_space<hbm>>)
      %dma_wait3A_549 = arith.constant 6 : i32
      %dma_wait3A_550 = arith.constant 0 : i32
      %dma_wait3A_551 = arith.constant 0 : i32
      %dma_wait3A_552 = tpu.memref_slice %arg8[%dma_wait3A_549, %dma_wait3A_550, %dma_wait3A_551] : memref<8x200x64xf32, #tpu.memory_space<vmem>> -> memref<1x200x64xf32, #tpu.memory_space<vmem>>
      %dma_wait3A_553 = tpu.memref_squeeze %dma_wait3A_552 : memref<1x200x64xf32, #tpu.memory_space<vmem>> -> memref<200x64xf32, #tpu.memory_space<vmem>>
      %dma_wait3A_554 = arith.constant 0 : i32
      %dma_wait3A_555 = arith.constant 0 : i32
      %dma_wait3A_556 = tpu.memref_slice %arg5[%add3A_398, %dma_wait3A_554, %dma_wait3A_555] : memref<1024x200x128xf32, #tpu.memory_space<hbm>> -> memref<1x200x64xf32, #tpu.memory_space<hbm>>
      %dma_wait3A_557 = tpu.memref_squeeze %dma_wait3A_556 : memref<1x200x64xf32, #tpu.memory_space<hbm>> -> memref<200x64xf32, #tpu.memory_space<hbm>>
      %dma_wait3A_558 = arith.constant 0 : i32
      %dma_wait3A_559 = arith.constant 0 : i32
      %dma_wait3A_560 = tpu.memref_slice %arg5[%add3A_398, %dma_wait3A_558, %dma_wait3A_559] : memref<1024x200x128xf32, #tpu.memory_space<hbm>> -> memref<1x200x64xf32, #tpu.memory_space<hbm>>
      %dma_wait3A_561 = tpu.memref_squeeze %dma_wait3A_560 : memref<1x200x64xf32, #tpu.memory_space<hbm>> -> memref<200x64xf32, #tpu.memory_space<hbm>>
      %dma_wait3A_562 = arith.constant 0 : i32
      %dma_wait3A_563 = arith.constant 0 : i32
      %dma_wait3A_564 = tpu.memref_slice %arg8[%dma_wait3A_549, %dma_wait3A_562, %dma_wait3A_563] : memref<8x200x64xf32, #tpu.memory_space<vmem>> -> memref<1x200x64xf32, #tpu.memory_space<vmem>>
      %dma_wait3A_565 = tpu.memref_squeeze %dma_wait3A_564 : memref<1x200x64xf32, #tpu.memory_space<vmem>> -> memref<200x64xf32, #tpu.memory_space<vmem>>
      tpu.wait_dma2 semaphore(%arg24 : memref<!tpu.dma_semaphore, #tpu.memory_space<semaphore_mem>>) src(%dma_wait3A_565 : memref<200x64xf32, #tpu.memory_space<vmem>>) dst(%dma_wait3A_561 : memref<200x64xf32, #tpu.memory_space<hbm>>)
      %dma_wait3A_566 = arith.constant 7 : i32
      %dma_wait3A_567 = arith.constant 0 : i32
      %dma_wait3A_568 = arith.constant 0 : i32
      %dma_wait3A_569 = tpu.memref_slice %arg8[%dma_wait3A_566, %dma_wait3A_567, %dma_wait3A_568] : memref<8x200x64xf32, #tpu.memory_space<vmem>> -> memref<1x200x64xf32, #tpu.memory_space<vmem>>
      %dma_wait3A_570 = tpu.memref_squeeze %dma_wait3A_569 : memref<1x200x64xf32, #tpu.memory_space<vmem>> -> memref<200x64xf32, #tpu.memory_space<vmem>>
      %dma_wait3A_571 = arith.constant 0 : i32
      %dma_wait3A_572 = arith.constant 0 : i32
      %dma_wait3A_573 = tpu.memref_slice %arg5[%add3A_429, %dma_wait3A_571, %dma_wait3A_572] : memref<1024x200x128xf32, #tpu.memory_space<hbm>> -> memref<1x200x64xf32, #tpu.memory_space<hbm>>
      %dma_wait3A_574 = tpu.memref_squeeze %dma_wait3A_573 : memref<1x200x64xf32, #tpu.memory_space<hbm>> -> memref<200x64xf32, #tpu.memory_space<hbm>>
      %dma_wait3A_575 = arith.constant 0 : i32
      %dma_wait3A_576 = arith.constant 0 : i32
      %dma_wait3A_577 = tpu.memref_slice %arg5[%add3A_429, %dma_wait3A_575, %dma_wait3A_576] : memref<1024x200x128xf32, #tpu.memory_space<hbm>> -> memref<1x200x64xf32, #tpu.memory_space<hbm>>
      %dma_wait3A_578 = tpu.memref_squeeze %dma_wait3A_577 : memref<1x200x64xf32, #tpu.memory_space<hbm>> -> memref<200x64xf32, #tpu.memory_space<hbm>>
      %dma_wait3A_579 = arith.constant 0 : i32
      %dma_wait3A_580 = arith.constant 0 : i32
      %dma_wait3A_581 = tpu.memref_slice %arg8[%dma_wait3A_566, %dma_wait3A_579, %dma_wait3A_580] : memref<8x200x64xf32, #tpu.memory_space<vmem>> -> memref<1x200x64xf32, #tpu.memory_space<vmem>>
      %dma_wait3A_582 = tpu.memref_squeeze %dma_wait3A_581 : memref<1x200x64xf32, #tpu.memory_space<vmem>> -> memref<200x64xf32, #tpu.memory_space<vmem>>
      tpu.wait_dma2 semaphore(%arg25 : memref<!tpu.dma_semaphore, #tpu.memory_space<semaphore_mem>>) src(%dma_wait3A_582 : memref<200x64xf32, #tpu.memory_space<vmem>>) dst(%dma_wait3A_578 : memref<200x64xf32, #tpu.memory_space<hbm>>)
    }
    %scan3A_41 = arith.constant 4 : i32
    return
  }
}

</mosaic_0001>

<sc_bundles>
// kernel: _emb_lookup.3.cloned.1.call-start
scs
__scs_entry_jumppad:
0x0: {  	(pc) =	sbr.rel $0x88, $3  }
0x1: {  	(tag) =	ssettag $0x0;
	lr =	simm.s32 $0x1  }
0x2: {  	[smem:$0x3F9E] =	sst lr;
	_ =	strace $0xD0000000  }
0x3: {  	_ = 	snop  }
0x4: {  	_ = 	snop  }
0x5: {  	_ = 	snop  }
0x6: {  	_ = 	snop  }
0x7: {  	_ = 	snop  }
__scs_overlays_trampoline_lowered:
0x8: {  	[smem:$0x3FAD] =	sst s0  }
0x9: {  	[smem:$0x3FAE] =	sst s1  }
0xa: {  	[smem:$0x3FAF] =	sst s2  }
0xb: {  	[smem:$0x3FB0] =	sst s3  }
0xc: {  	[smem:$0x3FB1] =	sst s4  }
0xd: {  	[smem:$0x3FB2] =	sst s5  }
0xe: {  	[smem:$0x3FB3] =	sst s6  }
0xf: {  	[smem:$0x3FB4] =	sst s7  }
0x10: {  	[smem:$0x3FB5] =	sst s8  }
0x11: {  	[smem:$0x3FB6] =	sst s9;
	s0 =	simm.s32 @!p0 $0x0  }
0x12: {  	s1 =	sld [smem:$0x3F9C];
	s0 =	simm.s32 @p0 $0x1  }
0x13: {  	[smem:$0x3FB7] =	sst s0;
	s0 =	simm.s32 @!p1 $0x0  }
0x14: {  	s2 =	sld [smem:$0x3F9B];
	s0 =	simm.s32 @p1 $0x1  }
0x15: {  	[smem:$0x3FB8] =	sst s0;
	s0 =	simm.s32 @!p2 $0x0  }
0x16: {  	s3 =	sld [smem:$0x3FDB];
	s0 =	simm.s32 @p2 $0x1  }
0x17: {  	s4 =	simm.s32 $0x1BF5;
	[smem:$0x3FBA] =	sst s0  }
0x18: {  	s0 =	sld [smem:$0x3F9D];
	_ =	swait.ge [sflag:s4], $0x0  }
0x19: {  	s7 =	sld [smem:$0x3F9E]  }
0x1a: {  	s8 =	sadd.s32 $0xFFFFE003, lr  }
0x1b: {  	s9 =	sadd.s32 $0xFFFFFEF7, lr;
	s5 =	simm.s32 $0xFFFFFFFF;
	p2 =	slt.u32 s8, $0xFFFFF086  }
0x1c: {  	p1 =	slt.u32 s9, $0xF7A;
	s5 =	simm.s32 @!p2 $0x0  }
0x1d: {  	s5 =	simm.s32 @p1 $0x1;
	p0 =	seq.s32 s7, s2  }
0x1e: {  	s7 =	smul.u32 @!p0 $0xF7A, s2;
	p2 =	seq.s32 @!p0 s5, $0x0  }
0x1f: {  	s9 =	smul.u32 $0xF7A, s1;
	s8 =	simm.s32 @!p0 $0x1BF5;
	p2 =	por !p2, p0  }
0x20: {  	[sflag:s8] =	ssyncset.s32 @!p0 $0xFFFFF086;
	s6 =	sadd.s32 @!p0 s3, s7;
	s7 =	simm.s32 @!p0 $0x108  }
0x21: {  	s3 =	sadd.s32 s3, s9;
	s6 =	sadd.s32 @!p0 $0x88, s6;
	s7 =	simm.s32 @p2 $0x1082  }
0x22: {  	[simem:s7], [sflag:s8] =	dma.local @!p0 [hbm:s6], $0xF7A  }
0x23: {  	s9 =	sor.u32 $0xD0000000, s2;
	s6 =	simm.s32 $0x108;
	_ =	swait.ge @!p0 [sflag:s8], $0x0  }
0x24: {  	s3 =	sadd.s32 $0x88, s3;
	s6 =	simm.s32 @!p1 $0x1082;
	[sflag:s4] =	ssyncset.s32 $0xFFFFF086  }
0x25: {  	[simem:s6], [sflag:s4] =	dma.local [hbm:s3], $0xF7A  }
0x26: {  	[smem:$0x3F9E] =	sst s1;
	(tag) =	ssettag s2;
	_ =	strace s9  }
0x27: {  	s1 =	sld [smem:$0x3FAE]  }
0x28: {  	s2 =	sld [smem:$0x3FAF]  }
0x29: {  	s4 =	sld [smem:$0x3FB1]  }
0x2a: {  	p0 =	seq.s32 s5, $0x0;
	s5 =	sld [smem:$0x3FB2]  }
0x2b: {  	s6 =	sld [smem:$0x3FB3]  }
0x2c: {  	s7 =	sld [smem:$0x3FB4]  }
0x2d: {  	s3 =	simm.s32 $0x108;
	s8 =	sld [smem:$0x3FB5]  }
0x2e: {  	s3 =	simm.s32 @!p0 $0x1082;
	s9 =	sld [smem:$0x3FB6]  }
0x2f: {  	lr =	sadd.s32 s0, s3;
	s0 =	sld [smem:$0x3FAD]  }
0x30: {  	s3 =	sld [smem:$0x3FB0]  }
0x31: {  	[smem:$0x3FB9] =	sst s10  }
0x32: {  	s10 =	sld [smem:$0x3FB7];
	_ =	sdelay $0x3  }
0x33: {  	p0 =	seq.s32 s10, $0x1;
	s10 =	sld [smem:$0x3FB9];
	_ =	sdelay $0x3  }
0x34: {  	[smem:$0x3FB9] =	sst s10  }
0x35: {  	s10 =	sld [smem:$0x3FB8];
	_ =	sdelay $0x3  }
0x36: {  	p1 =	seq.s32 s10, $0x1;
	s10 =	sld [smem:$0x3FB9];
	_ =	sdelay $0x3  }
0x37: {  	[smem:$0x3FB9] =	sst s10  }
0x38: {  	s10 =	sld [smem:$0x3FBA]  }
0x39: {  	_ = 	snop;
	(pc) =	sbr.ind lr, $3  }
0x3a: {  	_ = 	snop  }
0x3b: {  	_ = 	snop  }
0x3c: {  	p2 =	seq.s32 s10, $0x1;
	s10 =	sld [smem:$0x3FB9]  }
0x3d: {  	_ =	shalt  }
0x3e: {  	_ =	shalt  }
0x3f: {  	_ =	shalt  }
0x40: {  	_ =	shalt  }
0x41: {  	_ =	shalt  }
0x42: {  	_ =	shalt  }
0x43: {  	_ =	shalt  }
0x44: {  	_ =	shalt  }
0x45: {  	_ =	shalt  }
0x46: {  	_ =	shalt  }
0x47: {  	_ =	shalt  }
0x48: {  	_ =	shalt  }
0x49: {  	_ =	shalt  }
0x4a: {  	_ =	shalt  }
0x4b: {  	_ =	shalt  }
0x4c: {  	_ =	shalt  }
0x4d: {  	_ =	shalt  }
0x4e: {  	_ =	shalt  }
0x4f: {  	_ =	shalt  }
0x50: {  	_ =	shalt  }
0x51: {  	_ =	shalt  }
0x52: {  	_ =	shalt  }
0x53: {  	_ =	shalt  }
0x54: {  	_ =	shalt  }
0x55: {  	_ =	shalt  }
0x56: {  	_ =	shalt  }
0x57: {  	_ =	shalt  }
0x58: {  	_ =	shalt  }
0x59: {  	_ =	shalt  }
0x5a: {  	_ =	shalt  }
0x5b: {  	_ =	shalt  }
0x5c: {  	_ =	shalt  }
0x5d: {  	_ =	shalt  }
0x5e: {  	_ =	shalt  }
0x5f: {  	_ =	shalt  }
0x60: {  	_ =	shalt  }
0x61: {  	_ =	shalt  }
0x62: {  	_ =	shalt  }
0x63: {  	_ =	shalt  }
0x64: {  	_ =	shalt  }
0x65: {  	_ =	shalt  }
0x66: {  	_ =	shalt  }
0x67: {  	_ =	shalt  }
0x68: {  	_ =	shalt  }
0x69: {  	_ =	shalt  }
0x6a: {  	_ =	shalt  }
0x6b: {  	_ =	shalt  }
0x6c: {  	_ =	shalt  }
0x6d: {  	_ =	shalt  }
0x6e: {  	_ =	shalt  }
0x6f: {  	_ =	shalt  }
0x70: {  	_ =	shalt  }
0x71: {  	_ =	shalt  }
0x72: {  	_ =	shalt  }
0x73: {  	_ =	shalt  }
0x74: {  	_ =	shalt  }
0x75: {  	_ =	shalt  }
0x76: {  	_ =	shalt  }
0x77: {  	_ =	shalt  }
0x78: {  	_ =	shalt  }
0x79: {  	_ =	shalt  }
0x7a: {  	_ =	shalt  }
0x7b: {  	_ =	shalt  }
0x7c: {  	_ =	shalt  }
0x7d: {  	_ =	shalt  }
0x7e: {  	_ =	shalt  }
0x7f: {  	_ =	shalt  }
0x80: {  	_ =	shalt  }
0x81: {  	_ =	shalt  }
0x82: {  	_ =	shalt  }
0x83: {  	_ =	shalt  }
0x84: {  	_ =	shalt  }
0x85: {  	_ =	shalt  }
0x86: {  	_ =	shalt  }
0x87: {  	_ =	shalt  }
.Lfunc_end0:
.L_simem_size_0:
called_computation_lowered:
.L_overlay_start_0:
0x88: {  	s2 =	sld [smem:$0x3FD9]  }
0x89: {  	s3 =	sld [smem:$0x3FFE];
	_ =	sdelay $0x1  }
0x8a: {  	s1 =	srdreg.scid  }
0x8b: {  	s0 =	sand.u32 $0x1, s1  }
0x8c: {  	s17 =	sshll.u32 s0, $0xA;
	s2 =	sadd.s32 s3, s2  }
0x8d: {  	s2 =	sadd.s32 s2, s17  }
0x8e: {  	[smem:$0x3FC5] =	sst s2  }
0x8f: {  	_ = 	snop  }
0x90: {  	s2 =	sld [smem:$0x3FC9]  }
0x91: {  	s18 =	sld [smem:$0x3FD0];
	(tm) =	ssettm $0x1  }
0x92: {  	s4 =	sld [smem:$0x3FFB];
	_ =	sdelay $0x3  }
0x93: {  	_ =	strace s4  }
0x94: {  	s4 =	sld [smem:$0x3FFC];
	_ =	sdelay $0x3  }
0x95: {  	_ =	strace s4  }
0x96: {  	s4 =	sld [smem:$0x3FFD];
	_ =	sdelay $0x3  }
0x97: {  	_ =	strace s4  }
0x98: {  	_ =	strace $0x8FFFFFFF  }
0x99: {  	s19 =	sld [smem:$0x3FDB];
	_ =	sdelay $0x1  }
0x9a: {  	s5 =	simm.s32 $_scs_section_size  }
0x9b: {  	s6 =	simm.s32 $_size__tile_overlayer_lowered;
	s7 =	simm.s32 $_tile_overlayer_lowered  }
0x9c: {  	s22 =	simm.s32 $0x1BFF;
	s21 =	sshll.u32 s7, $0x1;
	s4 =	sadd.s32 s5, s19  }
0x9d: {  	s8 =	simm.s32 $0x0;
	s20 =	sshll.u32 s6, $0x1;
	s6 =	sadd.s32 s21, s4  }
0x9e: {  	[timem:s8], [sflag:s22] =	dma.local [hbm:s6], s20  }
0x9f: {  	_ =	swait.ge [sflag:s22], s20  }
0xa0: {  	s5 =	ssub.s32 $0x0, s20;
	[sflag:s22] =	ssyncset.done $0x0  }
0xa1: {  	[sflag:s22] =	ssyncadd.s32 s5;
	_ =	sdelay $0x1  }
0xa2: {  	s23 =	simm.s32 $0x1B8B  }
0xa3: {  	_ =	swait.ge [sflag:s23], $0x1  }
0xa4: {  	[sflag:s23] =	ssyncset.done $0x0  }
0xa5: {  	s25 =	simm.s32 $0x1B8E;
	s24 =	sld [smem:$0x3FFE];
	[sflag:s23] =	ssyncadd.s32 $0xFFFFFFFF  }
0xa6: {  	s26 =	simm.s32 $execute0_lowered;
	[smem:$0x3FD2] =	sst s25  }
0xa7: {  	s6 =	sshll.u32 s26, $0x1;
	_ =	strace $0x80000046;
	[dreg:$0x1] =	wrdreg $0xFFFFFFFF  }
0xa8: {  	s28 =	simm.s32 $_size_execute0_lowered;
	s4 =	sadd.s32 s4, s6;
	[dreg:$0x0] =	wrdreg $0x0  }
0xa9: {  	s6 =	sshll.u32 s28, $0x1;
	[dreg:$0x2] =	wrdreg s4  }
0xaa: {  	[dreg:$0x3] =	wrdreg s6  }
0xab: {  	[dreg:$0x4] =	wrdreg $0xC0  }
0xac: {  	_ =	task [dreg:s8], $0x5FFFF  }
0xad: {  	[dreg:$0x1] =	wrdreg $0xFFFFFFFF  }
0xae: {  	[dreg:$0x0] =	wrdreg $0x60  }
0xaf: {  	[dreg:$0x2] =	wrdreg s2  }
0xb0: {  	[dreg:$0x3] =	wrdreg s24  }
0xb1: {  	[dreg:$0x4] =	wrdreg s18  }
0xb2: {  	[dreg:$0x5] =	wrdreg $0x9  }
0xb3: {  	_ =	task.clear_ibuf [dreg:s8], $0x6FFFF;
	_ =	strace $0x90000046  }
0xb4: {  	s29 =	simm.s32 $0x9;
	_ =	strace $0x80000048  }
0xb5: {  	_ =	swait.ge [sflag:s29], $0x1  }
0xb6: {  	[sflag:s29] =	ssyncadd.s32 $0xFFFFFFFF  }
0xb7: {  	_ =	strace $0x90000048  }
0xb8: {  	_ =	sfence  }
0xb9: {  	s30 =	sld [smem:$0x0];
	_ =	sdelay $0x2  }
0xba: {  	s31 =	sshll.u32 s1, $0xD;
	s1 =	sshrl.u32 s1, $0x2  }
0xbb: {  	s3 =	sand.u32 $0x4000, s31;
	s1 =	sadd.s32 s1, s30  }
0xbc: {  	s0 =	sor.u32 s3, s0;
	s1 =	sshll.u32 s1, $0x11  }
0xbd: {  	s0 =	sor.u32 s1, s0  }
0xbe: {  	s0 =	sadd.s32 $0x8F2B, s0  }
0xbf: {  	[sflag:s0] =	ssyncadd.remote.s32 $0x1  }
0xc0: {  	_ =	sfence.sel $0xFFFF  }
0xc1: {  	[dreg:$0x0] =	wrdreg $0xFFFFFFFF;
	(pc) =	sbr.abs _section_cstart, $3  }
0xc2: {  	[dreg:$0x1] =	wrdreg $0xFFFFFFFF  }
0xc3: {  	_ =	task.clear_ibuf [dreg:s8], $0x2FFFF;
	_ =	strace $0x9FFFFFFF  }
0xc4: {  	(tm) =	ssettm $0x7FFFFFFF  }
0xc5: {  	_ =	shalt  }
tec
execute0_lowered:
.L_overlay_start_1:
0x0: {  	(tag) =	ssettag $0x1  }
0x1: {  	s0 =	rddreg [dreg:$0x0]  }
0x2: {  	s1 =	rddreg [dreg:$0x1];
	s2 =	srdreg.scid  }
0x3: {  	s5 =	stileid.u32;
	s14 =	simm.s32 $0x0;
	s9 =	simm.s32 $0x20  }
0x4: {  	s10 =	simm.s32 $0x80;
	s13 =	simm.s32 $0xC8;
	s23 =	simm.s32 $0x40  }
0x5: {  	s28 =	simm.s32 $0x5;
	s29 =	simm.s32 $0x6;
	s30 =	simm.s32 $0x7  }
0x6: {  	s31 =	simm.s32 $0x8;
	s12 =	simm.s32 $0xB;
	s6 =	simm.s32 $0xC  }
0x7: {  	s8 =	simm.s32 $0xD;
	s11 =	simm.s32 $0xE;
	s19 =	simm.s32 $0x9800  }
0x8: {  	s20 =	simm.s32 $0xCA00;
	s21 =	simm.s32 $0xFC00;
	s22 =	simm.s32 $0x12E00  }
0x9: {  	s2 =	sand.u32 $0x1, s2;
	s3 =	sshll.u32 s5, $0x6;
	s24 =	sshll.u32 s5, $0x9  }
0xa: {  	[smem:$0x7FF] =	sst s14;
	s5 =	sadd.s32 $0xF42A00, s1;
	s4 =	sshll.u32 s2, $0x5  }
0xb: {  	v0 =	vlaneseq.u32;
	s1 =	sadd.s32 $0x600, s1;
	s2 =	ssub.s32 $0x2, s2;
	s4 =	sor.u32 s4, s3  }
0xc: {  	v0 =	vmul.u32 $0x20, v0;
	s25 =	sshrl.u32 s2, $0x1;
	[dreg:$0x7] =	wrdreg s4;
	s3 =	sor.u32 s24, s4  }
0xd: {  	s2 =	ssub.s32 s2, s25;
	s24 =	simm.s32 $0x16000;
	s25 =	simm.s32 $0x19200  }
0xe: {  	v1 =	vor.u32 $0x200, v0;
	v2 =	vor.u32 $0x400, v0;
	v3 =	vor.u32 $0x600, v0;
	_ =	strace $0x80000047;
	s3 =	sand.u32 $0x1C60, s3;
	[dreg:$0x5] =	wrdreg s1  }
0xf: {  	v4 =	vor.u32 $0x800, v0;
	v5 =	vor.u32 $0xA00, v0;
	v6 =	vor.u32 $0xC00, v0;
	s26 =	smax.u32 s2, $0x1;
	s1 =	simm.s32 $0xA;
	s2 =	simm.s32 $0x10  }
0x10: {  	v7 =	vor.u32 $0xE00, v0;
	v8 =	vor.u32 $0x1000, v0;
	v9 =	vor.u32 $0x1200, v0;
	s3 =	sshrl.u32 s3, $0x3;
	[dreg:$0x6] =	wrdreg s26;
	s26 =	simm.s32 $0x4  }
0x11: {  	v10 =	vor.u32 $0x1400, v0;
	v11 =	vor.u32 $0x1600, v0;
	v12 =	vor.u32 $0x1800, v0;
	s7 =	sadd.s32 s0, s3;
	s0 =	simm.s32 $0x9;
	s3 =	simm.s32 $0xF  }
.LBB2_1:
0x12: {  	[dreg:$0x4] =	wrdreg s14  }
0x13: {  	s4 =	simm.s32 $0x400;
	s14 =	sadd.s32 $0x0, s7;
	s15 =	simm.s32 $0x0  }
.LBB2_2:
0x14: {  	[tilespmem:s15], [sflag:$0x11] =	stream.strided.gather [hbm4b:s14+s9], $0x100, s10, s9, $0x38;
	[tilespmem:$0x1F600] =	vst v63  }
0x15: {  	s15 =	smov.u32 s4;
	p0 =	sne.s32 s4, $0x6000  }
.Ltmp0:
0x16: {  	s4 =	sadd.s32 $0x400, s4;
	(pc) =	sbr.rel @p0 .LBB2_2-.Ltmp0, $2  }
0x17: {  	_ =	sdelay $0x2  }
0x18: {  	s14 =	sadd.s32 s15, s7;
	s15 =	sshra.s32 s15, $0x2  }
0x19: {  	s4 =	simm.s32 $0x0  }
0x1a: {  	[tilespmem:s15], [sflag:$0x11] =	stream.strided.gather [hbm4b:s14+s9], $0x100, s10, s9, $0x38;
	v13 =	vmov s4;
	[tilespmem:$0x1F600] =	vst v63  }
0x1b: {  	s18 =	simm.s32 $0x11;
	v13 =	vand.u32 $0x1F, v13  }
0x1c: {  	_ =	swait.ge [sflag:s18], $0x1900;
	v13 =	vbroadcast v13, $0x0  }
0x1d: {  	[sflag:s18] =	ssyncset.done $0x0  }
0x1e: {  	s16 =	simm.s32 $0x1C400;
	s17 =	rddreg [dreg:$0x5];
	[sflag:s18] =	ssyncadd.s32 $0xFFFFE700;
	v14 =	vor.u32 v0, v13  }
0x1f: {  	[tilespmem:s16], [sflag:$0x11] =	stream.linear.gather [hbm4b:s17+s4], $0x3200, $0x38;
	[tilespmem:$0x1F600] =	vst v63  }
0x20: {  	_ =	swait.ge [sflag:s18], $0x3200  }
0x21: {  	[sflag:s18] =	ssyncset.done $0x0  }
0x22: {  	[sflag:s18] =	ssyncadd.s32 $0xFFFFCE00  }
0x23: {  	v14 =	vld.idx.msk [tilespmem:v14+s4+$0x0], $0xffff  }
0x24: {  	v15 =	vor.u32 v1, v13;
	_ =	sdelay $0x2  }
0x25: {  	s14 =	simm.s32 $0x1A60  }
0x26: {  	[tilespmem:s14+$0xFFFFFFA0] =	vst v14  }
0x27: {  	v14 =	vld.idx.msk [tilespmem:v15+s4+$0x0], $0xffff  }
0x28: {  	v15 =	vor.u32 v2, v13;
	_ =	sdelay $0x3  }
0x29: {  	[tilespmem:s14+$0xFFFFFFB0] =	vst v14  }
0x2a: {  	v14 =	vld.idx.msk [tilespmem:v15+s4+$0x0], $0xffff  }
0x2b: {  	v15 =	vor.u32 v3, v13;
	_ =	sdelay $0x3  }
0x2c: {  	[tilespmem:s14+$0xFFFFFFC0] =	vst v14  }
0x2d: {  	v14 =	vld.idx.msk [tilespmem:v15+s4+$0x0], $0xffff  }
0x2e: {  	v15 =	vor.u32 v4, v13;
	_ =	sdelay $0x3  }
0x2f: {  	[tilespmem:s14+$0xFFFFFFD0] =	vst v14  }
0x30: {  	v14 =	vld.idx.msk [tilespmem:v15+s4+$0x0], $0xffff  }
0x31: {  	v15 =	vor.u32 v5, v13;
	_ =	sdelay $0x3  }
0x32: {  	[tilespmem:s14+$0xFFFFFFE0] =	vst v14  }
0x33: {  	v14 =	vld.idx.msk [tilespmem:v15+s4+$0x0], $0xffff  }
0x34: {  	v15 =	vor.u32 v6, v13;
	_ =	sdelay $0x3  }
0x35: {  	[tilespmem:s14+$0xFFFFFFF0] =	vst v14  }
0x36: {  	v14 =	vld.idx.msk [tilespmem:v15+s4+$0x0], $0xffff  }
0x37: {  	v15 =	vor.u32 v7, v13;
	_ =	sdelay $0x3  }
0x38: {  	[tilespmem:s14+$0x0] =	vst v14  }
0x39: {  	v14 =	vld.idx.msk [tilespmem:v15+s4+$0x0], $0xffff  }
0x3a: {  	v15 =	vor.u32 v8, v13;
	_ =	sdelay $0x3  }
0x3b: {  	[tilespmem:s14+$0x10] =	vst v14  }
0x3c: {  	v14 =	vld.idx.msk [tilespmem:v15+s4+$0x0], $0xffff  }
0x3d: {  	v15 =	vor.u32 v9, v13;
	_ =	sdelay $0x3  }
0x3e: {  	[tilespmem:s14+$0x20] =	vst v14  }
0x3f: {  	v14 =	vld.idx.msk [tilespmem:v15+s4+$0x0], $0xffff  }
0x40: {  	v15 =	vor.u32 v10, v13;
	_ =	sdelay $0x3  }
0x41: {  	[tilespmem:s14+$0x30] =	vst v14  }
0x42: {  	v14 =	vld.idx.msk [tilespmem:v15+s4+$0x0], $0xffff  }
0x43: {  	v15 =	vor.u32 v11, v13;
	_ =	sdelay $0x3  }
0x44: {  	[tilespmem:s14+$0x40] =	vst v14  }
0x45: {  	v14 =	vld.idx.msk [tilespmem:v15+s4+$0x0], $0xffff  }
0x46: {  	v13 =	vor.u32 v12, v13;
	_ =	sdelay $0x1  }
0x47: {  	s18 =	simm.s32 $0x1  }
0x48: {  	s15 =	simm.s32 $0x2;
	v15 =	vmov s18  }
.LBB2_4:
0x49: {  	p0 =	sne.s32 s15, $0x1F;
	v15 =	vand.u32 $0x1F, v15;
	[tilespmem:s14+$0x50] =	vst v14  }
0x4a: {  	v15 =	vbroadcast v15, $0x0;
	v13 =	vld.idx.msk [tilespmem:v13+s4+$0x0], $0xffff;
	_ =	sdelay $0x1  }
0x4b: {  	v14 =	vor.u32 v0, v15;
	_ =	sdelay $0x3  }
0x4c: {  	[tilespmem:s14+$0x60] =	vst v13  }
0x4d: {  	v13 =	vld.idx.msk [tilespmem:v14+s4+$0x0], $0xffff;
	_ =	sdelay $0x1  }
0x4e: {  	v14 =	vor.u32 v1, v15;
	_ =	sdelay $0x2  }
0x4f: {  	s14 =	sadd.s32 $0xD0, s14  }
0x50: {  	[tilespmem:s14+$0xFFFFFFA0] =	vst v13  }
0x51: {  	v13 =	vld.idx.msk [tilespmem:v14+s4+$0x0], $0xffff;
	_ =	sdelay $0x1  }
0x52: {  	v14 =	vor.u32 v2, v15;
	_ =	sdelay $0x3  }
0x53: {  	[tilespmem:s14+$0xFFFFFFB0] =	vst v13  }
0x54: {  	v13 =	vld.idx.msk [tilespmem:v14+s4+$0x0], $0xffff;
	_ =	sdelay $0x1  }
0x55: {  	v14 =	vor.u32 v3, v15;
	_ =	sdelay $0x3  }
0x56: {  	[tilespmem:s14+$0xFFFFFFC0] =	vst v13  }
0x57: {  	v13 =	vld.idx.msk [tilespmem:v14+s4+$0x0], $0xffff;
	_ =	sdelay $0x1  }
0x58: {  	v14 =	vor.u32 v4, v15;
	_ =	sdelay $0x3  }
0x59: {  	[tilespmem:s14+$0xFFFFFFD0] =	vst v13  }
0x5a: {  	v13 =	vld.idx.msk [tilespmem:v14+s4+$0x0], $0xffff;
	_ =	sdelay $0x1  }
0x5b: {  	v14 =	vor.u32 v5, v15;
	_ =	sdelay $0x3  }
0x5c: {  	[tilespmem:s14+$0xFFFFFFE0] =	vst v13  }
0x5d: {  	v13 =	vld.idx.msk [tilespmem:v14+s4+$0x0], $0xffff;
	_ =	sdelay $0x1  }
0x5e: {  	v14 =	vor.u32 v6, v15;
	_ =	sdelay $0x3  }
0x5f: {  	[tilespmem:s14+$0xFFFFFFF0] =	vst v13  }
0x60: {  	v13 =	vld.idx.msk [tilespmem:v14+s4+$0x0], $0xffff;
	_ =	sdelay $0x1  }
0x61: {  	v14 =	vor.u32 v7, v15;
	_ =	sdelay $0x3  }
0x62: {  	[tilespmem:s14+$0x0] =	vst v13  }
0x63: {  	v13 =	vld.idx.msk [tilespmem:v14+s4+$0x0], $0xffff;
	_ =	sdelay $0x1  }
0x64: {  	v14 =	vor.u32 v8, v15;
	_ =	sdelay $0x3  }
0x65: {  	[tilespmem:s14+$0x10] =	vst v13  }
0x66: {  	v13 =	vld.idx.msk [tilespmem:v14+s4+$0x0], $0xffff;
	_ =	sdelay $0x1  }
0x67: {  	v14 =	vor.u32 v9, v15;
	_ =	sdelay $0x3  }
0x68: {  	[tilespmem:s14+$0x20] =	vst v13  }
0x69: {  	v13 =	vld.idx.msk [tilespmem:v14+s4+$0x0], $0xffff;
	_ =	sdelay $0x1  }
0x6a: {  	v14 =	vor.u32 v10, v15;
	_ =	sdelay $0x3  }
0x6b: {  	[tilespmem:s14+$0x30] =	vst v13  }
0x6c: {  	v13 =	vld.idx.msk [tilespmem:v14+s4+$0x0], $0xffff;
	_ =	sdelay $0x1  }
0x6d: {  	v14 =	vor.u32 v11, v15;
	_ =	sdelay $0x3  }
0x6e: {  	[tilespmem:s14+$0x40] =	vst v13  }
0x6f: {  	v14 =	vld.idx.msk [tilespmem:v14+s4+$0x0], $0xffff  }
.Ltmp1:
0x70: {  	(pc) =	sbr.rel @p0 .LBB2_4-.Ltmp1, $2  }
0x71: {  	v13 =	vor.u32 v12, v15;
	_ =	sdelay $0x2  }
0x72: {  	v15 =	vmov s15;
	s15 =	sadd.s32 $0x1, s15  }
0x73: {  	_ =	sdelay $0x1  }
0x74: {  	v15 =	vand.u32 $0x1F, v15  }
0x75: {  	[tilespmem:s14+$0x50] =	vst v14;
	v14 =	vbroadcast v15, $0x0  }
0x76: {  	v13 =	vld.idx.msk [tilespmem:v13+s4+$0x0], $0xffff  }
0x77: {  	v15 =	vor.u32 v0, v14;
	_ =	sdelay $0x3  }
0x78: {  	[tilespmem:s14+$0x60] =	vst v13  }
0x79: {  	v13 =	vld.idx.msk [tilespmem:v15+s4+$0x0], $0xffff  }
0x7a: {  	v15 =	vor.u32 v1, v14;
	_ =	sdelay $0x2  }
0x7b: {  	s18 =	sadd.s32 $0xD0, s14  }
0x7c: {  	[tilespmem:s18+$0xFFFFFFA0] =	vst v13  }
0x7d: {  	v13 =	vld.idx.msk [tilespmem:v15+s4+$0x0], $0xffff  }
0x7e: {  	v15 =	vor.u32 v2, v14;
	_ =	sdelay $0x3  }
0x7f: {  	[tilespmem:s18+$0xFFFFFFB0] =	vst v13  }
0x80: {  	v13 =	vld.idx.msk [tilespmem:v15+s4+$0x0], $0xffff  }
0x81: {  	v15 =	vor.u32 v3, v14;
	_ =	sdelay $0x3  }
0x82: {  	[tilespmem:s18+$0xFFFFFFC0] =	vst v13  }
0x83: {  	v13 =	vld.idx.msk [tilespmem:v15+s4+$0x0], $0xffff  }
0x84: {  	v15 =	vor.u32 v4, v14;
	_ =	sdelay $0x3  }
0x85: {  	[tilespmem:s18+$0xFFFFFFD0] =	vst v13  }
0x86: {  	v13 =	vld.idx.msk [tilespmem:v15+s4+$0x0], $0xffff  }
0x87: {  	v15 =	vor.u32 v5, v14;
	_ =	sdelay $0x3  }
0x88: {  	[tilespmem:s18+$0xFFFFFFE0] =	vst v13  }
0x89: {  	v13 =	vld.idx.msk [tilespmem:v15+s4+$0x0], $0xffff  }
0x8a: {  	v15 =	vor.u32 v6, v14;
	_ =	sdelay $0x3  }
0x8b: {  	[tilespmem:s18+$0xFFFFFFF0] =	vst v13  }
0x8c: {  	v13 =	vld.idx.msk [tilespmem:v15+s4+$0x0], $0xffff  }
0x8d: {  	v15 =	vor.u32 v7, v14;
	_ =	sdelay $0x3  }
0x8e: {  	[tilespmem:s18+$0x0] =	vst v13  }
0x8f: {  	v13 =	vld.idx.msk [tilespmem:v15+s4+$0x0], $0xffff  }
0x90: {  	v15 =	vor.u32 v8, v14;
	_ =	sdelay $0x3  }
0x91: {  	[tilespmem:s18+$0x10] =	vst v13  }
0x92: {  	v13 =	vld.idx.msk [tilespmem:v15+s4+$0x0], $0xffff  }
0x93: {  	v15 =	vor.u32 v9, v14;
	_ =	sdelay $0x3  }
0x94: {  	[tilespmem:s18+$0x20] =	vst v13  }
0x95: {  	v13 =	vld.idx.msk [tilespmem:v15+s4+$0x0], $0xffff  }
0x96: {  	v15 =	vor.u32 v10, v14;
	_ =	sdelay $0x3  }
0x97: {  	[tilespmem:s18+$0x30] =	vst v13  }
0x98: {  	v13 =	vld.idx.msk [tilespmem:v15+s4+$0x0], $0xffff  }
0x99: {  	v15 =	vor.u32 v11, v14;
	_ =	sdelay $0x3  }
0x9a: {  	[tilespmem:s18+$0x40] =	vst v13  }
0x9b: {  	v13 =	vld.idx.msk [tilespmem:v15+s4+$0x0], $0xffff  }
0x9c: {  	v14 =	vor.u32 v12, v14;
	_ =	sdelay $0x3  }
0x9d: {  	[tilespmem:s18+$0x50] =	vst v13  }
0x9e: {  	v13 =	vld.idx.msk [tilespmem:v14+s4+$0x0], $0xffff;
	_ =	sdelay $0x4  }
0x9f: {  	[tilespmem:s18+$0x60] =	vst v13  }
.LBB2_6:
0xa0: {  	s15 =	simm.s32 $0x1C500  }
0xa1: {  	v13 =	vld [tilespmem:s15+$0xFFFFFF00];
	_ =	sdelay $0x3  }
0xa2: {  	s16 =	simm.s32 $0x3500  }
0xa3: {  	[tilespmem:s16+$0xFFFFFF00] =	vst v13  }
0xa4: {  	v13 =	vld [tilespmem:s15+$0xFFFFFF10];
	_ =	sdelay $0x4  }
0xa5: {  	[tilespmem:s16+$0xFFFFFF10] =	vst v13  }
0xa6: {  	v13 =	vld [tilespmem:s15+$0xFFFFFF20];
	_ =	sdelay $0x4  }
0xa7: {  	[tilespmem:s16+$0xFFFFFF20] =	vst v13  }
0xa8: {  	v13 =	vld [tilespmem:s15+$0xFFFFFF30];
	_ =	sdelay $0x4  }
0xa9: {  	[tilespmem:s16+$0xFFFFFF30] =	vst v13  }
0xaa: {  	v13 =	vld [tilespmem:s15+$0xFFFFFF40];
	_ =	sdelay $0x4  }
0xab: {  	[tilespmem:s16+$0xFFFFFF40] =	vst v13  }
0xac: {  	v13 =	vld [tilespmem:s15+$0xFFFFFF50];
	_ =	sdelay $0x4  }
0xad: {  	[tilespmem:s16+$0xFFFFFF50] =	vst v13  }
0xae: {  	v13 =	vld [tilespmem:s15+$0xFFFFFF60];
	_ =	sdelay $0x4  }
0xaf: {  	[tilespmem:s16+$0xFFFFFF60] =	vst v13  }
0xb0: {  	v13 =	vld [tilespmem:s15+$0xFFFFFF70];
	_ =	sdelay $0x4  }
0xb1: {  	[tilespmem:s16+$0xFFFFFF70] =	vst v13  }
0xb2: {  	v13 =	vld [tilespmem:s15+$0xFFFFFF80];
	_ =	sdelay $0x4  }
0xb3: {  	[tilespmem:s16+$0xFFFFFF80] =	vst v13  }
0xb4: {  	v13 =	vld [tilespmem:s15+$0xFFFFFF90];
	_ =	sdelay $0x4  }
0xb5: {  	[tilespmem:s16+$0xFFFFFF90] =	vst v13  }
0xb6: {  	v13 =	vld [tilespmem:s15+$0xFFFFFFA0];
	_ =	sdelay $0x4  }
0xb7: {  	[tilespmem:s16+$0xFFFFFFA0] =	vst v13  }
0xb8: {  	v13 =	vld [tilespmem:s15+$0xFFFFFFB0];
	_ =	sdelay $0x4  }
0xb9: {  	[tilespmem:s16+$0xFFFFFFB0] =	vst v13  }
0xba: {  	v13 =	vld [tilespmem:s15+$0xFFFFFFC0];
	_ =	sdelay $0x4  }
0xbb: {  	[tilespmem:s16+$0xFFFFFFC0] =	vst v13  }
0xbc: {  	v13 =	vld [tilespmem:s15+$0xFFFFFFD0];
	_ =	sdelay $0x4  }
0xbd: {  	[tilespmem:s16+$0xFFFFFFD0] =	vst v13  }
0xbe: {  	v13 =	vld [tilespmem:s15+$0xFFFFFFE0];
	_ =	sdelay $0x4  }
0xbf: {  	[tilespmem:s16+$0xFFFFFFE0] =	vst v13  }
0xc0: {  	v13 =	vld [tilespmem:s15+$0xFFFFFFF0];
	_ =	sdelay $0x4  }
0xc1: {  	[tilespmem:s16+$0xFFFFFFF0] =	vst v13  }
0xc2: {  	v13 =	vld [tilespmem:s15+$0x0];
	_ =	sdelay $0x4  }
0xc3: {  	[tilespmem:s16+$0x0] =	vst v13  }
0xc4: {  	v13 =	vld [tilespmem:s15+$0x10];
	_ =	sdelay $0x4  }
0xc5: {  	[tilespmem:s16+$0x10] =	vst v13  }
0xc6: {  	v13 =	vld [tilespmem:s15+$0x20];
	_ =	sdelay $0x4  }
0xc7: {  	[tilespmem:s16+$0x20] =	vst v13  }
0xc8: {  	v13 =	vld [tilespmem:s15+$0x30];
	_ =	sdelay $0x4  }
0xc9: {  	[tilespmem:s16+$0x30] =	vst v13  }
0xca: {  	v13 =	vld [tilespmem:s15+$0x40];
	_ =	sdelay $0x4  }
0xcb: {  	[tilespmem:s16+$0x40] =	vst v13  }
0xcc: {  	v13 =	vld [tilespmem:s15+$0x50];
	_ =	sdelay $0x4  }
0xcd: {  	[tilespmem:s16+$0x50] =	vst v13  }
0xce: {  	v13 =	vld [tilespmem:s15+$0x60];
	_ =	sdelay $0x4  }
0xcf: {  	[tilespmem:s16+$0x60] =	vst v13  }
0xd0: {  	v13 =	vld [tilespmem:s15+$0x70];
	_ =	sdelay $0x4  }
0xd1: {  	[tilespmem:s16+$0x70] =	vst v13  }
0xd2: {  	v13 =	vld [tilespmem:s15+$0x80];
	_ =	sdelay $0x4  }
0xd3: {  	[tilespmem:s16+$0x80] =	vst v13  }
0xd4: {  	v13 =	vld [tilespmem:s15+$0x90];
	_ =	sdelay $0x4  }
0xd5: {  	[tilespmem:s16+$0x90] =	vst v13  }
0xd6: {  	v13 =	vld [tilespmem:s15+$0xA0];
	_ =	sdelay $0x4  }
0xd7: {  	[tilespmem:s16+$0xA0] =	vst v13  }
0xd8: {  	v13 =	vld [tilespmem:s15+$0xB0];
	_ =	sdelay $0x4  }
0xd9: {  	[tilespmem:s16+$0xB0] =	vst v13  }
0xda: {  	v13 =	vld [tilespmem:s15+$0xC0];
	_ =	sdelay $0x4  }
0xdb: {  	[tilespmem:s16+$0xC0] =	vst v13  }
0xdc: {  	v13 =	vld [tilespmem:s15+$0xD0];
	_ =	sdelay $0x4  }
0xdd: {  	[tilespmem:s16+$0xD0] =	vst v13  }
0xde: {  	v13 =	vld [tilespmem:s15+$0xE0];
	_ =	sdelay $0x4  }
0xdf: {  	[tilespmem:s16+$0xE0] =	vst v13  }
0xe0: {  	v13 =	vld [tilespmem:s15+$0xF0];
	_ =	sdelay $0x4  }
0xe1: {  	s17 =	simm.s32 $0x0;
	s18 =	simm.s32 $0x1C700;
	s14 =	simm.s32 $0x67F0;
	[tilespmem:s16+$0xF0] =	vst v13  }
.LBB2_7:
0xe2: {  	v13 =	vld [tilespmem:s18+$0xFFFFFF00];
	s17 =	sadd.s32 $0x8, s17  }
0xe3: {  	p0 =	slt.u32 s17, $0xC0;
	_ =	sdelay $0x2  }
0xe4: {  	s16 =	sadd.s32 $0x200, s16  }
0xe5: {  	[tilespmem:s16+$0xFFFFFF00] =	vst v13  }
0xe6: {  	v13 =	vld [tilespmem:s18+$0xFFFFFF10];
	_ =	sdelay $0x4  }
0xe7: {  	[tilespmem:s16+$0xFFFFFF10] =	vst v13  }
0xe8: {  	v13 =	vld [tilespmem:s18+$0xFFFFFF20];
	_ =	sdelay $0x4  }
0xe9: {  	[tilespmem:s16+$0xFFFFFF20] =	vst v13  }
0xea: {  	v13 =	vld [tilespmem:s18+$0xFFFFFF30];
	_ =	sdelay $0x4  }
0xeb: {  	[tilespmem:s16+$0xFFFFFF30] =	vst v13  }
0xec: {  	v13 =	vld [tilespmem:s18+$0xFFFFFF40];
	_ =	sdelay $0x4  }
0xed: {  	[tilespmem:s16+$0xFFFFFF40] =	vst v13  }
0xee: {  	v13 =	vld [tilespmem:s18+$0xFFFFFF50];
	_ =	sdelay $0x4  }
0xef: {  	[tilespmem:s16+$0xFFFFFF50] =	vst v13  }
0xf0: {  	v13 =	vld [tilespmem:s18+$0xFFFFFF60];
	_ =	sdelay $0x4  }
0xf1: {  	[tilespmem:s16+$0xFFFFFF60] =	vst v13  }
0xf2: {  	v13 =	vld [tilespmem:s18+$0xFFFFFF70];
	_ =	sdelay $0x4  }
0xf3: {  	[tilespmem:s16+$0xFFFFFF70] =	vst v13  }
0xf4: {  	v13 =	vld [tilespmem:s18+$0xFFFFFF80];
	_ =	sdelay $0x4  }
0xf5: {  	[tilespmem:s16+$0xFFFFFF80] =	vst v13  }
0xf6: {  	v13 =	vld [tilespmem:s18+$0xFFFFFF90];
	_ =	sdelay $0x4  }
0xf7: {  	[tilespmem:s16+$0xFFFFFF90] =	vst v13  }
0xf8: {  	v13 =	vld [tilespmem:s18+$0xFFFFFFA0];
	_ =	sdelay $0x4  }
0xf9: {  	[tilespmem:s16+$0xFFFFFFA0] =	vst v13  }
0xfa: {  	v13 =	vld [tilespmem:s18+$0xFFFFFFB0];
	_ =	sdelay $0x4  }
0xfb: {  	[tilespmem:s16+$0xFFFFFFB0] =	vst v13  }
0xfc: {  	v13 =	vld [tilespmem:s18+$0xFFFFFFC0];
	_ =	sdelay $0x4  }
0xfd: {  	[tilespmem:s16+$0xFFFFFFC0] =	vst v13  }
0xfe: {  	v13 =	vld [tilespmem:s18+$0xFFFFFFD0];
	_ =	sdelay $0x4  }
0xff: {  	[tilespmem:s16+$0xFFFFFFD0] =	vst v13  }
0x100: {  	v13 =	vld [tilespmem:s18+$0xFFFFFFE0];
	_ =	sdelay $0x4  }
0x101: {  	[tilespmem:s16+$0xFFFFFFE0] =	vst v13  }
0x102: {  	v13 =	vld [tilespmem:s18+$0xFFFFFFF0];
	_ =	sdelay $0x4  }
0x103: {  	[tilespmem:s16+$0xFFFFFFF0] =	vst v13  }
0x104: {  	v13 =	vld [tilespmem:s18+$0x0];
	_ =	sdelay $0x4  }
0x105: {  	[tilespmem:s16+$0x0] =	vst v13  }
0x106: {  	v13 =	vld [tilespmem:s18+$0x10];
	_ =	sdelay $0x4  }
0x107: {  	[tilespmem:s16+$0x10] =	vst v13  }
0x108: {  	v13 =	vld [tilespmem:s18+$0x20];
	_ =	sdelay $0x4  }
0x109: {  	[tilespmem:s16+$0x20] =	vst v13  }
0x10a: {  	v13 =	vld [tilespmem:s18+$0x30];
	_ =	sdelay $0x4  }
0x10b: {  	[tilespmem:s16+$0x30] =	vst v13  }
0x10c: {  	v13 =	vld [tilespmem:s18+$0x40];
	_ =	sdelay $0x4  }
0x10d: {  	[tilespmem:s16+$0x40] =	vst v13  }
0x10e: {  	v13 =	vld [tilespmem:s18+$0x50];
	_ =	sdelay $0x4  }
0x10f: {  	[tilespmem:s16+$0x50] =	vst v13  }
0x110: {  	v13 =	vld [tilespmem:s18+$0x60];
	_ =	sdelay $0x4  }
0x111: {  	[tilespmem:s16+$0x60] =	vst v13  }
0x112: {  	v13 =	vld [tilespmem:s18+$0x70];
	_ =	sdelay $0x4  }
0x113: {  	[tilespmem:s16+$0x70] =	vst v13  }
0x114: {  	v13 =	vld [tilespmem:s18+$0x80];
	_ =	sdelay $0x4  }
0x115: {  	[tilespmem:s16+$0x80] =	vst v13  }
0x116: {  	v13 =	vld [tilespmem:s18+$0x90];
	_ =	sdelay $0x4  }
0x117: {  	[tilespmem:s16+$0x90] =	vst v13  }
0x118: {  	v13 =	vld [tilespmem:s18+$0xA0];
	_ =	sdelay $0x4  }
0x119: {  	[tilespmem:s16+$0xA0] =	vst v13  }
0x11a: {  	v13 =	vld [tilespmem:s18+$0xB0];
	_ =	sdelay $0x4  }
0x11b: {  	[tilespmem:s16+$0xB0] =	vst v13  }
0x11c: {  	v13 =	vld [tilespmem:s18+$0xC0];
	_ =	sdelay $0x4  }
0x11d: {  	[tilespmem:s16+$0xC0] =	vst v13  }
0x11e: {  	v13 =	vld [tilespmem:s18+$0xD0];
	_ =	sdelay $0x4  }
0x11f: {  	[tilespmem:s16+$0xD0] =	vst v13  }
0x120: {  	v13 =	vld [tilespmem:s18+$0xE0];
	_ =	sdelay $0x4  }
0x121: {  	[tilespmem:s16+$0xE0] =	vst v13  }
0x122: {  	v13 =	vld [tilespmem:s18+$0xF0]  }
.Ltmp2:
0x123: {  	(pc) =	sbr.rel @p0 .LBB2_7-.Ltmp2, $2  }
0x124: {  	_ =	sdelay $0x2  }
0x125: {  	s18 =	sadd.s32 $0x200, s18;
	[tilespmem:s16+$0xF0] =	vst v13  }
0x126: {  	v13 =	vld [tilespmem:s15+$0xFFFFFF00];
	_ =	sdelay $0x4  }
0x127: {  	[tilespmem:s14+$0xFFFFFE10] =	vst v13  }
0x128: {  	v13 =	vld [tilespmem:s15+$0xFFFFFF10];
	_ =	sdelay $0x4  }
0x129: {  	[tilespmem:s14+$0xFFFFFE20] =	vst v13  }
0x12a: {  	v13 =	vld [tilespmem:s15+$0xFFFFFF20];
	_ =	sdelay $0x4  }
0x12b: {  	[tilespmem:s14+$0xFFFFFE30] =	vst v13  }
0x12c: {  	v13 =	vld [tilespmem:s15+$0xFFFFFF30];
	_ =	sdelay $0x4  }
0x12d: {  	[tilespmem:s14+$0xFFFFFE40] =	vst v13  }
0x12e: {  	v13 =	vld [tilespmem:s15+$0xFFFFFF40];
	_ =	sdelay $0x4  }
0x12f: {  	[tilespmem:s14+$0xFFFFFE50] =	vst v13  }
0x130: {  	v13 =	vld [tilespmem:s15+$0xFFFFFF50];
	_ =	sdelay $0x4  }
0x131: {  	[tilespmem:s14+$0xFFFFFE60] =	vst v13  }
0x132: {  	v13 =	vld [tilespmem:s15+$0xFFFFFF60];
	_ =	sdelay $0x4  }
0x133: {  	[tilespmem:s14+$0xFFFFFE70] =	vst v13  }
0x134: {  	v13 =	vld [tilespmem:s15+$0xFFFFFF70];
	_ =	sdelay $0x4  }
0x135: {  	[tilespmem:s14+$0xFFFFFE80] =	vst v13  }
0x136: {  	v13 =	vld [tilespmem:s15+$0xFFFFFF80];
	_ =	sdelay $0x4  }
0x137: {  	[tilespmem:s14+$0xFFFFFE90] =	vst v13  }
0x138: {  	v13 =	vld [tilespmem:s15+$0xFFFFFF90];
	_ =	sdelay $0x4  }
0x139: {  	[tilespmem:s14+$0xFFFFFEA0] =	vst v13  }
0x13a: {  	v13 =	vld [tilespmem:s15+$0xFFFFFFA0];
	_ =	sdelay $0x4  }
0x13b: {  	[tilespmem:s14+$0xFFFFFEB0] =	vst v13  }
0x13c: {  	v13 =	vld [tilespmem:s15+$0xFFFFFFB0];
	_ =	sdelay $0x4  }
0x13d: {  	[tilespmem:s14+$0xFFFFFEC0] =	vst v13  }
0x13e: {  	v13 =	vld [tilespmem:s15+$0xFFFFFFC0];
	_ =	sdelay $0x4  }
0x13f: {  	[tilespmem:s14+$0xFFFFFED0] =	vst v13  }
0x140: {  	v13 =	vld [tilespmem:s15+$0xFFFFFFD0];
	_ =	sdelay $0x4  }
0x141: {  	[tilespmem:s14+$0xFFFFFEE0] =	vst v13  }
0x142: {  	v13 =	vld [tilespmem:s15+$0xFFFFFFE0];
	_ =	sdelay $0x4  }
0x143: {  	[tilespmem:s14+$0xFFFFFEF0] =	vst v13  }
0x144: {  	v13 =	vld [tilespmem:s15+$0xFFFFFFF0];
	_ =	sdelay $0x4  }
0x145: {  	[tilespmem:s14+$0xFFFFFF00] =	vst v13  }
0x146: {  	v13 =	vld [tilespmem:s15+$0x0];
	_ =	sdelay $0x4  }
0x147: {  	[tilespmem:s14+$0xFFFFFF10] =	vst v13  }
0x148: {  	v13 =	vld [tilespmem:s15+$0x10];
	_ =	sdelay $0x4  }
0x149: {  	[tilespmem:s14+$0xFFFFFF20] =	vst v13  }
0x14a: {  	v13 =	vld [tilespmem:s15+$0x20];
	_ =	sdelay $0x4  }
0x14b: {  	[tilespmem:s14+$0xFFFFFF30] =	vst v13  }
0x14c: {  	v13 =	vld [tilespmem:s15+$0x30];
	_ =	sdelay $0x4  }
0x14d: {  	[tilespmem:s14+$0xFFFFFF40] =	vst v13  }
0x14e: {  	v13 =	vld [tilespmem:s15+$0x40];
	_ =	sdelay $0x4  }
0x14f: {  	[tilespmem:s14+$0xFFFFFF50] =	vst v13  }
0x150: {  	v13 =	vld [tilespmem:s15+$0x50];
	_ =	sdelay $0x4  }
0x151: {  	[tilespmem:s14+$0xFFFFFF60] =	vst v13  }
0x152: {  	v13 =	vld [tilespmem:s15+$0x60];
	_ =	sdelay $0x4  }
0x153: {  	[tilespmem:s14+$0xFFFFFF70] =	vst v13  }
0x154: {  	v13 =	vld [tilespmem:s15+$0x70];
	_ =	sdelay $0x4  }
0x155: {  	[tilespmem:s14+$0xFFFFFF80] =	vst v13  }
0x156: {  	v13 =	vld [tilespmem:s15+$0x80];
	_ =	sdelay $0x4  }
0x157: {  	[tilespmem:s14+$0xFFFFFF90] =	vst v13  }
0x158: {  	v13 =	vld [tilespmem:s15+$0x90];
	_ =	sdelay $0x4  }
0x159: {  	[tilespmem:s14+$0xFFFFFFA0] =	vst v13  }
0x15a: {  	v13 =	vld [tilespmem:s15+$0xA0];
	_ =	sdelay $0x4  }
0x15b: {  	[tilespmem:s14+$0xFFFFFFB0] =	vst v13  }
0x15c: {  	v13 =	vld [tilespmem:s15+$0xB0];
	_ =	sdelay $0x4  }
0x15d: {  	[tilespmem:s14+$0xFFFFFFC0] =	vst v13  }
0x15e: {  	v13 =	vld [tilespmem:s15+$0xC0];
	_ =	sdelay $0x4  }
0x15f: {  	[tilespmem:s14+$0xFFFFFFD0] =	vst v13  }
0x160: {  	v13 =	vld [tilespmem:s15+$0xD0];
	_ =	sdelay $0x4  }
0x161: {  	[tilespmem:s14+$0xFFFFFFE0] =	vst v13  }
0x162: {  	v13 =	vld [tilespmem:s15+$0xE0];
	_ =	sdelay $0x4  }
0x163: {  	[tilespmem:s14+$0xFFFFFFF0] =	vst v13  }
0x164: {  	v13 =	vld [tilespmem:s15+$0xF0];
	_ =	sdelay $0x4  }
0x165: {  	s16 =	simm.s32 $0x1C700;
	s15 =	simm.s32 $0x0;
	[tilespmem:s14+$0x0] =	vst v13  }
.LBB2_9:
0x166: {  	v13 =	vld [tilespmem:s16+$0xFFFFFF00];
	s15 =	sadd.s32 $0x8, s15  }
0x167: {  	p0 =	slt.u32 s15, $0xC0;
	_ =	sdelay $0x2  }
0x168: {  	s14 =	sadd.s32 $0x200, s14  }
0x169: {  	[tilespmem:s14+$0xFFFFFE10] =	vst v13  }
0x16a: {  	v13 =	vld [tilespmem:s16+$0xFFFFFF10];
	_ =	sdelay $0x4  }
0x16b: {  	[tilespmem:s14+$0xFFFFFE20] =	vst v13  }
0x16c: {  	v13 =	vld [tilespmem:s16+$0xFFFFFF20];
	_ =	sdelay $0x4  }
0x16d: {  	[tilespmem:s14+$0xFFFFFE30] =	vst v13  }
0x16e: {  	v13 =	vld [tilespmem:s16+$0xFFFFFF30];
	_ =	sdelay $0x4  }
0x16f: {  	[tilespmem:s14+$0xFFFFFE40] =	vst v13  }
0x170: {  	v13 =	vld [tilespmem:s16+$0xFFFFFF40];
	_ =	sdelay $0x4  }
0x171: {  	[tilespmem:s14+$0xFFFFFE50] =	vst v13  }
0x172: {  	v13 =	vld [tilespmem:s16+$0xFFFFFF50];
	_ =	sdelay $0x4  }
0x173: {  	[tilespmem:s14+$0xFFFFFE60] =	vst v13  }
0x174: {  	v13 =	vld [tilespmem:s16+$0xFFFFFF60];
	_ =	sdelay $0x4  }
0x175: {  	[tilespmem:s14+$0xFFFFFE70] =	vst v13  }
0x176: {  	v13 =	vld [tilespmem:s16+$0xFFFFFF70];
	_ =	sdelay $0x4  }
0x177: {  	[tilespmem:s14+$0xFFFFFE80] =	vst v13  }
0x178: {  	v13 =	vld [tilespmem:s16+$0xFFFFFF80];
	_ =	sdelay $0x4  }
0x179: {  	[tilespmem:s14+$0xFFFFFE90] =	vst v13  }
0x17a: {  	v13 =	vld [tilespmem:s16+$0xFFFFFF90];
	_ =	sdelay $0x4  }
0x17b: {  	[tilespmem:s14+$0xFFFFFEA0] =	vst v13  }
0x17c: {  	v13 =	vld [tilespmem:s16+$0xFFFFFFA0];
	_ =	sdelay $0x4  }
0x17d: {  	[tilespmem:s14+$0xFFFFFEB0] =	vst v13  }
0x17e: {  	v13 =	vld [tilespmem:s16+$0xFFFFFFB0];
	_ =	sdelay $0x4  }
0x17f: {  	[tilespmem:s14+$0xFFFFFEC0] =	vst v13  }
0x180: {  	v13 =	vld [tilespmem:s16+$0xFFFFFFC0];
	_ =	sdelay $0x4  }
0x181: {  	[tilespmem:s14+$0xFFFFFED0] =	vst v13  }
0x182: {  	v13 =	vld [tilespmem:s16+$0xFFFFFFD0];
	_ =	sdelay $0x4  }
0x183: {  	[tilespmem:s14+$0xFFFFFEE0] =	vst v13  }
0x184: {  	v13 =	vld [tilespmem:s16+$0xFFFFFFE0];
	_ =	sdelay $0x4  }
0x185: {  	[tilespmem:s14+$0xFFFFFEF0] =	vst v13  }
0x186: {  	v13 =	vld [tilespmem:s16+$0xFFFFFFF0];
	_ =	sdelay $0x4  }
0x187: {  	[tilespmem:s14+$0xFFFFFF00] =	vst v13  }
0x188: {  	v13 =	vld [tilespmem:s16+$0x0];
	_ =	sdelay $0x4  }
0x189: {  	[tilespmem:s14+$0xFFFFFF10] =	vst v13  }
0x18a: {  	v13 =	vld [tilespmem:s16+$0x10];
	_ =	sdelay $0x4  }
0x18b: {  	[tilespmem:s14+$0xFFFFFF20] =	vst v13  }
0x18c: {  	v13 =	vld [tilespmem:s16+$0x20];
	_ =	sdelay $0x4  }
0x18d: {  	[tilespmem:s14+$0xFFFFFF30] =	vst v13  }
0x18e: {  	v13 =	vld [tilespmem:s16+$0x30];
	_ =	sdelay $0x4  }
0x18f: {  	[tilespmem:s14+$0xFFFFFF40] =	vst v13  }
0x190: {  	v13 =	vld [tilespmem:s16+$0x40];
	_ =	sdelay $0x4  }
0x191: {  	[tilespmem:s14+$0xFFFFFF50] =	vst v13  }
0x192: {  	v13 =	vld [tilespmem:s16+$0x50];
	_ =	sdelay $0x4  }
0x193: {  	[tilespmem:s14+$0xFFFFFF60] =	vst v13  }
0x194: {  	v13 =	vld [tilespmem:s16+$0x60];
	_ =	sdelay $0x4  }
0x195: {  	[tilespmem:s14+$0xFFFFFF70] =	vst v13  }
0x196: {  	v13 =	vld [tilespmem:s16+$0x70];
	_ =	sdelay $0x4  }
0x197: {  	[tilespmem:s14+$0xFFFFFF80] =	vst v13  }
0x198: {  	v13 =	vld [tilespmem:s16+$0x80];
	_ =	sdelay $0x4  }
0x199: {  	[tilespmem:s14+$0xFFFFFF90] =	vst v13  }
0x19a: {  	v13 =	vld [tilespmem:s16+$0x90];
	_ =	sdelay $0x4  }
0x19b: {  	[tilespmem:s14+$0xFFFFFFA0] =	vst v13  }
0x19c: {  	v13 =	vld [tilespmem:s16+$0xA0];
	_ =	sdelay $0x4  }
0x19d: {  	[tilespmem:s14+$0xFFFFFFB0] =	vst v13  }
0x19e: {  	v13 =	vld [tilespmem:s16+$0xB0];
	_ =	sdelay $0x4  }
0x19f: {  	[tilespmem:s14+$0xFFFFFFC0] =	vst v13  }
0x1a0: {  	v13 =	vld [tilespmem:s16+$0xC0];
	_ =	sdelay $0x4  }
0x1a1: {  	[tilespmem:s14+$0xFFFFFFD0] =	vst v13  }
0x1a2: {  	v13 =	vld [tilespmem:s16+$0xD0];
	_ =	sdelay $0x4  }
0x1a3: {  	[tilespmem:s14+$0xFFFFFFE0] =	vst v13  }
0x1a4: {  	v13 =	vld [tilespmem:s16+$0xE0];
	_ =	sdelay $0x4  }
0x1a5: {  	[tilespmem:s14+$0xFFFFFFF0] =	vst v13  }
0x1a6: {  	v13 =	vld [tilespmem:s16+$0xF0]  }
.Ltmp3:
0x1a7: {  	(pc) =	sbr.rel @p0 .LBB2_9-.Ltmp3, $2  }
0x1a8: {  	_ =	sdelay $0x2  }
0x1a9: {  	s16 =	sadd.s32 $0x200, s16;
	[tilespmem:s14+$0x0] =	vst v13  }
0x1aa: {  	s14 =	simm.s32 $0x0  }
0x1ab: {  	v13 =	vld [tilespmem:s14+$0x1C5F0]  }
0x1ac: {  	v14 =	vld [tilespmem:s14+$0x1C400]  }
0x1ad: {  	v15 =	vld [tilespmem:s14+$0x1C410]  }
0x1ae: {  	v16 =	vld [tilespmem:s14+$0x1C420]  }
0x1af: {  	v17 =	vld [tilespmem:s14+$0x1C430]  }
0x1b0: {  	v18 =	vld [tilespmem:s14+$0x1C440];
	[tilespmem:s14+$0x99F0] =	vst v13  }
0x1b1: {  	[tilespmem:s14+$0x9800] =	vst v14;
	v13 =	vld [tilespmem:s14+$0x1C450]  }
0x1b2: {  	[tilespmem:s14+$0x9810] =	vst v15;
	v14 =	vld [tilespmem:s14+$0x1C460]  }
0x1b3: {  	[tilespmem:s14+$0x9820] =	vst v16;
	v15 =	vld [tilespmem:s14+$0x1C470]  }
0x1b4: {  	[tilespmem:s14+$0x9830] =	vst v17;
	v16 =	vld [tilespmem:s14+$0x1C480]  }
0x1b5: {  	[tilespmem:s14+$0x9840] =	vst v18;
	v17 =	vld [tilespmem:s14+$0x1C490]  }
0x1b6: {  	v18 =	vld [tilespmem:s14+$0x1C560];
	[tilespmem:s14+$0x9850] =	vst v13  }
0x1b7: {  	v13 =	vld [tilespmem:s14+$0x1C4A0];
	[tilespmem:s14+$0x9860] =	vst v14  }
0x1b8: {  	v14 =	vld [tilespmem:s14+$0x1C4B0];
	[tilespmem:s14+$0x9870] =	vst v15  }
0x1b9: {  	[tilespmem:s14+$0x9880] =	vst v16;
	v16 =	vld [tilespmem:s14+$0x1C4D0]  }
0x1ba: {  	[tilespmem:s14+$0x9890] =	vst v17;
	v17 =	vld [tilespmem:s14+$0x1C4E0]  }
0x1bb: {  	v15 =	vld [tilespmem:s14+$0x1C4C0];
	[tilespmem:s14+$0x9960] =	vst v18  }
0x1bc: {  	[tilespmem:s14+$0x98A0] =	vst v13;
	v13 =	vld [tilespmem:s14+$0x1C4F0]  }
0x1bd: {  	[tilespmem:s14+$0x98B0] =	vst v14;
	v14 =	vld [tilespmem:s14+$0x1C500]  }
0x1be: {  	[tilespmem:s14+$0x98D0] =	vst v16;
	v16 =	vld [tilespmem:s14+$0x1C520]  }
0x1bf: {  	[tilespmem:s14+$0x98E0] =	vst v17;
	v17 =	vld [tilespmem:s14+$0x1C530]  }
0x1c0: {  	[tilespmem:s14+$0x98C0] =	vst v15;
	v15 =	vld [tilespmem:s14+$0x1C510]  }
0x1c1: {  	[tilespmem:s14+$0x98F0] =	vst v13;
	v13 =	vld [tilespmem:s14+$0x1C540]  }
0x1c2: {  	[tilespmem:s14+$0x9900] =	vst v14;
	v14 =	vld [tilespmem:s14+$0x1C550]  }
0x1c3: {  	[tilespmem:s14+$0x9920] =	vst v16;
	v16 =	vld [tilespmem:s14+$0x1C570]  }
0x1c4: {  	[tilespmem:s14+$0x9930] =	vst v17;
	v17 =	vld [tilespmem:s14+$0x1C580]  }
0x1c5: {  	[tilespmem:s14+$0x9910] =	vst v15;
	v15 =	vld [tilespmem:s14+$0x1C590]  }
0x1c6: {  	[tilespmem:s14+$0x9940] =	vst v13;
	v13 =	vld [tilespmem:s14+$0x1C5A0]  }
0x1c7: {  	[tilespmem:s14+$0x9950] =	vst v14;
	v14 =	vld [tilespmem:s14+$0x1C5B0]  }
0x1c8: {  	[tilespmem:s14+$0x9970] =	vst v16;
	v16 =	vld [tilespmem:s14+$0x1C5C0]  }
0x1c9: {  	s16 =	simm.s32 $0x0;
	s17 =	simm.s32 $0x800;
	s15 =	simm.s32 $0x0;
	[tilespmem:s14+$0x9980] =	vst v17;
	v17 =	vld [tilespmem:s14+$0x1C5D0]  }
.LBB2_11:
0x1ca: {  	s18 =	sshra.s32 s17, $0x2;
	s16 =	sadd.s32 $0x8, s16;
	[tilespmem:s15+$0x9990] =	vst v15;
	v15 =	vld [tilespmem:s15+$0x1C5E0]  }
0x1cb: {  	v18 =	vld [tilespmem:s18+$0x1C5F0];
	p0 =	slt.u32 s16, $0xC0;
	[tilespmem:s15+$0x99A0] =	vst v13  }
0x1cc: {  	v13 =	vld [tilespmem:s18+$0x1C400];
	[tilespmem:s15+$0x99B0] =	vst v14  }
0x1cd: {  	v14 =	vld [tilespmem:s18+$0x1C410];
	[tilespmem:s15+$0x99C0] =	vst v16  }
0x1ce: {  	v16 =	vld [tilespmem:s18+$0x1C420];
	[tilespmem:s15+$0x99D0] =	vst v17  }
0x1cf: {  	v17 =	vld [tilespmem:s18+$0x1C430];
	[tilespmem:s15+$0x99E0] =	vst v15;
	s15 =	smov.u32 s18  }
0x1d0: {  	v15 =	vld [tilespmem:s15+$0x1C440];
	[tilespmem:s15+$0x99F0] =	vst v18  }
0x1d1: {  	[tilespmem:s15+$0x9800] =	vst v13;
	v13 =	vld [tilespmem:s15+$0x1C450]  }
0x1d2: {  	[tilespmem:s15+$0x9810] =	vst v14;
	v14 =	vld [tilespmem:s15+$0x1C460]  }
0x1d3: {  	[tilespmem:s15+$0x9820] =	vst v16;
	v16 =	vld [tilespmem:s15+$0x1C470]  }
0x1d4: {  	[tilespmem:s15+$0x9830] =	vst v17;
	v17 =	vld [tilespmem:s15+$0x1C480]  }
0x1d5: {  	[tilespmem:s15+$0x9840] =	vst v15;
	v15 =	vld [tilespmem:s15+$0x1C490]  }
0x1d6: {  	[tilespmem:s15+$0x9850] =	vst v13;
	v13 =	vld [tilespmem:s15+$0x1C4A0]  }
0x1d7: {  	[tilespmem:s15+$0x9860] =	vst v14;
	v14 =	vld [tilespmem:s15+$0x1C4B0]  }
0x1d8: {  	[tilespmem:s15+$0x9870] =	vst v16;
	v16 =	vld [tilespmem:s15+$0x1C4C0]  }
0x1d9: {  	[tilespmem:s15+$0x9880] =	vst v17;
	v17 =	vld [tilespmem:s15+$0x1C4D0]  }
0x1da: {  	[tilespmem:s15+$0x9890] =	vst v15;
	v15 =	vld [tilespmem:s15+$0x1C4E0]  }
0x1db: {  	[tilespmem:s15+$0x98A0] =	vst v13;
	v13 =	vld [tilespmem:s15+$0x1C4F0]  }
0x1dc: {  	[tilespmem:s15+$0x98B0] =	vst v14;
	v14 =	vld [tilespmem:s15+$0x1C500]  }
0x1dd: {  	[tilespmem:s15+$0x98C0] =	vst v16;
	v16 =	vld [tilespmem:s15+$0x1C510]  }
0x1de: {  	[tilespmem:s15+$0x98D0] =	vst v17;
	v17 =	vld [tilespmem:s15+$0x1C520]  }
0x1df: {  	[tilespmem:s15+$0x98E0] =	vst v15;
	v15 =	vld [tilespmem:s15+$0x1C530]  }
0x1e0: {  	[tilespmem:s15+$0x98F0] =	vst v13;
	v13 =	vld [tilespmem:s15+$0x1C540]  }
0x1e1: {  	[tilespmem:s15+$0x9900] =	vst v14;
	v14 =	vld [tilespmem:s15+$0x1C550]  }
0x1e2: {  	[tilespmem:s15+$0x9910] =	vst v16;
	v16 =	vld [tilespmem:s15+$0x1C560]  }
0x1e3: {  	[tilespmem:s15+$0x9920] =	vst v17;
	v17 =	vld [tilespmem:s15+$0x1C570]  }
0x1e4: {  	[tilespmem:s15+$0x9930] =	vst v15;
	v18 =	vld [tilespmem:s15+$0x1C580]  }
.Ltmp4:
0x1e5: {  	[tilespmem:s15+$0x9940] =	vst v13;
	v15 =	vld [tilespmem:s15+$0x1C590];
	(pc) =	sbr.rel @p0 .LBB2_11-.Ltmp4, $4  }
0x1e6: {  	[tilespmem:s15+$0x9950] =	vst v14;
	v13 =	vld [tilespmem:s15+$0x1C5A0]  }
0x1e7: {  	[tilespmem:s15+$0x9960] =	vst v16;
	v14 =	vld [tilespmem:s15+$0x1C5B0]  }
0x1e8: {  	[tilespmem:s15+$0x9970] =	vst v17;
	v16 =	vld [tilespmem:s15+$0x1C5C0]  }
0x1e9: {  	s17 =	sadd.s32 $0x800, s17;
	[tilespmem:s15+$0x9980] =	vst v18;
	v17 =	vld [tilespmem:s15+$0x1C5D0]  }
0x1ea: {  	[tilespmem:s15+$0x9990] =	vst v15;
	v15 =	vld [tilespmem:s15+$0x1C5E0]  }
0x1eb: {  	[tilespmem:s15+$0x99A0] =	vst v13  }
0x1ec: {  	[tilespmem:s15+$0x99B0] =	vst v14  }
0x1ed: {  	[tilespmem:s15+$0x99C0] =	vst v16  }
0x1ee: {  	[tilespmem:s15+$0x99D0] =	vst v17  }
0x1ef: {  	[tilespmem:s15+$0x99E0] =	vst v15  }
0x1f0: {  	v13 =	vld [tilespmem:s14+$0x1C5F0]  }
0x1f1: {  	v14 =	vld [tilespmem:s14+$0x1C400]  }
0x1f2: {  	v15 =	vld [tilespmem:s14+$0x1C410]  }
0x1f3: {  	v16 =	vld [tilespmem:s14+$0x1C420]  }
0x1f4: {  	v17 =	vld [tilespmem:s14+$0x1C430]  }
0x1f5: {  	v18 =	vld [tilespmem:s14+$0x1C440];
	[tilespmem:s14+$0xCBF0] =	vst v13  }
0x1f6: {  	[tilespmem:s14+$0xCA00] =	vst v14;
	v13 =	vld [tilespmem:s14+$0x1C450]  }
0x1f7: {  	[tilespmem:s14+$0xCA10] =	vst v15;
	v14 =	vld [tilespmem:s14+$0x1C460]  }
0x1f8: {  	[tilespmem:s14+$0xCA20] =	vst v16;
	v15 =	vld [tilespmem:s14+$0x1C470]  }
0x1f9: {  	[tilespmem:s14+$0xCA30] =	vst v17;
	v16 =	vld [tilespmem:s14+$0x1C480]  }
0x1fa: {  	[tilespmem:s14+$0xCA40] =	vst v18;
	v17 =	vld [tilespmem:s14+$0x1C490]  }
0x1fb: {  	v18 =	vld [tilespmem:s14+$0x1C560];
	[tilespmem:s14+$0xCA50] =	vst v13  }
0x1fc: {  	v13 =	vld [tilespmem:s14+$0x1C4A0];
	[tilespmem:s14+$0xCA60] =	vst v14  }
0x1fd: {  	v14 =	vld [tilespmem:s14+$0x1C4B0];
	[tilespmem:s14+$0xCA70] =	vst v15  }
0x1fe: {  	[tilespmem:s14+$0xCA80] =	vst v16;
	v16 =	vld [tilespmem:s14+$0x1C4D0]  }
0x1ff: {  	[tilespmem:s14+$0xCA90] =	vst v17;
	v17 =	vld [tilespmem:s14+$0x1C4E0]  }
0x200: {  	v15 =	vld [tilespmem:s14+$0x1C4C0];
	[tilespmem:s14+$0xCB60] =	vst v18  }
0x201: {  	[tilespmem:s14+$0xCAA0] =	vst v13;
	v13 =	vld [tilespmem:s14+$0x1C4F0]  }
0x202: {  	[tilespmem:s14+$0xCAB0] =	vst v14;
	v14 =	vld [tilespmem:s14+$0x1C500]  }
0x203: {  	[tilespmem:s14+$0xCAD0] =	vst v16;
	v16 =	vld [tilespmem:s14+$0x1C520]  }
0x204: {  	[tilespmem:s14+$0xCAE0] =	vst v17;
	v17 =	vld [tilespmem:s14+$0x1C530]  }
0x205: {  	[tilespmem:s14+$0xCAC0] =	vst v15;
	v15 =	vld [tilespmem:s14+$0x1C510]  }
0x206: {  	[tilespmem:s14+$0xCAF0] =	vst v13;
	v13 =	vld [tilespmem:s14+$0x1C540]  }
0x207: {  	[tilespmem:s14+$0xCB00] =	vst v14;
	v14 =	vld [tilespmem:s14+$0x1C550]  }
0x208: {  	[tilespmem:s14+$0xCB20] =	vst v16;
	v16 =	vld [tilespmem:s14+$0x1C570]  }
0x209: {  	[tilespmem:s14+$0xCB30] =	vst v17;
	v17 =	vld [tilespmem:s14+$0x1C580]  }
0x20a: {  	[tilespmem:s14+$0xCB10] =	vst v15;
	v15 =	vld [tilespmem:s14+$0x1C590]  }
0x20b: {  	[tilespmem:s14+$0xCB40] =	vst v13;
	v13 =	vld [tilespmem:s14+$0x1C5A0]  }
0x20c: {  	[tilespmem:s14+$0xCB50] =	vst v14;
	v14 =	vld [tilespmem:s14+$0x1C5B0]  }
0x20d: {  	[tilespmem:s14+$0xCB70] =	vst v16;
	v16 =	vld [tilespmem:s14+$0x1C5C0]  }
0x20e: {  	s16 =	simm.s32 $0x800;
	s15 =	simm.s32 $0x0;
	[tilespmem:s14+$0xCB80] =	vst v17;
	v17 =	vld [tilespmem:s14+$0x1C5D0]  }
.LBB2_13:
0x20f: {  	s17 =	sshra.s32 s16, $0x2;
	s15 =	sadd.s32 $0x8, s15;
	[tilespmem:s14+$0xCB90] =	vst v15;
	v15 =	vld [tilespmem:s14+$0x1C5E0]  }
0x210: {  	v18 =	vld [tilespmem:s17+$0x1C5F0];
	p0 =	slt.u32 s15, $0xC0;
	[tilespmem:s14+$0xCBA0] =	vst v13  }
0x211: {  	v13 =	vld [tilespmem:s17+$0x1C400];
	[tilespmem:s14+$0xCBB0] =	vst v14  }
0x212: {  	v14 =	vld [tilespmem:s17+$0x1C410];
	[tilespmem:s14+$0xCBC0] =	vst v16  }
0x213: {  	v16 =	vld [tilespmem:s17+$0x1C420];
	[tilespmem:s14+$0xCBD0] =	vst v17  }
0x214: {  	v17 =	vld [tilespmem:s17+$0x1C430];
	[tilespmem:s14+$0xCBE0] =	vst v15;
	s14 =	smov.u32 s17  }
0x215: {  	v15 =	vld [tilespmem:s14+$0x1C440];
	[tilespmem:s14+$0xCBF0] =	vst v18  }
0x216: {  	[tilespmem:s14+$0xCA00] =	vst v13;
	v13 =	vld [tilespmem:s14+$0x1C450]  }
0x217: {  	[tilespmem:s14+$0xCA10] =	vst v14;
	v14 =	vld [tilespmem:s14+$0x1C460]  }
0x218: {  	[tilespmem:s14+$0xCA20] =	vst v16;
	v16 =	vld [tilespmem:s14+$0x1C470]  }
0x219: {  	[tilespmem:s14+$0xCA30] =	vst v17;
	v17 =	vld [tilespmem:s14+$0x1C480]  }
0x21a: {  	[tilespmem:s14+$0xCA40] =	vst v15;
	v15 =	vld [tilespmem:s14+$0x1C490]  }
0x21b: {  	[tilespmem:s14+$0xCA50] =	vst v13;
	v13 =	vld [tilespmem:s14+$0x1C4A0]  }
0x21c: {  	[tilespmem:s14+$0xCA60] =	vst v14;
	v14 =	vld [tilespmem:s14+$0x1C4B0]  }
0x21d: {  	[tilespmem:s14+$0xCA70] =	vst v16;
	v16 =	vld [tilespmem:s14+$0x1C4C0]  }
0x21e: {  	[tilespmem:s14+$0xCA80] =	vst v17;
	v17 =	vld [tilespmem:s14+$0x1C4D0]  }
0x21f: {  	[tilespmem:s14+$0xCA90] =	vst v15;
	v15 =	vld [tilespmem:s14+$0x1C4E0]  }
0x220: {  	[tilespmem:s14+$0xCAA0] =	vst v13;
	v13 =	vld [tilespmem:s14+$0x1C4F0]  }
0x221: {  	[tilespmem:s14+$0xCAB0] =	vst v14;
	v14 =	vld [tilespmem:s14+$0x1C500]  }
0x222: {  	[tilespmem:s14+$0xCAC0] =	vst v16;
	v16 =	vld [tilespmem:s14+$0x1C510]  }
0x223: {  	[tilespmem:s14+$0xCAD0] =	vst v17;
	v17 =	vld [tilespmem:s14+$0x1C520]  }
0x224: {  	[tilespmem:s14+$0xCAE0] =	vst v15;
	v15 =	vld [tilespmem:s14+$0x1C530]  }
0x225: {  	[tilespmem:s14+$0xCAF0] =	vst v13;
	v13 =	vld [tilespmem:s14+$0x1C540]  }
0x226: {  	[tilespmem:s14+$0xCB00] =	vst v14;
	v14 =	vld [tilespmem:s14+$0x1C550]  }
0x227: {  	[tilespmem:s14+$0xCB10] =	vst v16;
	v16 =	vld [tilespmem:s14+$0x1C560]  }
0x228: {  	[tilespmem:s14+$0xCB20] =	vst v17;
	v17 =	vld [tilespmem:s14+$0x1C570]  }
0x229: {  	[tilespmem:s14+$0xCB30] =	vst v15;
	v18 =	vld [tilespmem:s14+$0x1C580]  }
.Ltmp5:
0x22a: {  	[tilespmem:s14+$0xCB40] =	vst v13;
	v15 =	vld [tilespmem:s14+$0x1C590];
	(pc) =	sbr.rel @p0 .LBB2_13-.Ltmp5, $4  }
0x22b: {  	[tilespmem:s14+$0xCB50] =	vst v14;
	v13 =	vld [tilespmem:s14+$0x1C5A0]  }
0x22c: {  	[tilespmem:s14+$0xCB60] =	vst v16;
	v14 =	vld [tilespmem:s14+$0x1C5B0]  }
0x22d: {  	[tilespmem:s14+$0xCB70] =	vst v17;
	v16 =	vld [tilespmem:s14+$0x1C5C0]  }
0x22e: {  	s16 =	sadd.s32 $0x800, s16;
	[tilespmem:s14+$0xCB80] =	vst v18;
	v17 =	vld [tilespmem:s14+$0x1C5D0]  }
0x22f: {  	[tilespmem:s14+$0xCB90] =	vst v15;
	v15 =	vld [tilespmem:s14+$0x1C5E0]  }
0x230: {  	[tilespmem:s14+$0xCBA0] =	vst v13  }
0x231: {  	[tilespmem:s14+$0xCBB0] =	vst v14  }
0x232: {  	[tilespmem:s14+$0xCBC0] =	vst v16  }
0x233: {  	[tilespmem:s14+$0xCBD0] =	vst v17  }
0x234: {  	[tilespmem:s14+$0xCBE0] =	vst v15;
	s14 =	simm.s32 $0x0  }
0x235: {  	v13 =	vld [tilespmem:s14+$0x1C5F0]  }
0x236: {  	v14 =	vld [tilespmem:s14+$0x1C400]  }
0x237: {  	v15 =	vld [tilespmem:s14+$0x1C410]  }
0x238: {  	v16 =	vld [tilespmem:s14+$0x1C420]  }
0x239: {  	v17 =	vld [tilespmem:s14+$0x1C430]  }
0x23a: {  	v18 =	vld [tilespmem:s14+$0x1C440];
	[tilespmem:s14+$0xFDF0] =	vst v13  }
0x23b: {  	[tilespmem:s14+$0xFC00] =	vst v14;
	v13 =	vld [tilespmem:s14+$0x1C450]  }
0x23c: {  	[tilespmem:s14+$0xFC10] =	vst v15;
	v14 =	vld [tilespmem:s14+$0x1C460]  }
0x23d: {  	[tilespmem:s14+$0xFC20] =	vst v16;
	v15 =	vld [tilespmem:s14+$0x1C470]  }
0x23e: {  	[tilespmem:s14+$0xFC30] =	vst v17;
	v16 =	vld [tilespmem:s14+$0x1C480]  }
0x23f: {  	[tilespmem:s14+$0xFC40] =	vst v18;
	v17 =	vld [tilespmem:s14+$0x1C490]  }
0x240: {  	v18 =	vld [tilespmem:s14+$0x1C560];
	[tilespmem:s14+$0xFC50] =	vst v13  }
0x241: {  	v13 =	vld [tilespmem:s14+$0x1C4A0];
	[tilespmem:s14+$0xFC60] =	vst v14  }
0x242: {  	v14 =	vld [tilespmem:s14+$0x1C4B0];
	[tilespmem:s14+$0xFC70] =	vst v15  }
0x243: {  	[tilespmem:s14+$0xFC80] =	vst v16;
	v16 =	vld [tilespmem:s14+$0x1C4D0]  }
0x244: {  	[tilespmem:s14+$0xFC90] =	vst v17;
	v17 =	vld [tilespmem:s14+$0x1C4E0]  }
0x245: {  	v15 =	vld [tilespmem:s14+$0x1C4C0];
	[tilespmem:s14+$0xFD60] =	vst v18  }
0x246: {  	[tilespmem:s14+$0xFCA0] =	vst v13;
	v13 =	vld [tilespmem:s14+$0x1C4F0]  }
0x247: {  	[tilespmem:s14+$0xFCB0] =	vst v14;
	v14 =	vld [tilespmem:s14+$0x1C500]  }
0x248: {  	[tilespmem:s14+$0xFCD0] =	vst v16;
	v16 =	vld [tilespmem:s14+$0x1C520]  }
0x249: {  	[tilespmem:s14+$0xFCE0] =	vst v17;
	v17 =	vld [tilespmem:s14+$0x1C530]  }
0x24a: {  	[tilespmem:s14+$0xFCC0] =	vst v15;
	v15 =	vld [tilespmem:s14+$0x1C510]  }
0x24b: {  	[tilespmem:s14+$0xFCF0] =	vst v13;
	v13 =	vld [tilespmem:s14+$0x1C540]  }
0x24c: {  	[tilespmem:s14+$0xFD00] =	vst v14;
	v14 =	vld [tilespmem:s14+$0x1C550]  }
0x24d: {  	[tilespmem:s14+$0xFD20] =	vst v16;
	v16 =	vld [tilespmem:s14+$0x1C570]  }
0x24e: {  	[tilespmem:s14+$0xFD30] =	vst v17;
	v17 =	vld [tilespmem:s14+$0x1C580]  }
0x24f: {  	[tilespmem:s14+$0xFD10] =	vst v15;
	v15 =	vld [tilespmem:s14+$0x1C590]  }
0x250: {  	[tilespmem:s14+$0xFD40] =	vst v13;
	v13 =	vld [tilespmem:s14+$0x1C5A0]  }
0x251: {  	[tilespmem:s14+$0xFD50] =	vst v14;
	v14 =	vld [tilespmem:s14+$0x1C5B0]  }
0x252: {  	[tilespmem:s14+$0xFD70] =	vst v16;
	v16 =	vld [tilespmem:s14+$0x1C5C0]  }
0x253: {  	s16 =	simm.s32 $0x0;
	s17 =	simm.s32 $0x800;
	s15 =	simm.s32 $0x0;
	[tilespmem:s14+$0xFD80] =	vst v17;
	v17 =	vld [tilespmem:s14+$0x1C5D0]  }
.LBB2_15:
0x254: {  	s18 =	sshra.s32 s17, $0x2;
	s16 =	sadd.s32 $0x8, s16;
	[tilespmem:s15+$0xFD90] =	vst v15;
	v15 =	vld [tilespmem:s15+$0x1C5E0]  }
0x255: {  	v18 =	vld [tilespmem:s18+$0x1C5F0];
	p0 =	slt.u32 s16, $0xC0;
	[tilespmem:s15+$0xFDA0] =	vst v13  }
0x256: {  	v13 =	vld [tilespmem:s18+$0x1C400];
	[tilespmem:s15+$0xFDB0] =	vst v14  }
0x257: {  	v14 =	vld [tilespmem:s18+$0x1C410];
	[tilespmem:s15+$0xFDC0] =	vst v16  }
0x258: {  	v16 =	vld [tilespmem:s18+$0x1C420];
	[tilespmem:s15+$0xFDD0] =	vst v17  }
0x259: {  	v17 =	vld [tilespmem:s18+$0x1C430];
	[tilespmem:s15+$0xFDE0] =	vst v15;
	s15 =	smov.u32 s18  }
0x25a: {  	v15 =	vld [tilespmem:s15+$0x1C440];
	[tilespmem:s15+$0xFDF0] =	vst v18  }
0x25b: {  	[tilespmem:s15+$0xFC00] =	vst v13;
	v13 =	vld [tilespmem:s15+$0x1C450]  }
0x25c: {  	[tilespmem:s15+$0xFC10] =	vst v14;
	v14 =	vld [tilespmem:s15+$0x1C460]  }
0x25d: {  	[tilespmem:s15+$0xFC20] =	vst v16;
	v16 =	vld [tilespmem:s15+$0x1C470]  }
0x25e: {  	[tilespmem:s15+$0xFC30] =	vst v17;
	v17 =	vld [tilespmem:s15+$0x1C480]  }
0x25f: {  	[tilespmem:s15+$0xFC40] =	vst v15;
	v15 =	vld [tilespmem:s15+$0x1C490]  }
0x260: {  	[tilespmem:s15+$0xFC50] =	vst v13;
	v13 =	vld [tilespmem:s15+$0x1C4A0]  }
0x261: {  	[tilespmem:s15+$0xFC60] =	vst v14;
	v14 =	vld [tilespmem:s15+$0x1C4B0]  }
0x262: {  	[tilespmem:s15+$0xFC70] =	vst v16;
	v16 =	vld [tilespmem:s15+$0x1C4C0]  }
0x263: {  	[tilespmem:s15+$0xFC80] =	vst v17;
	v17 =	vld [tilespmem:s15+$0x1C4D0]  }
0x264: {  	[tilespmem:s15+$0xFC90] =	vst v15;
	v15 =	vld [tilespmem:s15+$0x1C4E0]  }
0x265: {  	[tilespmem:s15+$0xFCA0] =	vst v13;
	v13 =	vld [tilespmem:s15+$0x1C4F0]  }
0x266: {  	[tilespmem:s15+$0xFCB0] =	vst v14;
	v14 =	vld [tilespmem:s15+$0x1C500]  }
0x267: {  	[tilespmem:s15+$0xFCC0] =	vst v16;
	v16 =	vld [tilespmem:s15+$0x1C510]  }
0x268: {  	[tilespmem:s15+$0xFCD0] =	vst v17;
	v17 =	vld [tilespmem:s15+$0x1C520]  }
0x269: {  	[tilespmem:s15+$0xFCE0] =	vst v15;
	v15 =	vld [tilespmem:s15+$0x1C530]  }
0x26a: {  	[tilespmem:s15+$0xFCF0] =	vst v13;
	v13 =	vld [tilespmem:s15+$0x1C540]  }
0x26b: {  	[tilespmem:s15+$0xFD00] =	vst v14;
	v14 =	vld [tilespmem:s15+$0x1C550]  }
0x26c: {  	[tilespmem:s15+$0xFD10] =	vst v16;
	v16 =	vld [tilespmem:s15+$0x1C560]  }
0x26d: {  	[tilespmem:s15+$0xFD20] =	vst v17;
	v17 =	vld [tilespmem:s15+$0x1C570]  }
0x26e: {  	[tilespmem:s15+$0xFD30] =	vst v15;
	v18 =	vld [tilespmem:s15+$0x1C580]  }
.Ltmp6:
0x26f: {  	[tilespmem:s15+$0xFD40] =	vst v13;
	v15 =	vld [tilespmem:s15+$0x1C590];
	(pc) =	sbr.rel @p0 .LBB2_15-.Ltmp6, $4  }
0x270: {  	[tilespmem:s15+$0xFD50] =	vst v14;
	v13 =	vld [tilespmem:s15+$0x1C5A0]  }
0x271: {  	[tilespmem:s15+$0xFD60] =	vst v16;
	v14 =	vld [tilespmem:s15+$0x1C5B0]  }
0x272: {  	[tilespmem:s15+$0xFD70] =	vst v17;
	v16 =	vld [tilespmem:s15+$0x1C5C0]  }
0x273: {  	s17 =	sadd.s32 $0x800, s17;
	[tilespmem:s15+$0xFD80] =	vst v18;
	v17 =	vld [tilespmem:s15+$0x1C5D0]  }
0x274: {  	[tilespmem:s15+$0xFD90] =	vst v15;
	v15 =	vld [tilespmem:s15+$0x1C5E0]  }
0x275: {  	[tilespmem:s15+$0xFDA0] =	vst v13  }
0x276: {  	[tilespmem:s15+$0xFDB0] =	vst v14  }
0x277: {  	[tilespmem:s15+$0xFDC0] =	vst v16  }
0x278: {  	[tilespmem:s15+$0xFDD0] =	vst v17  }
0x279: {  	[tilespmem:s15+$0xFDE0] =	vst v15  }
0x27a: {  	v13 =	vld [tilespmem:s14+$0x1C5F0]  }
0x27b: {  	v14 =	vld [tilespmem:s14+$0x1C400]  }
0x27c: {  	v15 =	vld [tilespmem:s14+$0x1C410]  }
0x27d: {  	v16 =	vld [tilespmem:s14+$0x1C420]  }
0x27e: {  	v17 =	vld [tilespmem:s14+$0x1C430]  }
0x27f: {  	v18 =	vld [tilespmem:s14+$0x1C440];
	[tilespmem:s14+$0x12FF0] =	vst v13  }
0x280: {  	[tilespmem:s14+$0x12E00] =	vst v14;
	v13 =	vld [tilespmem:s14+$0x1C450]  }
0x281: {  	[tilespmem:s14+$0x12E10] =	vst v15;
	v14 =	vld [tilespmem:s14+$0x1C460]  }
0x282: {  	[tilespmem:s14+$0x12E20] =	vst v16;
	v15 =	vld [tilespmem:s14+$0x1C470]  }
0x283: {  	[tilespmem:s14+$0x12E30] =	vst v17;
	v16 =	vld [tilespmem:s14+$0x1C480]  }
0x284: {  	[tilespmem:s14+$0x12E40] =	vst v18;
	v17 =	vld [tilespmem:s14+$0x1C490]  }
0x285: {  	v18 =	vld [tilespmem:s14+$0x1C560];
	[tilespmem:s14+$0x12E50] =	vst v13  }
0x286: {  	v13 =	vld [tilespmem:s14+$0x1C4A0];
	[tilespmem:s14+$0x12E60] =	vst v14  }
0x287: {  	v14 =	vld [tilespmem:s14+$0x1C4B0];
	[tilespmem:s14+$0x12E70] =	vst v15  }
0x288: {  	[tilespmem:s14+$0x12E80] =	vst v16;
	v16 =	vld [tilespmem:s14+$0x1C4D0]  }
0x289: {  	[tilespmem:s14+$0x12E90] =	vst v17;
	v17 =	vld [tilespmem:s14+$0x1C4E0]  }
0x28a: {  	v15 =	vld [tilespmem:s14+$0x1C4C0];
	[tilespmem:s14+$0x12F60] =	vst v18  }
0x28b: {  	[tilespmem:s14+$0x12EA0] =	vst v13;
	v13 =	vld [tilespmem:s14+$0x1C4F0]  }
0x28c: {  	[tilespmem:s14+$0x12EB0] =	vst v14;
	v14 =	vld [tilespmem:s14+$0x1C500]  }
0x28d: {  	[tilespmem:s14+$0x12ED0] =	vst v16;
	v16 =	vld [tilespmem:s14+$0x1C520]  }
0x28e: {  	[tilespmem:s14+$0x12EE0] =	vst v17;
	v17 =	vld [tilespmem:s14+$0x1C530]  }
0x28f: {  	[tilespmem:s14+$0x12EC0] =	vst v15;
	v15 =	vld [tilespmem:s14+$0x1C510]  }
0x290: {  	[tilespmem:s14+$0x12EF0] =	vst v13;
	v13 =	vld [tilespmem:s14+$0x1C540]  }
0x291: {  	[tilespmem:s14+$0x12F00] =	vst v14;
	v14 =	vld [tilespmem:s14+$0x1C550]  }
0x292: {  	[tilespmem:s14+$0x12F20] =	vst v16;
	v16 =	vld [tilespmem:s14+$0x1C570]  }
0x293: {  	[tilespmem:s14+$0x12F30] =	vst v17;
	v17 =	vld [tilespmem:s14+$0x1C580]  }
0x294: {  	[tilespmem:s14+$0x12F10] =	vst v15;
	v15 =	vld [tilespmem:s14+$0x1C590]  }
0x295: {  	[tilespmem:s14+$0x12F40] =	vst v13;
	v13 =	vld [tilespmem:s14+$0x1C5A0]  }
0x296: {  	[tilespmem:s14+$0x12F50] =	vst v14;
	v14 =	vld [tilespmem:s14+$0x1C5B0]  }
0x297: {  	[tilespmem:s14+$0x12F70] =	vst v16;
	v16 =	vld [tilespmem:s14+$0x1C5C0]  }
0x298: {  	s16 =	simm.s32 $0x800;
	s15 =	simm.s32 $0x0;
	[tilespmem:s14+$0x12F80] =	vst v17;
	v17 =	vld [tilespmem:s14+$0x1C5D0]  }
.LBB2_17:
0x299: {  	s17 =	sshra.s32 s16, $0x2;
	s15 =	sadd.s32 $0x8, s15;
	[tilespmem:s14+$0x12F90] =	vst v15;
	v15 =	vld [tilespmem:s14+$0x1C5E0]  }
0x29a: {  	v18 =	vld [tilespmem:s17+$0x1C5F0];
	p0 =	slt.u32 s15, $0xC0;
	[tilespmem:s14+$0x12FA0] =	vst v13  }
0x29b: {  	v13 =	vld [tilespmem:s17+$0x1C400];
	[tilespmem:s14+$0x12FB0] =	vst v14  }
0x29c: {  	v14 =	vld [tilespmem:s17+$0x1C410];
	[tilespmem:s14+$0x12FC0] =	vst v16  }
0x29d: {  	v16 =	vld [tilespmem:s17+$0x1C420];
	[tilespmem:s14+$0x12FD0] =	vst v17  }
0x29e: {  	v17 =	vld [tilespmem:s17+$0x1C430];
	[tilespmem:s14+$0x12FE0] =	vst v15;
	s14 =	smov.u32 s17  }
0x29f: {  	v15 =	vld [tilespmem:s14+$0x1C440];
	[tilespmem:s14+$0x12FF0] =	vst v18  }
0x2a0: {  	[tilespmem:s14+$0x12E00] =	vst v13;
	v13 =	vld [tilespmem:s14+$0x1C450]  }
0x2a1: {  	[tilespmem:s14+$0x12E10] =	vst v14;
	v14 =	vld [tilespmem:s14+$0x1C460]  }
0x2a2: {  	[tilespmem:s14+$0x12E20] =	vst v16;
	v16 =	vld [tilespmem:s14+$0x1C470]  }
0x2a3: {  	[tilespmem:s14+$0x12E30] =	vst v17;
	v17 =	vld [tilespmem:s14+$0x1C480]  }
0x2a4: {  	[tilespmem:s14+$0x12E40] =	vst v15;
	v15 =	vld [tilespmem:s14+$0x1C490]  }
0x2a5: {  	[tilespmem:s14+$0x12E50] =	vst v13;
	v13 =	vld [tilespmem:s14+$0x1C4A0]  }
0x2a6: {  	[tilespmem:s14+$0x12E60] =	vst v14;
	v14 =	vld [tilespmem:s14+$0x1C4B0]  }
0x2a7: {  	[tilespmem:s14+$0x12E70] =	vst v16;
	v16 =	vld [tilespmem:s14+$0x1C4C0]  }
0x2a8: {  	[tilespmem:s14+$0x12E80] =	vst v17;
	v17 =	vld [tilespmem:s14+$0x1C4D0]  }
0x2a9: {  	[tilespmem:s14+$0x12E90] =	vst v15;
	v15 =	vld [tilespmem:s14+$0x1C4E0]  }
0x2aa: {  	[tilespmem:s14+$0x12EA0] =	vst v13;
	v13 =	vld [tilespmem:s14+$0x1C4F0]  }
0x2ab: {  	[tilespmem:s14+$0x12EB0] =	vst v14;
	v14 =	vld [tilespmem:s14+$0x1C500]  }
0x2ac: {  	[tilespmem:s14+$0x12EC0] =	vst v16;
	v16 =	vld [tilespmem:s14+$0x1C510]  }
0x2ad: {  	[tilespmem:s14+$0x12ED0] =	vst v17;
	v17 =	vld [tilespmem:s14+$0x1C520]  }
0x2ae: {  	[tilespmem:s14+$0x12EE0] =	vst v15;
	v15 =	vld [tilespmem:s14+$0x1C530]  }
0x2af: {  	[tilespmem:s14+$0x12EF0] =	vst v13;
	v13 =	vld [tilespmem:s14+$0x1C540]  }
0x2b0: {  	[tilespmem:s14+$0x12F00] =	vst v14;
	v14 =	vld [tilespmem:s14+$0x1C550]  }
0x2b1: {  	[tilespmem:s14+$0x12F10] =	vst v16;
	v16 =	vld [tilespmem:s14+$0x1C560]  }
0x2b2: {  	[tilespmem:s14+$0x12F20] =	vst v17;
	v17 =	vld [tilespmem:s14+$0x1C570]  }
0x2b3: {  	[tilespmem:s14+$0x12F30] =	vst v15;
	v18 =	vld [tilespmem:s14+$0x1C580]  }
.Ltmp7:
0x2b4: {  	[tilespmem:s14+$0x12F40] =	vst v13;
	v15 =	vld [tilespmem:s14+$0x1C590];
	(pc) =	sbr.rel @p0 .LBB2_17-.Ltmp7, $4  }
0x2b5: {  	[tilespmem:s14+$0x12F50] =	vst v14;
	v13 =	vld [tilespmem:s14+$0x1C5A0]  }
0x2b6: {  	[tilespmem:s14+$0x12F60] =	vst v16;
	v14 =	vld [tilespmem:s14+$0x1C5B0]  }
0x2b7: {  	[tilespmem:s14+$0x12F70] =	vst v17;
	v16 =	vld [tilespmem:s14+$0x1C5C0]  }
0x2b8: {  	s16 =	sadd.s32 $0x800, s16;
	[tilespmem:s14+$0x12F80] =	vst v18;
	v17 =	vld [tilespmem:s14+$0x1C5D0]  }
0x2b9: {  	[tilespmem:s14+$0x12F90] =	vst v15;
	v15 =	vld [tilespmem:s14+$0x1C5E0]  }
0x2ba: {  	[tilespmem:s14+$0x12FA0] =	vst v13  }
0x2bb: {  	[tilespmem:s14+$0x12FB0] =	vst v14  }
0x2bc: {  	[tilespmem:s14+$0x12FC0] =	vst v16  }
0x2bd: {  	[tilespmem:s14+$0x12FD0] =	vst v17  }
0x2be: {  	[tilespmem:s14+$0x12FE0] =	vst v15;
	s14 =	simm.s32 $0x0  }
0x2bf: {  	v13 =	vld [tilespmem:s14+$0x1C5F0]  }
0x2c0: {  	v14 =	vld [tilespmem:s14+$0x1C400]  }
0x2c1: {  	v15 =	vld [tilespmem:s14+$0x1C410]  }
0x2c2: {  	v16 =	vld [tilespmem:s14+$0x1C420]  }
0x2c3: {  	v17 =	vld [tilespmem:s14+$0x1C430]  }
0x2c4: {  	v18 =	vld [tilespmem:s14+$0x1C440];
	[tilespmem:s14+$0x161F0] =	vst v13  }
0x2c5: {  	[tilespmem:s14+$0x16000] =	vst v14;
	v13 =	vld [tilespmem:s14+$0x1C450]  }
0x2c6: {  	[tilespmem:s14+$0x16010] =	vst v15;
	v14 =	vld [tilespmem:s14+$0x1C460]  }
0x2c7: {  	[tilespmem:s14+$0x16020] =	vst v16;
	v15 =	vld [tilespmem:s14+$0x1C470]  }
0x2c8: {  	[tilespmem:s14+$0x16030] =	vst v17;
	v16 =	vld [tilespmem:s14+$0x1C480]  }
0x2c9: {  	[tilespmem:s14+$0x16040] =	vst v18;
	v17 =	vld [tilespmem:s14+$0x1C490]  }
0x2ca: {  	v18 =	vld [tilespmem:s14+$0x1C560];
	[tilespmem:s14+$0x16050] =	vst v13  }
0x2cb: {  	v13 =	vld [tilespmem:s14+$0x1C4A0];
	[tilespmem:s14+$0x16060] =	vst v14  }
0x2cc: {  	v14 =	vld [tilespmem:s14+$0x1C4B0];
	[tilespmem:s14+$0x16070] =	vst v15  }
0x2cd: {  	[tilespmem:s14+$0x16080] =	vst v16;
	v16 =	vld [tilespmem:s14+$0x1C4D0]  }
0x2ce: {  	[tilespmem:s14+$0x16090] =	vst v17;
	v17 =	vld [tilespmem:s14+$0x1C4E0]  }
0x2cf: {  	v15 =	vld [tilespmem:s14+$0x1C4C0];
	[tilespmem:s14+$0x16160] =	vst v18  }
0x2d0: {  	[tilespmem:s14+$0x160A0] =	vst v13;
	v13 =	vld [tilespmem:s14+$0x1C4F0]  }
0x2d1: {  	[tilespmem:s14+$0x160B0] =	vst v14;
	v14 =	vld [tilespmem:s14+$0x1C500]  }
0x2d2: {  	[tilespmem:s14+$0x160D0] =	vst v16;
	v16 =	vld [tilespmem:s14+$0x1C520]  }
0x2d3: {  	[tilespmem:s14+$0x160E0] =	vst v17;
	v17 =	vld [tilespmem:s14+$0x1C530]  }
0x2d4: {  	[tilespmem:s14+$0x160C0] =	vst v15;
	v15 =	vld [tilespmem:s14+$0x1C510]  }
0x2d5: {  	[tilespmem:s14+$0x160F0] =	vst v13;
	v13 =	vld [tilespmem:s14+$0x1C540]  }
0x2d6: {  	[tilespmem:s14+$0x16100] =	vst v14;
	v14 =	vld [tilespmem:s14+$0x1C550]  }
0x2d7: {  	[tilespmem:s14+$0x16120] =	vst v16;
	v16 =	vld [tilespmem:s14+$0x1C570]  }
0x2d8: {  	[tilespmem:s14+$0x16130] =	vst v17;
	v17 =	vld [tilespmem:s14+$0x1C580]  }
0x2d9: {  	[tilespmem:s14+$0x16110] =	vst v15;
	v15 =	vld [tilespmem:s14+$0x1C590]  }
0x2da: {  	[tilespmem:s14+$0x16140] =	vst v13;
	v13 =	vld [tilespmem:s14+$0x1C5A0]  }
0x2db: {  	[tilespmem:s14+$0x16150] =	vst v14;
	v14 =	vld [tilespmem:s14+$0x1C5B0]  }
0x2dc: {  	[tilespmem:s14+$0x16170] =	vst v16;
	v16 =	vld [tilespmem:s14+$0x1C5C0]  }
0x2dd: {  	s16 =	simm.s32 $0x0;
	s17 =	simm.s32 $0x800;
	s15 =	simm.s32 $0x0;
	[tilespmem:s14+$0x16180] =	vst v17;
	v17 =	vld [tilespmem:s14+$0x1C5D0]  }
.LBB2_19:
0x2de: {  	s18 =	sshra.s32 s17, $0x2;
	s16 =	sadd.s32 $0x8, s16;
	[tilespmem:s15+$0x16190] =	vst v15;
	v15 =	vld [tilespmem:s15+$0x1C5E0]  }
0x2df: {  	v18 =	vld [tilespmem:s18+$0x1C5F0];
	p0 =	slt.u32 s16, $0xC0;
	[tilespmem:s15+$0x161A0] =	vst v13  }
0x2e0: {  	v13 =	vld [tilespmem:s18+$0x1C400];
	[tilespmem:s15+$0x161B0] =	vst v14  }
0x2e1: {  	v14 =	vld [tilespmem:s18+$0x1C410];
	[tilespmem:s15+$0x161C0] =	vst v16  }
0x2e2: {  	v16 =	vld [tilespmem:s18+$0x1C420];
	[tilespmem:s15+$0x161D0] =	vst v17  }
0x2e3: {  	v17 =	vld [tilespmem:s18+$0x1C430];
	[tilespmem:s15+$0x161E0] =	vst v15;
	s15 =	smov.u32 s18  }
0x2e4: {  	v15 =	vld [tilespmem:s15+$0x1C440];
	[tilespmem:s15+$0x161F0] =	vst v18  }
0x2e5: {  	[tilespmem:s15+$0x16000] =	vst v13;
	v13 =	vld [tilespmem:s15+$0x1C450]  }
0x2e6: {  	[tilespmem:s15+$0x16010] =	vst v14;
	v14 =	vld [tilespmem:s15+$0x1C460]  }
0x2e7: {  	[tilespmem:s15+$0x16020] =	vst v16;
	v16 =	vld [tilespmem:s15+$0x1C470]  }
0x2e8: {  	[tilespmem:s15+$0x16030] =	vst v17;
	v17 =	vld [tilespmem:s15+$0x1C480]  }
0x2e9: {  	[tilespmem:s15+$0x16040] =	vst v15;
	v15 =	vld [tilespmem:s15+$0x1C490]  }
0x2ea: {  	[tilespmem:s15+$0x16050] =	vst v13;
	v13 =	vld [tilespmem:s15+$0x1C4A0]  }
0x2eb: {  	[tilespmem:s15+$0x16060] =	vst v14;
	v14 =	vld [tilespmem:s15+$0x1C4B0]  }
0x2ec: {  	[tilespmem:s15+$0x16070] =	vst v16;
	v16 =	vld [tilespmem:s15+$0x1C4C0]  }
0x2ed: {  	[tilespmem:s15+$0x16080] =	vst v17;
	v17 =	vld [tilespmem:s15+$0x1C4D0]  }
0x2ee: {  	[tilespmem:s15+$0x16090] =	vst v15;
	v15 =	vld [tilespmem:s15+$0x1C4E0]  }
0x2ef: {  	[tilespmem:s15+$0x160A0] =	vst v13;
	v13 =	vld [tilespmem:s15+$0x1C4F0]  }
0x2f0: {  	[tilespmem:s15+$0x160B0] =	vst v14;
	v14 =	vld [tilespmem:s15+$0x1C500]  }
0x2f1: {  	[tilespmem:s15+$0x160C0] =	vst v16;
	v16 =	vld [tilespmem:s15+$0x1C510]  }
0x2f2: {  	[tilespmem:s15+$0x160D0] =	vst v17;
	v17 =	vld [tilespmem:s15+$0x1C520]  }
0x2f3: {  	[tilespmem:s15+$0x160E0] =	vst v15;
	v15 =	vld [tilespmem:s15+$0x1C530]  }
0x2f4: {  	[tilespmem:s15+$0x160F0] =	vst v13;
	v13 =	vld [tilespmem:s15+$0x1C540]  }
0x2f5: {  	[tilespmem:s15+$0x16100] =	vst v14;
	v14 =	vld [tilespmem:s15+$0x1C550]  }
0x2f6: {  	[tilespmem:s15+$0x16110] =	vst v16;
	v16 =	vld [tilespmem:s15+$0x1C560]  }
0x2f7: {  	[tilespmem:s15+$0x16120] =	vst v17;
	v17 =	vld [tilespmem:s15+$0x1C570]  }
0x2f8: {  	[tilespmem:s15+$0x16130] =	vst v15;
	v18 =	vld [tilespmem:s15+$0x1C580]  }
.Ltmp8:
0x2f9: {  	[tilespmem:s15+$0x16140] =	vst v13;
	v15 =	vld [tilespmem:s15+$0x1C590];
	(pc) =	sbr.rel @p0 .LBB2_19-.Ltmp8, $4  }
0x2fa: {  	[tilespmem:s15+$0x16150] =	vst v14;
	v13 =	vld [tilespmem:s15+$0x1C5A0]  }
0x2fb: {  	[tilespmem:s15+$0x16160] =	vst v16;
	v14 =	vld [tilespmem:s15+$0x1C5B0]  }
0x2fc: {  	[tilespmem:s15+$0x16170] =	vst v17;
	v16 =	vld [tilespmem:s15+$0x1C5C0]  }
0x2fd: {  	s17 =	sadd.s32 $0x800, s17;
	[tilespmem:s15+$0x16180] =	vst v18;
	v17 =	vld [tilespmem:s15+$0x1C5D0]  }
0x2fe: {  	[tilespmem:s15+$0x16190] =	vst v15;
	v15 =	vld [tilespmem:s15+$0x1C5E0]  }
0x2ff: {  	[tilespmem:s15+$0x161A0] =	vst v13  }
0x300: {  	[tilespmem:s15+$0x161B0] =	vst v14  }
0x301: {  	[tilespmem:s15+$0x161C0] =	vst v16  }
0x302: {  	[tilespmem:s15+$0x161D0] =	vst v17  }
0x303: {  	[tilespmem:s15+$0x161E0] =	vst v15  }
0x304: {  	v13 =	vld [tilespmem:s14+$0x1C5F0]  }
0x305: {  	v14 =	vld [tilespmem:s14+$0x1C400]  }
0x306: {  	v15 =	vld [tilespmem:s14+$0x1C410]  }
0x307: {  	v16 =	vld [tilespmem:s14+$0x1C420]  }
0x308: {  	v17 =	vld [tilespmem:s14+$0x1C430]  }
0x309: {  	v18 =	vld [tilespmem:s14+$0x1C440];
	[tilespmem:s14+$0x193F0] =	vst v13  }
0x30a: {  	[tilespmem:s14+$0x19200] =	vst v14;
	v13 =	vld [tilespmem:s14+$0x1C450]  }
0x30b: {  	[tilespmem:s14+$0x19210] =	vst v15;
	v14 =	vld [tilespmem:s14+$0x1C460]  }
0x30c: {  	[tilespmem:s14+$0x19220] =	vst v16;
	v15 =	vld [tilespmem:s14+$0x1C470]  }
0x30d: {  	[tilespmem:s14+$0x19230] =	vst v17;
	v16 =	vld [tilespmem:s14+$0x1C480]  }
0x30e: {  	[tilespmem:s14+$0x19240] =	vst v18;
	v17 =	vld [tilespmem:s14+$0x1C490]  }
0x30f: {  	v18 =	vld [tilespmem:s14+$0x1C570];
	[tilespmem:s14+$0x19250] =	vst v13  }
0x310: {  	v13 =	vld [tilespmem:s14+$0x1C4A0];
	[tilespmem:s14+$0x19260] =	vst v14  }
0x311: {  	v14 =	vld [tilespmem:s14+$0x1C4B0];
	[tilespmem:s14+$0x19270] =	vst v15  }
0x312: {  	v15 =	vld [tilespmem:s14+$0x1C4C0];
	[tilespmem:s14+$0x19280] =	vst v16  }
0x313: {  	[tilespmem:s14+$0x19290] =	vst v17;
	v17 =	vld [tilespmem:s14+$0x1C4E0]  }
0x314: {  	v16 =	vld [tilespmem:s14+$0x1C4D0];
	[tilespmem:s14+$0x19370] =	vst v18  }
0x315: {  	[tilespmem:s14+$0x192A0] =	vst v13;
	v13 =	vld [tilespmem:s14+$0x1C4F0]  }
0x316: {  	[tilespmem:s14+$0x192B0] =	vst v14;
	v14 =	vld [tilespmem:s14+$0x1C500]  }
0x317: {  	[tilespmem:s14+$0x192C0] =	vst v15;
	v15 =	vld [tilespmem:s14+$0x1C510]  }
0x318: {  	[tilespmem:s14+$0x192E0] =	vst v17;
	v17 =	vld [tilespmem:s14+$0x1C530]  }
0x319: {  	[tilespmem:s14+$0x192D0] =	vst v16;
	v16 =	vld [tilespmem:s14+$0x1C520]  }
0x31a: {  	[tilespmem:s14+$0x192F0] =	vst v13;
	v13 =	vld [tilespmem:s14+$0x1C540]  }
0x31b: {  	[tilespmem:s14+$0x19300] =	vst v14;
	v14 =	vld [tilespmem:s14+$0x1C550]  }
0x31c: {  	[tilespmem:s14+$0x19310] =	vst v15;
	v15 =	vld [tilespmem:s14+$0x1C560]  }
0x31d: {  	[tilespmem:s14+$0x19330] =	vst v17;
	v17 =	vld [tilespmem:s14+$0x1C580]  }
0x31e: {  	[tilespmem:s14+$0x19320] =	vst v16;
	v16 =	vld [tilespmem:s14+$0x1C590]  }
0x31f: {  	[tilespmem:s14+$0x19340] =	vst v13;
	v13 =	vld [tilespmem:s14+$0x1C5A0]  }
0x320: {  	[tilespmem:s14+$0x19350] =	vst v14;
	v14 =	vld [tilespmem:s14+$0x1C5B0]  }
0x321: {  	[tilespmem:s14+$0x19360] =	vst v15;
	v15 =	vld [tilespmem:s14+$0x1C5C0]  }
0x322: {  	s16 =	simm.s32 $0x800;
	s15 =	simm.s32 $0x0;
	[tilespmem:s14+$0x19380] =	vst v17;
	v17 =	vld [tilespmem:s14+$0x1C5D0]  }
.LBB2_21:
0x323: {  	s17 =	sshra.s32 s16, $0x2;
	s15 =	sadd.s32 $0x8, s15;
	[tilespmem:s14+$0x19390] =	vst v16;
	v16 =	vld [tilespmem:s14+$0x1C5E0]  }
0x324: {  	v18 =	vld [tilespmem:s17+$0x1C5F0];
	p0 =	slt.u32 s15, $0xC0;
	[tilespmem:s14+$0x193A0] =	vst v13  }
0x325: {  	v13 =	vld [tilespmem:s17+$0x1C400];
	[tilespmem:s14+$0x193B0] =	vst v14  }
0x326: {  	v14 =	vld [tilespmem:s17+$0x1C410];
	[tilespmem:s14+$0x193C0] =	vst v15  }
0x327: {  	v15 =	vld [tilespmem:s17+$0x1C420];
	[tilespmem:s14+$0x193D0] =	vst v17  }
0x328: {  	v17 =	vld [tilespmem:s17+$0x1C430];
	[tilespmem:s14+$0x193E0] =	vst v16;
	s14 =	smov.u32 s17  }
0x329: {  	v16 =	vld [tilespmem:s14+$0x1C440];
	[tilespmem:s14+$0x193F0] =	vst v18  }
0x32a: {  	[tilespmem:s14+$0x19200] =	vst v13;
	v13 =	vld [tilespmem:s14+$0x1C450]  }
0x32b: {  	[tilespmem:s14+$0x19210] =	vst v14;
	v14 =	vld [tilespmem:s14+$0x1C460]  }
0x32c: {  	[tilespmem:s14+$0x19220] =	vst v15;
	v15 =	vld [tilespmem:s14+$0x1C470]  }
0x32d: {  	[tilespmem:s14+$0x19230] =	vst v17;
	v17 =	vld [tilespmem:s14+$0x1C480]  }
0x32e: {  	[tilespmem:s14+$0x19240] =	vst v16;
	v16 =	vld [tilespmem:s14+$0x1C490]  }
0x32f: {  	[tilespmem:s14+$0x19250] =	vst v13;
	v13 =	vld [tilespmem:s14+$0x1C4A0]  }
0x330: {  	[tilespmem:s14+$0x19260] =	vst v14;
	v14 =	vld [tilespmem:s14+$0x1C4B0]  }
0x331: {  	[tilespmem:s14+$0x19270] =	vst v15;
	v15 =	vld [tilespmem:s14+$0x1C4C0]  }
0x332: {  	[tilespmem:s14+$0x19280] =	vst v17;
	v17 =	vld [tilespmem:s14+$0x1C4D0]  }
0x333: {  	[tilespmem:s14+$0x19290] =	vst v16;
	v16 =	vld [tilespmem:s14+$0x1C4E0]  }
0x334: {  	[tilespmem:s14+$0x192A0] =	vst v13;
	v13 =	vld [tilespmem:s14+$0x1C4F0]  }
0x335: {  	[tilespmem:s14+$0x192B0] =	vst v14;
	v14 =	vld [tilespmem:s14+$0x1C500]  }
0x336: {  	[tilespmem:s14+$0x192C0] =	vst v15;
	v15 =	vld [tilespmem:s14+$0x1C510]  }
0x337: {  	[tilespmem:s14+$0x192D0] =	vst v17;
	v17 =	vld [tilespmem:s14+$0x1C520]  }
0x338: {  	[tilespmem:s14+$0x192E0] =	vst v16;
	v16 =	vld [tilespmem:s14+$0x1C530]  }
0x339: {  	[tilespmem:s14+$0x192F0] =	vst v13;
	v13 =	vld [tilespmem:s14+$0x1C540]  }
0x33a: {  	[tilespmem:s14+$0x19300] =	vst v14;
	v14 =	vld [tilespmem:s14+$0x1C550]  }
0x33b: {  	[tilespmem:s14+$0x19310] =	vst v15;
	v15 =	vld [tilespmem:s14+$0x1C560]  }
0x33c: {  	[tilespmem:s14+$0x19320] =	vst v17;
	v17 =	vld [tilespmem:s14+$0x1C570]  }
0x33d: {  	[tilespmem:s14+$0x19330] =	vst v16;
	v18 =	vld [tilespmem:s14+$0x1C580]  }
.Ltmp9:
0x33e: {  	[tilespmem:s14+$0x19340] =	vst v13;
	v16 =	vld [tilespmem:s14+$0x1C590];
	(pc) =	sbr.rel @p0 .LBB2_21-.Ltmp9, $4  }
0x33f: {  	[tilespmem:s14+$0x19350] =	vst v14;
	v13 =	vld [tilespmem:s14+$0x1C5A0]  }
0x340: {  	[tilespmem:s14+$0x19360] =	vst v15;
	v14 =	vld [tilespmem:s14+$0x1C5B0]  }
0x341: {  	[tilespmem:s14+$0x19370] =	vst v17;
	v15 =	vld [tilespmem:s14+$0x1C5C0]  }
0x342: {  	s16 =	sadd.s32 $0x800, s16;
	[tilespmem:s14+$0x19380] =	vst v18;
	v17 =	vld [tilespmem:s14+$0x1C5D0]  }
0x343: {  	[tilespmem:s14+$0x19390] =	vst v16;
	v63 =	vld [tilespmem:s14+$0x1C5E0]  }
0x344: {  	[tilespmem:s14+$0x193A0] =	vst v13  }
0x345: {  	s15 =	smul.u32 $0x1A00, s4;
	[tilespmem:s14+$0x193B0] =	vst v14  }
0x346: {  	[tilespmem:s14+$0x193C0] =	vst v15  }
0x347: {  	s15 =	sshra.s32 s15, $0x2;
	[tilespmem:s14+$0x193D0] =	vst v17  }
0x348: {  	s17 =	simm.s32 $0x3400;
	s18 =	sadd.s32 $0x1A00, s15;
	[tilespmem:s14+$0x193E0] =	vst v63  }
0x349: {  	[tilespmem:s17], [sflag:$0x1] =	stream.indirect.gather.add.f32 [hbm:s5], $0x40, s18, s13, $0xb8;
	[tilespmem:$0x1F600] =	vst v63  }
0x34a: {  	s16 =	sadd.s32 $0x1AD0, s15;
	s18 =	simm.s32 $0x6600  }
0x34b: {  	[tilespmem:s18], [sflag:$0x2] =	stream.indirect.gather.add.f32 [hbm:s5], $0x40, s16, s13, $0xb8;
	[tilespmem:$0x1F600] =	vst v63  }
0x34c: {  	s16 =	sadd.s32 $0x1BA0, s15  }
0x34d: {  	[tilespmem:s19], [sflag:$0x3] =	stream.indirect.gather.add.f32 [hbm:s5], $0x40, s16, s13, $0xb8;
	[tilespmem:$0x1F600] =	vst v63  }
0x34e: {  	s16 =	sadd.s32 $0x1C70, s15  }
0x34f: {  	[tilespmem:s20], [sflag:$0x4] =	stream.indirect.gather.add.f32 [hbm:s5], $0x40, s16, s13, $0xb8;
	[tilespmem:$0x1F600] =	vst v63  }
0x350: {  	s16 =	sadd.s32 $0x1D40, s15  }
0x351: {  	[tilespmem:s21], [sflag:$0x5] =	stream.indirect.gather.add.f32 [hbm:s5], $0x40, s16, s13, $0xb8;
	[tilespmem:$0x1F600] =	vst v63  }
0x352: {  	s16 =	sadd.s32 $0x1E10, s15  }
0x353: {  	[tilespmem:s22], [sflag:$0x6] =	stream.indirect.gather.add.f32 [hbm:s5], $0x40, s16, s13, $0xb8;
	[tilespmem:$0x1F600] =	vst v63  }
0x354: {  	s16 =	sadd.s32 $0x1EE0, s15  }
0x355: {  	[tilespmem:s24], [sflag:$0x7] =	stream.indirect.gather.add.f32 [hbm:s5], $0x40, s16, s13, $0xb8;
	[tilespmem:$0x1F600] =	vst v63  }
0x356: {  	s14 =	sshll.u32 s4, $0x3;
	s16 =	rddreg [dreg:$0x7]  }
0x357: {  	s15 =	sadd.s32 $0x1FB0, s15;
	s14 =	sadd.s32 s16, s14;
	s16 =	simm.s32 $0x1  }
0x358: {  	[tilespmem:s25], [sflag:$0x8] =	stream.indirect.gather.add.f32 [hbm:s5], $0x40, s15, s13, $0xb8;
	[tilespmem:$0x1F600] =	vst v63  }
0x359: {  	_ =	swait.ge [sflag:s16], $0x3200  }
0x35a: {  	[sflag:s16] =	ssyncset.done $0x0  }
0x35b: {  	s15 =	smul.u32 $0xC80, s14;
	[sflag:s16] =	ssyncadd.s32 $0xFFFFCE00  }
0x35c: {  	s16 =	rddreg [dreg:$0x2]  }
0x35d: {  	s14 =	smul.u32 $0x6400, s14;
	s15 =	sadd.s32 s16, s15  }
0x35e: {  	[hbm4b:s15+s23] =	stream.strided.scatter [tilespmem:s17], [sflag:$0x9], $0x3200, s10, s23, $0x38;
	[tilespmem:$0x1F600] =	vst v63  }
0x35f: {  	s17 =	simm.s32 $0x2  }
0x360: {  	s14 =	sshrl.u32 s14, $0x3;
	_ =	swait.ge [sflag:s17], $0x3200  }
0x361: {  	s14 =	sadd.s32 s16, s14;
	[sflag:s17] =	ssyncset.done $0x0  }
0x362: {  	s16 =	simm.s32 $0x3;
	[sflag:s17] =	ssyncadd.s32 $0xFFFFCE00;
	s17 =	sadd.s32 $0xC80, s14  }
0x363: {  	[hbm4b:s17+s23] =	stream.strided.scatter [tilespmem:s18], [sflag:$0xA], $0x3200, s10, s23, $0x38;
	[tilespmem:$0x1F600] =	vst v63  }
0x364: {  	_ =	swait.ge [sflag:s16], $0x3200  }
0x365: {  	[sflag:s16] =	ssyncset.done $0x0  }
0x366: {  	s17 =	sadd.s32 $0x1900, s14;
	[sflag:s16] =	ssyncadd.s32 $0xFFFFCE00  }
0x367: {  	[hbm4b:s17+s23] =	stream.strided.scatter [tilespmem:s19], [sflag:$0xB], $0x3200, s10, s23, $0x38;
	[tilespmem:$0x1F600] =	vst v63  }
0x368: {  	_ =	swait.ge [sflag:s26], $0x3200  }
0x369: {  	[sflag:s26] =	ssyncset.done $0x0  }
0x36a: {  	s18 =	sadd.s32 $0x2580, s14;
	[sflag:s26] =	ssyncadd.s32 $0xFFFFCE00  }
0x36b: {  	[hbm4b:s18+s23] =	stream.strided.scatter [tilespmem:s20], [sflag:$0xC], $0x3200, s10, s23, $0x38;
	[tilespmem:$0x1F600] =	vst v63  }
0x36c: {  	_ =	swait.ge [sflag:s28], $0x3200  }
0x36d: {  	[sflag:s28] =	ssyncset.done $0x0  }
0x36e: {  	s16 =	sadd.s32 $0x3200, s14;
	[sflag:s28] =	ssyncadd.s32 $0xFFFFCE00  }
0x36f: {  	[hbm4b:s16+s23] =	stream.strided.scatter [tilespmem:s21], [sflag:$0xD], $0x3200, s10, s23, $0x38;
	[tilespmem:$0x1F600] =	vst v63  }
0x370: {  	_ =	swait.ge [sflag:s29], $0x3200  }
0x371: {  	[sflag:s29] =	ssyncset.done $0x0  }
0x372: {  	s17 =	sadd.s32 $0x3E80, s14;
	[sflag:s29] =	ssyncadd.s32 $0xFFFFCE00  }
0x373: {  	[hbm4b:s17+s23] =	stream.strided.scatter [tilespmem:s22], [sflag:$0xE], $0x3200, s10, s23, $0x38;
	[tilespmem:$0x1F600] =	vst v63  }
0x374: {  	_ =	swait.ge [sflag:s30], $0x3200  }
0x375: {  	[sflag:s30] =	ssyncset.done $0x0  }
0x376: {  	s18 =	sadd.s32 $0x4B00, s14;
	[sflag:s30] =	ssyncadd.s32 $0xFFFFCE00  }
0x377: {  	[hbm4b:s18+s23] =	stream.strided.scatter [tilespmem:s24], [sflag:$0xF], $0x3200, s10, s23, $0x38;
	[tilespmem:$0x1F600] =	vst v63  }
0x378: {  	_ =	swait.ge [sflag:s31], $0x3200  }
0x379: {  	[sflag:s31] =	ssyncset.done $0x0  }
0x37a: {  	s14 =	sadd.s32 $0x5780, s14;
	[sflag:s31] =	ssyncadd.s32 $0xFFFFCE00  }
0x37b: {  	[hbm4b:s14+s23] =	stream.strided.scatter [tilespmem:s25], [sflag:$0x10], $0x3200, s10, s23, $0x38;
	[tilespmem:$0x1F600] =	vst v63  }
0x37c: {  	_ =	swait.ge [sflag:s0], $0x3200  }
0x37d: {  	[sflag:s0] =	ssyncset.done $0x0  }
0x37e: {  	[sflag:s0] =	ssyncadd.s32 $0xFFFFCE00  }
0x37f: {  	_ =	swait.ge [sflag:s1], $0x3200  }
0x380: {  	[sflag:s1] =	ssyncset.done $0x0  }
0x381: {  	[sflag:s1] =	ssyncadd.s32 $0xFFFFCE00  }
0x382: {  	_ =	swait.ge [sflag:s12], $0x3200  }
0x383: {  	[sflag:s12] =	ssyncset.done $0x0  }
0x384: {  	[sflag:s12] =	ssyncadd.s32 $0xFFFFCE00  }
0x385: {  	_ =	swait.ge [sflag:s6], $0x3200  }
0x386: {  	[sflag:s6] =	ssyncset.done $0x0  }
0x387: {  	[sflag:s6] =	ssyncadd.s32 $0xFFFFCE00  }
0x388: {  	_ =	swait.ge [sflag:s8], $0x3200  }
0x389: {  	[sflag:s8] =	ssyncset.done $0x0  }
0x38a: {  	[sflag:s8] =	ssyncadd.s32 $0xFFFFCE00  }
0x38b: {  	_ =	swait.ge [sflag:s11], $0x3200  }
0x38c: {  	[sflag:s11] =	ssyncset.done $0x0  }
0x38d: {  	s4 =	sadd.s32 $0x1, s4;
	[sflag:s11] =	ssyncadd.s32 $0xFFFFCE00  }
0x38e: {  	p0 =	sne.s32 s4, $0x4;
	_ =	swait.ge [sflag:s3], $0x3200  }
.Ltmp10:
0x38f: {  	[sflag:s3] =	ssyncset.done $0x0;
	(pc) =	sbr.rel @p0 .LBB2_6-.Ltmp10, $4  }
0x390: {  	[sflag:s3] =	ssyncadd.s32 $0xFFFFCE00  }
0x391: {  	_ =	swait.ge [sflag:s2], $0x3200  }
0x392: {  	[sflag:s2] =	ssyncset.done $0x0  }
0x393: {  	[sflag:s2] =	ssyncadd.s32 $0xFFFFCE00  }
0x394: {  	s14 =	rddreg [dreg:$0x4]  }
0x395: {  	s4 =	rddreg [dreg:$0x6];
	s14 =	sadd.s32 $0x1, s14  }
0x396: {  	p0 =	sne.s32 s14, s4  }
.Ltmp11:
0x397: {  	_ = 	snop;
	(pc) =	sbr.rel @p0 .LBB2_1-.Ltmp11, $1  }
0x398: {  	_ =	sdelay $0x3  }
0x399: {  	_ =	sfence.sel $0x180000  }
0x39a: {  	[bflag:$0x0] =	sbarrier.arrive $0xFFFF  }
0x39b: {  	_ =	strace $0x90000047  }
0x39c: {  	s0 =	stileid.u32;
	[bflag:$0x2] =	sbarrier.arrive $0xFFFF  }
0x39d: {  	p0 =	sne.s32 s0, $0x0;
	s0 =	rddreg [dreg:$0x3]  }
0x39e: {  	s0 =	sadd.s32 @!p0 $0x100000, s0  }
0x39f: {  	[sflag:s0] =	ssyncadd.tile.s32 @!p0 $0x1;
	_ =	shalt  }
.Lfunc_end2:
_tile_overlayer_lowered:
.L_overlay_start_2:
0x3a0: {  	(tag) =	ssettag $0x2  }
0x3a1: {  	s0 =	rddreg [dreg:$0x0];
	s2 =	stileid.u32  }
0x3a2: {  	s1 =	rddreg [dreg:$0x1];
	p0 =	sne.s32 s2, $0x0  }
0x3a3: {  	s3 =	rddreg [dreg:$0x2];
	[bflag:$0x3] =	sbarrier.arrive $0xFFFF;
	s2 =	simm.s32 @!p0 $0x1C11  }
0x3a4: {  	[timem:s3], [sflag:s2] =	dma.local @!p0 [hbm:s0], s1  }
0x3a5: {  	s0 =	simm.s32 @!p0 $0x11  }
0x3a6: {  	_ =	swait.ge @!p0 [sflag:s0], s1  }
0x3a7: {  	s1 =	ssub.s32 @!p0 $0x0, s1;
	[sflag:s0] =	ssyncset.done @!p0 $0x0  }
0x3a8: {  	[sflag:s0] =	ssyncadd.s32 @!p0 s1  }
0x3a9: {  	[bflag:$0x3] =	sbarrier.arrive $0xFFFF  }
0x3aa: {  	_ =	shalt  }

</sc_bundles>
